<compile_context>
chip_gen: v7x
topology: tpu7x:2x2x1
jax: 0.10.2.dev20260603
libtpu: 0.0.44.dev20260713+nightly
codegen_flags: <defaults>
</compile_context>

<pallas_src>
import functools

import jax
import jax.numpy as jnp
from jax import lax
from jax.experimental import pallas as pl
from jax.experimental.pallas import tpu as pltpu
from jax.experimental.pallas import tpu_sc as plsc

_N = 10000
_E = 320000
_F = 128
_L = 32
_NCLS = 100
_EPS = 1e-5

_NS = 16
_EPT = _E // _NS
_DEG_PAD = 10240
_DCH = 2000
_NP = 10016
_PR = _NP // 4
_VR = _N // 4
_RPT = _NP // _NS
_CW = 80
_BR = 10
_NBLK = _EPT // (_BR * _CW)
_ROWS_PT = _EPT // _CW

_mesh = plsc.VectorSubcoreMesh(core_axis_name="c", subcore_axis_name="s")
_sc_params = pltpu.CompilerParams(needs_layout_passes=False,
                                  use_tc_tiling_on_sc=False)



def _deg_body(dst_f, dst_r, out_f, out_r, idx_v, deg_v):
    cid = lax.axis_index("c")
    sid = lax.axis_index("s")
    zero16 = jnp.zeros((16,), jnp.float32)
    one16 = jnp.ones((16,), jnp.float32)

    def zbody(i, c):
        deg_v[pl.ds(i * 16, 16)] = zero16
        return c

    lax.fori_loop(0, _DEG_PAD // 16, zbody, 0)

    def run(dst_hbm, out_hbm):
        rbase = sid * _ROWS_PT
        rows_per_chunk = _DCH // _CW

        def chunk(ci, c):
            pltpu.sync_copy(
                dst_hbm.at[pl.ds(rbase + ci * rows_per_chunk, rows_per_chunk)],
                idx_v)

            def inner(i, c2):
                for jj in range(_CW // 16):
                    idx = idx_v[i, pl.ds(jj * 16, 16)]
                    plsc.addupdate_scatter(deg_v, [idx], one16)
                return c2

            return lax.fori_loop(0, rows_per_chunk, inner, c)

        lax.fori_loop(0, _EPT // _DCH, chunk, 0)
        pltpu.sync_copy(deg_v, out_hbm.at[sid])

    @pl.when(cid == 0)
    def _():
        run(dst_f, out_f)

    @pl.when(cid == 1)
    def _():
        run(dst_r, out_r)


_deg_call = functools.partial(
    pl.kernel,
    out_type=(
        jax.ShapeDtypeStruct((_NS, _DEG_PAD), jnp.float32),
        jax.ShapeDtypeStruct((_NS, _DEG_PAD), jnp.float32),
    ),
    mesh=_mesh,
    compiler_params=_sc_params,
    scratch_types=[
        pltpu.VMEM((_DCH // _CW, _CW), jnp.int32),
        pltpu.VMEM((_DEG_PAD,), jnp.float32),
    ],
)(_deg_body)


def _agg_body(g_f, g_r, src_f, src_r, dst_f, dst_r, zeros,
              out_f, out_r, sidx_v, didx_v, rows_v, semi, semg, sems, acc_sh):
    cid = lax.axis_index("c")
    sid = lax.axis_index("s")
    r0 = sid * _RPT

    def run(g_hbm, s_hbm, d_hbm, out_hbm):
        pltpu.sync_copy(zeros.at[pl.ds(r0, _RPT)], acc_sh.at[pl.ds(r0, _RPT)])
        plsc.subcore_barrier()
        row0 = sid * _ROWS_PT

        def idx_start(t, buf):
            pltpu.async_copy(s_hbm.at[pl.ds(row0 + t * _BR, _BR)],
                             sidx_v.at[buf], semi)
            pltpu.async_copy(d_hbm.at[pl.ds(row0 + t * _BR, _BR)],
                             didx_v.at[buf], semi)

        def idx_wait(buf):
            pltpu.make_async_copy(s_hbm.at[pl.ds(row0, _BR)],
                                  sidx_v.at[buf], semi).wait()
            pltpu.make_async_copy(d_hbm.at[pl.ds(row0, _BR)],
                                  didx_v.at[buf], semi).wait()

        def gat_start(tb):
            for r in range(_BR):
                pltpu.async_copy(g_hbm.at[sidx_v.at[tb, r]],
                                 rows_v.at[tb, r], semg)

        def gat_wait(tb):
            for r in range(_BR):
                pltpu.make_async_copy(g_hbm.at[sidx_v.at[tb, r]],
                                      rows_v.at[tb, r], semg).wait()

        def scat_start(tb):
            for r in range(_BR):
                pltpu.async_copy(rows_v.at[tb, r],
                                 acc_sh.at[didx_v.at[tb, r]], sems, add=True)

        def scat_wait(buf):
            for r in range(_BR):
                pltpu.make_async_copy(rows_v.at[buf, r],
                                      acc_sh.at[didx_v.at[buf, r]],
                                      sems).wait()

        idx_start(0, 0)

        def body(t, carry):
            tb = t % 2
            idx_wait(tb)
            gat_start(tb)
            gat_wait(tb)

            @pl.when(t >= 1)
            def _():
                scat_wait(1 - tb)

            @pl.when(t + 1 < _NBLK)
            def _():
                idx_start(t + 1, 1 - tb)

            scat_start(tb)
            return carry

        lax.fori_loop(0, _NBLK, body, 0)
        scat_wait((_NBLK - 1) % 2)
        plsc.subcore_barrier()
        pltpu.sync_copy(acc_sh.at[pl.ds(r0, _RPT)], out_hbm.at[pl.ds(r0, _RPT)])

    @pl.when(cid == 0)
    def _():
        run(g_f, src_f, dst_f, out_f)

    @pl.when(cid == 1)
    def _():
        run(g_r, src_r, dst_r, out_r)


_agg_call = functools.partial(
    pl.kernel,
    out_type=(
        jax.ShapeDtypeStruct((_NP, _L), jnp.float32),
        jax.ShapeDtypeStruct((_NP, _L), jnp.float32),
    ),
    mesh=_mesh,
    compiler_params=_sc_params,
    scratch_types=[
        pltpu.VMEM((2, _BR, _CW), jnp.int32),
        pltpu.VMEM((2, _BR, _CW), jnp.int32),
        pltpu.VMEM((2, _BR, _CW, _L), jnp.float32),
        pltpu.SemaphoreType.DMA,
        pltpu.SemaphoreType.DMA,
        pltpu.SemaphoreType.DMA,
        pltpu.VMEM_SHARED((_NP, _L), jnp.float32),
    ],
)(_agg_body)



_tc_params = pltpu.CompilerParams(vmem_limit_bytes=100 * 1024 * 1024)


def _iota2(shape, dim):
    return lax.broadcasted_iota(jnp.int32, shape, dim)


def _tile4(v):
    return jnp.concatenate([v, v, v, v], axis=1)


def _tc1_body(x_ref, w1_ref, w1r_ref, h1_ref, h1r_ref):
    x = x_ref[...]
    h1_ref[...] = jnp.dot(x, w1_ref[...], preferred_element_type=jnp.float32)
    h1r_ref[...] = jnp.dot(x, w1r_ref[...], preferred_element_type=jnp.float32)


_tc1 = pl.pallas_call(
    _tc1_body,
    out_shape=(
        jax.ShapeDtypeStruct((_N, _L), jnp.float32),
        jax.ShapeDtypeStruct((_N, _L), jnp.float32),
    ),
    compiler_params=_tc_params,
)


def _tc2_body(a1_ref, a1r_ref, g1_ref, g1r_ref, dvf_ref, dvr_ref, p_ref,
              pr_ref, g2_ref, g2r_ref):
    dvf = dvf_ref[...]
    dvr = dvr_ref[...]
    rowmask = (_iota2((_PR, 128), 0) < _VR).astype(jnp.float32)
    fold = (_iota2((128, _L), 0) % _L == _iota2((128, _L), 1)).astype(jnp.float32)
    blkmean = ((_iota2((128, 128), 0) // _L) == (_iota2((128, 128), 1) // _L)
               ).astype(jnp.float32) * (1.0 / _L)

    def branch(a_ref, g_ref, dv, prm):
        b, gw, gb, gms = (prm[0:1], prm[1:2], prm[2:3], prm[3:4])
        c = (dv * (a_ref[...] + g_ref[...]) + _tile4(b)) * rowmask
        s1 = jnp.dot(jnp.sum(c, axis=0, keepdims=True), fold,
                     preferred_element_type=jnp.float32,
                     precision=lax.Precision.HIGHEST)
        s2 = jnp.dot(jnp.sum(c * c, axis=0, keepdims=True), fold,
                     preferred_element_type=jnp.float32,
                     precision=lax.Precision.HIGHEST)
        mean = s1 * (1.0 / _N)
        var = (s2 - 2.0 * gms * mean * s1
               + _N * gms * gms * mean * mean) * (1.0 / _N)
        scale = gw * lax.rsqrt(var + _EPS)
        o = (c - _tile4(gms * mean)) * _tile4(scale) + _tile4(gb)
        mu = jnp.dot(o, blkmean, preferred_element_type=jnp.float32,
                     precision=lax.Precision.HIGHEST)
        vr = jnp.dot(o * o, blkmean, preferred_element_type=jnp.float32,
                     precision=lax.Precision.HIGHEST) - mu * mu
        o = (o - mu) * lax.rsqrt(vr + _EPS)
        return jnp.maximum(o, 0.0)

    x1 = (branch(a1_ref, g1_ref, dvf, p_ref[...])
          + branch(a1r_ref, g1r_ref, dvr, pr_ref[...]))
    g2_ref[...] = x1 * dvf
    g2r_ref[...] = x1 * dvr


_tc2 = pl.pallas_call(
    _tc2_body,
    out_shape=(
        jax.ShapeDtypeStruct((_PR, 128), jnp.float32),
        jax.ShapeDtypeStruct((_PR, 128), jnp.float32),
    ),
    compiler_params=_tc_params,
)


def _tc3_body(a2_ref, a2r_ref, g2_ref, g2r_ref, dvf_ref, dvr_ref,
              w2_ref, w2r_ref, p_ref, pr_ref, y_ref):
    dvf = dvf_ref[...]
    dvr = dvr_ref[...]
    fold = (_iota2((4 * _NCLS, _NCLS), 0) % _NCLS
            == _iota2((4 * _NCLS, _NCLS), 1)).astype(jnp.float32)

    def tile4c(v):
        return jnp.concatenate([v, v, v, v], axis=1)

    def branch(a_ref, g_ref, dv, w_ref, prm):
        b, gw, gb, gms = (prm[0:1], prm[1:2], prm[2:3], prm[3:4])
        u = dv * (a_ref[...] + g_ref[...])
        q = jnp.dot(u, w_ref[...], preferred_element_type=jnp.float32)
        sq = jnp.dot(jnp.sum(q, axis=0, keepdims=True), fold,
                     preferred_element_type=jnp.float32,
                     precision=lax.Precision.HIGHEST)
        sq2 = jnp.dot(jnp.sum(q * q, axis=0, keepdims=True), fold,
                      preferred_element_type=jnp.float32,
                     precision=lax.Precision.HIGHEST)
        mq = sq * (1.0 / _N)
        t = b - gms * (mq + b)
        var = sq2 * (1.0 / _N) + 2.0 * t * mq + t * t
        scale = gw * lax.rsqrt(var + _EPS)
        return (q + tile4c(t)) * tile4c(scale) + tile4c(gb)

    s = (branch(a2_ref, g2_ref, dvf, w2_ref, p_ref[...])
         + branch(a2r_ref, g2r_ref, dvr, w2r_ref, pr_ref[...]))
    y_ref[...] = jax.nn.sigmoid(s[: _N // 8])


_tc3 = pl.pallas_call(
    _tc3_body,
    out_shape=jax.ShapeDtypeStruct((_N // 8, 4 * _NCLS), jnp.float32),
    compiler_params=_tc_params,
)



def kernel(x, edge2, edge2_r, ei2, params):
    del ei2
    src_f, dst_f = edge2[0].reshape(-1, _CW), edge2[1].reshape(-1, _CW)
    src_r, dst_r = edge2_r[0].reshape(-1, _CW), edge2_r[1].reshape(-1, _CW)

    degp_f, degp_r = _deg_call(dst_f, dst_r)
    valid = (jnp.arange(_NP) < _N).astype(jnp.float32)

    def dvp_of(degp):
        dinv = lax.rsqrt(degp.sum(axis=0)[:_NP] + 1.0) * valid
        return jnp.broadcast_to(dinv[:, None], (_NP, _L)).reshape(_PR, 128)

    dvp_f, dvp_r = dvp_of(degp_f), dvp_of(degp_r)

    h1, h1r = _tc1(x, params["W1"], params["W1_r"])
    zpad16 = jnp.zeros((_NP - _N, _L), jnp.float32)

    def pack_scale(h, dvp):
        return jnp.concatenate([h, zpad16], axis=0).reshape(_PR, 128) * dvp

    g1p, g1rp = pack_scale(h1, dvp_f), pack_scale(h1r, dvp_r)

    zeros = jnp.zeros((_NP, _L), jnp.float32)

    def agg(gp, grp):
        a, ar = _agg_call(gp.reshape(_NP, _L), grp.reshape(_NP, _L),
                          src_f, src_r, dst_f, dst_r, zeros)
        return a.reshape(_PR, 128), ar.reshape(_PR, 128)

    a1p, a1rp = agg(g1p, g1rp)

    p1 = jnp.stack([params["b1"], params["gw1"], params["gb1"], params["gms1"]])
    p1r = jnp.stack([params["b1_r"], params["gw1_r"], params["gb1_r"],
                     params["gms1_r"]])
    g2p, g2rp = _tc2(a1p, a1rp, g1p, g1rp, dvp_f, dvp_r, p1, p1r)

    a2p, a2rp = agg(g2p, g2rp)

    p2 = jnp.stack([params["b2"], params["gw2"], params["gb2"], params["gms2"]])
    p2r = jnp.stack([params["b2_r"], params["gw2_r"], params["gb2_r"],
                     params["gms2_r"]])

    def blkdiag4(w):
        return jnp.concatenate(
            [jnp.pad(w, ((0, 0), (_NCLS * k, _NCLS * (3 - k))))
             for k in range(4)], axis=0)

    y = _tc3(a2p, a2rp, g2p, g2rp, dvp_f, dvp_r,
             blkdiag4(params["W2"]), blkdiag4(params["W2_r"]), p2, p2r)
    return y.reshape(_N // 2, _NCLS)

# --- scband reference (transcript-rebuilt; emitter-appended) ---
"""Pipeline reference for scband-wlgnn-d-hy-5549097746506 (READ-ONLY COPY).

The authoritative reference and input builder live on the scoring server;
editing this copy changes nothing except your own understanding.
"""

import jax, jax.numpy as jnp
import numpy as np

N_NODES = 10000
N_EDGES = 320000
N_FEAT = 128
LATENT = 32
NCLASS = 100
EPS = 1e-5


def setup_inputs(seed: int = 0):
    key = jax.random.key(seed)
    ks = jax.random.split(key, 8)
    x = jax.random.normal(ks[0], (N_NODES, N_FEAT), dtype=jnp.float32)
    edge2 = jax.random.randint(ks[1], (2, N_EDGES), 0, N_NODES, dtype=jnp.int32)
    edge2_r = jax.random.randint(ks[2], (2, N_EDGES), 0, N_NODES, dtype=jnp.int32)
    ei2 = jax.random.randint(ks[3], (2, N_EDGES), 0, N_NODES, dtype=jnp.int32)

    def mk_block(k, din, dout):
        return {
            'W': jax.random.normal(k, (din, dout), dtype=jnp.float32) * (1.0 / np.sqrt(din)),
            'b': jnp.zeros((dout,), dtype=jnp.float32),
            'gw': jnp.ones((dout,), dtype=jnp.float32),
            'gb': jnp.zeros((dout,), dtype=jnp.float32),
            'gms': jnp.ones((dout,), dtype=jnp.float32),
        }

    kp = jax.random.split(ks[4], 4)
    params = {}
    for name, p in mk_block(kp[0], N_FEAT, LATENT).items():
        params[name + '1'] = p
    for name, p in mk_block(kp[1], LATENT, NCLASS).items():
        params[name + '2'] = p
    for name, p in mk_block(kp[2], N_FEAT, LATENT).items():
        params[name + '1_r'] = p
    for name, p in mk_block(kp[3], LATENT, NCLASS).items():
        params[name + '2_r'] = p

    return {'x': x, 'edge2': edge2, 'edge2_r': edge2_r, 'ei2': ei2, 'params': params}


def gcn_conv(x, edge_index, W, b):
    # PyG GCNConv defaults: add self-loops, symmetric normalization, bias after aggregation
    N = x.shape[0]
    loop = jnp.arange(N, dtype=edge_index.dtype)
    src = jnp.concatenate([edge_index[0], loop])
    dst = jnp.concatenate([edge_index[1], loop])
    deg = jax.ops.segment_sum(jnp.ones(src.shape[0], dtype=x.dtype), dst, num_segments=N)
    dinv = jnp.where(deg > 0, jax.lax.rsqrt(jnp.maximum(deg, 1e-12)), 0.0)
    norm = dinv[src] * dinv[dst]
    h = x @ W
    msg = h[src] * norm[:, None]
    out = jax.ops.segment_sum(msg, dst, num_segments=N)
    return out + b


def graph_norm(x, w, b, ms):
    # PyG GraphNorm, single graph (batch=None)
    mean = jnp.mean(x, axis=0, keepdims=True)
    out = x - ms * mean
    var = jnp.mean(out * out, axis=0, keepdims=True)
    return w * out / jnp.sqrt(var + EPS) + b


def layer_norm(x):
    mu = jnp.mean(x, axis=-1, keepdims=True)
    var = jnp.mean((x - mu) ** 2, axis=-1, keepdims=True)
    return (x - mu) / jnp.sqrt(var + EPS)


def _forward(x, edge2, edge2_r, params):
    def block(h, ei, sfx, first):
        if first:
            o = gcn_conv(h, ei, params['W1' + sfx], params['b1' + sfx])
            o = graph_norm(o, params['gw1' + sfx], params['gb1' + sfx], params['gms1' + sfx])
            o = layer_norm(o)
            # Dropout p=0.5 is identity at inference
            o = jax.nn.relu(o)
        else:
            o = gcn_conv(h, ei, params['W2' + sfx], params['b2' + sfx])
            o = graph_norm(o, params['gw2' + sfx], params['gb2' + sfx], params['gms2' + sfx])
        return o

    x = block(x, edge2, '', True) + block(x, edge2_r, '_r', True)
    x = block(x, edge2, '', False) + block(x, edge2_r, '_r', False)
    # m=0: torch.cat([x[:0]+x[n:n], x[:n]]) == x[:n]
    n = x.shape[0] // 2
    return jax.nn.sigmoid(x[:n])


def reference(x, edge2, edge2_r, ei2, params):
    return _forward(x, edge2, edge2_r, params)

if __name__ == "__main__":
    import jax
    _d = setup_inputs()
    print(jax.jit(kernel)(*tuple(_d.values())))

</pallas_src>

<mosaic_0001>
#map = affine_map<(d0, d1) -> (0, 0)>
module attributes {stable_mosaic.version = 14 : i64} {
  func.func @_deg_body(%arg0: i32, %arg1: i32, %arg2: memref<4000x80xi32, #tpu.memory_space<hbm>>, %arg3: memref<4000x80xi32, #tpu.memory_space<hbm>>, %arg4: memref<16x10240xf32, #tpu.memory_space<hbm>>, %arg5: memref<16x10240xf32, #tpu.memory_space<hbm>>, %arg6: memref<25x80xi32, #tpu.memory_space<vmem>>, %arg7: memref<10240xf32, #tpu.memory_space<vmem>>) attributes {dimension_semantics = [#tpu.dimension_semantics<core_parallel>, #tpu.dimension_semantics<subcore_parallel>], iteration_bounds = array<i64: 2, 16>, scalar_prefetch = 0 : i64, scratch_operands = 2 : i64, tpu.core_type = #tpu.core_type<sc_vector_subcore>, window_params = [{transform_indices = #map}, {transform_indices = #map}, {transform_indices = #map}, {transform_indices = #map}]} {
    %broadcast_in_dim3A = arith.constant 0.000000e+00 : f32
    %broadcast_in_dim3A_0 = vector.broadcast %broadcast_in_dim3A : f32 to vector<16xf32>
    %broadcast_in_dim3A_1 = arith.constant 1.000000e+00 : f32
    %broadcast_in_dim3A_2 = vector.broadcast %broadcast_in_dim3A_1 : f32 to vector<16xf32>
    %scan3A = arith.constant 0 : i32
    %scan3A_3 = arith.constant 0 : i32
    %scan3A_4 = arith.constant 640 : i32
    %scan3A_5 = arith.addi %scan3A_3, %scan3A_4 : i32
    %scan3A_6 = arith.constant 1 : i32
    scf.for %scan3A_15 = %scan3A_3 to %scan3A_5 step %scan3A_6  : i32 {
      %mul3A = arith.constant 16 : i32
      %mul3A_16 = arith.muli %scan3A_15, %mul3A : i32
      %swap3A = arith.index_cast %mul3A_16 : i32 to index
      %swap3A_17 = tpu.vector_load %arg7[%swap3A] {strides = array<i32>} : memref<10240xf32, #tpu.memory_space<vmem>>, vector<16xf32>,
      tpu.vector_store %arg7[%swap3A], %broadcast_in_dim3A_0 {strides = array<i32>} : memref<10240xf32, #tpu.memory_space<vmem>>, vector<16xf32>,
    }
    %scan3A_7 = arith.constant 640 : i32
    %eq3A = arith.constant 0 : i32
    %eq3A_8 = arith.cmpi eq, %arg0, %eq3A : i32
    %convert_element_type3A = arith.extui %eq3A_8 : i1 to i32
    %cond3A = arith.constant 0 : i32
    %cond3A_9 = arith.cmpi ne, %convert_element_type3A, %cond3A : i32
    scf.if %cond3A_9 {
      %mul3A = arith.constant 250 : i32
      %mul3A_15 = arith.muli %arg1, %mul3A : i32
      %scan3A_16 = arith.constant 0 : i32
      %scan3A_17 = arith.constant 0 : i32
      %scan3A_18 = arith.constant 10 : i32
      %scan3A_19 = arith.addi %scan3A_17, %scan3A_18 : i32
      %scan3A_20 = arith.constant 1 : i32
      scf.for %scan3A_22 = %scan3A_17 to %scan3A_19 step %scan3A_20  : i32 {
        %mul3A_23 = arith.constant 25 : i32
        %mul3A_24 = arith.muli %scan3A_22, %mul3A_23 : i32
        %add3A = arith.addi %mul3A_15, %mul3A_24 : i32
        "tpu.region"() ({
          %run_scoped3A = tpu.sem_alloc : memref<!tpu.dma_semaphore, #tpu.memory_space<semaphore_mem>>
          %dma_start3A = arith.constant 0 : i32
          %dma_start3A_30 = tpu.memref_slice %arg2[%add3A, %dma_start3A] : memref<4000x80xi32, #tpu.memory_space<hbm>> -> memref<25x80xi32, #tpu.memory_space<hbm>>
          %dma_start3A_31 = arith.constant 0 : i32
          %dma_start3A_32 = tpu.memref_slice %arg2[%add3A, %dma_start3A_31] : memref<4000x80xi32, #tpu.memory_space<hbm>> -> memref<25x80xi32, #tpu.memory_space<hbm>>
          tpu.enqueue_dma source(%dma_start3A_32 : memref<25x80xi32, #tpu.memory_space<hbm>>) target(%arg6 : memref<25x80xi32, #tpu.memory_space<vmem>>) target_semaphore(%run_scoped3A : memref<!tpu.dma_semaphore, #tpu.memory_space<semaphore_mem>>)
          %dma_wait3A = arith.constant 0 : i32
          %dma_wait3A_33 = tpu.memref_slice %arg2[%add3A, %dma_wait3A] : memref<4000x80xi32, #tpu.memory_space<hbm>> -> memref<25x80xi32, #tpu.memory_space<hbm>>
          %dma_wait3A_34 = arith.constant 0 : i32
          %dma_wait3A_35 = tpu.memref_slice %arg2[%add3A, %dma_wait3A_34] : memref<4000x80xi32, #tpu.memory_space<hbm>> -> memref<25x80xi32, #tpu.memory_space<hbm>>
          tpu.wait_dma2 semaphore(%run_scoped3A : memref<!tpu.dma_semaphore, #tpu.memory_space<semaphore_mem>>) src(%dma_wait3A_35 : memref<25x80xi32, #tpu.memory_space<hbm>>) dst(%arg6 : memref<25x80xi32, #tpu.memory_space<vmem>>)
          tpu.yield
        }) : () -> ()
        %scan3A_25 = arith.constant 0 : i32
        %scan3A_26 = arith.constant 25 : i32
        %scan3A_27 = arith.addi %scan3A_25, %scan3A_26 : i32
        %scan3A_28 = arith.constant 1 : i32
        scf.for %scan3A_30 = %scan3A_25 to %scan3A_27 step %scan3A_28  : i32 {
          %get3A = arith.index_cast %scan3A_30 : i32 to index
          %get3A_31 = arith.constant 0 : index
          %get3A_32 = tpu.vector_load %arg6[%get3A, %get3A_31] {strides = array<i32>} : memref<25x80xi32, #tpu.memory_space<vmem>>, vector<16xi32>,
          tpu.vector_store_idx %arg7[%get3A_32], %broadcast_in_dim3A_2 {add = true} : memref<10240xf32, #tpu.memory_space<vmem>>[vector<16xi32>], vector<16xf32>,
          %get3A_33 = arith.index_cast %scan3A_30 : i32 to index
          %get3A_34 = arith.constant 16 : index
          %get3A_35 = tpu.vector_load %arg6[%get3A_33, %get3A_34] {strides = array<i32>} : memref<25x80xi32, #tpu.memory_space<vmem>>, vector<16xi32>,
          tpu.vector_store_idx %arg7[%get3A_35], %broadcast_in_dim3A_2 {add = true} : memref<10240xf32, #tpu.memory_space<vmem>>[vector<16xi32>], vector<16xf32>,
          %get3A_36 = arith.index_cast %scan3A_30 : i32 to index
          %get3A_37 = arith.constant 32 : index
          %get3A_38 = tpu.vector_load %arg6[%get3A_36, %get3A_37] {strides = array<i32>} : memref<25x80xi32, #tpu.memory_space<vmem>>, vector<16xi32>,
          tpu.vector_store_idx %arg7[%get3A_38], %broadcast_in_dim3A_2 {add = true} : memref<10240xf32, #tpu.memory_space<vmem>>[vector<16xi32>], vector<16xf32>,
          %get3A_39 = arith.index_cast %scan3A_30 : i32 to index
          %get3A_40 = arith.constant 48 : index
          %get3A_41 = tpu.vector_load %arg6[%get3A_39, %get3A_40] {strides = array<i32>} : memref<25x80xi32, #tpu.memory_space<vmem>>, vector<16xi32>,
          tpu.vector_store_idx %arg7[%get3A_41], %broadcast_in_dim3A_2 {add = true} : memref<10240xf32, #tpu.memory_space<vmem>>[vector<16xi32>], vector<16xf32>,
          %get3A_42 = arith.index_cast %scan3A_30 : i32 to index
          %get3A_43 = arith.constant 64 : index
          %get3A_44 = tpu.vector_load %arg6[%get3A_42, %get3A_43] {strides = array<i32>} : memref<25x80xi32, #tpu.memory_space<vmem>>, vector<16xi32>,
          tpu.vector_store_idx %arg7[%get3A_44], %broadcast_in_dim3A_2 {add = true} : memref<10240xf32, #tpu.memory_space<vmem>>[vector<16xi32>], vector<16xf32>,
        }
        %scan3A_29 = arith.constant 25 : i32
      }
      %scan3A_21 = arith.constant 10 : i32
      "tpu.region"() ({
        %run_scoped3A = tpu.sem_alloc : memref<!tpu.dma_semaphore, #tpu.memory_space<semaphore_mem>>
        %dma_start3A = arith.constant 0 : i32
        %dma_start3A_22 = tpu.memref_slice %arg4[%arg1, %dma_start3A] : memref<16x10240xf32, #tpu.memory_space<hbm>> -> memref<1x10240xf32, #tpu.memory_space<hbm>>
        %dma_start3A_23 = tpu.memref_squeeze %dma_start3A_22 : memref<1x10240xf32, #tpu.memory_space<hbm>> -> memref<10240xf32, #tpu.memory_space<hbm>>
        %dma_start3A_24 = arith.constant 0 : i32
        %dma_start3A_25 = tpu.memref_slice %arg4[%arg1, %dma_start3A_24] : memref<16x10240xf32, #tpu.memory_space<hbm>> -> memref<1x10240xf32, #tpu.memory_space<hbm>>
        %dma_start3A_26 = tpu.memref_squeeze %dma_start3A_25 : memref<1x10240xf32, #tpu.memory_space<hbm>> -> memref<10240xf32, #tpu.memory_space<hbm>>
        tpu.enqueue_dma source(%arg7 : memref<10240xf32, #tpu.memory_space<vmem>>) target(%dma_start3A_26 : memref<10240xf32, #tpu.memory_space<hbm>>) target_semaphore(%run_scoped3A : memref<!tpu.dma_semaphore, #tpu.memory_space<semaphore_mem>>)
        %dma_wait3A = arith.constant 0 : i32
        %dma_wait3A_27 = tpu.memref_slice %arg4[%arg1, %dma_wait3A] : memref<16x10240xf32, #tpu.memory_space<hbm>> -> memref<1x10240xf32, #tpu.memory_space<hbm>>
        %dma_wait3A_28 = tpu.memref_squeeze %dma_wait3A_27 : memref<1x10240xf32, #tpu.memory_space<hbm>> -> memref<10240xf32, #tpu.memory_space<hbm>>
        %dma_wait3A_29 = arith.constant 0 : i32
        %dma_wait3A_30 = tpu.memref_slice %arg4[%arg1, %dma_wait3A_29] : memref<16x10240xf32, #tpu.memory_space<hbm>> -> memref<1x10240xf32, #tpu.memory_space<hbm>>
        %dma_wait3A_31 = tpu.memref_squeeze %dma_wait3A_30 : memref<1x10240xf32, #tpu.memory_space<hbm>> -> memref<10240xf32, #tpu.memory_space<hbm>>
        tpu.wait_dma2 semaphore(%run_scoped3A : memref<!tpu.dma_semaphore, #tpu.memory_space<semaphore_mem>>) src(%arg7 : memref<10240xf32, #tpu.memory_space<vmem>>) dst(%dma_wait3A_31 : memref<10240xf32, #tpu.memory_space<hbm>>)
        tpu.yield
      }) : () -> ()
    } else {
    }
    %eq3A_10 = arith.constant 1 : i32
    %eq3A_11 = arith.cmpi eq, %arg0, %eq3A_10 : i32
    %convert_element_type3A_12 = arith.extui %eq3A_11 : i1 to i32
    %cond3A_13 = arith.constant 0 : i32
    %cond3A_14 = arith.cmpi ne, %convert_element_type3A_12, %cond3A_13 : i32
    scf.if %cond3A_14 {
      %mul3A = arith.constant 250 : i32
      %mul3A_15 = arith.muli %arg1, %mul3A : i32
      %scan3A_16 = arith.constant 0 : i32
      %scan3A_17 = arith.constant 0 : i32
      %scan3A_18 = arith.constant 10 : i32
      %scan3A_19 = arith.addi %scan3A_17, %scan3A_18 : i32
      %scan3A_20 = arith.constant 1 : i32
      scf.for %scan3A_22 = %scan3A_17 to %scan3A_19 step %scan3A_20  : i32 {
        %mul3A_23 = arith.constant 25 : i32
        %mul3A_24 = arith.muli %scan3A_22, %mul3A_23 : i32
        %add3A = arith.addi %mul3A_15, %mul3A_24 : i32
        "tpu.region"() ({
          %run_scoped3A = tpu.sem_alloc : memref<!tpu.dma_semaphore, #tpu.memory_space<semaphore_mem>>
          %dma_start3A = arith.constant 0 : i32
          %dma_start3A_30 = tpu.memref_slice %arg3[%add3A, %dma_start3A] : memref<4000x80xi32, #tpu.memory_space<hbm>> -> memref<25x80xi32, #tpu.memory_space<hbm>>
          %dma_start3A_31 = arith.constant 0 : i32
          %dma_start3A_32 = tpu.memref_slice %arg3[%add3A, %dma_start3A_31] : memref<4000x80xi32, #tpu.memory_space<hbm>> -> memref<25x80xi32, #tpu.memory_space<hbm>>
          tpu.enqueue_dma source(%dma_start3A_32 : memref<25x80xi32, #tpu.memory_space<hbm>>) target(%arg6 : memref<25x80xi32, #tpu.memory_space<vmem>>) target_semaphore(%run_scoped3A : memref<!tpu.dma_semaphore, #tpu.memory_space<semaphore_mem>>)
          %dma_wait3A = arith.constant 0 : i32
          %dma_wait3A_33 = tpu.memref_slice %arg3[%add3A, %dma_wait3A] : memref<4000x80xi32, #tpu.memory_space<hbm>> -> memref<25x80xi32, #tpu.memory_space<hbm>>
          %dma_wait3A_34 = arith.constant 0 : i32
          %dma_wait3A_35 = tpu.memref_slice %arg3[%add3A, %dma_wait3A_34] : memref<4000x80xi32, #tpu.memory_space<hbm>> -> memref<25x80xi32, #tpu.memory_space<hbm>>
          tpu.wait_dma2 semaphore(%run_scoped3A : memref<!tpu.dma_semaphore, #tpu.memory_space<semaphore_mem>>) src(%dma_wait3A_35 : memref<25x80xi32, #tpu.memory_space<hbm>>) dst(%arg6 : memref<25x80xi32, #tpu.memory_space<vmem>>)
          tpu.yield
        }) : () -> ()
        %scan3A_25 = arith.constant 0 : i32
        %scan3A_26 = arith.constant 25 : i32
        %scan3A_27 = arith.addi %scan3A_25, %scan3A_26 : i32
        %scan3A_28 = arith.constant 1 : i32
        scf.for %scan3A_30 = %scan3A_25 to %scan3A_27 step %scan3A_28  : i32 {
          %get3A = arith.index_cast %scan3A_30 : i32 to index
          %get3A_31 = arith.constant 0 : index
          %get3A_32 = tpu.vector_load %arg6[%get3A, %get3A_31] {strides = array<i32>} : memref<25x80xi32, #tpu.memory_space<vmem>>, vector<16xi32>,
          tpu.vector_store_idx %arg7[%get3A_32], %broadcast_in_dim3A_2 {add = true} : memref<10240xf32, #tpu.memory_space<vmem>>[vector<16xi32>], vector<16xf32>,
          %get3A_33 = arith.index_cast %scan3A_30 : i32 to index
          %get3A_34 = arith.constant 16 : index
          %get3A_35 = tpu.vector_load %arg6[%get3A_33, %get3A_34] {strides = array<i32>} : memref<25x80xi32, #tpu.memory_space<vmem>>, vector<16xi32>,
          tpu.vector_store_idx %arg7[%get3A_35], %broadcast_in_dim3A_2 {add = true} : memref<10240xf32, #tpu.memory_space<vmem>>[vector<16xi32>], vector<16xf32>,
          %get3A_36 = arith.index_cast %scan3A_30 : i32 to index
          %get3A_37 = arith.constant 32 : index
          %get3A_38 = tpu.vector_load %arg6[%get3A_36, %get3A_37] {strides = array<i32>} : memref<25x80xi32, #tpu.memory_space<vmem>>, vector<16xi32>,
          tpu.vector_store_idx %arg7[%get3A_38], %broadcast_in_dim3A_2 {add = true} : memref<10240xf32, #tpu.memory_space<vmem>>[vector<16xi32>], vector<16xf32>,
          %get3A_39 = arith.index_cast %scan3A_30 : i32 to index
          %get3A_40 = arith.constant 48 : index
          %get3A_41 = tpu.vector_load %arg6[%get3A_39, %get3A_40] {strides = array<i32>} : memref<25x80xi32, #tpu.memory_space<vmem>>, vector<16xi32>,
          tpu.vector_store_idx %arg7[%get3A_41], %broadcast_in_dim3A_2 {add = true} : memref<10240xf32, #tpu.memory_space<vmem>>[vector<16xi32>], vector<16xf32>,
          %get3A_42 = arith.index_cast %scan3A_30 : i32 to index
          %get3A_43 = arith.constant 64 : index
          %get3A_44 = tpu.vector_load %arg6[%get3A_42, %get3A_43] {strides = array<i32>} : memref<25x80xi32, #tpu.memory_space<vmem>>, vector<16xi32>,
          tpu.vector_store_idx %arg7[%get3A_44], %broadcast_in_dim3A_2 {add = true} : memref<10240xf32, #tpu.memory_space<vmem>>[vector<16xi32>], vector<16xf32>,
        }
        %scan3A_29 = arith.constant 25 : i32
      }
      %scan3A_21 = arith.constant 10 : i32
      "tpu.region"() ({
        %run_scoped3A = tpu.sem_alloc : memref<!tpu.dma_semaphore, #tpu.memory_space<semaphore_mem>>
        %dma_start3A = arith.constant 0 : i32
        %dma_start3A_22 = tpu.memref_slice %arg5[%arg1, %dma_start3A] : memref<16x10240xf32, #tpu.memory_space<hbm>> -> memref<1x10240xf32, #tpu.memory_space<hbm>>
        %dma_start3A_23 = tpu.memref_squeeze %dma_start3A_22 : memref<1x10240xf32, #tpu.memory_space<hbm>> -> memref<10240xf32, #tpu.memory_space<hbm>>
        %dma_start3A_24 = arith.constant 0 : i32
        %dma_start3A_25 = tpu.memref_slice %arg5[%arg1, %dma_start3A_24] : memref<16x10240xf32, #tpu.memory_space<hbm>> -> memref<1x10240xf32, #tpu.memory_space<hbm>>
        %dma_start3A_26 = tpu.memref_squeeze %dma_start3A_25 : memref<1x10240xf32, #tpu.memory_space<hbm>> -> memref<10240xf32, #tpu.memory_space<hbm>>
        tpu.enqueue_dma source(%arg7 : memref<10240xf32, #tpu.memory_space<vmem>>) target(%dma_start3A_26 : memref<10240xf32, #tpu.memory_space<hbm>>) target_semaphore(%run_scoped3A : memref<!tpu.dma_semaphore, #tpu.memory_space<semaphore_mem>>)
        %dma_wait3A = arith.constant 0 : i32
        %dma_wait3A_27 = tpu.memref_slice %arg5[%arg1, %dma_wait3A] : memref<16x10240xf32, #tpu.memory_space<hbm>> -> memref<1x10240xf32, #tpu.memory_space<hbm>>
        %dma_wait3A_28 = tpu.memref_squeeze %dma_wait3A_27 : memref<1x10240xf32, #tpu.memory_space<hbm>> -> memref<10240xf32, #tpu.memory_space<hbm>>
        %dma_wait3A_29 = arith.constant 0 : i32
        %dma_wait3A_30 = tpu.memref_slice %arg5[%arg1, %dma_wait3A_29] : memref<16x10240xf32, #tpu.memory_space<hbm>> -> memref<1x10240xf32, #tpu.memory_space<hbm>>
        %dma_wait3A_31 = tpu.memref_squeeze %dma_wait3A_30 : memref<1x10240xf32, #tpu.memory_space<hbm>> -> memref<10240xf32, #tpu.memory_space<hbm>>
        tpu.wait_dma2 semaphore(%run_scoped3A : memref<!tpu.dma_semaphore, #tpu.memory_space<semaphore_mem>>) src(%arg7 : memref<10240xf32, #tpu.memory_space<vmem>>) dst(%dma_wait3A_31 : memref<10240xf32, #tpu.memory_space<hbm>>)
        tpu.yield
      }) : () -> ()
    } else {
    }
    return
  }
}

#map = affine_map<(d0, d1) -> (0, 0)>
module attributes {stable_mosaic.version = 14 : i64} {
  func.func @_agg_body(%arg0: i32, %arg1: i32, %arg2: memref<10016x32xf32, #tpu.memory_space<hbm>>, %arg3: memref<10016x32xf32, #tpu.memory_space<hbm>>, %arg4: memref<4000x80xi32, #tpu.memory_space<hbm>>, %arg5: memref<4000x80xi32, #tpu.memory_space<hbm>>, %arg6: memref<4000x80xi32, #tpu.memory_space<hbm>>, %arg7: memref<4000x80xi32, #tpu.memory_space<hbm>>, %arg8: memref<10016x32xf32, #tpu.memory_space<hbm>>, %arg9: memref<10016x32xf32, #tpu.memory_space<hbm>>, %arg10: memref<10016x32xf32, #tpu.memory_space<hbm>>, %arg11: memref<2x10x80xi32, #tpu.memory_space<vmem>>, %arg12: memref<2x10x80xi32, #tpu.memory_space<vmem>>, %arg13: memref<2x10x80x32xf32, #tpu.memory_space<vmem>>, %arg14: memref<!tpu.dma_semaphore, #tpu.memory_space<semaphore_mem>>, %arg15: memref<!tpu.dma_semaphore, #tpu.memory_space<semaphore_mem>>, %arg16: memref<!tpu.dma_semaphore, #tpu.memory_space<semaphore_mem>>, %arg17: memref<10016x32xf32, #tpu.memory_space<vmem_shared>>) attributes {dimension_semantics = [#tpu.dimension_semantics<core_parallel>, #tpu.dimension_semantics<subcore_parallel>], iteration_bounds = array<i64: 2, 16>, scalar_prefetch = 0 : i64, scratch_operands = 7 : i64, tpu.core_type = #tpu.core_type<sc_vector_subcore>, window_params = [{transform_indices = #map}, {transform_indices = #map}, {transform_indices = #map}, {transform_indices = #map}, {transform_indices = #map}, {transform_indices = #map}, {transform_indices = #map}, {transform_indices = #map}, {transform_indices = #map}]} {
    %mul3A = arith.constant 626 : i32
    %mul3A_0 = arith.muli %arg1, %mul3A : i32
    %eq3A = arith.constant 0 : i32
    %eq3A_1 = arith.cmpi eq, %arg0, %eq3A : i32
    %convert_element_type3A = arith.extui %eq3A_1 : i1 to i32
    %cond3A = arith.constant 0 : i32
    %cond3A_2 = arith.cmpi ne, %convert_element_type3A, %cond3A : i32
    scf.if %cond3A_2 {
      "tpu.region"() ({
        %run_scoped3A = tpu.sem_alloc : memref<!tpu.dma_semaphore, #tpu.memory_space<semaphore_mem>>
        %dma_start3A_183 = arith.constant 0 : i32
        %dma_start3A_184 = tpu.memref_slice %arg17[%mul3A_0, %dma_start3A_183] : memref<10016x32xf32, #tpu.memory_space<vmem_shared>> -> memref<626x32xf32, #tpu.memory_space<vmem_shared>>
        %dma_start3A_185 = arith.constant 0 : i32
        %dma_start3A_186 = tpu.memref_slice %arg8[%mul3A_0, %dma_start3A_185] : memref<10016x32xf32, #tpu.memory_space<hbm>> -> memref<626x32xf32, #tpu.memory_space<hbm>>
        tpu.enqueue_dma source(%dma_start3A_186 : memref<626x32xf32, #tpu.memory_space<hbm>>) target(%dma_start3A_184 : memref<626x32xf32, #tpu.memory_space<vmem_shared>>) target_semaphore(%run_scoped3A : memref<!tpu.dma_semaphore, #tpu.memory_space<semaphore_mem>>)
        %dma_wait3A_187 = arith.constant 0 : i32
        %dma_wait3A_188 = tpu.memref_slice %arg17[%mul3A_0, %dma_wait3A_187] : memref<10016x32xf32, #tpu.memory_space<vmem_shared>> -> memref<626x32xf32, #tpu.memory_space<vmem_shared>>
        %dma_wait3A_189 = arith.constant 0 : i32
        %dma_wait3A_190 = tpu.memref_slice %arg8[%mul3A_0, %dma_wait3A_189] : memref<10016x32xf32, #tpu.memory_space<hbm>> -> memref<626x32xf32, #tpu.memory_space<hbm>>
        tpu.wait_dma2 semaphore(%run_scoped3A : memref<!tpu.dma_semaphore, #tpu.memory_space<semaphore_mem>>) src(%dma_wait3A_190 : memref<626x32xf32, #tpu.memory_space<hbm>>) dst(%dma_wait3A_188 : memref<626x32xf32, #tpu.memory_space<vmem_shared>>)
        tpu.yield
      }) : () -> ()
      %barrier3A = arith.constant 0 : index
      tpu.barrier barrier_id(%barrier3A)
      %mul3A_8 = arith.constant 250 : i32
      %mul3A_9 = arith.muli %arg1, %mul3A_8 : i32
      %add3A = arith.constant 0 : i32
      %add3A_10 = arith.addi %mul3A_9, %add3A : i32
      %dma_start3A = arith.constant 0 : i32
      %dma_start3A_11 = arith.constant 0 : i32
      %dma_start3A_12 = arith.constant 0 : i32
      %dma_start3A_13 = tpu.memref_slice %arg11[%dma_start3A, %dma_start3A_11, %dma_start3A_12] : memref<2x10x80xi32, #tpu.memory_space<vmem>> -> memref<1x10x80xi32, #tpu.memory_space<vmem>>
      %dma_start3A_14 = tpu.memref_squeeze %dma_start3A_13 : memref<1x10x80xi32, #tpu.memory_space<vmem>> -> memref<10x80xi32, #tpu.memory_space<vmem>>
      %dma_start3A_15 = arith.constant 0 : i32
      %dma_start3A_16 = tpu.memref_slice %arg4[%add3A_10, %dma_start3A_15] : memref<4000x80xi32, #tpu.memory_space<hbm>> -> memref<10x80xi32, #tpu.memory_space<hbm>>
      %dma_start3A_17 = arith.constant 0 : i32
      %dma_start3A_18 = arith.constant 0 : i32
      %dma_start3A_19 = tpu.memref_slice %arg11[%dma_start3A, %dma_start3A_17, %dma_start3A_18] : memref<2x10x80xi32, #tpu.memory_space<vmem>> -> memref<1x10x80xi32, #tpu.memory_space<vmem>>
      %dma_start3A_20 = tpu.memref_squeeze %dma_start3A_19 : memref<1x10x80xi32, #tpu.memory_space<vmem>> -> memref<10x80xi32, #tpu.memory_space<vmem>>
      %dma_start3A_21 = arith.constant 0 : i32
      %dma_start3A_22 = tpu.memref_slice %arg4[%add3A_10, %dma_start3A_21] : memref<4000x80xi32, #tpu.memory_space<hbm>> -> memref<10x80xi32, #tpu.memory_space<hbm>>
      tpu.enqueue_dma source(%dma_start3A_22 : memref<10x80xi32, #tpu.memory_space<hbm>>) target(%dma_start3A_20 : memref<10x80xi32, #tpu.memory_space<vmem>>) target_semaphore(%arg14 : memref<!tpu.dma_semaphore, #tpu.memory_space<semaphore_mem>>)
      %add3A_23 = arith.constant 0 : i32
      %add3A_24 = arith.addi %mul3A_9, %add3A_23 : i32
      %dma_start3A_25 = arith.constant 0 : i32
      %dma_start3A_26 = arith.constant 0 : i32
      %dma_start3A_27 = arith.constant 0 : i32
      %dma_start3A_28 = tpu.memref_slice %arg12[%dma_start3A_25, %dma_start3A_26, %dma_start3A_27] : memref<2x10x80xi32, #tpu.memory_space<vmem>> -> memref<1x10x80xi32, #tpu.memory_space<vmem>>
      %dma_start3A_29 = tpu.memref_squeeze %dma_start3A_28 : memref<1x10x80xi32, #tpu.memory_space<vmem>> -> memref<10x80xi32, #tpu.memory_space<vmem>>
      %dma_start3A_30 = arith.constant 0 : i32
      %dma_start3A_31 = tpu.memref_slice %arg6[%add3A_24, %dma_start3A_30] : memref<4000x80xi32, #tpu.memory_space<hbm>> -> memref<10x80xi32, #tpu.memory_space<hbm>>
      %dma_start3A_32 = arith.constant 0 : i32
      %dma_start3A_33 = arith.constant 0 : i32
      %dma_start3A_34 = tpu.memref_slice %arg12[%dma_start3A_25, %dma_start3A_32, %dma_start3A_33] : memref<2x10x80xi32, #tpu.memory_space<vmem>> -> memref<1x10x80xi32, #tpu.memory_space<vmem>>
      %dma_start3A_35 = tpu.memref_squeeze %dma_start3A_34 : memref<1x10x80xi32, #tpu.memory_space<vmem>> -> memref<10x80xi32, #tpu.memory_space<vmem>>
      %dma_start3A_36 = arith.constant 0 : i32
      %dma_start3A_37 = tpu.memref_slice %arg6[%add3A_24, %dma_start3A_36] : memref<4000x80xi32, #tpu.memory_space<hbm>> -> memref<10x80xi32, #tpu.memory_space<hbm>>
      tpu.enqueue_dma source(%dma_start3A_37 : memref<10x80xi32, #tpu.memory_space<hbm>>) target(%dma_start3A_35 : memref<10x80xi32, #tpu.memory_space<vmem>>) target_semaphore(%arg14 : memref<!tpu.dma_semaphore, #tpu.memory_space<semaphore_mem>>)
      %scan3A = arith.constant 0 : i32
      %scan3A_38 = arith.constant 0 : i32
      %scan3A_39 = arith.constant 25 : i32
      %scan3A_40 = arith.addi %scan3A_38, %scan3A_39 : i32
      %scan3A_41 = arith.constant 1 : i32
      scf.for %scan3A_183 = %scan3A_38 to %scan3A_40 step %scan3A_41  : i32 {
        %jit3A = arith.constant 2 : i32
        %eq3A_184 = arith.constant 0 : i32
        %eq3A_185 = arith.cmpi eq, %jit3A, %eq3A_184 : i32
        %jit3A_186 = arith.constant 1 : i32
        %select_n3A = arith.select %eq3A_185, %jit3A_186, %jit3A : i32
        %rem3A = arith.remsi %scan3A_183, %select_n3A : i32
        %ne3A = arith.constant 0 : i32
        %ne3A_187 = arith.cmpi ne, %rem3A, %ne3A : i32
        %lt3A = arith.constant 0 : i32
        %lt3A_188 = arith.cmpi slt, %rem3A, %lt3A : i32
        %lt3A_189 = arith.constant 0 : i32
        %lt3A_190 = arith.cmpi slt, %select_n3A, %lt3A_189 : i32
        %ne3A_191 = arith.xori %lt3A_188, %lt3A_190 : i1
        %and3A = arith.andi %ne3A_191, %ne3A_187 : i1
        %add3A_192 = arith.addi %rem3A, %select_n3A : i32
        %select_n3A_193 = arith.select %and3A, %add3A_192, %rem3A : i32
        %dma_wait3A_194 = arith.constant 0 : i32
        %dma_wait3A_195 = arith.constant 0 : i32
        %dma_wait3A_196 = tpu.memref_slice %arg11[%select_n3A_193, %dma_wait3A_194, %dma_wait3A_195] : memref<2x10x80xi32, #tpu.memory_space<vmem>> -> memref<1x10x80xi32, #tpu.memory_space<vmem>>
        %dma_wait3A_197 = tpu.memref_squeeze %dma_wait3A_196 : memref<1x10x80xi32, #tpu.memory_space<vmem>> -> memref<10x80xi32, #tpu.memory_space<vmem>>
        %dma_wait3A_198 = arith.constant 0 : i32
        %dma_wait3A_199 = tpu.memref_slice %arg4[%mul3A_9, %dma_wait3A_198] : memref<4000x80xi32, #tpu.memory_space<hbm>> -> memref<10x80xi32, #tpu.memory_space<hbm>>
        %dma_wait3A_200 = arith.constant 0 : i32
        %dma_wait3A_201 = arith.constant 0 : i32
        %dma_wait3A_202 = tpu.memref_slice %arg11[%select_n3A_193, %dma_wait3A_200, %dma_wait3A_201] : memref<2x10x80xi32, #tpu.memory_space<vmem>> -> memref<1x10x80xi32, #tpu.memory_space<vmem>>
        %dma_wait3A_203 = tpu.memref_squeeze %dma_wait3A_202 : memref<1x10x80xi32, #tpu.memory_space<vmem>> -> memref<10x80xi32, #tpu.memory_space<vmem>>
        %dma_wait3A_204 = arith.constant 0 : i32
        %dma_wait3A_205 = tpu.memref_slice %arg4[%mul3A_9, %dma_wait3A_204] : memref<4000x80xi32, #tpu.memory_space<hbm>> -> memref<10x80xi32, #tpu.memory_space<hbm>>
        tpu.wait_dma2 semaphore(%arg14 : memref<!tpu.dma_semaphore, #tpu.memory_space<semaphore_mem>>) src(%dma_wait3A_205 : memref<10x80xi32, #tpu.memory_space<hbm>>) dst(%dma_wait3A_203 : memref<10x80xi32, #tpu.memory_space<vmem>>)
        %dma_wait3A_206 = arith.constant 0 : i32
        %dma_wait3A_207 = arith.constant 0 : i32
        %dma_wait3A_208 = tpu.memref_slice %arg12[%select_n3A_193, %dma_wait3A_206, %dma_wait3A_207] : memref<2x10x80xi32, #tpu.memory_space<vmem>> -> memref<1x10x80xi32, #tpu.memory_space<vmem>>
        %dma_wait3A_209 = tpu.memref_squeeze %dma_wait3A_208 : memref<1x10x80xi32, #tpu.memory_space<vmem>> -> memref<10x80xi32, #tpu.memory_space<vmem>>
        %dma_wait3A_210 = arith.constant 0 : i32
        %dma_wait3A_211 = tpu.memref_slice %arg6[%mul3A_9, %dma_wait3A_210] : memref<4000x80xi32, #tpu.memory_space<hbm>> -> memref<10x80xi32, #tpu.memory_space<hbm>>
        %dma_wait3A_212 = arith.constant 0 : i32
        %dma_wait3A_213 = arith.constant 0 : i32
        %dma_wait3A_214 = tpu.memref_slice %arg12[%select_n3A_193, %dma_wait3A_212, %dma_wait3A_213] : memref<2x10x80xi32, #tpu.memory_space<vmem>> -> memref<1x10x80xi32, #tpu.memory_space<vmem>>
        %dma_wait3A_215 = tpu.memref_squeeze %dma_wait3A_214 : memref<1x10x80xi32, #tpu.memory_space<vmem>> -> memref<10x80xi32, #tpu.memory_space<vmem>>
        %dma_wait3A_216 = arith.constant 0 : i32
        %dma_wait3A_217 = tpu.memref_slice %arg6[%mul3A_9, %dma_wait3A_216] : memref<4000x80xi32, #tpu.memory_space<hbm>> -> memref<10x80xi32, #tpu.memory_space<hbm>>
        tpu.wait_dma2 semaphore(%arg14 : memref<!tpu.dma_semaphore, #tpu.memory_space<semaphore_mem>>) src(%dma_wait3A_217 : memref<10x80xi32, #tpu.memory_space<hbm>>) dst(%dma_wait3A_215 : memref<10x80xi32, #tpu.memory_space<vmem>>)
        %dma_start3A_218 = arith.constant 0 : i32
        %dma_start3A_219 = arith.constant 0 : i32
        %dma_start3A_220 = arith.constant 0 : i32
        %dma_start3A_221 = arith.constant 0 : i32
        %dma_start3A_222 = tpu.memref_slice %arg13[%select_n3A_193, %dma_start3A_219, %dma_start3A_220, %dma_start3A_221] : memref<2x10x80x32xf32, #tpu.memory_space<vmem>> -> memref<1x1x80x32xf32, #tpu.memory_space<vmem>>
        %dma_start3A_223 = tpu.memref_squeeze %dma_start3A_222 : memref<1x1x80x32xf32, #tpu.memory_space<vmem>> -> memref<80x32xf32, #tpu.memory_space<vmem>>
        %dma_start3A_224 = arith.constant 0 : i32
        %dma_start3A_225 = tpu.memref_slice %arg11[%select_n3A_193, %dma_start3A_218, %dma_start3A_224] : memref<2x10x80xi32, #tpu.memory_space<vmem>> -> memref<1x1x80xi32, #tpu.memory_space<vmem>>
        %dma_start3A_226 = tpu.memref_squeeze %dma_start3A_225 : memref<1x1x80xi32, #tpu.memory_space<vmem>> -> memref<80xi32, #tpu.memory_space<vmem>>
        %dma_start3A_227 = arith.constant 0 : i32
        %dma_start3A_228 = arith.constant 0 : i32
        %dma_start3A_229 = tpu.memref_slice %arg2[%dma_start3A_227, %dma_start3A_228] : memref<10016x32xf32, #tpu.memory_space<hbm>> -> memref<10016x32xf32, #tpu.memory_space<hbm>>
        tpu.enqueue_indirect_dma source(%dma_start3A_229 : memref<10016x32xf32, #tpu.memory_space<hbm>>) target(%dma_start3A_223 : memref<80x32xf32, #tpu.memory_space<vmem>>) offsets(%dma_start3A_226 : memref<80xi32, #tpu.memory_space<vmem>>) semaphore(%arg15 : memref<!tpu.dma_semaphore, #tpu.memory_space<semaphore_mem>>)
        %dma_start3A_230 = arith.constant 1 : i32
        %dma_start3A_231 = arith.constant 1 : i32
        %dma_start3A_232 = arith.constant 0 : i32
        %dma_start3A_233 = arith.constant 0 : i32
        %dma_start3A_234 = tpu.memref_slice %arg13[%select_n3A_193, %dma_start3A_231, %dma_start3A_232, %dma_start3A_233] : memref<2x10x80x32xf32, #tpu.memory_space<vmem>> -> memref<1x1x80x32xf32, #tpu.memory_space<vmem>>
        %dma_start3A_235 = tpu.memref_squeeze %dma_start3A_234 : memref<1x1x80x32xf32, #tpu.memory_space<vmem>> -> memref<80x32xf32, #tpu.memory_space<vmem>>
        %dma_start3A_236 = arith.constant 0 : i32
        %dma_start3A_237 = tpu.memref_slice %arg11[%select_n3A_193, %dma_start3A_230, %dma_start3A_236] : memref<2x10x80xi32, #tpu.memory_space<vmem>> -> memref<1x1x80xi32, #tpu.memory_space<vmem>>
        %dma_start3A_238 = tpu.memref_squeeze %dma_start3A_237 : memref<1x1x80xi32, #tpu.memory_space<vmem>> -> memref<80xi32, #tpu.memory_space<vmem>>
        %dma_start3A_239 = arith.constant 0 : i32
        %dma_start3A_240 = arith.constant 0 : i32
        %dma_start3A_241 = tpu.memref_slice %arg2[%dma_start3A_239, %dma_start3A_240] : memref<10016x32xf32, #tpu.memory_space<hbm>> -> memref<10016x32xf32, #tpu.memory_space<hbm>>
        tpu.enqueue_indirect_dma source(%dma_start3A_241 : memref<10016x32xf32, #tpu.memory_space<hbm>>) target(%dma_start3A_235 : memref<80x32xf32, #tpu.memory_space<vmem>>) offsets(%dma_start3A_238 : memref<80xi32, #tpu.memory_space<vmem>>) semaphore(%arg15 : memref<!tpu.dma_semaphore, #tpu.memory_space<semaphore_mem>>)
        %dma_start3A_242 = arith.constant 2 : i32
        %dma_start3A_243 = arith.constant 2 : i32
        %dma_start3A_244 = arith.constant 0 : i32
        %dma_start3A_245 = arith.constant 0 : i32
        %dma_start3A_246 = tpu.memref_slice %arg13[%select_n3A_193, %dma_start3A_243, %dma_start3A_244, %dma_start3A_245] : memref<2x10x80x32xf32, #tpu.memory_space<vmem>> -> memref<1x1x80x32xf32, #tpu.memory_space<vmem>>
        %dma_start3A_247 = tpu.memref_squeeze %dma_start3A_246 : memref<1x1x80x32xf32, #tpu.memory_space<vmem>> -> memref<80x32xf32, #tpu.memory_space<vmem>>
        %dma_start3A_248 = arith.constant 0 : i32
        %dma_start3A_249 = tpu.memref_slice %arg11[%select_n3A_193, %dma_start3A_242, %dma_start3A_248] : memref<2x10x80xi32, #tpu.memory_space<vmem>> -> memref<1x1x80xi32, #tpu.memory_space<vmem>>
        %dma_start3A_250 = tpu.memref_squeeze %dma_start3A_249 : memref<1x1x80xi32, #tpu.memory_space<vmem>> -> memref<80xi32, #tpu.memory_space<vmem>>
        %dma_start3A_251 = arith.constant 0 : i32
        %dma_start3A_252 = arith.constant 0 : i32
        %dma_start3A_253 = tpu.memref_slice %arg2[%dma_start3A_251, %dma_start3A_252] : memref<10016x32xf32, #tpu.memory_space<hbm>> -> memref<10016x32xf32, #tpu.memory_space<hbm>>
        tpu.enqueue_indirect_dma source(%dma_start3A_253 : memref<10016x32xf32, #tpu.memory_space<hbm>>) target(%dma_start3A_247 : memref<80x32xf32, #tpu.memory_space<vmem>>) offsets(%dma_start3A_250 : memref<80xi32, #tpu.memory_space<vmem>>) semaphore(%arg15 : memref<!tpu.dma_semaphore, #tpu.memory_space<semaphore_mem>>)
        %dma_start3A_254 = arith.constant 3 : i32
        %dma_start3A_255 = arith.constant 3 : i32
        %dma_start3A_256 = arith.constant 0 : i32
        %dma_start3A_257 = arith.constant 0 : i32
        %dma_start3A_258 = tpu.memref_slice %arg13[%select_n3A_193, %dma_start3A_255, %dma_start3A_256, %dma_start3A_257] : memref<2x10x80x32xf32, #tpu.memory_space<vmem>> -> memref<1x1x80x32xf32, #tpu.memory_space<vmem>>
        %dma_start3A_259 = tpu.memref_squeeze %dma_start3A_258 : memref<1x1x80x32xf32, #tpu.memory_space<vmem>> -> memref<80x32xf32, #tpu.memory_space<vmem>>
        %dma_start3A_260 = arith.constant 0 : i32
        %dma_start3A_261 = tpu.memref_slice %arg11[%select_n3A_193, %dma_start3A_254, %dma_start3A_260] : memref<2x10x80xi32, #tpu.memory_space<vmem>> -> memref<1x1x80xi32, #tpu.memory_space<vmem>>
        %dma_start3A_262 = tpu.memref_squeeze %dma_start3A_261 : memref<1x1x80xi32, #tpu.memory_space<vmem>> -> memref<80xi32, #tpu.memory_space<vmem>>
        %dma_start3A_263 = arith.constant 0 : i32
        %dma_start3A_264 = arith.constant 0 : i32
        %dma_start3A_265 = tpu.memref_slice %arg2[%dma_start3A_263, %dma_start3A_264] : memref<10016x32xf32, #tpu.memory_space<hbm>> -> memref<10016x32xf32, #tpu.memory_space<hbm>>
        tpu.enqueue_indirect_dma source(%dma_start3A_265 : memref<10016x32xf32, #tpu.memory_space<hbm>>) target(%dma_start3A_259 : memref<80x32xf32, #tpu.memory_space<vmem>>) offsets(%dma_start3A_262 : memref<80xi32, #tpu.memory_space<vmem>>) semaphore(%arg15 : memref<!tpu.dma_semaphore, #tpu.memory_space<semaphore_mem>>)
        %dma_start3A_266 = arith.constant 4 : i32
        %dma_start3A_267 = arith.constant 4 : i32
        %dma_start3A_268 = arith.constant 0 : i32
        %dma_start3A_269 = arith.constant 0 : i32
        %dma_start3A_270 = tpu.memref_slice %arg13[%select_n3A_193, %dma_start3A_267, %dma_start3A_268, %dma_start3A_269] : memref<2x10x80x32xf32, #tpu.memory_space<vmem>> -> memref<1x1x80x32xf32, #tpu.memory_space<vmem>>
        %dma_start3A_271 = tpu.memref_squeeze %dma_start3A_270 : memref<1x1x80x32xf32, #tpu.memory_space<vmem>> -> memref<80x32xf32, #tpu.memory_space<vmem>>
        %dma_start3A_272 = arith.constant 0 : i32
        %dma_start3A_273 = tpu.memref_slice %arg11[%select_n3A_193, %dma_start3A_266, %dma_start3A_272] : memref<2x10x80xi32, #tpu.memory_space<vmem>> -> memref<1x1x80xi32, #tpu.memory_space<vmem>>
        %dma_start3A_274 = tpu.memref_squeeze %dma_start3A_273 : memref<1x1x80xi32, #tpu.memory_space<vmem>> -> memref<80xi32, #tpu.memory_space<vmem>>
        %dma_start3A_275 = arith.constant 0 : i32
        %dma_start3A_276 = arith.constant 0 : i32
        %dma_start3A_277 = tpu.memref_slice %arg2[%dma_start3A_275, %dma_start3A_276] : memref<10016x32xf32, #tpu.memory_space<hbm>> -> memref<10016x32xf32, #tpu.memory_space<hbm>>
        tpu.enqueue_indirect_dma source(%dma_start3A_277 : memref<10016x32xf32, #tpu.memory_space<hbm>>) target(%dma_start3A_271 : memref<80x32xf32, #tpu.memory_space<vmem>>) offsets(%dma_start3A_274 : memref<80xi32, #tpu.memory_space<vmem>>) semaphore(%arg15 : memref<!tpu.dma_semaphore, #tpu.memory_space<semaphore_mem>>)
        %dma_start3A_278 = arith.constant 5 : i32
        %dma_start3A_279 = arith.constant 5 : i32
        %dma_start3A_280 = arith.constant 0 : i32
        %dma_start3A_281 = arith.constant 0 : i32
        %dma_start3A_282 = tpu.memref_slice %arg13[%select_n3A_193, %dma_start3A_279, %dma_start3A_280, %dma_start3A_281] : memref<2x10x80x32xf32, #tpu.memory_space<vmem>> -> memref<1x1x80x32xf32, #tpu.memory_space<vmem>>
        %dma_start3A_283 = tpu.memref_squeeze %dma_start3A_282 : memref<1x1x80x32xf32, #tpu.memory_space<vmem>> -> memref<80x32xf32, #tpu.memory_space<vmem>>
        %dma_start3A_284 = arith.constant 0 : i32
        %dma_start3A_285 = tpu.memref_slice %arg11[%select_n3A_193, %dma_start3A_278, %dma_start3A_284] : memref<2x10x80xi32, #tpu.memory_space<vmem>> -> memref<1x1x80xi32, #tpu.memory_space<vmem>>
        %dma_start3A_286 = tpu.memref_squeeze %dma_start3A_285 : memref<1x1x80xi32, #tpu.memory_space<vmem>> -> memref<80xi32, #tpu.memory_space<vmem>>
        %dma_start3A_287 = arith.constant 0 : i32
        %dma_start3A_288 = arith.constant 0 : i32
        %dma_start3A_289 = tpu.memref_slice %arg2[%dma_start3A_287, %dma_start3A_288] : memref<10016x32xf32, #tpu.memory_space<hbm>> -> memref<10016x32xf32, #tpu.memory_space<hbm>>
        tpu.enqueue_indirect_dma source(%dma_start3A_289 : memref<10016x32xf32, #tpu.memory_space<hbm>>) target(%dma_start3A_283 : memref<80x32xf32, #tpu.memory_space<vmem>>) offsets(%dma_start3A_286 : memref<80xi32, #tpu.memory_space<vmem>>) semaphore(%arg15 : memref<!tpu.dma_semaphore, #tpu.memory_space<semaphore_mem>>)
        %dma_start3A_290 = arith.constant 6 : i32
        %dma_start3A_291 = arith.constant 6 : i32
        %dma_start3A_292 = arith.constant 0 : i32
        %dma_start3A_293 = arith.constant 0 : i32
        %dma_start3A_294 = tpu.memref_slice %arg13[%select_n3A_193, %dma_start3A_291, %dma_start3A_292, %dma_start3A_293] : memref<2x10x80x32xf32, #tpu.memory_space<vmem>> -> memref<1x1x80x32xf32, #tpu.memory_space<vmem>>
        %dma_start3A_295 = tpu.memref_squeeze %dma_start3A_294 : memref<1x1x80x32xf32, #tpu.memory_space<vmem>> -> memref<80x32xf32, #tpu.memory_space<vmem>>
        %dma_start3A_296 = arith.constant 0 : i32
        %dma_start3A_297 = tpu.memref_slice %arg11[%select_n3A_193, %dma_start3A_290, %dma_start3A_296] : memref<2x10x80xi32, #tpu.memory_space<vmem>> -> memref<1x1x80xi32, #tpu.memory_space<vmem>>
        %dma_start3A_298 = tpu.memref_squeeze %dma_start3A_297 : memref<1x1x80xi32, #tpu.memory_space<vmem>> -> memref<80xi32, #tpu.memory_space<vmem>>
        %dma_start3A_299 = arith.constant 0 : i32
        %dma_start3A_300 = arith.constant 0 : i32
        %dma_start3A_301 = tpu.memref_slice %arg2[%dma_start3A_299, %dma_start3A_300] : memref<10016x32xf32, #tpu.memory_space<hbm>> -> memref<10016x32xf32, #tpu.memory_space<hbm>>
        tpu.enqueue_indirect_dma source(%dma_start3A_301 : memref<10016x32xf32, #tpu.memory_space<hbm>>) target(%dma_start3A_295 : memref<80x32xf32, #tpu.memory_space<vmem>>) offsets(%dma_start3A_298 : memref<80xi32, #tpu.memory_space<vmem>>) semaphore(%arg15 : memref<!tpu.dma_semaphore, #tpu.memory_space<semaphore_mem>>)
        %dma_start3A_302 = arith.constant 7 : i32
        %dma_start3A_303 = arith.constant 7 : i32
        %dma_start3A_304 = arith.constant 0 : i32
        %dma_start3A_305 = arith.constant 0 : i32
        %dma_start3A_306 = tpu.memref_slice %arg13[%select_n3A_193, %dma_start3A_303, %dma_start3A_304, %dma_start3A_305] : memref<2x10x80x32xf32, #tpu.memory_space<vmem>> -> memref<1x1x80x32xf32, #tpu.memory_space<vmem>>
        %dma_start3A_307 = tpu.memref_squeeze %dma_start3A_306 : memref<1x1x80x32xf32, #tpu.memory_space<vmem>> -> memref<80x32xf32, #tpu.memory_space<vmem>>
        %dma_start3A_308 = arith.constant 0 : i32
        %dma_start3A_309 = tpu.memref_slice %arg11[%select_n3A_193, %dma_start3A_302, %dma_start3A_308] : memref<2x10x80xi32, #tpu.memory_space<vmem>> -> memref<1x1x80xi32, #tpu.memory_space<vmem>>
        %dma_start3A_310 = tpu.memref_squeeze %dma_start3A_309 : memref<1x1x80xi32, #tpu.memory_space<vmem>> -> memref<80xi32, #tpu.memory_space<vmem>>
        %dma_start3A_311 = arith.constant 0 : i32
        %dma_start3A_312 = arith.constant 0 : i32
        %dma_start3A_313 = tpu.memref_slice %arg2[%dma_start3A_311, %dma_start3A_312] : memref<10016x32xf32, #tpu.memory_space<hbm>> -> memref<10016x32xf32, #tpu.memory_space<hbm>>
        tpu.enqueue_indirect_dma source(%dma_start3A_313 : memref<10016x32xf32, #tpu.memory_space<hbm>>) target(%dma_start3A_307 : memref<80x32xf32, #tpu.memory_space<vmem>>) offsets(%dma_start3A_310 : memref<80xi32, #tpu.memory_space<vmem>>) semaphore(%arg15 : memref<!tpu.dma_semaphore, #tpu.memory_space<semaphore_mem>>)
        %dma_start3A_314 = arith.constant 8 : i32
        %dma_start3A_315 = arith.constant 8 : i32
        %dma_start3A_316 = arith.constant 0 : i32
        %dma_start3A_317 = arith.constant 0 : i32
        %dma_start3A_318 = tpu.memref_slice %arg13[%select_n3A_193, %dma_start3A_315, %dma_start3A_316, %dma_start3A_317] : memref<2x10x80x32xf32, #tpu.memory_space<vmem>> -> memref<1x1x80x32xf32, #tpu.memory_space<vmem>>
        %dma_start3A_319 = tpu.memref_squeeze %dma_start3A_318 : memref<1x1x80x32xf32, #tpu.memory_space<vmem>> -> memref<80x32xf32, #tpu.memory_space<vmem>>
        %dma_start3A_320 = arith.constant 0 : i32
        %dma_start3A_321 = tpu.memref_slice %arg11[%select_n3A_193, %dma_start3A_314, %dma_start3A_320] : memref<2x10x80xi32, #tpu.memory_space<vmem>> -> memref<1x1x80xi32, #tpu.memory_space<vmem>>
        %dma_start3A_322 = tpu.memref_squeeze %dma_start3A_321 : memref<1x1x80xi32, #tpu.memory_space<vmem>> -> memref<80xi32, #tpu.memory_space<vmem>>
        %dma_start3A_323 = arith.constant 0 : i32
        %dma_start3A_324 = arith.constant 0 : i32
        %dma_start3A_325 = tpu.memref_slice %arg2[%dma_start3A_323, %dma_start3A_324] : memref<10016x32xf32, #tpu.memory_space<hbm>> -> memref<10016x32xf32, #tpu.memory_space<hbm>>
        tpu.enqueue_indirect_dma source(%dma_start3A_325 : memref<10016x32xf32, #tpu.memory_space<hbm>>) target(%dma_start3A_319 : memref<80x32xf32, #tpu.memory_space<vmem>>) offsets(%dma_start3A_322 : memref<80xi32, #tpu.memory_space<vmem>>) semaphore(%arg15 : memref<!tpu.dma_semaphore, #tpu.memory_space<semaphore_mem>>)
        %dma_start3A_326 = arith.constant 9 : i32
        %dma_start3A_327 = arith.constant 9 : i32
        %dma_start3A_328 = arith.constant 0 : i32
        %dma_start3A_329 = arith.constant 0 : i32
        %dma_start3A_330 = tpu.memref_slice %arg13[%select_n3A_193, %dma_start3A_327, %dma_start3A_328, %dma_start3A_329] : memref<2x10x80x32xf32, #tpu.memory_space<vmem>> -> memref<1x1x80x32xf32, #tpu.memory_space<vmem>>
        %dma_start3A_331 = tpu.memref_squeeze %dma_start3A_330 : memref<1x1x80x32xf32, #tpu.memory_space<vmem>> -> memref<80x32xf32, #tpu.memory_space<vmem>>
        %dma_start3A_332 = arith.constant 0 : i32
        %dma_start3A_333 = tpu.memref_slice %arg11[%select_n3A_193, %dma_start3A_326, %dma_start3A_332] : memref<2x10x80xi32, #tpu.memory_space<vmem>> -> memref<1x1x80xi32, #tpu.memory_space<vmem>>
        %dma_start3A_334 = tpu.memref_squeeze %dma_start3A_333 : memref<1x1x80xi32, #tpu.memory_space<vmem>> -> memref<80xi32, #tpu.memory_space<vmem>>
        %dma_start3A_335 = arith.constant 0 : i32
        %dma_start3A_336 = arith.constant 0 : i32
        %dma_start3A_337 = tpu.memref_slice %arg2[%dma_start3A_335, %dma_start3A_336] : memref<10016x32xf32, #tpu.memory_space<hbm>> -> memref<10016x32xf32, #tpu.memory_space<hbm>>
        tpu.enqueue_indirect_dma source(%dma_start3A_337 : memref<10016x32xf32, #tpu.memory_space<hbm>>) target(%dma_start3A_331 : memref<80x32xf32, #tpu.memory_space<vmem>>) offsets(%dma_start3A_334 : memref<80xi32, #tpu.memory_space<vmem>>) semaphore(%arg15 : memref<!tpu.dma_semaphore, #tpu.memory_space<semaphore_mem>>)
        %dma_wait3A_338 = arith.constant 0 : i32
        %dma_wait3A_339 = arith.constant 0 : i32
        %dma_wait3A_340 = arith.constant 0 : i32
        %dma_wait3A_341 = arith.constant 0 : i32
        %dma_wait3A_342 = tpu.memref_slice %arg13[%select_n3A_193, %dma_wait3A_339, %dma_wait3A_340, %dma_wait3A_341] : memref<2x10x80x32xf32, #tpu.memory_space<vmem>> -> memref<1x1x80x32xf32, #tpu.memory_space<vmem>>
        %dma_wait3A_343 = tpu.memref_squeeze %dma_wait3A_342 : memref<1x1x80x32xf32, #tpu.memory_space<vmem>> -> memref<80x32xf32, #tpu.memory_space<vmem>>
        %dma_wait3A_344 = arith.constant 0 : i32
        %dma_wait3A_345 = tpu.memref_slice %arg11[%select_n3A_193, %dma_wait3A_338, %dma_wait3A_344] : memref<2x10x80xi32, #tpu.memory_space<vmem>> -> memref<1x1x80xi32, #tpu.memory_space<vmem>>
        %dma_wait3A_346 = tpu.memref_squeeze %dma_wait3A_345 : memref<1x1x80xi32, #tpu.memory_space<vmem>> -> memref<80xi32, #tpu.memory_space<vmem>>
        %dma_wait3A_347 = arith.constant 0 : i32
        %dma_wait3A_348 = arith.constant 0 : i32
        %dma_wait3A_349 = tpu.memref_slice %arg2[%dma_wait3A_347, %dma_wait3A_348] : memref<10016x32xf32, #tpu.memory_space<hbm>> -> memref<10016x32xf32, #tpu.memory_space<hbm>>
        tpu.wait_indirect_dma semaphore(%arg15 : memref<!tpu.dma_semaphore, #tpu.memory_space<semaphore_mem>>) src(%dma_wait3A_349 : memref<10016x32xf32, #tpu.memory_space<hbm>>) dst(%dma_wait3A_343 : memref<80x32xf32, #tpu.memory_space<vmem>>)
        %dma_wait3A_350 = arith.constant 1 : i32
        %dma_wait3A_351 = arith.constant 1 : i32
        %dma_wait3A_352 = arith.constant 0 : i32
        %dma_wait3A_353 = arith.constant 0 : i32
        %dma_wait3A_354 = tpu.memref_slice %arg13[%select_n3A_193, %dma_wait3A_351, %dma_wait3A_352, %dma_wait3A_353] : memref<2x10x80x32xf32, #tpu.memory_space<vmem>> -> memref<1x1x80x32xf32, #tpu.memory_space<vmem>>
        %dma_wait3A_355 = tpu.memref_squeeze %dma_wait3A_354 : memref<1x1x80x32xf32, #tpu.memory_space<vmem>> -> memref<80x32xf32, #tpu.memory_space<vmem>>
        %dma_wait3A_356 = arith.constant 0 : i32
        %dma_wait3A_357 = tpu.memref_slice %arg11[%select_n3A_193, %dma_wait3A_350, %dma_wait3A_356] : memref<2x10x80xi32, #tpu.memory_space<vmem>> -> memref<1x1x80xi32, #tpu.memory_space<vmem>>
        %dma_wait3A_358 = tpu.memref_squeeze %dma_wait3A_357 : memref<1x1x80xi32, #tpu.memory_space<vmem>> -> memref<80xi32, #tpu.memory_space<vmem>>
        %dma_wait3A_359 = arith.constant 0 : i32
        %dma_wait3A_360 = arith.constant 0 : i32
        %dma_wait3A_361 = tpu.memref_slice %arg2[%dma_wait3A_359, %dma_wait3A_360] : memref<10016x32xf32, #tpu.memory_space<hbm>> -> memref<10016x32xf32, #tpu.memory_space<hbm>>
        tpu.wait_indirect_dma semaphore(%arg15 : memref<!tpu.dma_semaphore, #tpu.memory_space<semaphore_mem>>) src(%dma_wait3A_361 : memref<10016x32xf32, #tpu.memory_space<hbm>>) dst(%dma_wait3A_355 : memref<80x32xf32, #tpu.memory_space<vmem>>)
        %dma_wait3A_362 = arith.constant 2 : i32
        %dma_wait3A_363 = arith.constant 2 : i32
        %dma_wait3A_364 = arith.constant 0 : i32
        %dma_wait3A_365 = arith.constant 0 : i32
        %dma_wait3A_366 = tpu.memref_slice %arg13[%select_n3A_193, %dma_wait3A_363, %dma_wait3A_364, %dma_wait3A_365] : memref<2x10x80x32xf32, #tpu.memory_space<vmem>> -> memref<1x1x80x32xf32, #tpu.memory_space<vmem>>
        %dma_wait3A_367 = tpu.memref_squeeze %dma_wait3A_366 : memref<1x1x80x32xf32, #tpu.memory_space<vmem>> -> memref<80x32xf32, #tpu.memory_space<vmem>>
        %dma_wait3A_368 = arith.constant 0 : i32
        %dma_wait3A_369 = tpu.memref_slice %arg11[%select_n3A_193, %dma_wait3A_362, %dma_wait3A_368] : memref<2x10x80xi32, #tpu.memory_space<vmem>> -> memref<1x1x80xi32, #tpu.memory_space<vmem>>
        %dma_wait3A_370 = tpu.memref_squeeze %dma_wait3A_369 : memref<1x1x80xi32, #tpu.memory_space<vmem>> -> memref<80xi32, #tpu.memory_space<vmem>>
        %dma_wait3A_371 = arith.constant 0 : i32
        %dma_wait3A_372 = arith.constant 0 : i32
        %dma_wait3A_373 = tpu.memref_slice %arg2[%dma_wait3A_371, %dma_wait3A_372] : memref<10016x32xf32, #tpu.memory_space<hbm>> -> memref<10016x32xf32, #tpu.memory_space<hbm>>
        tpu.wait_indirect_dma semaphore(%arg15 : memref<!tpu.dma_semaphore, #tpu.memory_space<semaphore_mem>>) src(%dma_wait3A_373 : memref<10016x32xf32, #tpu.memory_space<hbm>>) dst(%dma_wait3A_367 : memref<80x32xf32, #tpu.memory_space<vmem>>)
        %dma_wait3A_374 = arith.constant 3 : i32
        %dma_wait3A_375 = arith.constant 3 : i32
        %dma_wait3A_376 = arith.constant 0 : i32
        %dma_wait3A_377 = arith.constant 0 : i32
        %dma_wait3A_378 = tpu.memref_slice %arg13[%select_n3A_193, %dma_wait3A_375, %dma_wait3A_376, %dma_wait3A_377] : memref<2x10x80x32xf32, #tpu.memory_space<vmem>> -> memref<1x1x80x32xf32, #tpu.memory_space<vmem>>
        %dma_wait3A_379 = tpu.memref_squeeze %dma_wait3A_378 : memref<1x1x80x32xf32, #tpu.memory_space<vmem>> -> memref<80x32xf32, #tpu.memory_space<vmem>>
        %dma_wait3A_380 = arith.constant 0 : i32
        %dma_wait3A_381 = tpu.memref_slice %arg11[%select_n3A_193, %dma_wait3A_374, %dma_wait3A_380] : memref<2x10x80xi32, #tpu.memory_space<vmem>> -> memref<1x1x80xi32, #tpu.memory_space<vmem>>
        %dma_wait3A_382 = tpu.memref_squeeze %dma_wait3A_381 : memref<1x1x80xi32, #tpu.memory_space<vmem>> -> memref<80xi32, #tpu.memory_space<vmem>>
        %dma_wait3A_383 = arith.constant 0 : i32
        %dma_wait3A_384 = arith.constant 0 : i32
        %dma_wait3A_385 = tpu.memref_slice %arg2[%dma_wait3A_383, %dma_wait3A_384] : memref<10016x32xf32, #tpu.memory_space<hbm>> -> memref<10016x32xf32, #tpu.memory_space<hbm>>
        tpu.wait_indirect_dma semaphore(%arg15 : memref<!tpu.dma_semaphore, #tpu.memory_space<semaphore_mem>>) src(%dma_wait3A_385 : memref<10016x32xf32, #tpu.memory_space<hbm>>) dst(%dma_wait3A_379 : memref<80x32xf32, #tpu.memory_space<vmem>>)
        %dma_wait3A_386 = arith.constant 4 : i32
        %dma_wait3A_387 = arith.constant 4 : i32
        %dma_wait3A_388 = arith.constant 0 : i32
        %dma_wait3A_389 = arith.constant 0 : i32
        %dma_wait3A_390 = tpu.memref_slice %arg13[%select_n3A_193, %dma_wait3A_387, %dma_wait3A_388, %dma_wait3A_389] : memref<2x10x80x32xf32, #tpu.memory_space<vmem>> -> memref<1x1x80x32xf32, #tpu.memory_space<vmem>>
        %dma_wait3A_391 = tpu.memref_squeeze %dma_wait3A_390 : memref<1x1x80x32xf32, #tpu.memory_space<vmem>> -> memref<80x32xf32, #tpu.memory_space<vmem>>
        %dma_wait3A_392 = arith.constant 0 : i32
        %dma_wait3A_393 = tpu.memref_slice %arg11[%select_n3A_193, %dma_wait3A_386, %dma_wait3A_392] : memref<2x10x80xi32, #tpu.memory_space<vmem>> -> memref<1x1x80xi32, #tpu.memory_space<vmem>>
        %dma_wait3A_394 = tpu.memref_squeeze %dma_wait3A_393 : memref<1x1x80xi32, #tpu.memory_space<vmem>> -> memref<80xi32, #tpu.memory_space<vmem>>
        %dma_wait3A_395 = arith.constant 0 : i32
        %dma_wait3A_396 = arith.constant 0 : i32
        %dma_wait3A_397 = tpu.memref_slice %arg2[%dma_wait3A_395, %dma_wait3A_396] : memref<10016x32xf32, #tpu.memory_space<hbm>> -> memref<10016x32xf32, #tpu.memory_space<hbm>>
        tpu.wait_indirect_dma semaphore(%arg15 : memref<!tpu.dma_semaphore, #tpu.memory_space<semaphore_mem>>) src(%dma_wait3A_397 : memref<10016x32xf32, #tpu.memory_space<hbm>>) dst(%dma_wait3A_391 : memref<80x32xf32, #tpu.memory_space<vmem>>)
        %dma_wait3A_398 = arith.constant 5 : i32
        %dma_wait3A_399 = arith.constant 5 : i32
        %dma_wait3A_400 = arith.constant 0 : i32
        %dma_wait3A_401 = arith.constant 0 : i32
        %dma_wait3A_402 = tpu.memref_slice %arg13[%select_n3A_193, %dma_wait3A_399, %dma_wait3A_400, %dma_wait3A_401] : memref<2x10x80x32xf32, #tpu.memory_space<vmem>> -> memref<1x1x80x32xf32, #tpu.memory_space<vmem>>
        %dma_wait3A_403 = tpu.memref_squeeze %dma_wait3A_402 : memref<1x1x80x32xf32, #tpu.memory_space<vmem>> -> memref<80x32xf32, #tpu.memory_space<vmem>>
        %dma_wait3A_404 = arith.constant 0 : i32
        %dma_wait3A_405 = tpu.memref_slice %arg11[%select_n3A_193, %dma_wait3A_398, %dma_wait3A_404] : memref<2x10x80xi32, #tpu.memory_space<vmem>> -> memref<1x1x80xi32, #tpu.memory_space<vmem>>
        %dma_wait3A_406 = tpu.memref_squeeze %dma_wait3A_405 : memref<1x1x80xi32, #tpu.memory_space<vmem>> -> memref<80xi32, #tpu.memory_space<vmem>>
        %dma_wait3A_407 = arith.constant 0 : i32
        %dma_wait3A_408 = arith.constant 0 : i32
        %dma_wait3A_409 = tpu.memref_slice %arg2[%dma_wait3A_407, %dma_wait3A_408] : memref<10016x32xf32, #tpu.memory_space<hbm>> -> memref<10016x32xf32, #tpu.memory_space<hbm>>
        tpu.wait_indirect_dma semaphore(%arg15 : memref<!tpu.dma_semaphore, #tpu.memory_space<semaphore_mem>>) src(%dma_wait3A_409 : memref<10016x32xf32, #tpu.memory_space<hbm>>) dst(%dma_wait3A_403 : memref<80x32xf32, #tpu.memory_space<vmem>>)
        %dma_wait3A_410 = arith.constant 6 : i32
        %dma_wait3A_411 = arith.constant 6 : i32
        %dma_wait3A_412 = arith.constant 0 : i32
        %dma_wait3A_413 = arith.constant 0 : i32
        %dma_wait3A_414 = tpu.memref_slice %arg13[%select_n3A_193, %dma_wait3A_411, %dma_wait3A_412, %dma_wait3A_413] : memref<2x10x80x32xf32, #tpu.memory_space<vmem>> -> memref<1x1x80x32xf32, #tpu.memory_space<vmem>>
        %dma_wait3A_415 = tpu.memref_squeeze %dma_wait3A_414 : memref<1x1x80x32xf32, #tpu.memory_space<vmem>> -> memref<80x32xf32, #tpu.memory_space<vmem>>
        %dma_wait3A_416 = arith.constant 0 : i32
        %dma_wait3A_417 = tpu.memref_slice %arg11[%select_n3A_193, %dma_wait3A_410, %dma_wait3A_416] : memref<2x10x80xi32, #tpu.memory_space<vmem>> -> memref<1x1x80xi32, #tpu.memory_space<vmem>>
        %dma_wait3A_418 = tpu.memref_squeeze %dma_wait3A_417 : memref<1x1x80xi32, #tpu.memory_space<vmem>> -> memref<80xi32, #tpu.memory_space<vmem>>
        %dma_wait3A_419 = arith.constant 0 : i32
        %dma_wait3A_420 = arith.constant 0 : i32
        %dma_wait3A_421 = tpu.memref_slice %arg2[%dma_wait3A_419, %dma_wait3A_420] : memref<10016x32xf32, #tpu.memory_space<hbm>> -> memref<10016x32xf32, #tpu.memory_space<hbm>>
        tpu.wait_indirect_dma semaphore(%arg15 : memref<!tpu.dma_semaphore, #tpu.memory_space<semaphore_mem>>) src(%dma_wait3A_421 : memref<10016x32xf32, #tpu.memory_space<hbm>>) dst(%dma_wait3A_415 : memref<80x32xf32, #tpu.memory_space<vmem>>)
        %dma_wait3A_422 = arith.constant 7 : i32
        %dma_wait3A_423 = arith.constant 7 : i32
        %dma_wait3A_424 = arith.constant 0 : i32
        %dma_wait3A_425 = arith.constant 0 : i32
        %dma_wait3A_426 = tpu.memref_slice %arg13[%select_n3A_193, %dma_wait3A_423, %dma_wait3A_424, %dma_wait3A_425] : memref<2x10x80x32xf32, #tpu.memory_space<vmem>> -> memref<1x1x80x32xf32, #tpu.memory_space<vmem>>
        %dma_wait3A_427 = tpu.memref_squeeze %dma_wait3A_426 : memref<1x1x80x32xf32, #tpu.memory_space<vmem>> -> memref<80x32xf32, #tpu.memory_space<vmem>>
        %dma_wait3A_428 = arith.constant 0 : i32
        %dma_wait3A_429 = tpu.memref_slice %arg11[%select_n3A_193, %dma_wait3A_422, %dma_wait3A_428] : memref<2x10x80xi32, #tpu.memory_space<vmem>> -> memref<1x1x80xi32, #tpu.memory_space<vmem>>
        %dma_wait3A_430 = tpu.memref_squeeze %dma_wait3A_429 : memref<1x1x80xi32, #tpu.memory_space<vmem>> -> memref<80xi32, #tpu.memory_space<vmem>>
        %dma_wait3A_431 = arith.constant 0 : i32
        %dma_wait3A_432 = arith.constant 0 : i32
        %dma_wait3A_433 = tpu.memref_slice %arg2[%dma_wait3A_431, %dma_wait3A_432] : memref<10016x32xf32, #tpu.memory_space<hbm>> -> memref<10016x32xf32, #tpu.memory_space<hbm>>
        tpu.wait_indirect_dma semaphore(%arg15 : memref<!tpu.dma_semaphore, #tpu.memory_space<semaphore_mem>>) src(%dma_wait3A_433 : memref<10016x32xf32, #tpu.memory_space<hbm>>) dst(%dma_wait3A_427 : memref<80x32xf32, #tpu.memory_space<vmem>>)
        %dma_wait3A_434 = arith.constant 8 : i32
        %dma_wait3A_435 = arith.constant 8 : i32
        %dma_wait3A_436 = arith.constant 0 : i32
        %dma_wait3A_437 = arith.constant 0 : i32
        %dma_wait3A_438 = tpu.memref_slice %arg13[%select_n3A_193, %dma_wait3A_435, %dma_wait3A_436, %dma_wait3A_437] : memref<2x10x80x32xf32, #tpu.memory_space<vmem>> -> memref<1x1x80x32xf32, #tpu.memory_space<vmem>>
        %dma_wait3A_439 = tpu.memref_squeeze %dma_wait3A_438 : memref<1x1x80x32xf32, #tpu.memory_space<vmem>> -> memref<80x32xf32, #tpu.memory_space<vmem>>
        %dma_wait3A_440 = arith.constant 0 : i32
        %dma_wait3A_441 = tpu.memref_slice %arg11[%select_n3A_193, %dma_wait3A_434, %dma_wait3A_440] : memref<2x10x80xi32, #tpu.memory_space<vmem>> -> memref<1x1x80xi32, #tpu.memory_space<vmem>>
        %dma_wait3A_442 = tpu.memref_squeeze %dma_wait3A_441 : memref<1x1x80xi32, #tpu.memory_space<vmem>> -> memref<80xi32, #tpu.memory_space<vmem>>
        %dma_wait3A_443 = arith.constant 0 : i32
        %dma_wait3A_444 = arith.constant 0 : i32
        %dma_wait3A_445 = tpu.memref_slice %arg2[%dma_wait3A_443, %dma_wait3A_444] : memref<10016x32xf32, #tpu.memory_space<hbm>> -> memref<10016x32xf32, #tpu.memory_space<hbm>>
        tpu.wait_indirect_dma semaphore(%arg15 : memref<!tpu.dma_semaphore, #tpu.memory_space<semaphore_mem>>) src(%dma_wait3A_445 : memref<10016x32xf32, #tpu.memory_space<hbm>>) dst(%dma_wait3A_439 : memref<80x32xf32, #tpu.memory_space<vmem>>)
        %dma_wait3A_446 = arith.constant 9 : i32
        %dma_wait3A_447 = arith.constant 9 : i32
        %dma_wait3A_448 = arith.constant 0 : i32
        %dma_wait3A_449 = arith.constant 0 : i32
        %dma_wait3A_450 = tpu.memref_slice %arg13[%select_n3A_193, %dma_wait3A_447, %dma_wait3A_448, %dma_wait3A_449] : memref<2x10x80x32xf32, #tpu.memory_space<vmem>> -> memref<1x1x80x32xf32, #tpu.memory_space<vmem>>
        %dma_wait3A_451 = tpu.memref_squeeze %dma_wait3A_450 : memref<1x1x80x32xf32, #tpu.memory_space<vmem>> -> memref<80x32xf32, #tpu.memory_space<vmem>>
        %dma_wait3A_452 = arith.constant 0 : i32
        %dma_wait3A_453 = tpu.memref_slice %arg11[%select_n3A_193, %dma_wait3A_446, %dma_wait3A_452] : memref<2x10x80xi32, #tpu.memory_space<vmem>> -> memref<1x1x80xi32, #tpu.memory_space<vmem>>
        %dma_wait3A_454 = tpu.memref_squeeze %dma_wait3A_453 : memref<1x1x80xi32, #tpu.memory_space<vmem>> -> memref<80xi32, #tpu.memory_space<vmem>>
        %dma_wait3A_455 = arith.constant 0 : i32
        %dma_wait3A_456 = arith.constant 0 : i32
        %dma_wait3A_457 = tpu.memref_slice %arg2[%dma_wait3A_455, %dma_wait3A_456] : memref<10016x32xf32, #tpu.memory_space<hbm>> -> memref<10016x32xf32, #tpu.memory_space<hbm>>
        tpu.wait_indirect_dma semaphore(%arg15 : memref<!tpu.dma_semaphore, #tpu.memory_space<semaphore_mem>>) src(%dma_wait3A_457 : memref<10016x32xf32, #tpu.memory_space<hbm>>) dst(%dma_wait3A_451 : memref<80x32xf32, #tpu.memory_space<vmem>>)
        %ge3A = arith.constant 1 : i32
        %ge3A_458 = arith.cmpi sge, %scan3A_183, %ge3A : i32
        %convert_element_type3A_459 = arith.extui %ge3A_458 : i1 to i32
        %cond3A_460 = arith.constant 0 : i32
        %cond3A_461 = arith.cmpi ne, %convert_element_type3A_459, %cond3A_460 : i32
        scf.if %cond3A_461 {
          %sub3A = arith.constant 1 : i32
          %sub3A_589 = arith.subi %sub3A, %select_n3A_193 : i32
          %dma_wait3A_590 = arith.constant 0 : i32
          %dma_wait3A_591 = arith.constant 0 : i32
          %dma_wait3A_592 = arith.constant 0 : i32
          %dma_wait3A_593 = arith.constant 0 : i32
          %dma_wait3A_594 = tpu.memref_slice %arg13[%sub3A_589, %dma_wait3A_590, %dma_wait3A_592, %dma_wait3A_593] : memref<2x10x80x32xf32, #tpu.memory_space<vmem>> -> memref<1x1x80x32xf32, #tpu.memory_space<vmem>>
          %dma_wait3A_595 = tpu.memref_squeeze %dma_wait3A_594 : memref<1x1x80x32xf32, #tpu.memory_space<vmem>> -> memref<80x32xf32, #tpu.memory_space<vmem>>
          %dma_wait3A_596 = arith.constant 0 : i32
          %dma_wait3A_597 = tpu.memref_slice %arg12[%sub3A_589, %dma_wait3A_591, %dma_wait3A_596] : memref<2x10x80xi32, #tpu.memory_space<vmem>> -> memref<1x1x80xi32, #tpu.memory_space<vmem>>
          %dma_wait3A_598 = tpu.memref_squeeze %dma_wait3A_597 : memref<1x1x80xi32, #tpu.memory_space<vmem>> -> memref<80xi32, #tpu.memory_space<vmem>>
          %dma_wait3A_599 = arith.constant 0 : i32
          %dma_wait3A_600 = arith.constant 0 : i32
          %dma_wait3A_601 = tpu.memref_slice %arg17[%dma_wait3A_599, %dma_wait3A_600] : memref<10016x32xf32, #tpu.memory_space<vmem_shared>> -> memref<10016x32xf32, #tpu.memory_space<vmem_shared>>
          tpu.wait_indirect_dma semaphore(%arg16 : memref<!tpu.dma_semaphore, #tpu.memory_space<semaphore_mem>>) src(%dma_wait3A_595 : memref<80x32xf32, #tpu.memory_space<vmem>>) dst(%dma_wait3A_601 : memref<10016x32xf32, #tpu.memory_space<vmem_shared>>)
          %dma_wait3A_602 = arith.constant 1 : i32
          %dma_wait3A_603 = arith.constant 1 : i32
          %dma_wait3A_604 = arith.constant 0 : i32
          %dma_wait3A_605 = arith.constant 0 : i32
          %dma_wait3A_606 = tpu.memref_slice %arg13[%sub3A_589, %dma_wait3A_602, %dma_wait3A_604, %dma_wait3A_605] : memref<2x10x80x32xf32, #tpu.memory_space<vmem>> -> memref<1x1x80x32xf32, #tpu.memory_space<vmem>>
          %dma_wait3A_607 = tpu.memref_squeeze %dma_wait3A_606 : memref<1x1x80x32xf32, #tpu.memory_space<vmem>> -> memref<80x32xf32, #tpu.memory_space<vmem>>
          %dma_wait3A_608 = arith.constant 0 : i32
          %dma_wait3A_609 = tpu.memref_slice %arg12[%sub3A_589, %dma_wait3A_603, %dma_wait3A_608] : memref<2x10x80xi32, #tpu.memory_space<vmem>> -> memref<1x1x80xi32, #tpu.memory_space<vmem>>
          %dma_wait3A_610 = tpu.memref_squeeze %dma_wait3A_609 : memref<1x1x80xi32, #tpu.memory_space<vmem>> -> memref<80xi32, #tpu.memory_space<vmem>>
          %dma_wait3A_611 = arith.constant 0 : i32
          %dma_wait3A_612 = arith.constant 0 : i32
          %dma_wait3A_613 = tpu.memref_slice %arg17[%dma_wait3A_611, %dma_wait3A_612] : memref<10016x32xf32, #tpu.memory_space<vmem_shared>> -> memref<10016x32xf32, #tpu.memory_space<vmem_shared>>
          tpu.wait_indirect_dma semaphore(%arg16 : memref<!tpu.dma_semaphore, #tpu.memory_space<semaphore_mem>>) src(%dma_wait3A_607 : memref<80x32xf32, #tpu.memory_space<vmem>>) dst(%dma_wait3A_613 : memref<10016x32xf32, #tpu.memory_space<vmem_shared>>)
          %dma_wait3A_614 = arith.constant 2 : i32
          %dma_wait3A_615 = arith.constant 2 : i32
          %dma_wait3A_616 = arith.constant 0 : i32
          %dma_wait3A_617 = arith.constant 0 : i32
          %dma_wait3A_618 = tpu.memref_slice %arg13[%sub3A_589, %dma_wait3A_614, %dma_wait3A_616, %dma_wait3A_617] : memref<2x10x80x32xf32, #tpu.memory_space<vmem>> -> memref<1x1x80x32xf32, #tpu.memory_space<vmem>>
          %dma_wait3A_619 = tpu.memref_squeeze %dma_wait3A_618 : memref<1x1x80x32xf32, #tpu.memory_space<vmem>> -> memref<80x32xf32, #tpu.memory_space<vmem>>
          %dma_wait3A_620 = arith.constant 0 : i32
          %dma_wait3A_621 = tpu.memref_slice %arg12[%sub3A_589, %dma_wait3A_615, %dma_wait3A_620] : memref<2x10x80xi32, #tpu.memory_space<vmem>> -> memref<1x1x80xi32, #tpu.memory_space<vmem>>
          %dma_wait3A_622 = tpu.memref_squeeze %dma_wait3A_621 : memref<1x1x80xi32, #tpu.memory_space<vmem>> -> memref<80xi32, #tpu.memory_space<vmem>>
          %dma_wait3A_623 = arith.constant 0 : i32
          %dma_wait3A_624 = arith.constant 0 : i32
          %dma_wait3A_625 = tpu.memref_slice %arg17[%dma_wait3A_623, %dma_wait3A_624] : memref<10016x32xf32, #tpu.memory_space<vmem_shared>> -> memref<10016x32xf32, #tpu.memory_space<vmem_shared>>
          tpu.wait_indirect_dma semaphore(%arg16 : memref<!tpu.dma_semaphore, #tpu.memory_space<semaphore_mem>>) src(%dma_wait3A_619 : memref<80x32xf32, #tpu.memory_space<vmem>>) dst(%dma_wait3A_625 : memref<10016x32xf32, #tpu.memory_space<vmem_shared>>)
          %dma_wait3A_626 = arith.constant 3 : i32
          %dma_wait3A_627 = arith.constant 3 : i32
          %dma_wait3A_628 = arith.constant 0 : i32
          %dma_wait3A_629 = arith.constant 0 : i32
          %dma_wait3A_630 = tpu.memref_slice %arg13[%sub3A_589, %dma_wait3A_626, %dma_wait3A_628, %dma_wait3A_629] : memref<2x10x80x32xf32, #tpu.memory_space<vmem>> -> memref<1x1x80x32xf32, #tpu.memory_space<vmem>>
          %dma_wait3A_631 = tpu.memref_squeeze %dma_wait3A_630 : memref<1x1x80x32xf32, #tpu.memory_space<vmem>> -> memref<80x32xf32, #tpu.memory_space<vmem>>
          %dma_wait3A_632 = arith.constant 0 : i32
          %dma_wait3A_633 = tpu.memref_slice %arg12[%sub3A_589, %dma_wait3A_627, %dma_wait3A_632] : memref<2x10x80xi32, #tpu.memory_space<vmem>> -> memref<1x1x80xi32, #tpu.memory_space<vmem>>
          %dma_wait3A_634 = tpu.memref_squeeze %dma_wait3A_633 : memref<1x1x80xi32, #tpu.memory_space<vmem>> -> memref<80xi32, #tpu.memory_space<vmem>>
          %dma_wait3A_635 = arith.constant 0 : i32
          %dma_wait3A_636 = arith.constant 0 : i32
          %dma_wait3A_637 = tpu.memref_slice %arg17[%dma_wait3A_635, %dma_wait3A_636] : memref<10016x32xf32, #tpu.memory_space<vmem_shared>> -> memref<10016x32xf32, #tpu.memory_space<vmem_shared>>
          tpu.wait_indirect_dma semaphore(%arg16 : memref<!tpu.dma_semaphore, #tpu.memory_space<semaphore_mem>>) src(%dma_wait3A_631 : memref<80x32xf32, #tpu.memory_space<vmem>>) dst(%dma_wait3A_637 : memref<10016x32xf32, #tpu.memory_space<vmem_shared>>)
          %dma_wait3A_638 = arith.constant 4 : i32
          %dma_wait3A_639 = arith.constant 4 : i32
          %dma_wait3A_640 = arith.constant 0 : i32
          %dma_wait3A_641 = arith.constant 0 : i32
          %dma_wait3A_642 = tpu.memref_slice %arg13[%sub3A_589, %dma_wait3A_638, %dma_wait3A_640, %dma_wait3A_641] : memref<2x10x80x32xf32, #tpu.memory_space<vmem>> -> memref<1x1x80x32xf32, #tpu.memory_space<vmem>>
          %dma_wait3A_643 = tpu.memref_squeeze %dma_wait3A_642 : memref<1x1x80x32xf32, #tpu.memory_space<vmem>> -> memref<80x32xf32, #tpu.memory_space<vmem>>
          %dma_wait3A_644 = arith.constant 0 : i32
          %dma_wait3A_645 = tpu.memref_slice %arg12[%sub3A_589, %dma_wait3A_639, %dma_wait3A_644] : memref<2x10x80xi32, #tpu.memory_space<vmem>> -> memref<1x1x80xi32, #tpu.memory_space<vmem>>
          %dma_wait3A_646 = tpu.memref_squeeze %dma_wait3A_645 : memref<1x1x80xi32, #tpu.memory_space<vmem>> -> memref<80xi32, #tpu.memory_space<vmem>>
          %dma_wait3A_647 = arith.constant 0 : i32
          %dma_wait3A_648 = arith.constant 0 : i32
          %dma_wait3A_649 = tpu.memref_slice %arg17[%dma_wait3A_647, %dma_wait3A_648] : memref<10016x32xf32, #tpu.memory_space<vmem_shared>> -> memref<10016x32xf32, #tpu.memory_space<vmem_shared>>
          tpu.wait_indirect_dma semaphore(%arg16 : memref<!tpu.dma_semaphore, #tpu.memory_space<semaphore_mem>>) src(%dma_wait3A_643 : memref<80x32xf32, #tpu.memory_space<vmem>>) dst(%dma_wait3A_649 : memref<10016x32xf32, #tpu.memory_space<vmem_shared>>)
          %dma_wait3A_650 = arith.constant 5 : i32
          %dma_wait3A_651 = arith.constant 5 : i32
          %dma_wait3A_652 = arith.constant 0 : i32
          %dma_wait3A_653 = arith.constant 0 : i32
          %dma_wait3A_654 = tpu.memref_slice %arg13[%sub3A_589, %dma_wait3A_650, %dma_wait3A_652, %dma_wait3A_653] : memref<2x10x80x32xf32, #tpu.memory_space<vmem>> -> memref<1x1x80x32xf32, #tpu.memory_space<vmem>>
          %dma_wait3A_655 = tpu.memref_squeeze %dma_wait3A_654 : memref<1x1x80x32xf32, #tpu.memory_space<vmem>> -> memref<80x32xf32, #tpu.memory_space<vmem>>
          %dma_wait3A_656 = arith.constant 0 : i32
          %dma_wait3A_657 = tpu.memref_slice %arg12[%sub3A_589, %dma_wait3A_651, %dma_wait3A_656] : memref<2x10x80xi32, #tpu.memory_space<vmem>> -> memref<1x1x80xi32, #tpu.memory_space<vmem>>
          %dma_wait3A_658 = tpu.memref_squeeze %dma_wait3A_657 : memref<1x1x80xi32, #tpu.memory_space<vmem>> -> memref<80xi32, #tpu.memory_space<vmem>>
          %dma_wait3A_659 = arith.constant 0 : i32
          %dma_wait3A_660 = arith.constant 0 : i32
          %dma_wait3A_661 = tpu.memref_slice %arg17[%dma_wait3A_659, %dma_wait3A_660] : memref<10016x32xf32, #tpu.memory_space<vmem_shared>> -> memref<10016x32xf32, #tpu.memory_space<vmem_shared>>
          tpu.wait_indirect_dma semaphore(%arg16 : memref<!tpu.dma_semaphore, #tpu.memory_space<semaphore_mem>>) src(%dma_wait3A_655 : memref<80x32xf32, #tpu.memory_space<vmem>>) dst(%dma_wait3A_661 : memref<10016x32xf32, #tpu.memory_space<vmem_shared>>)
          %dma_wait3A_662 = arith.constant 6 : i32
          %dma_wait3A_663 = arith.constant 6 : i32
          %dma_wait3A_664 = arith.constant 0 : i32
          %dma_wait3A_665 = arith.constant 0 : i32
          %dma_wait3A_666 = tpu.memref_slice %arg13[%sub3A_589, %dma_wait3A_662, %dma_wait3A_664, %dma_wait3A_665] : memref<2x10x80x32xf32, #tpu.memory_space<vmem>> -> memref<1x1x80x32xf32, #tpu.memory_space<vmem>>
          %dma_wait3A_667 = tpu.memref_squeeze %dma_wait3A_666 : memref<1x1x80x32xf32, #tpu.memory_space<vmem>> -> memref<80x32xf32, #tpu.memory_space<vmem>>
          %dma_wait3A_668 = arith.constant 0 : i32
          %dma_wait3A_669 = tpu.memref_slice %arg12[%sub3A_589, %dma_wait3A_663, %dma_wait3A_668] : memref<2x10x80xi32, #tpu.memory_space<vmem>> -> memref<1x1x80xi32, #tpu.memory_space<vmem>>
          %dma_wait3A_670 = tpu.memref_squeeze %dma_wait3A_669 : memref<1x1x80xi32, #tpu.memory_space<vmem>> -> memref<80xi32, #tpu.memory_space<vmem>>
          %dma_wait3A_671 = arith.constant 0 : i32
          %dma_wait3A_672 = arith.constant 0 : i32
          %dma_wait3A_673 = tpu.memref_slice %arg17[%dma_wait3A_671, %dma_wait3A_672] : memref<10016x32xf32, #tpu.memory_space<vmem_shared>> -> memref<10016x32xf32, #tpu.memory_space<vmem_shared>>
          tpu.wait_indirect_dma semaphore(%arg16 : memref<!tpu.dma_semaphore, #tpu.memory_space<semaphore_mem>>) src(%dma_wait3A_667 : memref<80x32xf32, #tpu.memory_space<vmem>>) dst(%dma_wait3A_673 : memref<10016x32xf32, #tpu.memory_space<vmem_shared>>)
          %dma_wait3A_674 = arith.constant 7 : i32
          %dma_wait3A_675 = arith.constant 7 : i32
          %dma_wait3A_676 = arith.constant 0 : i32
          %dma_wait3A_677 = arith.constant 0 : i32
          %dma_wait3A_678 = tpu.memref_slice %arg13[%sub3A_589, %dma_wait3A_674, %dma_wait3A_676, %dma_wait3A_677] : memref<2x10x80x32xf32, #tpu.memory_space<vmem>> -> memref<1x1x80x32xf32, #tpu.memory_space<vmem>>
          %dma_wait3A_679 = tpu.memref_squeeze %dma_wait3A_678 : memref<1x1x80x32xf32, #tpu.memory_space<vmem>> -> memref<80x32xf32, #tpu.memory_space<vmem>>
          %dma_wait3A_680 = arith.constant 0 : i32
          %dma_wait3A_681 = tpu.memref_slice %arg12[%sub3A_589, %dma_wait3A_675, %dma_wait3A_680] : memref<2x10x80xi32, #tpu.memory_space<vmem>> -> memref<1x1x80xi32, #tpu.memory_space<vmem>>
          %dma_wait3A_682 = tpu.memref_squeeze %dma_wait3A_681 : memref<1x1x80xi32, #tpu.memory_space<vmem>> -> memref<80xi32, #tpu.memory_space<vmem>>
          %dma_wait3A_683 = arith.constant 0 : i32
          %dma_wait3A_684 = arith.constant 0 : i32
          %dma_wait3A_685 = tpu.memref_slice %arg17[%dma_wait3A_683, %dma_wait3A_684] : memref<10016x32xf32, #tpu.memory_space<vmem_shared>> -> memref<10016x32xf32, #tpu.memory_space<vmem_shared>>
          tpu.wait_indirect_dma semaphore(%arg16 : memref<!tpu.dma_semaphore, #tpu.memory_space<semaphore_mem>>) src(%dma_wait3A_679 : memref<80x32xf32, #tpu.memory_space<vmem>>) dst(%dma_wait3A_685 : memref<10016x32xf32, #tpu.memory_space<vmem_shared>>)
          %dma_wait3A_686 = arith.constant 8 : i32
          %dma_wait3A_687 = arith.constant 8 : i32
          %dma_wait3A_688 = arith.constant 0 : i32
          %dma_wait3A_689 = arith.constant 0 : i32
          %dma_wait3A_690 = tpu.memref_slice %arg13[%sub3A_589, %dma_wait3A_686, %dma_wait3A_688, %dma_wait3A_689] : memref<2x10x80x32xf32, #tpu.memory_space<vmem>> -> memref<1x1x80x32xf32, #tpu.memory_space<vmem>>
          %dma_wait3A_691 = tpu.memref_squeeze %dma_wait3A_690 : memref<1x1x80x32xf32, #tpu.memory_space<vmem>> -> memref<80x32xf32, #tpu.memory_space<vmem>>
          %dma_wait3A_692 = arith.constant 0 : i32
          %dma_wait3A_693 = tpu.memref_slice %arg12[%sub3A_589, %dma_wait3A_687, %dma_wait3A_692] : memref<2x10x80xi32, #tpu.memory_space<vmem>> -> memref<1x1x80xi32, #tpu.memory_space<vmem>>
          %dma_wait3A_694 = tpu.memref_squeeze %dma_wait3A_693 : memref<1x1x80xi32, #tpu.memory_space<vmem>> -> memref<80xi32, #tpu.memory_space<vmem>>
          %dma_wait3A_695 = arith.constant 0 : i32
          %dma_wait3A_696 = arith.constant 0 : i32
          %dma_wait3A_697 = tpu.memref_slice %arg17[%dma_wait3A_695, %dma_wait3A_696] : memref<10016x32xf32, #tpu.memory_space<vmem_shared>> -> memref<10016x32xf32, #tpu.memory_space<vmem_shared>>
          tpu.wait_indirect_dma semaphore(%arg16 : memref<!tpu.dma_semaphore, #tpu.memory_space<semaphore_mem>>) src(%dma_wait3A_691 : memref<80x32xf32, #tpu.memory_space<vmem>>) dst(%dma_wait3A_697 : memref<10016x32xf32, #tpu.memory_space<vmem_shared>>)
          %dma_wait3A_698 = arith.constant 9 : i32
          %dma_wait3A_699 = arith.constant 9 : i32
          %dma_wait3A_700 = arith.constant 0 : i32
          %dma_wait3A_701 = arith.constant 0 : i32
          %dma_wait3A_702 = tpu.memref_slice %arg13[%sub3A_589, %dma_wait3A_698, %dma_wait3A_700, %dma_wait3A_701] : memref<2x10x80x32xf32, #tpu.memory_space<vmem>> -> memref<1x1x80x32xf32, #tpu.memory_space<vmem>>
          %dma_wait3A_703 = tpu.memref_squeeze %dma_wait3A_702 : memref<1x1x80x32xf32, #tpu.memory_space<vmem>> -> memref<80x32xf32, #tpu.memory_space<vmem>>
          %dma_wait3A_704 = arith.constant 0 : i32
          %dma_wait3A_705 = tpu.memref_slice %arg12[%sub3A_589, %dma_wait3A_699, %dma_wait3A_704] : memref<2x10x80xi32, #tpu.memory_space<vmem>> -> memref<1x1x80xi32, #tpu.memory_space<vmem>>
          %dma_wait3A_706 = tpu.memref_squeeze %dma_wait3A_705 : memref<1x1x80xi32, #tpu.memory_space<vmem>> -> memref<80xi32, #tpu.memory_space<vmem>>
          %dma_wait3A_707 = arith.constant 0 : i32
          %dma_wait3A_708 = arith.constant 0 : i32
          %dma_wait3A_709 = tpu.memref_slice %arg17[%dma_wait3A_707, %dma_wait3A_708] : memref<10016x32xf32, #tpu.memory_space<vmem_shared>> -> memref<10016x32xf32, #tpu.memory_space<vmem_shared>>
          tpu.wait_indirect_dma semaphore(%arg16 : memref<!tpu.dma_semaphore, #tpu.memory_space<semaphore_mem>>) src(%dma_wait3A_703 : memref<80x32xf32, #tpu.memory_space<vmem>>) dst(%dma_wait3A_709 : memref<10016x32xf32, #tpu.memory_space<vmem_shared>>)
        } else {
        }
        %add3A_462 = arith.constant 1 : i32
        %add3A_463 = arith.addi %scan3A_183, %add3A_462 : i32
        %lt3A_464 = arith.constant 25 : i32
        %lt3A_465 = arith.cmpi slt, %add3A_463, %lt3A_464 : i32
        %convert_element_type3A_466 = arith.extui %lt3A_465 : i1 to i32
        %cond3A_467 = arith.constant 0 : i32
        %cond3A_468 = arith.cmpi ne, %convert_element_type3A_466, %cond3A_467 : i32
        scf.if %cond3A_468 {
          %add3A_589 = arith.constant 1 : i32
          %add3A_590 = arith.addi %scan3A_183, %add3A_589 : i32
          %sub3A = arith.constant 1 : i32
          %sub3A_591 = arith.subi %sub3A, %select_n3A_193 : i32
          %mul3A_592 = arith.constant 10 : i32
          %mul3A_593 = arith.muli %add3A_590, %mul3A_592 : i32
          %add3A_594 = arith.addi %mul3A_9, %mul3A_593 : i32
          %dma_start3A_595 = arith.constant 0 : i32
          %dma_start3A_596 = arith.constant 0 : i32
          %dma_start3A_597 = tpu.memref_slice %arg11[%sub3A_591, %dma_start3A_595, %dma_start3A_596] : memref<2x10x80xi32, #tpu.memory_space<vmem>> -> memref<1x10x80xi32, #tpu.memory_space<vmem>>
          %dma_start3A_598 = tpu.memref_squeeze %dma_start3A_597 : memref<1x10x80xi32, #tpu.memory_space<vmem>> -> memref<10x80xi32, #tpu.memory_space<vmem>>
          %dma_start3A_599 = arith.constant 0 : i32
          %dma_start3A_600 = tpu.memref_slice %arg4[%add3A_594, %dma_start3A_599] : memref<4000x80xi32, #tpu.memory_space<hbm>> -> memref<10x80xi32, #tpu.memory_space<hbm>>
          %dma_start3A_601 = arith.constant 0 : i32
          %dma_start3A_602 = arith.constant 0 : i32
          %dma_start3A_603 = tpu.memref_slice %arg11[%sub3A_591, %dma_start3A_601, %dma_start3A_602] : memref<2x10x80xi32, #tpu.memory_space<vmem>> -> memref<1x10x80xi32, #tpu.memory_space<vmem>>
          %dma_start3A_604 = tpu.memref_squeeze %dma_start3A_603 : memref<1x10x80xi32, #tpu.memory_space<vmem>> -> memref<10x80xi32, #tpu.memory_space<vmem>>
          %dma_start3A_605 = arith.constant 0 : i32
          %dma_start3A_606 = tpu.memref_slice %arg4[%add3A_594, %dma_start3A_605] : memref<4000x80xi32, #tpu.memory_space<hbm>> -> memref<10x80xi32, #tpu.memory_space<hbm>>
          tpu.enqueue_dma source(%dma_start3A_606 : memref<10x80xi32, #tpu.memory_space<hbm>>) target(%dma_start3A_604 : memref<10x80xi32, #tpu.memory_space<vmem>>) target_semaphore(%arg14 : memref<!tpu.dma_semaphore, #tpu.memory_space<semaphore_mem>>)
          %mul3A_607 = arith.constant 10 : i32
          %mul3A_608 = arith.muli %add3A_590, %mul3A_607 : i32
          %add3A_609 = arith.addi %mul3A_9, %mul3A_608 : i32
          %dma_start3A_610 = arith.constant 0 : i32
          %dma_start3A_611 = arith.constant 0 : i32
          %dma_start3A_612 = tpu.memref_slice %arg12[%sub3A_591, %dma_start3A_610, %dma_start3A_611] : memref<2x10x80xi32, #tpu.memory_space<vmem>> -> memref<1x10x80xi32, #tpu.memory_space<vmem>>
          %dma_start3A_613 = tpu.memref_squeeze %dma_start3A_612 : memref<1x10x80xi32, #tpu.memory_space<vmem>> -> memref<10x80xi32, #tpu.memory_space<vmem>>
          %dma_start3A_614 = arith.constant 0 : i32
          %dma_start3A_615 = tpu.memref_slice %arg6[%add3A_609, %dma_start3A_614] : memref<4000x80xi32, #tpu.memory_space<hbm>> -> memref<10x80xi32, #tpu.memory_space<hbm>>
          %dma_start3A_616 = arith.constant 0 : i32
          %dma_start3A_617 = arith.constant 0 : i32
          %dma_start3A_618 = tpu.memref_slice %arg12[%sub3A_591, %dma_start3A_616, %dma_start3A_617] : memref<2x10x80xi32, #tpu.memory_space<vmem>> -> memref<1x10x80xi32, #tpu.memory_space<vmem>>
          %dma_start3A_619 = tpu.memref_squeeze %dma_start3A_618 : memref<1x10x80xi32, #tpu.memory_space<vmem>> -> memref<10x80xi32, #tpu.memory_space<vmem>>
          %dma_start3A_620 = arith.constant 0 : i32
          %dma_start3A_621 = tpu.memref_slice %arg6[%add3A_609, %dma_start3A_620] : memref<4000x80xi32, #tpu.memory_space<hbm>> -> memref<10x80xi32, #tpu.memory_space<hbm>>
          tpu.enqueue_dma source(%dma_start3A_621 : memref<10x80xi32, #tpu.memory_space<hbm>>) target(%dma_start3A_619 : memref<10x80xi32, #tpu.memory_space<vmem>>) target_semaphore(%arg14 : memref<!tpu.dma_semaphore, #tpu.memory_space<semaphore_mem>>)
        } else {
        }
        %dma_start3A_469 = arith.constant 0 : i32
        %dma_start3A_470 = arith.constant 0 : i32
        %dma_start3A_471 = arith.constant 0 : i32
        %dma_start3A_472 = arith.constant 0 : i32
        %dma_start3A_473 = tpu.memref_slice %arg13[%select_n3A_193, %dma_start3A_469, %dma_start3A_471, %dma_start3A_472] : memref<2x10x80x32xf32, #tpu.memory_space<vmem>> -> memref<1x1x80x32xf32, #tpu.memory_space<vmem>>
        %dma_start3A_474 = tpu.memref_squeeze %dma_start3A_473 : memref<1x1x80x32xf32, #tpu.memory_space<vmem>> -> memref<80x32xf32, #tpu.memory_space<vmem>>
        %dma_start3A_475 = arith.constant 0 : i32
        %dma_start3A_476 = tpu.memref_slice %arg12[%select_n3A_193, %dma_start3A_470, %dma_start3A_475] : memref<2x10x80xi32, #tpu.memory_space<vmem>> -> memref<1x1x80xi32, #tpu.memory_space<vmem>>
        %dma_start3A_477 = tpu.memref_squeeze %dma_start3A_476 : memref<1x1x80xi32, #tpu.memory_space<vmem>> -> memref<80xi32, #tpu.memory_space<vmem>>
        %dma_start3A_478 = arith.constant 0 : i32
        %dma_start3A_479 = arith.constant 0 : i32
        %dma_start3A_480 = tpu.memref_slice %arg17[%dma_start3A_478, %dma_start3A_479] : memref<10016x32xf32, #tpu.memory_space<vmem_shared>> -> memref<10016x32xf32, #tpu.memory_space<vmem_shared>>
        tpu.enqueue_indirect_dma source(%dma_start3A_474 : memref<80x32xf32, #tpu.memory_space<vmem>>) target(%dma_start3A_480 : memref<10016x32xf32, #tpu.memory_space<vmem_shared>>) offsets(%dma_start3A_477 : memref<80xi32, #tpu.memory_space<vmem>>) semaphore(%arg16 : memref<!tpu.dma_semaphore, #tpu.memory_space<semaphore_mem>>) {add = true}
        %dma_start3A_481 = arith.constant 1 : i32
        %dma_start3A_482 = arith.constant 1 : i32
        %dma_start3A_483 = arith.constant 0 : i32
        %dma_start3A_484 = arith.constant 0 : i32
        %dma_start3A_485 = tpu.memref_slice %arg13[%select_n3A_193, %dma_start3A_481, %dma_start3A_483, %dma_start3A_484] : memref<2x10x80x32xf32, #tpu.memory_space<vmem>> -> memref<1x1x80x32xf32, #tpu.memory_space<vmem>>
        %dma_start3A_486 = tpu.memref_squeeze %dma_start3A_485 : memref<1x1x80x32xf32, #tpu.memory_space<vmem>> -> memref<80x32xf32, #tpu.memory_space<vmem>>
        %dma_start3A_487 = arith.constant 0 : i32
        %dma_start3A_488 = tpu.memref_slice %arg12[%select_n3A_193, %dma_start3A_482, %dma_start3A_487] : memref<2x10x80xi32, #tpu.memory_space<vmem>> -> memref<1x1x80xi32, #tpu.memory_space<vmem>>
        %dma_start3A_489 = tpu.memref_squeeze %dma_start3A_488 : memref<1x1x80xi32, #tpu.memory_space<vmem>> -> memref<80xi32, #tpu.memory_space<vmem>>
        %dma_start3A_490 = arith.constant 0 : i32
        %dma_start3A_491 = arith.constant 0 : i32
        %dma_start3A_492 = tpu.memref_slice %arg17[%dma_start3A_490, %dma_start3A_491] : memref<10016x32xf32, #tpu.memory_space<vmem_shared>> -> memref<10016x32xf32, #tpu.memory_space<vmem_shared>>
        tpu.enqueue_indirect_dma source(%dma_start3A_486 : memref<80x32xf32, #tpu.memory_space<vmem>>) target(%dma_start3A_492 : memref<10016x32xf32, #tpu.memory_space<vmem_shared>>) offsets(%dma_start3A_489 : memref<80xi32, #tpu.memory_space<vmem>>) semaphore(%arg16 : memref<!tpu.dma_semaphore, #tpu.memory_space<semaphore_mem>>) {add = true}
        %dma_start3A_493 = arith.constant 2 : i32
        %dma_start3A_494 = arith.constant 2 : i32
        %dma_start3A_495 = arith.constant 0 : i32
        %dma_start3A_496 = arith.constant 0 : i32
        %dma_start3A_497 = tpu.memref_slice %arg13[%select_n3A_193, %dma_start3A_493, %dma_start3A_495, %dma_start3A_496] : memref<2x10x80x32xf32, #tpu.memory_space<vmem>> -> memref<1x1x80x32xf32, #tpu.memory_space<vmem>>
        %dma_start3A_498 = tpu.memref_squeeze %dma_start3A_497 : memref<1x1x80x32xf32, #tpu.memory_space<vmem>> -> memref<80x32xf32, #tpu.memory_space<vmem>>
        %dma_start3A_499 = arith.constant 0 : i32
        %dma_start3A_500 = tpu.memref_slice %arg12[%select_n3A_193, %dma_start3A_494, %dma_start3A_499] : memref<2x10x80xi32, #tpu.memory_space<vmem>> -> memref<1x1x80xi32, #tpu.memory_space<vmem>>
        %dma_start3A_501 = tpu.memref_squeeze %dma_start3A_500 : memref<1x1x80xi32, #tpu.memory_space<vmem>> -> memref<80xi32, #tpu.memory_space<vmem>>
        %dma_start3A_502 = arith.constant 0 : i32
        %dma_start3A_503 = arith.constant 0 : i32
        %dma_start3A_504 = tpu.memref_slice %arg17[%dma_start3A_502, %dma_start3A_503] : memref<10016x32xf32, #tpu.memory_space<vmem_shared>> -> memref<10016x32xf32, #tpu.memory_space<vmem_shared>>
        tpu.enqueue_indirect_dma source(%dma_start3A_498 : memref<80x32xf32, #tpu.memory_space<vmem>>) target(%dma_start3A_504 : memref<10016x32xf32, #tpu.memory_space<vmem_shared>>) offsets(%dma_start3A_501 : memref<80xi32, #tpu.memory_space<vmem>>) semaphore(%arg16 : memref<!tpu.dma_semaphore, #tpu.memory_space<semaphore_mem>>) {add = true}
        %dma_start3A_505 = arith.constant 3 : i32
        %dma_start3A_506 = arith.constant 3 : i32
        %dma_start3A_507 = arith.constant 0 : i32
        %dma_start3A_508 = arith.constant 0 : i32
        %dma_start3A_509 = tpu.memref_slice %arg13[%select_n3A_193, %dma_start3A_505, %dma_start3A_507, %dma_start3A_508] : memref<2x10x80x32xf32, #tpu.memory_space<vmem>> -> memref<1x1x80x32xf32, #tpu.memory_space<vmem>>
        %dma_start3A_510 = tpu.memref_squeeze %dma_start3A_509 : memref<1x1x80x32xf32, #tpu.memory_space<vmem>> -> memref<80x32xf32, #tpu.memory_space<vmem>>
        %dma_start3A_511 = arith.constant 0 : i32
        %dma_start3A_512 = tpu.memref_slice %arg12[%select_n3A_193, %dma_start3A_506, %dma_start3A_511] : memref<2x10x80xi32, #tpu.memory_space<vmem>> -> memref<1x1x80xi32, #tpu.memory_space<vmem>>
        %dma_start3A_513 = tpu.memref_squeeze %dma_start3A_512 : memref<1x1x80xi32, #tpu.memory_space<vmem>> -> memref<80xi32, #tpu.memory_space<vmem>>
        %dma_start3A_514 = arith.constant 0 : i32
        %dma_start3A_515 = arith.constant 0 : i32
        %dma_start3A_516 = tpu.memref_slice %arg17[%dma_start3A_514, %dma_start3A_515] : memref<10016x32xf32, #tpu.memory_space<vmem_shared>> -> memref<10016x32xf32, #tpu.memory_space<vmem_shared>>
        tpu.enqueue_indirect_dma source(%dma_start3A_510 : memref<80x32xf32, #tpu.memory_space<vmem>>) target(%dma_start3A_516 : memref<10016x32xf32, #tpu.memory_space<vmem_shared>>) offsets(%dma_start3A_513 : memref<80xi32, #tpu.memory_space<vmem>>) semaphore(%arg16 : memref<!tpu.dma_semaphore, #tpu.memory_space<semaphore_mem>>) {add = true}
        %dma_start3A_517 = arith.constant 4 : i32
        %dma_start3A_518 = arith.constant 4 : i32
        %dma_start3A_519 = arith.constant 0 : i32
        %dma_start3A_520 = arith.constant 0 : i32
        %dma_start3A_521 = tpu.memref_slice %arg13[%select_n3A_193, %dma_start3A_517, %dma_start3A_519, %dma_start3A_520] : memref<2x10x80x32xf32, #tpu.memory_space<vmem>> -> memref<1x1x80x32xf32, #tpu.memory_space<vmem>>
        %dma_start3A_522 = tpu.memref_squeeze %dma_start3A_521 : memref<1x1x80x32xf32, #tpu.memory_space<vmem>> -> memref<80x32xf32, #tpu.memory_space<vmem>>
        %dma_start3A_523 = arith.constant 0 : i32
        %dma_start3A_524 = tpu.memref_slice %arg12[%select_n3A_193, %dma_start3A_518, %dma_start3A_523] : memref<2x10x80xi32, #tpu.memory_space<vmem>> -> memref<1x1x80xi32, #tpu.memory_space<vmem>>
        %dma_start3A_525 = tpu.memref_squeeze %dma_start3A_524 : memref<1x1x80xi32, #tpu.memory_space<vmem>> -> memref<80xi32, #tpu.memory_space<vmem>>
        %dma_start3A_526 = arith.constant 0 : i32
        %dma_start3A_527 = arith.constant 0 : i32
        %dma_start3A_528 = tpu.memref_slice %arg17[%dma_start3A_526, %dma_start3A_527] : memref<10016x32xf32, #tpu.memory_space<vmem_shared>> -> memref<10016x32xf32, #tpu.memory_space<vmem_shared>>
        tpu.enqueue_indirect_dma source(%dma_start3A_522 : memref<80x32xf32, #tpu.memory_space<vmem>>) target(%dma_start3A_528 : memref<10016x32xf32, #tpu.memory_space<vmem_shared>>) offsets(%dma_start3A_525 : memref<80xi32, #tpu.memory_space<vmem>>) semaphore(%arg16 : memref<!tpu.dma_semaphore, #tpu.memory_space<semaphore_mem>>) {add = true}
        %dma_start3A_529 = arith.constant 5 : i32
        %dma_start3A_530 = arith.constant 5 : i32
        %dma_start3A_531 = arith.constant 0 : i32
        %dma_start3A_532 = arith.constant 0 : i32
        %dma_start3A_533 = tpu.memref_slice %arg13[%select_n3A_193, %dma_start3A_529, %dma_start3A_531, %dma_start3A_532] : memref<2x10x80x32xf32, #tpu.memory_space<vmem>> -> memref<1x1x80x32xf32, #tpu.memory_space<vmem>>
        %dma_start3A_534 = tpu.memref_squeeze %dma_start3A_533 : memref<1x1x80x32xf32, #tpu.memory_space<vmem>> -> memref<80x32xf32, #tpu.memory_space<vmem>>
        %dma_start3A_535 = arith.constant 0 : i32
        %dma_start3A_536 = tpu.memref_slice %arg12[%select_n3A_193, %dma_start3A_530, %dma_start3A_535] : memref<2x10x80xi32, #tpu.memory_space<vmem>> -> memref<1x1x80xi32, #tpu.memory_space<vmem>>
        %dma_start3A_537 = tpu.memref_squeeze %dma_start3A_536 : memref<1x1x80xi32, #tpu.memory_space<vmem>> -> memref<80xi32, #tpu.memory_space<vmem>>
        %dma_start3A_538 = arith.constant 0 : i32
        %dma_start3A_539 = arith.constant 0 : i32
        %dma_start3A_540 = tpu.memref_slice %arg17[%dma_start3A_538, %dma_start3A_539] : memref<10016x32xf32, #tpu.memory_space<vmem_shared>> -> memref<10016x32xf32, #tpu.memory_space<vmem_shared>>
        tpu.enqueue_indirect_dma source(%dma_start3A_534 : memref<80x32xf32, #tpu.memory_space<vmem>>) target(%dma_start3A_540 : memref<10016x32xf32, #tpu.memory_space<vmem_shared>>) offsets(%dma_start3A_537 : memref<80xi32, #tpu.memory_space<vmem>>) semaphore(%arg16 : memref<!tpu.dma_semaphore, #tpu.memory_space<semaphore_mem>>) {add = true}
        %dma_start3A_541 = arith.constant 6 : i32
        %dma_start3A_542 = arith.constant 6 : i32
        %dma_start3A_543 = arith.constant 0 : i32
        %dma_start3A_544 = arith.constant 0 : i32
        %dma_start3A_545 = tpu.memref_slice %arg13[%select_n3A_193, %dma_start3A_541, %dma_start3A_543, %dma_start3A_544] : memref<2x10x80x32xf32, #tpu.memory_space<vmem>> -> memref<1x1x80x32xf32, #tpu.memory_space<vmem>>
        %dma_start3A_546 = tpu.memref_squeeze %dma_start3A_545 : memref<1x1x80x32xf32, #tpu.memory_space<vmem>> -> memref<80x32xf32, #tpu.memory_space<vmem>>
        %dma_start3A_547 = arith.constant 0 : i32
        %dma_start3A_548 = tpu.memref_slice %arg12[%select_n3A_193, %dma_start3A_542, %dma_start3A_547] : memref<2x10x80xi32, #tpu.memory_space<vmem>> -> memref<1x1x80xi32, #tpu.memory_space<vmem>>
        %dma_start3A_549 = tpu.memref_squeeze %dma_start3A_548 : memref<1x1x80xi32, #tpu.memory_space<vmem>> -> memref<80xi32, #tpu.memory_space<vmem>>
        %dma_start3A_550 = arith.constant 0 : i32
        %dma_start3A_551 = arith.constant 0 : i32
        %dma_start3A_552 = tpu.memref_slice %arg17[%dma_start3A_550, %dma_start3A_551] : memref<10016x32xf32, #tpu.memory_space<vmem_shared>> -> memref<10016x32xf32, #tpu.memory_space<vmem_shared>>
        tpu.enqueue_indirect_dma source(%dma_start3A_546 : memref<80x32xf32, #tpu.memory_space<vmem>>) target(%dma_start3A_552 : memref<10016x32xf32, #tpu.memory_space<vmem_shared>>) offsets(%dma_start3A_549 : memref<80xi32, #tpu.memory_space<vmem>>) semaphore(%arg16 : memref<!tpu.dma_semaphore, #tpu.memory_space<semaphore_mem>>) {add = true}
        %dma_start3A_553 = arith.constant 7 : i32
        %dma_start3A_554 = arith.constant 7 : i32
        %dma_start3A_555 = arith.constant 0 : i32
        %dma_start3A_556 = arith.constant 0 : i32
        %dma_start3A_557 = tpu.memref_slice %arg13[%select_n3A_193, %dma_start3A_553, %dma_start3A_555, %dma_start3A_556] : memref<2x10x80x32xf32, #tpu.memory_space<vmem>> -> memref<1x1x80x32xf32, #tpu.memory_space<vmem>>
        %dma_start3A_558 = tpu.memref_squeeze %dma_start3A_557 : memref<1x1x80x32xf32, #tpu.memory_space<vmem>> -> memref<80x32xf32, #tpu.memory_space<vmem>>
        %dma_start3A_559 = arith.constant 0 : i32
        %dma_start3A_560 = tpu.memref_slice %arg12[%select_n3A_193, %dma_start3A_554, %dma_start3A_559] : memref<2x10x80xi32, #tpu.memory_space<vmem>> -> memref<1x1x80xi32, #tpu.memory_space<vmem>>
        %dma_start3A_561 = tpu.memref_squeeze %dma_start3A_560 : memref<1x1x80xi32, #tpu.memory_space<vmem>> -> memref<80xi32, #tpu.memory_space<vmem>>
        %dma_start3A_562 = arith.constant 0 : i32
        %dma_start3A_563 = arith.constant 0 : i32
        %dma_start3A_564 = tpu.memref_slice %arg17[%dma_start3A_562, %dma_start3A_563] : memref<10016x32xf32, #tpu.memory_space<vmem_shared>> -> memref<10016x32xf32, #tpu.memory_space<vmem_shared>>
        tpu.enqueue_indirect_dma source(%dma_start3A_558 : memref<80x32xf32, #tpu.memory_space<vmem>>) target(%dma_start3A_564 : memref<10016x32xf32, #tpu.memory_space<vmem_shared>>) offsets(%dma_start3A_561 : memref<80xi32, #tpu.memory_space<vmem>>) semaphore(%arg16 : memref<!tpu.dma_semaphore, #tpu.memory_space<semaphore_mem>>) {add = true}
        %dma_start3A_565 = arith.constant 8 : i32
        %dma_start3A_566 = arith.constant 8 : i32
        %dma_start3A_567 = arith.constant 0 : i32
        %dma_start3A_568 = arith.constant 0 : i32
        %dma_start3A_569 = tpu.memref_slice %arg13[%select_n3A_193, %dma_start3A_565, %dma_start3A_567, %dma_start3A_568] : memref<2x10x80x32xf32, #tpu.memory_space<vmem>> -> memref<1x1x80x32xf32, #tpu.memory_space<vmem>>
        %dma_start3A_570 = tpu.memref_squeeze %dma_start3A_569 : memref<1x1x80x32xf32, #tpu.memory_space<vmem>> -> memref<80x32xf32, #tpu.memory_space<vmem>>
        %dma_start3A_571 = arith.constant 0 : i32
        %dma_start3A_572 = tpu.memref_slice %arg12[%select_n3A_193, %dma_start3A_566, %dma_start3A_571] : memref<2x10x80xi32, #tpu.memory_space<vmem>> -> memref<1x1x80xi32, #tpu.memory_space<vmem>>
        %dma_start3A_573 = tpu.memref_squeeze %dma_start3A_572 : memref<1x1x80xi32, #tpu.memory_space<vmem>> -> memref<80xi32, #tpu.memory_space<vmem>>
        %dma_start3A_574 = arith.constant 0 : i32
        %dma_start3A_575 = arith.constant 0 : i32
        %dma_start3A_576 = tpu.memref_slice %arg17[%dma_start3A_574, %dma_start3A_575] : memref<10016x32xf32, #tpu.memory_space<vmem_shared>> -> memref<10016x32xf32, #tpu.memory_space<vmem_shared>>
        tpu.enqueue_indirect_dma source(%dma_start3A_570 : memref<80x32xf32, #tpu.memory_space<vmem>>) target(%dma_start3A_576 : memref<10016x32xf32, #tpu.memory_space<vmem_shared>>) offsets(%dma_start3A_573 : memref<80xi32, #tpu.memory_space<vmem>>) semaphore(%arg16 : memref<!tpu.dma_semaphore, #tpu.memory_space<semaphore_mem>>) {add = true}
        %dma_start3A_577 = arith.constant 9 : i32
        %dma_start3A_578 = arith.constant 9 : i32
        %dma_start3A_579 = arith.constant 0 : i32
        %dma_start3A_580 = arith.constant 0 : i32
        %dma_start3A_581 = tpu.memref_slice %arg13[%select_n3A_193, %dma_start3A_577, %dma_start3A_579, %dma_start3A_580] : memref<2x10x80x32xf32, #tpu.memory_space<vmem>> -> memref<1x1x80x32xf32, #tpu.memory_space<vmem>>
        %dma_start3A_582 = tpu.memref_squeeze %dma_start3A_581 : memref<1x1x80x32xf32, #tpu.memory_space<vmem>> -> memref<80x32xf32, #tpu.memory_space<vmem>>
        %dma_start3A_583 = arith.constant 0 : i32
        %dma_start3A_584 = tpu.memref_slice %arg12[%select_n3A_193, %dma_start3A_578, %dma_start3A_583] : memref<2x10x80xi32, #tpu.memory_space<vmem>> -> memref<1x1x80xi32, #tpu.memory_space<vmem>>
        %dma_start3A_585 = tpu.memref_squeeze %dma_start3A_584 : memref<1x1x80xi32, #tpu.memory_space<vmem>> -> memref<80xi32, #tpu.memory_space<vmem>>
        %dma_start3A_586 = arith.constant 0 : i32
        %dma_start3A_587 = arith.constant 0 : i32
        %dma_start3A_588 = tpu.memref_slice %arg17[%dma_start3A_586, %dma_start3A_587] : memref<10016x32xf32, #tpu.memory_space<vmem_shared>> -> memref<10016x32xf32, #tpu.memory_space<vmem_shared>>
        tpu.enqueue_indirect_dma source(%dma_start3A_582 : memref<80x32xf32, #tpu.memory_space<vmem>>) target(%dma_start3A_588 : memref<10016x32xf32, #tpu.memory_space<vmem_shared>>) offsets(%dma_start3A_585 : memref<80xi32, #tpu.memory_space<vmem>>) semaphore(%arg16 : memref<!tpu.dma_semaphore, #tpu.memory_space<semaphore_mem>>) {add = true}
      }
      %scan3A_42 = arith.constant 25 : i32
      %dma_wait3A = arith.constant 0 : i32
      %dma_wait3A_43 = arith.constant 0 : i32
      %dma_wait3A_44 = arith.constant 0 : i32
      %dma_wait3A_45 = arith.constant 0 : i32
      %dma_wait3A_46 = arith.constant 0 : i32
      %dma_wait3A_47 = arith.constant 0 : i32
      %dma_wait3A_48 = tpu.memref_slice %arg13[%dma_wait3A, %dma_wait3A_43, %dma_wait3A_46, %dma_wait3A_47] : memref<2x10x80x32xf32, #tpu.memory_space<vmem>> -> memref<1x1x80x32xf32, #tpu.memory_space<vmem>>
      %dma_wait3A_49 = tpu.memref_squeeze %dma_wait3A_48 : memref<1x1x80x32xf32, #tpu.memory_space<vmem>> -> memref<80x32xf32, #tpu.memory_space<vmem>>
      %dma_wait3A_50 = arith.constant 0 : i32
      %dma_wait3A_51 = tpu.memref_slice %arg12[%dma_wait3A_44, %dma_wait3A_45, %dma_wait3A_50] : memref<2x10x80xi32, #tpu.memory_space<vmem>> -> memref<1x1x80xi32, #tpu.memory_space<vmem>>
      %dma_wait3A_52 = tpu.memref_squeeze %dma_wait3A_51 : memref<1x1x80xi32, #tpu.memory_space<vmem>> -> memref<80xi32, #tpu.memory_space<vmem>>
      %dma_wait3A_53 = arith.constant 0 : i32
      %dma_wait3A_54 = arith.constant 0 : i32
      %dma_wait3A_55 = tpu.memref_slice %arg17[%dma_wait3A_53, %dma_wait3A_54] : memref<10016x32xf32, #tpu.memory_space<vmem_shared>> -> memref<10016x32xf32, #tpu.memory_space<vmem_shared>>
      tpu.wait_indirect_dma semaphore(%arg16 : memref<!tpu.dma_semaphore, #tpu.memory_space<semaphore_mem>>) src(%dma_wait3A_49 : memref<80x32xf32, #tpu.memory_space<vmem>>) dst(%dma_wait3A_55 : memref<10016x32xf32, #tpu.memory_space<vmem_shared>>)
      %dma_wait3A_56 = arith.constant 0 : i32
      %dma_wait3A_57 = arith.constant 1 : i32
      %dma_wait3A_58 = arith.constant 0 : i32
      %dma_wait3A_59 = arith.constant 1 : i32
      %dma_wait3A_60 = arith.constant 0 : i32
      %dma_wait3A_61 = arith.constant 0 : i32
      %dma_wait3A_62 = tpu.memref_slice %arg13[%dma_wait3A_56, %dma_wait3A_57, %dma_wait3A_60, %dma_wait3A_61] : memref<2x10x80x32xf32, #tpu.memory_space<vmem>> -> memref<1x1x80x32xf32, #tpu.memory_space<vmem>>
      %dma_wait3A_63 = tpu.memref_squeeze %dma_wait3A_62 : memref<1x1x80x32xf32, #tpu.memory_space<vmem>> -> memref<80x32xf32, #tpu.memory_space<vmem>>
      %dma_wait3A_64 = arith.constant 0 : i32
      %dma_wait3A_65 = tpu.memref_slice %arg12[%dma_wait3A_58, %dma_wait3A_59, %dma_wait3A_64] : memref<2x10x80xi32, #tpu.memory_space<vmem>> -> memref<1x1x80xi32, #tpu.memory_space<vmem>>
      %dma_wait3A_66 = tpu.memref_squeeze %dma_wait3A_65 : memref<1x1x80xi32, #tpu.memory_space<vmem>> -> memref<80xi32, #tpu.memory_space<vmem>>
      %dma_wait3A_67 = arith.constant 0 : i32
      %dma_wait3A_68 = arith.constant 0 : i32
      %dma_wait3A_69 = tpu.memref_slice %arg17[%dma_wait3A_67, %dma_wait3A_68] : memref<10016x32xf32, #tpu.memory_space<vmem_shared>> -> memref<10016x32xf32, #tpu.memory_space<vmem_shared>>
      tpu.wait_indirect_dma semaphore(%arg16 : memref<!tpu.dma_semaphore, #tpu.memory_space<semaphore_mem>>) src(%dma_wait3A_63 : memref<80x32xf32, #tpu.memory_space<vmem>>) dst(%dma_wait3A_69 : memref<10016x32xf32, #tpu.memory_space<vmem_shared>>)
      %dma_wait3A_70 = arith.constant 0 : i32
      %dma_wait3A_71 = arith.constant 2 : i32
      %dma_wait3A_72 = arith.constant 0 : i32
      %dma_wait3A_73 = arith.constant 2 : i32
      %dma_wait3A_74 = arith.constant 0 : i32
      %dma_wait3A_75 = arith.constant 0 : i32
      %dma_wait3A_76 = tpu.memref_slice %arg13[%dma_wait3A_70, %dma_wait3A_71, %dma_wait3A_74, %dma_wait3A_75] : memref<2x10x80x32xf32, #tpu.memory_space<vmem>> -> memref<1x1x80x32xf32, #tpu.memory_space<vmem>>
      %dma_wait3A_77 = tpu.memref_squeeze %dma_wait3A_76 : memref<1x1x80x32xf32, #tpu.memory_space<vmem>> -> memref<80x32xf32, #tpu.memory_space<vmem>>
      %dma_wait3A_78 = arith.constant 0 : i32
      %dma_wait3A_79 = tpu.memref_slice %arg12[%dma_wait3A_72, %dma_wait3A_73, %dma_wait3A_78] : memref<2x10x80xi32, #tpu.memory_space<vmem>> -> memref<1x1x80xi32, #tpu.memory_space<vmem>>
      %dma_wait3A_80 = tpu.memref_squeeze %dma_wait3A_79 : memref<1x1x80xi32, #tpu.memory_space<vmem>> -> memref<80xi32, #tpu.memory_space<vmem>>
      %dma_wait3A_81 = arith.constant 0 : i32
      %dma_wait3A_82 = arith.constant 0 : i32
      %dma_wait3A_83 = tpu.memref_slice %arg17[%dma_wait3A_81, %dma_wait3A_82] : memref<10016x32xf32, #tpu.memory_space<vmem_shared>> -> memref<10016x32xf32, #tpu.memory_space<vmem_shared>>
      tpu.wait_indirect_dma semaphore(%arg16 : memref<!tpu.dma_semaphore, #tpu.memory_space<semaphore_mem>>) src(%dma_wait3A_77 : memref<80x32xf32, #tpu.memory_space<vmem>>) dst(%dma_wait3A_83 : memref<10016x32xf32, #tpu.memory_space<vmem_shared>>)
      %dma_wait3A_84 = arith.constant 0 : i32
      %dma_wait3A_85 = arith.constant 3 : i32
      %dma_wait3A_86 = arith.constant 0 : i32
      %dma_wait3A_87 = arith.constant 3 : i32
      %dma_wait3A_88 = arith.constant 0 : i32
      %dma_wait3A_89 = arith.constant 0 : i32
      %dma_wait3A_90 = tpu.memref_slice %arg13[%dma_wait3A_84, %dma_wait3A_85, %dma_wait3A_88, %dma_wait3A_89] : memref<2x10x80x32xf32, #tpu.memory_space<vmem>> -> memref<1x1x80x32xf32, #tpu.memory_space<vmem>>
      %dma_wait3A_91 = tpu.memref_squeeze %dma_wait3A_90 : memref<1x1x80x32xf32, #tpu.memory_space<vmem>> -> memref<80x32xf32, #tpu.memory_space<vmem>>
      %dma_wait3A_92 = arith.constant 0 : i32
      %dma_wait3A_93 = tpu.memref_slice %arg12[%dma_wait3A_86, %dma_wait3A_87, %dma_wait3A_92] : memref<2x10x80xi32, #tpu.memory_space<vmem>> -> memref<1x1x80xi32, #tpu.memory_space<vmem>>
      %dma_wait3A_94 = tpu.memref_squeeze %dma_wait3A_93 : memref<1x1x80xi32, #tpu.memory_space<vmem>> -> memref<80xi32, #tpu.memory_space<vmem>>
      %dma_wait3A_95 = arith.constant 0 : i32
      %dma_wait3A_96 = arith.constant 0 : i32
      %dma_wait3A_97 = tpu.memref_slice %arg17[%dma_wait3A_95, %dma_wait3A_96] : memref<10016x32xf32, #tpu.memory_space<vmem_shared>> -> memref<10016x32xf32, #tpu.memory_space<vmem_shared>>
      tpu.wait_indirect_dma semaphore(%arg16 : memref<!tpu.dma_semaphore, #tpu.memory_space<semaphore_mem>>) src(%dma_wait3A_91 : memref<80x32xf32, #tpu.memory_space<vmem>>) dst(%dma_wait3A_97 : memref<10016x32xf32, #tpu.memory_space<vmem_shared>>)
      %dma_wait3A_98 = arith.constant 0 : i32
      %dma_wait3A_99 = arith.constant 4 : i32
      %dma_wait3A_100 = arith.constant 0 : i32
      %dma_wait3A_101 = arith.constant 4 : i32
      %dma_wait3A_102 = arith.constant 0 : i32
      %dma_wait3A_103 = arith.constant 0 : i32
      %dma_wait3A_104 = tpu.memref_slice %arg13[%dma_wait3A_98, %dma_wait3A_99, %dma_wait3A_102, %dma_wait3A_103] : memref<2x10x80x32xf32, #tpu.memory_space<vmem>> -> memref<1x1x80x32xf32, #tpu.memory_space<vmem>>
      %dma_wait3A_105 = tpu.memref_squeeze %dma_wait3A_104 : memref<1x1x80x32xf32, #tpu.memory_space<vmem>> -> memref<80x32xf32, #tpu.memory_space<vmem>>
      %dma_wait3A_106 = arith.constant 0 : i32
      %dma_wait3A_107 = tpu.memref_slice %arg12[%dma_wait3A_100, %dma_wait3A_101, %dma_wait3A_106] : memref<2x10x80xi32, #tpu.memory_space<vmem>> -> memref<1x1x80xi32, #tpu.memory_space<vmem>>
      %dma_wait3A_108 = tpu.memref_squeeze %dma_wait3A_107 : memref<1x1x80xi32, #tpu.memory_space<vmem>> -> memref<80xi32, #tpu.memory_space<vmem>>
      %dma_wait3A_109 = arith.constant 0 : i32
      %dma_wait3A_110 = arith.constant 0 : i32
      %dma_wait3A_111 = tpu.memref_slice %arg17[%dma_wait3A_109, %dma_wait3A_110] : memref<10016x32xf32, #tpu.memory_space<vmem_shared>> -> memref<10016x32xf32, #tpu.memory_space<vmem_shared>>
      tpu.wait_indirect_dma semaphore(%arg16 : memref<!tpu.dma_semaphore, #tpu.memory_space<semaphore_mem>>) src(%dma_wait3A_105 : memref<80x32xf32, #tpu.memory_space<vmem>>) dst(%dma_wait3A_111 : memref<10016x32xf32, #tpu.memory_space<vmem_shared>>)
      %dma_wait3A_112 = arith.constant 0 : i32
      %dma_wait3A_113 = arith.constant 5 : i32
      %dma_wait3A_114 = arith.constant 0 : i32
      %dma_wait3A_115 = arith.constant 5 : i32
      %dma_wait3A_116 = arith.constant 0 : i32
      %dma_wait3A_117 = arith.constant 0 : i32
      %dma_wait3A_118 = tpu.memref_slice %arg13[%dma_wait3A_112, %dma_wait3A_113, %dma_wait3A_116, %dma_wait3A_117] : memref<2x10x80x32xf32, #tpu.memory_space<vmem>> -> memref<1x1x80x32xf32, #tpu.memory_space<vmem>>
      %dma_wait3A_119 = tpu.memref_squeeze %dma_wait3A_118 : memref<1x1x80x32xf32, #tpu.memory_space<vmem>> -> memref<80x32xf32, #tpu.memory_space<vmem>>
      %dma_wait3A_120 = arith.constant 0 : i32
      %dma_wait3A_121 = tpu.memref_slice %arg12[%dma_wait3A_114, %dma_wait3A_115, %dma_wait3A_120] : memref<2x10x80xi32, #tpu.memory_space<vmem>> -> memref<1x1x80xi32, #tpu.memory_space<vmem>>
      %dma_wait3A_122 = tpu.memref_squeeze %dma_wait3A_121 : memref<1x1x80xi32, #tpu.memory_space<vmem>> -> memref<80xi32, #tpu.memory_space<vmem>>
      %dma_wait3A_123 = arith.constant 0 : i32
      %dma_wait3A_124 = arith.constant 0 : i32
      %dma_wait3A_125 = tpu.memref_slice %arg17[%dma_wait3A_123, %dma_wait3A_124] : memref<10016x32xf32, #tpu.memory_space<vmem_shared>> -> memref<10016x32xf32, #tpu.memory_space<vmem_shared>>
      tpu.wait_indirect_dma semaphore(%arg16 : memref<!tpu.dma_semaphore, #tpu.memory_space<semaphore_mem>>) src(%dma_wait3A_119 : memref<80x32xf32, #tpu.memory_space<vmem>>) dst(%dma_wait3A_125 : memref<10016x32xf32, #tpu.memory_space<vmem_shared>>)
      %dma_wait3A_126 = arith.constant 0 : i32
      %dma_wait3A_127 = arith.constant 6 : i32
      %dma_wait3A_128 = arith.constant 0 : i32
      %dma_wait3A_129 = arith.constant 6 : i32
      %dma_wait3A_130 = arith.constant 0 : i32
      %dma_wait3A_131 = arith.constant 0 : i32
      %dma_wait3A_132 = tpu.memref_slice %arg13[%dma_wait3A_126, %dma_wait3A_127, %dma_wait3A_130, %dma_wait3A_131] : memref<2x10x80x32xf32, #tpu.memory_space<vmem>> -> memref<1x1x80x32xf32, #tpu.memory_space<vmem>>
      %dma_wait3A_133 = tpu.memref_squeeze %dma_wait3A_132 : memref<1x1x80x32xf32, #tpu.memory_space<vmem>> -> memref<80x32xf32, #tpu.memory_space<vmem>>
      %dma_wait3A_134 = arith.constant 0 : i32
      %dma_wait3A_135 = tpu.memref_slice %arg12[%dma_wait3A_128, %dma_wait3A_129, %dma_wait3A_134] : memref<2x10x80xi32, #tpu.memory_space<vmem>> -> memref<1x1x80xi32, #tpu.memory_space<vmem>>
      %dma_wait3A_136 = tpu.memref_squeeze %dma_wait3A_135 : memref<1x1x80xi32, #tpu.memory_space<vmem>> -> memref<80xi32, #tpu.memory_space<vmem>>
      %dma_wait3A_137 = arith.constant 0 : i32
      %dma_wait3A_138 = arith.constant 0 : i32
      %dma_wait3A_139 = tpu.memref_slice %arg17[%dma_wait3A_137, %dma_wait3A_138] : memref<10016x32xf32, #tpu.memory_space<vmem_shared>> -> memref<10016x32xf32, #tpu.memory_space<vmem_shared>>
      tpu.wait_indirect_dma semaphore(%arg16 : memref<!tpu.dma_semaphore, #tpu.memory_space<semaphore_mem>>) src(%dma_wait3A_133 : memref<80x32xf32, #tpu.memory_space<vmem>>) dst(%dma_wait3A_139 : memref<10016x32xf32, #tpu.memory_space<vmem_shared>>)
      %dma_wait3A_140 = arith.constant 0 : i32
      %dma_wait3A_141 = arith.constant 7 : i32
      %dma_wait3A_142 = arith.constant 0 : i32
      %dma_wait3A_143 = arith.constant 7 : i32
      %dma_wait3A_144 = arith.constant 0 : i32
      %dma_wait3A_145 = arith.constant 0 : i32
      %dma_wait3A_146 = tpu.memref_slice %arg13[%dma_wait3A_140, %dma_wait3A_141, %dma_wait3A_144, %dma_wait3A_145] : memref<2x10x80x32xf32, #tpu.memory_space<vmem>> -> memref<1x1x80x32xf32, #tpu.memory_space<vmem>>
      %dma_wait3A_147 = tpu.memref_squeeze %dma_wait3A_146 : memref<1x1x80x32xf32, #tpu.memory_space<vmem>> -> memref<80x32xf32, #tpu.memory_space<vmem>>
      %dma_wait3A_148 = arith.constant 0 : i32
      %dma_wait3A_149 = tpu.memref_slice %arg12[%dma_wait3A_142, %dma_wait3A_143, %dma_wait3A_148] : memref<2x10x80xi32, #tpu.memory_space<vmem>> -> memref<1x1x80xi32, #tpu.memory_space<vmem>>
      %dma_wait3A_150 = tpu.memref_squeeze %dma_wait3A_149 : memref<1x1x80xi32, #tpu.memory_space<vmem>> -> memref<80xi32, #tpu.memory_space<vmem>>
      %dma_wait3A_151 = arith.constant 0 : i32
      %dma_wait3A_152 = arith.constant 0 : i32
      %dma_wait3A_153 = tpu.memref_slice %arg17[%dma_wait3A_151, %dma_wait3A_152] : memref<10016x32xf32, #tpu.memory_space<vmem_shared>> -> memref<10016x32xf32, #tpu.memory_space<vmem_shared>>
      tpu.wait_indirect_dma semaphore(%arg16 : memref<!tpu.dma_semaphore, #tpu.memory_space<semaphore_mem>>) src(%dma_wait3A_147 : memref<80x32xf32, #tpu.memory_space<vmem>>) dst(%dma_wait3A_153 : memref<10016x32xf32, #tpu.memory_space<vmem_shared>>)
      %dma_wait3A_154 = arith.constant 0 : i32
      %dma_wait3A_155 = arith.constant 8 : i32
      %dma_wait3A_156 = arith.constant 0 : i32
      %dma_wait3A_157 = arith.constant 8 : i32
      %dma_wait3A_158 = arith.constant 0 : i32
      %dma_wait3A_159 = arith.constant 0 : i32
      %dma_wait3A_160 = tpu.memref_slice %arg13[%dma_wait3A_154, %dma_wait3A_155, %dma_wait3A_158, %dma_wait3A_159] : memref<2x10x80x32xf32, #tpu.memory_space<vmem>> -> memref<1x1x80x32xf32, #tpu.memory_space<vmem>>
      %dma_wait3A_161 = tpu.memref_squeeze %dma_wait3A_160 : memref<1x1x80x32xf32, #tpu.memory_space<vmem>> -> memref<80x32xf32, #tpu.memory_space<vmem>>
      %dma_wait3A_162 = arith.constant 0 : i32
      %dma_wait3A_163 = tpu.memref_slice %arg12[%dma_wait3A_156, %dma_wait3A_157, %dma_wait3A_162] : memref<2x10x80xi32, #tpu.memory_space<vmem>> -> memref<1x1x80xi32, #tpu.memory_space<vmem>>
      %dma_wait3A_164 = tpu.memref_squeeze %dma_wait3A_163 : memref<1x1x80xi32, #tpu.memory_space<vmem>> -> memref<80xi32, #tpu.memory_space<vmem>>
      %dma_wait3A_165 = arith.constant 0 : i32
      %dma_wait3A_166 = arith.constant 0 : i32
      %dma_wait3A_167 = tpu.memref_slice %arg17[%dma_wait3A_165, %dma_wait3A_166] : memref<10016x32xf32, #tpu.memory_space<vmem_shared>> -> memref<10016x32xf32, #tpu.memory_space<vmem_shared>>
      tpu.wait_indirect_dma semaphore(%arg16 : memref<!tpu.dma_semaphore, #tpu.memory_space<semaphore_mem>>) src(%dma_wait3A_161 : memref<80x32xf32, #tpu.memory_space<vmem>>) dst(%dma_wait3A_167 : memref<10016x32xf32, #tpu.memory_space<vmem_shared>>)
      %dma_wait3A_168 = arith.constant 0 : i32
      %dma_wait3A_169 = arith.constant 9 : i32
      %dma_wait3A_170 = arith.constant 0 : i32
      %dma_wait3A_171 = arith.constant 9 : i32
      %dma_wait3A_172 = arith.constant 0 : i32
      %dma_wait3A_173 = arith.constant 0 : i32
      %dma_wait3A_174 = tpu.memref_slice %arg13[%dma_wait3A_168, %dma_wait3A_169, %dma_wait3A_172, %dma_wait3A_173] : memref<2x10x80x32xf32, #tpu.memory_space<vmem>> -> memref<1x1x80x32xf32, #tpu.memory_space<vmem>>
      %dma_wait3A_175 = tpu.memref_squeeze %dma_wait3A_174 : memref<1x1x80x32xf32, #tpu.memory_space<vmem>> -> memref<80x32xf32, #tpu.memory_space<vmem>>
      %dma_wait3A_176 = arith.constant 0 : i32
      %dma_wait3A_177 = tpu.memref_slice %arg12[%dma_wait3A_170, %dma_wait3A_171, %dma_wait3A_176] : memref<2x10x80xi32, #tpu.memory_space<vmem>> -> memref<1x1x80xi32, #tpu.memory_space<vmem>>
      %dma_wait3A_178 = tpu.memref_squeeze %dma_wait3A_177 : memref<1x1x80xi32, #tpu.memory_space<vmem>> -> memref<80xi32, #tpu.memory_space<vmem>>
      %dma_wait3A_179 = arith.constant 0 : i32
      %dma_wait3A_180 = arith.constant 0 : i32
      %dma_wait3A_181 = tpu.memref_slice %arg17[%dma_wait3A_179, %dma_wait3A_180] : memref<10016x32xf32, #tpu.memory_space<vmem_shared>> -> memref<10016x32xf32, #tpu.memory_space<vmem_shared>>
      tpu.wait_indirect_dma semaphore(%arg16 : memref<!tpu.dma_semaphore, #tpu.memory_space<semaphore_mem>>) src(%dma_wait3A_175 : memref<80x32xf32, #tpu.memory_space<vmem>>) dst(%dma_wait3A_181 : memref<10016x32xf32, #tpu.memory_space<vmem_shared>>)
      %barrier3A_182 = arith.constant 0 : index
      tpu.barrier barrier_id(%barrier3A_182)
      "tpu.region"() ({
        %run_scoped3A = tpu.sem_alloc : memref<!tpu.dma_semaphore, #tpu.memory_space<semaphore_mem>>
        %dma_start3A_183 = arith.constant 0 : i32
        %dma_start3A_184 = tpu.memref_slice %arg9[%mul3A_0, %dma_start3A_183] : memref<10016x32xf32, #tpu.memory_space<hbm>> -> memref<626x32xf32, #tpu.memory_space<hbm>>
        %dma_start3A_185 = arith.constant 0 : i32
        %dma_start3A_186 = tpu.memref_slice %arg17[%mul3A_0, %dma_start3A_185] : memref<10016x32xf32, #tpu.memory_space<vmem_shared>> -> memref<626x32xf32, #tpu.memory_space<vmem_shared>>
        tpu.enqueue_dma source(%dma_start3A_186 : memref<626x32xf32, #tpu.memory_space<vmem_shared>>) target(%dma_start3A_184 : memref<626x32xf32, #tpu.memory_space<hbm>>) target_semaphore(%run_scoped3A : memref<!tpu.dma_semaphore, #tpu.memory_space<semaphore_mem>>)
        %dma_wait3A_187 = arith.constant 0 : i32
        %dma_wait3A_188 = tpu.memref_slice %arg9[%mul3A_0, %dma_wait3A_187] : memref<10016x32xf32, #tpu.memory_space<hbm>> -> memref<626x32xf32, #tpu.memory_space<hbm>>
        %dma_wait3A_189 = arith.constant 0 : i32
        %dma_wait3A_190 = tpu.memref_slice %arg17[%mul3A_0, %dma_wait3A_189] : memref<10016x32xf32, #tpu.memory_space<vmem_shared>> -> memref<626x32xf32, #tpu.memory_space<vmem_shared>>
        tpu.wait_dma2 semaphore(%run_scoped3A : memref<!tpu.dma_semaphore, #tpu.memory_space<semaphore_mem>>) src(%dma_wait3A_190 : memref<626x32xf32, #tpu.memory_space<vmem_shared>>) dst(%dma_wait3A_188 : memref<626x32xf32, #tpu.memory_space<hbm>>)
        tpu.yield
      }) : () -> ()
    } else {
    }
    %eq3A_3 = arith.constant 1 : i32
    %eq3A_4 = arith.cmpi eq, %arg0, %eq3A_3 : i32
    %convert_element_type3A_5 = arith.extui %eq3A_4 : i1 to i32
    %cond3A_6 = arith.constant 0 : i32
    %cond3A_7 = arith.cmpi ne, %convert_element_type3A_5, %cond3A_6 : i32
    scf.if %cond3A_7 {
      "tpu.region"() ({
        %run_scoped3A = tpu.sem_alloc : memref<!tpu.dma_semaphore, #tpu.memory_space<semaphore_mem>>
        %dma_start3A_183 = arith.constant 0 : i32
        %dma_start3A_184 = tpu.memref_slice %arg17[%mul3A_0, %dma_start3A_183] : memref<10016x32xf32, #tpu.memory_space<vmem_shared>> -> memref<626x32xf32, #tpu.memory_space<vmem_shared>>
        %dma_start3A_185 = arith.constant 0 : i32
        %dma_start3A_186 = tpu.memref_slice %arg8[%mul3A_0, %dma_start3A_185] : memref<10016x32xf32, #tpu.memory_space<hbm>> -> memref<626x32xf32, #tpu.memory_space<hbm>>
        tpu.enqueue_dma source(%dma_start3A_186 : memref<626x32xf32, #tpu.memory_space<hbm>>) target(%dma_start3A_184 : memref<626x32xf32, #tpu.memory_space<vmem_shared>>) target_semaphore(%run_scoped3A : memref<!tpu.dma_semaphore, #tpu.memory_space<semaphore_mem>>)
        %dma_wait3A_187 = arith.constant 0 : i32
        %dma_wait3A_188 = tpu.memref_slice %arg17[%mul3A_0, %dma_wait3A_187] : memref<10016x32xf32, #tpu.memory_space<vmem_shared>> -> memref<626x32xf32, #tpu.memory_space<vmem_shared>>
        %dma_wait3A_189 = arith.constant 0 : i32
        %dma_wait3A_190 = tpu.memref_slice %arg8[%mul3A_0, %dma_wait3A_189] : memref<10016x32xf32, #tpu.memory_space<hbm>> -> memref<626x32xf32, #tpu.memory_space<hbm>>
        tpu.wait_dma2 semaphore(%run_scoped3A : memref<!tpu.dma_semaphore, #tpu.memory_space<semaphore_mem>>) src(%dma_wait3A_190 : memref<626x32xf32, #tpu.memory_space<hbm>>) dst(%dma_wait3A_188 : memref<626x32xf32, #tpu.memory_space<vmem_shared>>)
        tpu.yield
      }) : () -> ()
      %barrier3A = arith.constant 0 : index
      tpu.barrier barrier_id(%barrier3A)
      %mul3A_8 = arith.constant 250 : i32
      %mul3A_9 = arith.muli %arg1, %mul3A_8 : i32
      %add3A = arith.constant 0 : i32
      %add3A_10 = arith.addi %mul3A_9, %add3A : i32
      %dma_start3A = arith.constant 0 : i32
      %dma_start3A_11 = arith.constant 0 : i32
      %dma_start3A_12 = arith.constant 0 : i32
      %dma_start3A_13 = tpu.memref_slice %arg11[%dma_start3A, %dma_start3A_11, %dma_start3A_12] : memref<2x10x80xi32, #tpu.memory_space<vmem>> -> memref<1x10x80xi32, #tpu.memory_space<vmem>>
      %dma_start3A_14 = tpu.memref_squeeze %dma_start3A_13 : memref<1x10x80xi32, #tpu.memory_space<vmem>> -> memref<10x80xi32, #tpu.memory_space<vmem>>
      %dma_start3A_15 = arith.constant 0 : i32
      %dma_start3A_16 = tpu.memref_slice %arg5[%add3A_10, %dma_start3A_15] : memref<4000x80xi32, #tpu.memory_space<hbm>> -> memref<10x80xi32, #tpu.memory_space<hbm>>
      %dma_start3A_17 = arith.constant 0 : i32
      %dma_start3A_18 = arith.constant 0 : i32
      %dma_start3A_19 = tpu.memref_slice %arg11[%dma_start3A, %dma_start3A_17, %dma_start3A_18] : memref<2x10x80xi32, #tpu.memory_space<vmem>> -> memref<1x10x80xi32, #tpu.memory_space<vmem>>
      %dma_start3A_20 = tpu.memref_squeeze %dma_start3A_19 : memref<1x10x80xi32, #tpu.memory_space<vmem>> -> memref<10x80xi32, #tpu.memory_space<vmem>>
      %dma_start3A_21 = arith.constant 0 : i32
      %dma_start3A_22 = tpu.memref_slice %arg5[%add3A_10, %dma_start3A_21] : memref<4000x80xi32, #tpu.memory_space<hbm>> -> memref<10x80xi32, #tpu.memory_space<hbm>>
      tpu.enqueue_dma source(%dma_start3A_22 : memref<10x80xi32, #tpu.memory_space<hbm>>) target(%dma_start3A_20 : memref<10x80xi32, #tpu.memory_space<vmem>>) target_semaphore(%arg14 : memref<!tpu.dma_semaphore, #tpu.memory_space<semaphore_mem>>)
      %add3A_23 = arith.constant 0 : i32
      %add3A_24 = arith.addi %mul3A_9, %add3A_23 : i32
      %dma_start3A_25 = arith.constant 0 : i32
      %dma_start3A_26 = arith.constant 0 : i32
      %dma_start3A_27 = arith.constant 0 : i32
      %dma_start3A_28 = tpu.memref_slice %arg12[%dma_start3A_25, %dma_start3A_26, %dma_start3A_27] : memref<2x10x80xi32, #tpu.memory_space<vmem>> -> memref<1x10x80xi32, #tpu.memory_space<vmem>>
      %dma_start3A_29 = tpu.memref_squeeze %dma_start3A_28 : memref<1x10x80xi32, #tpu.memory_space<vmem>> -> memref<10x80xi32, #tpu.memory_space<vmem>>
      %dma_start3A_30 = arith.constant 0 : i32
      %dma_start3A_31 = tpu.memref_slice %arg7[%add3A_24, %dma_start3A_30] : memref<4000x80xi32, #tpu.memory_space<hbm>> -> memref<10x80xi32, #tpu.memory_space<hbm>>
      %dma_start3A_32 = arith.constant 0 : i32
      %dma_start3A_33 = arith.constant 0 : i32
      %dma_start3A_34 = tpu.memref_slice %arg12[%dma_start3A_25, %dma_start3A_32, %dma_start3A_33] : memref<2x10x80xi32, #tpu.memory_space<vmem>> -> memref<1x10x80xi32, #tpu.memory_space<vmem>>
      %dma_start3A_35 = tpu.memref_squeeze %dma_start3A_34 : memref<1x10x80xi32, #tpu.memory_space<vmem>> -> memref<10x80xi32, #tpu.memory_space<vmem>>
      %dma_start3A_36 = arith.constant 0 : i32
      %dma_start3A_37 = tpu.memref_slice %arg7[%add3A_24, %dma_start3A_36] : memref<4000x80xi32, #tpu.memory_space<hbm>> -> memref<10x80xi32, #tpu.memory_space<hbm>>
      tpu.enqueue_dma source(%dma_start3A_37 : memref<10x80xi32, #tpu.memory_space<hbm>>) target(%dma_start3A_35 : memref<10x80xi32, #tpu.memory_space<vmem>>) target_semaphore(%arg14 : memref<!tpu.dma_semaphore, #tpu.memory_space<semaphore_mem>>)
      %scan3A = arith.constant 0 : i32
      %scan3A_38 = arith.constant 0 : i32
      %scan3A_39 = arith.constant 25 : i32
      %scan3A_40 = arith.addi %scan3A_38, %scan3A_39 : i32
      %scan3A_41 = arith.constant 1 : i32
      scf.for %scan3A_183 = %scan3A_38 to %scan3A_40 step %scan3A_41  : i32 {
        %jit3A = arith.constant 2 : i32
        %eq3A_184 = arith.constant 0 : i32
        %eq3A_185 = arith.cmpi eq, %jit3A, %eq3A_184 : i32
        %jit3A_186 = arith.constant 1 : i32
        %select_n3A = arith.select %eq3A_185, %jit3A_186, %jit3A : i32
        %rem3A = arith.remsi %scan3A_183, %select_n3A : i32
        %ne3A = arith.constant 0 : i32
        %ne3A_187 = arith.cmpi ne, %rem3A, %ne3A : i32
        %lt3A = arith.constant 0 : i32
        %lt3A_188 = arith.cmpi slt, %rem3A, %lt3A : i32
        %lt3A_189 = arith.constant 0 : i32
        %lt3A_190 = arith.cmpi slt, %select_n3A, %lt3A_189 : i32
        %ne3A_191 = arith.xori %lt3A_188, %lt3A_190 : i1
        %and3A = arith.andi %ne3A_191, %ne3A_187 : i1
        %add3A_192 = arith.addi %rem3A, %select_n3A : i32
        %select_n3A_193 = arith.select %and3A, %add3A_192, %rem3A : i32
        %dma_wait3A_194 = arith.constant 0 : i32
        %dma_wait3A_195 = arith.constant 0 : i32
        %dma_wait3A_196 = tpu.memref_slice %arg11[%select_n3A_193, %dma_wait3A_194, %dma_wait3A_195] : memref<2x10x80xi32, #tpu.memory_space<vmem>> -> memref<1x10x80xi32, #tpu.memory_space<vmem>>
        %dma_wait3A_197 = tpu.memref_squeeze %dma_wait3A_196 : memref<1x10x80xi32, #tpu.memory_space<vmem>> -> memref<10x80xi32, #tpu.memory_space<vmem>>
        %dma_wait3A_198 = arith.constant 0 : i32
        %dma_wait3A_199 = tpu.memref_slice %arg5[%mul3A_9, %dma_wait3A_198] : memref<4000x80xi32, #tpu.memory_space<hbm>> -> memref<10x80xi32, #tpu.memory_space<hbm>>
        %dma_wait3A_200 = arith.constant 0 : i32
        %dma_wait3A_201 = arith.constant 0 : i32
        %dma_wait3A_202 = tpu.memref_slice %arg11[%select_n3A_193, %dma_wait3A_200, %dma_wait3A_201] : memref<2x10x80xi32, #tpu.memory_space<vmem>> -> memref<1x10x80xi32, #tpu.memory_space<vmem>>
        %dma_wait3A_203 = tpu.memref_squeeze %dma_wait3A_202 : memref<1x10x80xi32, #tpu.memory_space<vmem>> -> memref<10x80xi32, #tpu.memory_space<vmem>>
        %dma_wait3A_204 = arith.constant 0 : i32
        %dma_wait3A_205 = tpu.memref_slice %arg5[%mul3A_9, %dma_wait3A_204] : memref<4000x80xi32, #tpu.memory_space<hbm>> -> memref<10x80xi32, #tpu.memory_space<hbm>>
        tpu.wait_dma2 semaphore(%arg14 : memref<!tpu.dma_semaphore, #tpu.memory_space<semaphore_mem>>) src(%dma_wait3A_205 : memref<10x80xi32, #tpu.memory_space<hbm>>) dst(%dma_wait3A_203 : memref<10x80xi32, #tpu.memory_space<vmem>>)
        %dma_wait3A_206 = arith.constant 0 : i32
        %dma_wait3A_207 = arith.constant 0 : i32
        %dma_wait3A_208 = tpu.memref_slice %arg12[%select_n3A_193, %dma_wait3A_206, %dma_wait3A_207] : memref<2x10x80xi32, #tpu.memory_space<vmem>> -> memref<1x10x80xi32, #tpu.memory_space<vmem>>
        %dma_wait3A_209 = tpu.memref_squeeze %dma_wait3A_208 : memref<1x10x80xi32, #tpu.memory_space<vmem>> -> memref<10x80xi32, #tpu.memory_space<vmem>>
        %dma_wait3A_210 = arith.constant 0 : i32
        %dma_wait3A_211 = tpu.memref_slice %arg7[%mul3A_9, %dma_wait3A_210] : memref<4000x80xi32, #tpu.memory_space<hbm>> -> memref<10x80xi32, #tpu.memory_space<hbm>>
        %dma_wait3A_212 = arith.constant 0 : i32
        %dma_wait3A_213 = arith.constant 0 : i32
        %dma_wait3A_214 = tpu.memref_slice %arg12[%select_n3A_193, %dma_wait3A_212, %dma_wait3A_213] : memref<2x10x80xi32, #tpu.memory_space<vmem>> -> memref<1x10x80xi32, #tpu.memory_space<vmem>>
        %dma_wait3A_215 = tpu.memref_squeeze %dma_wait3A_214 : memref<1x10x80xi32, #tpu.memory_space<vmem>> -> memref<10x80xi32, #tpu.memory_space<vmem>>
        %dma_wait3A_216 = arith.constant 0 : i32
        %dma_wait3A_217 = tpu.memref_slice %arg7[%mul3A_9, %dma_wait3A_216] : memref<4000x80xi32, #tpu.memory_space<hbm>> -> memref<10x80xi32, #tpu.memory_space<hbm>>
        tpu.wait_dma2 semaphore(%arg14 : memref<!tpu.dma_semaphore, #tpu.memory_space<semaphore_mem>>) src(%dma_wait3A_217 : memref<10x80xi32, #tpu.memory_space<hbm>>) dst(%dma_wait3A_215 : memref<10x80xi32, #tpu.memory_space<vmem>>)
        %dma_start3A_218 = arith.constant 0 : i32
        %dma_start3A_219 = arith.constant 0 : i32
        %dma_start3A_220 = arith.constant 0 : i32
        %dma_start3A_221 = arith.constant 0 : i32
        %dma_start3A_222 = tpu.memref_slice %arg13[%select_n3A_193, %dma_start3A_219, %dma_start3A_220, %dma_start3A_221] : memref<2x10x80x32xf32, #tpu.memory_space<vmem>> -> memref<1x1x80x32xf32, #tpu.memory_space<vmem>>
        %dma_start3A_223 = tpu.memref_squeeze %dma_start3A_222 : memref<1x1x80x32xf32, #tpu.memory_space<vmem>> -> memref<80x32xf32, #tpu.memory_space<vmem>>
        %dma_start3A_224 = arith.constant 0 : i32
        %dma_start3A_225 = tpu.memref_slice %arg11[%select_n3A_193, %dma_start3A_218, %dma_start3A_224] : memref<2x10x80xi32, #tpu.memory_space<vmem>> -> memref<1x1x80xi32, #tpu.memory_space<vmem>>
        %dma_start3A_226 = tpu.memref_squeeze %dma_start3A_225 : memref<1x1x80xi32, #tpu.memory_space<vmem>> -> memref<80xi32, #tpu.memory_space<vmem>>
        %dma_start3A_227 = arith.constant 0 : i32
        %dma_start3A_228 = arith.constant 0 : i32
        %dma_start3A_229 = tpu.memref_slice %arg3[%dma_start3A_227, %dma_start3A_228] : memref<10016x32xf32, #tpu.memory_space<hbm>> -> memref<10016x32xf32, #tpu.memory_space<hbm>>
        tpu.enqueue_indirect_dma source(%dma_start3A_229 : memref<10016x32xf32, #tpu.memory_space<hbm>>) target(%dma_start3A_223 : memref<80x32xf32, #tpu.memory_space<vmem>>) offsets(%dma_start3A_226 : memref<80xi32, #tpu.memory_space<vmem>>) semaphore(%arg15 : memref<!tpu.dma_semaphore, #tpu.memory_space<semaphore_mem>>)
        %dma_start3A_230 = arith.constant 1 : i32
        %dma_start3A_231 = arith.constant 1 : i32
        %dma_start3A_232 = arith.constant 0 : i32
        %dma_start3A_233 = arith.constant 0 : i32
        %dma_start3A_234 = tpu.memref_slice %arg13[%select_n3A_193, %dma_start3A_231, %dma_start3A_232, %dma_start3A_233] : memref<2x10x80x32xf32, #tpu.memory_space<vmem>> -> memref<1x1x80x32xf32, #tpu.memory_space<vmem>>
        %dma_start3A_235 = tpu.memref_squeeze %dma_start3A_234 : memref<1x1x80x32xf32, #tpu.memory_space<vmem>> -> memref<80x32xf32, #tpu.memory_space<vmem>>
        %dma_start3A_236 = arith.constant 0 : i32
        %dma_start3A_237 = tpu.memref_slice %arg11[%select_n3A_193, %dma_start3A_230, %dma_start3A_236] : memref<2x10x80xi32, #tpu.memory_space<vmem>> -> memref<1x1x80xi32, #tpu.memory_space<vmem>>
        %dma_start3A_238 = tpu.memref_squeeze %dma_start3A_237 : memref<1x1x80xi32, #tpu.memory_space<vmem>> -> memref<80xi32, #tpu.memory_space<vmem>>
        %dma_start3A_239 = arith.constant 0 : i32
        %dma_start3A_240 = arith.constant 0 : i32
        %dma_start3A_241 = tpu.memref_slice %arg3[%dma_start3A_239, %dma_start3A_240] : memref<10016x32xf32, #tpu.memory_space<hbm>> -> memref<10016x32xf32, #tpu.memory_space<hbm>>
        tpu.enqueue_indirect_dma source(%dma_start3A_241 : memref<10016x32xf32, #tpu.memory_space<hbm>>) target(%dma_start3A_235 : memref<80x32xf32, #tpu.memory_space<vmem>>) offsets(%dma_start3A_238 : memref<80xi32, #tpu.memory_space<vmem>>) semaphore(%arg15 : memref<!tpu.dma_semaphore, #tpu.memory_space<semaphore_mem>>)
        %dma_start3A_242 = arith.constant 2 : i32
        %dma_start3A_243 = arith.constant 2 : i32
        %dma_start3A_244 = arith.constant 0 : i32
        %dma_start3A_245 = arith.constant 0 : i32
        %dma_start3A_246 = tpu.memref_slice %arg13[%select_n3A_193, %dma_start3A_243, %dma_start3A_244, %dma_start3A_245] : memref<2x10x80x32xf32, #tpu.memory_space<vmem>> -> memref<1x1x80x32xf32, #tpu.memory_space<vmem>>
        %dma_start3A_247 = tpu.memref_squeeze %dma_start3A_246 : memref<1x1x80x32xf32, #tpu.memory_space<vmem>> -> memref<80x32xf32, #tpu.memory_space<vmem>>
        %dma_start3A_248 = arith.constant 0 : i32
        %dma_start3A_249 = tpu.memref_slice %arg11[%select_n3A_193, %dma_start3A_242, %dma_start3A_248] : memref<2x10x80xi32, #tpu.memory_space<vmem>> -> memref<1x1x80xi32, #tpu.memory_space<vmem>>
        %dma_start3A_250 = tpu.memref_squeeze %dma_start3A_249 : memref<1x1x80xi32, #tpu.memory_space<vmem>> -> memref<80xi32, #tpu.memory_space<vmem>>
        %dma_start3A_251 = arith.constant 0 : i32
        %dma_start3A_252 = arith.constant 0 : i32
        %dma_start3A_253 = tpu.memref_slice %arg3[%dma_start3A_251, %dma_start3A_252] : memref<10016x32xf32, #tpu.memory_space<hbm>> -> memref<10016x32xf32, #tpu.memory_space<hbm>>
        tpu.enqueue_indirect_dma source(%dma_start3A_253 : memref<10016x32xf32, #tpu.memory_space<hbm>>) target(%dma_start3A_247 : memref<80x32xf32, #tpu.memory_space<vmem>>) offsets(%dma_start3A_250 : memref<80xi32, #tpu.memory_space<vmem>>) semaphore(%arg15 : memref<!tpu.dma_semaphore, #tpu.memory_space<semaphore_mem>>)
        %dma_start3A_254 = arith.constant 3 : i32
        %dma_start3A_255 = arith.constant 3 : i32
        %dma_start3A_256 = arith.constant 0 : i32
        %dma_start3A_257 = arith.constant 0 : i32
        %dma_start3A_258 = tpu.memref_slice %arg13[%select_n3A_193, %dma_start3A_255, %dma_start3A_256, %dma_start3A_257] : memref<2x10x80x32xf32, #tpu.memory_space<vmem>> -> memref<1x1x80x32xf32, #tpu.memory_space<vmem>>
        %dma_start3A_259 = tpu.memref_squeeze %dma_start3A_258 : memref<1x1x80x32xf32, #tpu.memory_space<vmem>> -> memref<80x32xf32, #tpu.memory_space<vmem>>
        %dma_start3A_260 = arith.constant 0 : i32
        %dma_start3A_261 = tpu.memref_slice %arg11[%select_n3A_193, %dma_start3A_254, %dma_start3A_260] : memref<2x10x80xi32, #tpu.memory_space<vmem>> -> memref<1x1x80xi32, #tpu.memory_space<vmem>>
        %dma_start3A_262 = tpu.memref_squeeze %dma_start3A_261 : memref<1x1x80xi32, #tpu.memory_space<vmem>> -> memref<80xi32, #tpu.memory_space<vmem>>
        %dma_start3A_263 = arith.constant 0 : i32
        %dma_start3A_264 = arith.constant 0 : i32
        %dma_start3A_265 = tpu.memref_slice %arg3[%dma_start3A_263, %dma_start3A_264] : memref<10016x32xf32, #tpu.memory_space<hbm>> -> memref<10016x32xf32, #tpu.memory_space<hbm>>
        tpu.enqueue_indirect_dma source(%dma_start3A_265 : memref<10016x32xf32, #tpu.memory_space<hbm>>) target(%dma_start3A_259 : memref<80x32xf32, #tpu.memory_space<vmem>>) offsets(%dma_start3A_262 : memref<80xi32, #tpu.memory_space<vmem>>) semaphore(%arg15 : memref<!tpu.dma_semaphore, #tpu.memory_space<semaphore_mem>>)
        %dma_start3A_266 = arith.constant 4 : i32
        %dma_start3A_267 = arith.constant 4 : i32
        %dma_start3A_268 = arith.constant 0 : i32
        %dma_start3A_269 = arith.constant 0 : i32
        %dma_start3A_270 = tpu.memref_slice %arg13[%select_n3A_193, %dma_start3A_267, %dma_start3A_268, %dma_start3A_269] : memref<2x10x80x32xf32, #tpu.memory_space<vmem>> -> memref<1x1x80x32xf32, #tpu.memory_space<vmem>>
        %dma_start3A_271 = tpu.memref_squeeze %dma_start3A_270 : memref<1x1x80x32xf32, #tpu.memory_space<vmem>> -> memref<80x32xf32, #tpu.memory_space<vmem>>
        %dma_start3A_272 = arith.constant 0 : i32
        %dma_start3A_273 = tpu.memref_slice %arg11[%select_n3A_193, %dma_start3A_266, %dma_start3A_272] : memref<2x10x80xi32, #tpu.memory_space<vmem>> -> memref<1x1x80xi32, #tpu.memory_space<vmem>>
        %dma_start3A_274 = tpu.memref_squeeze %dma_start3A_273 : memref<1x1x80xi32, #tpu.memory_space<vmem>> -> memref<80xi32, #tpu.memory_space<vmem>>
        %dma_start3A_275 = arith.constant 0 : i32
        %dma_start3A_276 = arith.constant 0 : i32
        %dma_start3A_277 = tpu.memref_slice %arg3[%dma_start3A_275, %dma_start3A_276] : memref<10016x32xf32, #tpu.memory_space<hbm>> -> memref<10016x32xf32, #tpu.memory_space<hbm>>
        tpu.enqueue_indirect_dma source(%dma_start3A_277 : memref<10016x32xf32, #tpu.memory_space<hbm>>) target(%dma_start3A_271 : memref<80x32xf32, #tpu.memory_space<vmem>>) offsets(%dma_start3A_274 : memref<80xi32, #tpu.memory_space<vmem>>) semaphore(%arg15 : memref<!tpu.dma_semaphore, #tpu.memory_space<semaphore_mem>>)
        %dma_start3A_278 = arith.constant 5 : i32
        %dma_start3A_279 = arith.constant 5 : i32
        %dma_start3A_280 = arith.constant 0 : i32
        %dma_start3A_281 = arith.constant 0 : i32
        %dma_start3A_282 = tpu.memref_slice %arg13[%select_n3A_193, %dma_start3A_279, %dma_start3A_280, %dma_start3A_281] : memref<2x10x80x32xf32, #tpu.memory_space<vmem>> -> memref<1x1x80x32xf32, #tpu.memory_space<vmem>>
        %dma_start3A_283 = tpu.memref_squeeze %dma_start3A_282 : memref<1x1x80x32xf32, #tpu.memory_space<vmem>> -> memref<80x32xf32, #tpu.memory_space<vmem>>
        %dma_start3A_284 = arith.constant 0 : i32
        %dma_start3A_285 = tpu.memref_slice %arg11[%select_n3A_193, %dma_start3A_278, %dma_start3A_284] : memref<2x10x80xi32, #tpu.memory_space<vmem>> -> memref<1x1x80xi32, #tpu.memory_space<vmem>>
        %dma_start3A_286 = tpu.memref_squeeze %dma_start3A_285 : memref<1x1x80xi32, #tpu.memory_space<vmem>> -> memref<80xi32, #tpu.memory_space<vmem>>
        %dma_start3A_287 = arith.constant 0 : i32
        %dma_start3A_288 = arith.constant 0 : i32
        %dma_start3A_289 = tpu.memref_slice %arg3[%dma_start3A_287, %dma_start3A_288] : memref<10016x32xf32, #tpu.memory_space<hbm>> -> memref<10016x32xf32, #tpu.memory_space<hbm>>
        tpu.enqueue_indirect_dma source(%dma_start3A_289 : memref<10016x32xf32, #tpu.memory_space<hbm>>) target(%dma_start3A_283 : memref<80x32xf32, #tpu.memory_space<vmem>>) offsets(%dma_start3A_286 : memref<80xi32, #tpu.memory_space<vmem>>) semaphore(%arg15 : memref<!tpu.dma_semaphore, #tpu.memory_space<semaphore_mem>>)
        %dma_start3A_290 = arith.constant 6 : i32
        %dma_start3A_291 = arith.constant 6 : i32
        %dma_start3A_292 = arith.constant 0 : i32
        %dma_start3A_293 = arith.constant 0 : i32
        %dma_start3A_294 = tpu.memref_slice %arg13[%select_n3A_193, %dma_start3A_291, %dma_start3A_292, %dma_start3A_293] : memref<2x10x80x32xf32, #tpu.memory_space<vmem>> -> memref<1x1x80x32xf32, #tpu.memory_space<vmem>>
        %dma_start3A_295 = tpu.memref_squeeze %dma_start3A_294 : memref<1x1x80x32xf32, #tpu.memory_space<vmem>> -> memref<80x32xf32, #tpu.memory_space<vmem>>
        %dma_start3A_296 = arith.constant 0 : i32
        %dma_start3A_297 = tpu.memref_slice %arg11[%select_n3A_193, %dma_start3A_290, %dma_start3A_296] : memref<2x10x80xi32, #tpu.memory_space<vmem>> -> memref<1x1x80xi32, #tpu.memory_space<vmem>>
        %dma_start3A_298 = tpu.memref_squeeze %dma_start3A_297 : memref<1x1x80xi32, #tpu.memory_space<vmem>> -> memref<80xi32, #tpu.memory_space<vmem>>
        %dma_start3A_299 = arith.constant 0 : i32
        %dma_start3A_300 = arith.constant 0 : i32
        %dma_start3A_301 = tpu.memref_slice %arg3[%dma_start3A_299, %dma_start3A_300] : memref<10016x32xf32, #tpu.memory_space<hbm>> -> memref<10016x32xf32, #tpu.memory_space<hbm>>
        tpu.enqueue_indirect_dma source(%dma_start3A_301 : memref<10016x32xf32, #tpu.memory_space<hbm>>) target(%dma_start3A_295 : memref<80x32xf32, #tpu.memory_space<vmem>>) offsets(%dma_start3A_298 : memref<80xi32, #tpu.memory_space<vmem>>) semaphore(%arg15 : memref<!tpu.dma_semaphore, #tpu.memory_space<semaphore_mem>>)
        %dma_start3A_302 = arith.constant 7 : i32
        %dma_start3A_303 = arith.constant 7 : i32
        %dma_start3A_304 = arith.constant 0 : i32
        %dma_start3A_305 = arith.constant 0 : i32
        %dma_start3A_306 = tpu.memref_slice %arg13[%select_n3A_193, %dma_start3A_303, %dma_start3A_304, %dma_start3A_305] : memref<2x10x80x32xf32, #tpu.memory_space<vmem>> -> memref<1x1x80x32xf32, #tpu.memory_space<vmem>>
        %dma_start3A_307 = tpu.memref_squeeze %dma_start3A_306 : memref<1x1x80x32xf32, #tpu.memory_space<vmem>> -> memref<80x32xf32, #tpu.memory_space<vmem>>
        %dma_start3A_308 = arith.constant 0 : i32
        %dma_start3A_309 = tpu.memref_slice %arg11[%select_n3A_193, %dma_start3A_302, %dma_start3A_308] : memref<2x10x80xi32, #tpu.memory_space<vmem>> -> memref<1x1x80xi32, #tpu.memory_space<vmem>>
        %dma_start3A_310 = tpu.memref_squeeze %dma_start3A_309 : memref<1x1x80xi32, #tpu.memory_space<vmem>> -> memref<80xi32, #tpu.memory_space<vmem>>
        %dma_start3A_311 = arith.constant 0 : i32
        %dma_start3A_312 = arith.constant 0 : i32
        %dma_start3A_313 = tpu.memref_slice %arg3[%dma_start3A_311, %dma_start3A_312] : memref<10016x32xf32, #tpu.memory_space<hbm>> -> memref<10016x32xf32, #tpu.memory_space<hbm>>
        tpu.enqueue_indirect_dma source(%dma_start3A_313 : memref<10016x32xf32, #tpu.memory_space<hbm>>) target(%dma_start3A_307 : memref<80x32xf32, #tpu.memory_space<vmem>>) offsets(%dma_start3A_310 : memref<80xi32, #tpu.memory_space<vmem>>) semaphore(%arg15 : memref<!tpu.dma_semaphore, #tpu.memory_space<semaphore_mem>>)
        %dma_start3A_314 = arith.constant 8 : i32
        %dma_start3A_315 = arith.constant 8 : i32
        %dma_start3A_316 = arith.constant 0 : i32
        %dma_start3A_317 = arith.constant 0 : i32
        %dma_start3A_318 = tpu.memref_slice %arg13[%select_n3A_193, %dma_start3A_315, %dma_start3A_316, %dma_start3A_317] : memref<2x10x80x32xf32, #tpu.memory_space<vmem>> -> memref<1x1x80x32xf32, #tpu.memory_space<vmem>>
        %dma_start3A_319 = tpu.memref_squeeze %dma_start3A_318 : memref<1x1x80x32xf32, #tpu.memory_space<vmem>> -> memref<80x32xf32, #tpu.memory_space<vmem>>
        %dma_start3A_320 = arith.constant 0 : i32
        %dma_start3A_321 = tpu.memref_slice %arg11[%select_n3A_193, %dma_start3A_314, %dma_start3A_320] : memref<2x10x80xi32, #tpu.memory_space<vmem>> -> memref<1x1x80xi32, #tpu.memory_space<vmem>>
        %dma_start3A_322 = tpu.memref_squeeze %dma_start3A_321 : memref<1x1x80xi32, #tpu.memory_space<vmem>> -> memref<80xi32, #tpu.memory_space<vmem>>
        %dma_start3A_323 = arith.constant 0 : i32
        %dma_start3A_324 = arith.constant 0 : i32
        %dma_start3A_325 = tpu.memref_slice %arg3[%dma_start3A_323, %dma_start3A_324] : memref<10016x32xf32, #tpu.memory_space<hbm>> -> memref<10016x32xf32, #tpu.memory_space<hbm>>
        tpu.enqueue_indirect_dma source(%dma_start3A_325 : memref<10016x32xf32, #tpu.memory_space<hbm>>) target(%dma_start3A_319 : memref<80x32xf32, #tpu.memory_space<vmem>>) offsets(%dma_start3A_322 : memref<80xi32, #tpu.memory_space<vmem>>) semaphore(%arg15 : memref<!tpu.dma_semaphore, #tpu.memory_space<semaphore_mem>>)
        %dma_start3A_326 = arith.constant 9 : i32
        %dma_start3A_327 = arith.constant 9 : i32
        %dma_start3A_328 = arith.constant 0 : i32
        %dma_start3A_329 = arith.constant 0 : i32
        %dma_start3A_330 = tpu.memref_slice %arg13[%select_n3A_193, %dma_start3A_327, %dma_start3A_328, %dma_start3A_329] : memref<2x10x80x32xf32, #tpu.memory_space<vmem>> -> memref<1x1x80x32xf32, #tpu.memory_space<vmem>>
        %dma_start3A_331 = tpu.memref_squeeze %dma_start3A_330 : memref<1x1x80x32xf32, #tpu.memory_space<vmem>> -> memref<80x32xf32, #tpu.memory_space<vmem>>
        %dma_start3A_332 = arith.constant 0 : i32
        %dma_start3A_333 = tpu.memref_slice %arg11[%select_n3A_193, %dma_start3A_326, %dma_start3A_332] : memref<2x10x80xi32, #tpu.memory_space<vmem>> -> memref<1x1x80xi32, #tpu.memory_space<vmem>>
        %dma_start3A_334 = tpu.memref_squeeze %dma_start3A_333 : memref<1x1x80xi32, #tpu.memory_space<vmem>> -> memref<80xi32, #tpu.memory_space<vmem>>
        %dma_start3A_335 = arith.constant 0 : i32
        %dma_start3A_336 = arith.constant 0 : i32
        %dma_start3A_337 = tpu.memref_slice %arg3[%dma_start3A_335, %dma_start3A_336] : memref<10016x32xf32, #tpu.memory_space<hbm>> -> memref<10016x32xf32, #tpu.memory_space<hbm>>
        tpu.enqueue_indirect_dma source(%dma_start3A_337 : memref<10016x32xf32, #tpu.memory_space<hbm>>) target(%dma_start3A_331 : memref<80x32xf32, #tpu.memory_space<vmem>>) offsets(%dma_start3A_334 : memref<80xi32, #tpu.memory_space<vmem>>) semaphore(%arg15 : memref<!tpu.dma_semaphore, #tpu.memory_space<semaphore_mem>>)
        %dma_wait3A_338 = arith.constant 0 : i32
        %dma_wait3A_339 = arith.constant 0 : i32
        %dma_wait3A_340 = arith.constant 0 : i32
        %dma_wait3A_341 = arith.constant 0 : i32
        %dma_wait3A_342 = tpu.memref_slice %arg13[%select_n3A_193, %dma_wait3A_339, %dma_wait3A_340, %dma_wait3A_341] : memref<2x10x80x32xf32, #tpu.memory_space<vmem>> -> memref<1x1x80x32xf32, #tpu.memory_space<vmem>>
        %dma_wait3A_343 = tpu.memref_squeeze %dma_wait3A_342 : memref<1x1x80x32xf32, #tpu.memory_space<vmem>> -> memref<80x32xf32, #tpu.memory_space<vmem>>
        %dma_wait3A_344 = arith.constant 0 : i32
        %dma_wait3A_345 = tpu.memref_slice %arg11[%select_n3A_193, %dma_wait3A_338, %dma_wait3A_344] : memref<2x10x80xi32, #tpu.memory_space<vmem>> -> memref<1x1x80xi32, #tpu.memory_space<vmem>>
        %dma_wait3A_346 = tpu.memref_squeeze %dma_wait3A_345 : memref<1x1x80xi32, #tpu.memory_space<vmem>> -> memref<80xi32, #tpu.memory_space<vmem>>
        %dma_wait3A_347 = arith.constant 0 : i32
        %dma_wait3A_348 = arith.constant 0 : i32
        %dma_wait3A_349 = tpu.memref_slice %arg3[%dma_wait3A_347, %dma_wait3A_348] : memref<10016x32xf32, #tpu.memory_space<hbm>> -> memref<10016x32xf32, #tpu.memory_space<hbm>>
        tpu.wait_indirect_dma semaphore(%arg15 : memref<!tpu.dma_semaphore, #tpu.memory_space<semaphore_mem>>) src(%dma_wait3A_349 : memref<10016x32xf32, #tpu.memory_space<hbm>>) dst(%dma_wait3A_343 : memref<80x32xf32, #tpu.memory_space<vmem>>)
        %dma_wait3A_350 = arith.constant 1 : i32
        %dma_wait3A_351 = arith.constant 1 : i32
        %dma_wait3A_352 = arith.constant 0 : i32
        %dma_wait3A_353 = arith.constant 0 : i32
        %dma_wait3A_354 = tpu.memref_slice %arg13[%select_n3A_193, %dma_wait3A_351, %dma_wait3A_352, %dma_wait3A_353] : memref<2x10x80x32xf32, #tpu.memory_space<vmem>> -> memref<1x1x80x32xf32, #tpu.memory_space<vmem>>
        %dma_wait3A_355 = tpu.memref_squeeze %dma_wait3A_354 : memref<1x1x80x32xf32, #tpu.memory_space<vmem>> -> memref<80x32xf32, #tpu.memory_space<vmem>>
        %dma_wait3A_356 = arith.constant 0 : i32
        %dma_wait3A_357 = tpu.memref_slice %arg11[%select_n3A_193, %dma_wait3A_350, %dma_wait3A_356] : memref<2x10x80xi32, #tpu.memory_space<vmem>> -> memref<1x1x80xi32, #tpu.memory_space<vmem>>
        %dma_wait3A_358 = tpu.memref_squeeze %dma_wait3A_357 : memref<1x1x80xi32, #tpu.memory_space<vmem>> -> memref<80xi32, #tpu.memory_space<vmem>>
        %dma_wait3A_359 = arith.constant 0 : i32
        %dma_wait3A_360 = arith.constant 0 : i32
        %dma_wait3A_361 = tpu.memref_slice %arg3[%dma_wait3A_359, %dma_wait3A_360] : memref<10016x32xf32, #tpu.memory_space<hbm>> -> memref<10016x32xf32, #tpu.memory_space<hbm>>
        tpu.wait_indirect_dma semaphore(%arg15 : memref<!tpu.dma_semaphore, #tpu.memory_space<semaphore_mem>>) src(%dma_wait3A_361 : memref<10016x32xf32, #tpu.memory_space<hbm>>) dst(%dma_wait3A_355 : memref<80x32xf32, #tpu.memory_space<vmem>>)
        %dma_wait3A_362 = arith.constant 2 : i32
        %dma_wait3A_363 = arith.constant 2 : i32
        %dma_wait3A_364 = arith.constant 0 : i32
        %dma_wait3A_365 = arith.constant 0 : i32
        %dma_wait3A_366 = tpu.memref_slice %arg13[%select_n3A_193, %dma_wait3A_363, %dma_wait3A_364, %dma_wait3A_365] : memref<2x10x80x32xf32, #tpu.memory_space<vmem>> -> memref<1x1x80x32xf32, #tpu.memory_space<vmem>>
        %dma_wait3A_367 = tpu.memref_squeeze %dma_wait3A_366 : memref<1x1x80x32xf32, #tpu.memory_space<vmem>> -> memref<80x32xf32, #tpu.memory_space<vmem>>
        %dma_wait3A_368 = arith.constant 0 : i32
        %dma_wait3A_369 = tpu.memref_slice %arg11[%select_n3A_193, %dma_wait3A_362, %dma_wait3A_368] : memref<2x10x80xi32, #tpu.memory_space<vmem>> -> memref<1x1x80xi32, #tpu.memory_space<vmem>>
        %dma_wait3A_370 = tpu.memref_squeeze %dma_wait3A_369 : memref<1x1x80xi32, #tpu.memory_space<vmem>> -> memref<80xi32, #tpu.memory_space<vmem>>
        %dma_wait3A_371 = arith.constant 0 : i32
        %dma_wait3A_372 = arith.constant 0 : i32
        %dma_wait3A_373 = tpu.memref_slice %arg3[%dma_wait3A_371, %dma_wait3A_372] : memref<10016x32xf32, #tpu.memory_space<hbm>> -> memref<10016x32xf32, #tpu.memory_space<hbm>>
        tpu.wait_indirect_dma semaphore(%arg15 : memref<!tpu.dma_semaphore, #tpu.memory_space<semaphore_mem>>) src(%dma_wait3A_373 : memref<10016x32xf32, #tpu.memory_space<hbm>>) dst(%dma_wait3A_367 : memref<80x32xf32, #tpu.memory_space<vmem>>)
        %dma_wait3A_374 = arith.constant 3 : i32
        %dma_wait3A_375 = arith.constant 3 : i32
        %dma_wait3A_376 = arith.constant 0 : i32
        %dma_wait3A_377 = arith.constant 0 : i32
        %dma_wait3A_378 = tpu.memref_slice %arg13[%select_n3A_193, %dma_wait3A_375, %dma_wait3A_376, %dma_wait3A_377] : memref<2x10x80x32xf32, #tpu.memory_space<vmem>> -> memref<1x1x80x32xf32, #tpu.memory_space<vmem>>
        %dma_wait3A_379 = tpu.memref_squeeze %dma_wait3A_378 : memref<1x1x80x32xf32, #tpu.memory_space<vmem>> -> memref<80x32xf32, #tpu.memory_space<vmem>>
        %dma_wait3A_380 = arith.constant 0 : i32
        %dma_wait3A_381 = tpu.memref_slice %arg11[%select_n3A_193, %dma_wait3A_374, %dma_wait3A_380] : memref<2x10x80xi32, #tpu.memory_space<vmem>> -> memref<1x1x80xi32, #tpu.memory_space<vmem>>
        %dma_wait3A_382 = tpu.memref_squeeze %dma_wait3A_381 : memref<1x1x80xi32, #tpu.memory_space<vmem>> -> memref<80xi32, #tpu.memory_space<vmem>>
        %dma_wait3A_383 = arith.constant 0 : i32
        %dma_wait3A_384 = arith.constant 0 : i32
        %dma_wait3A_385 = tpu.memref_slice %arg3[%dma_wait3A_383, %dma_wait3A_384] : memref<10016x32xf32, #tpu.memory_space<hbm>> -> memref<10016x32xf32, #tpu.memory_space<hbm>>
        tpu.wait_indirect_dma semaphore(%arg15 : memref<!tpu.dma_semaphore, #tpu.memory_space<semaphore_mem>>) src(%dma_wait3A_385 : memref<10016x32xf32, #tpu.memory_space<hbm>>) dst(%dma_wait3A_379 : memref<80x32xf32, #tpu.memory_space<vmem>>)
        %dma_wait3A_386 = arith.constant 4 : i32
        %dma_wait3A_387 = arith.constant 4 : i32
        %dma_wait3A_388 = arith.constant 0 : i32
        %dma_wait3A_389 = arith.constant 0 : i32
        %dma_wait3A_390 = tpu.memref_slice %arg13[%select_n3A_193, %dma_wait3A_387, %dma_wait3A_388, %dma_wait3A_389] : memref<2x10x80x32xf32, #tpu.memory_space<vmem>> -> memref<1x1x80x32xf32, #tpu.memory_space<vmem>>
        %dma_wait3A_391 = tpu.memref_squeeze %dma_wait3A_390 : memref<1x1x80x32xf32, #tpu.memory_space<vmem>> -> memref<80x32xf32, #tpu.memory_space<vmem>>
        %dma_wait3A_392 = arith.constant 0 : i32
        %dma_wait3A_393 = tpu.memref_slice %arg11[%select_n3A_193, %dma_wait3A_386, %dma_wait3A_392] : memref<2x10x80xi32, #tpu.memory_space<vmem>> -> memref<1x1x80xi32, #tpu.memory_space<vmem>>
        %dma_wait3A_394 = tpu.memref_squeeze %dma_wait3A_393 : memref<1x1x80xi32, #tpu.memory_space<vmem>> -> memref<80xi32, #tpu.memory_space<vmem>>
        %dma_wait3A_395 = arith.constant 0 : i32
        %dma_wait3A_396 = arith.constant 0 : i32
        %dma_wait3A_397 = tpu.memref_slice %arg3[%dma_wait3A_395, %dma_wait3A_396] : memref<10016x32xf32, #tpu.memory_space<hbm>> -> memref<10016x32xf32, #tpu.memory_space<hbm>>
        tpu.wait_indirect_dma semaphore(%arg15 : memref<!tpu.dma_semaphore, #tpu.memory_space<semaphore_mem>>) src(%dma_wait3A_397 : memref<10016x32xf32, #tpu.memory_space<hbm>>) dst(%dma_wait3A_391 : memref<80x32xf32, #tpu.memory_space<vmem>>)
        %dma_wait3A_398 = arith.constant 5 : i32
        %dma_wait3A_399 = arith.constant 5 : i32
        %dma_wait3A_400 = arith.constant 0 : i32
        %dma_wait3A_401 = arith.constant 0 : i32
        %dma_wait3A_402 = tpu.memref_slice %arg13[%select_n3A_193, %dma_wait3A_399, %dma_wait3A_400, %dma_wait3A_401] : memref<2x10x80x32xf32, #tpu.memory_space<vmem>> -> memref<1x1x80x32xf32, #tpu.memory_space<vmem>>
        %dma_wait3A_403 = tpu.memref_squeeze %dma_wait3A_402 : memref<1x1x80x32xf32, #tpu.memory_space<vmem>> -> memref<80x32xf32, #tpu.memory_space<vmem>>
        %dma_wait3A_404 = arith.constant 0 : i32
        %dma_wait3A_405 = tpu.memref_slice %arg11[%select_n3A_193, %dma_wait3A_398, %dma_wait3A_404] : memref<2x10x80xi32, #tpu.memory_space<vmem>> -> memref<1x1x80xi32, #tpu.memory_space<vmem>>
        %dma_wait3A_406 = tpu.memref_squeeze %dma_wait3A_405 : memref<1x1x80xi32, #tpu.memory_space<vmem>> -> memref<80xi32, #tpu.memory_space<vmem>>
        %dma_wait3A_407 = arith.constant 0 : i32
        %dma_wait3A_408 = arith.constant 0 : i32
        %dma_wait3A_409 = tpu.memref_slice %arg3[%dma_wait3A_407, %dma_wait3A_408] : memref<10016x32xf32, #tpu.memory_space<hbm>> -> memref<10016x32xf32, #tpu.memory_space<hbm>>
        tpu.wait_indirect_dma semaphore(%arg15 : memref<!tpu.dma_semaphore, #tpu.memory_space<semaphore_mem>>) src(%dma_wait3A_409 : memref<10016x32xf32, #tpu.memory_space<hbm>>) dst(%dma_wait3A_403 : memref<80x32xf32, #tpu.memory_space<vmem>>)
        %dma_wait3A_410 = arith.constant 6 : i32
        %dma_wait3A_411 = arith.constant 6 : i32
        %dma_wait3A_412 = arith.constant 0 : i32
        %dma_wait3A_413 = arith.constant 0 : i32
        %dma_wait3A_414 = tpu.memref_slice %arg13[%select_n3A_193, %dma_wait3A_411, %dma_wait3A_412, %dma_wait3A_413] : memref<2x10x80x32xf32, #tpu.memory_space<vmem>> -> memref<1x1x80x32xf32, #tpu.memory_space<vmem>>
        %dma_wait3A_415 = tpu.memref_squeeze %dma_wait3A_414 : memref<1x1x80x32xf32, #tpu.memory_space<vmem>> -> memref<80x32xf32, #tpu.memory_space<vmem>>
        %dma_wait3A_416 = arith.constant 0 : i32
        %dma_wait3A_417 = tpu.memref_slice %arg11[%select_n3A_193, %dma_wait3A_410, %dma_wait3A_416] : memref<2x10x80xi32, #tpu.memory_space<vmem>> -> memref<1x1x80xi32, #tpu.memory_space<vmem>>
        %dma_wait3A_418 = tpu.memref_squeeze %dma_wait3A_417 : memref<1x1x80xi32, #tpu.memory_space<vmem>> -> memref<80xi32, #tpu.memory_space<vmem>>
        %dma_wait3A_419 = arith.constant 0 : i32
        %dma_wait3A_420 = arith.constant 0 : i32
        %dma_wait3A_421 = tpu.memref_slice %arg3[%dma_wait3A_419, %dma_wait3A_420] : memref<10016x32xf32, #tpu.memory_space<hbm>> -> memref<10016x32xf32, #tpu.memory_space<hbm>>
        tpu.wait_indirect_dma semaphore(%arg15 : memref<!tpu.dma_semaphore, #tpu.memory_space<semaphore_mem>>) src(%dma_wait3A_421 : memref<10016x32xf32, #tpu.memory_space<hbm>>) dst(%dma_wait3A_415 : memref<80x32xf32, #tpu.memory_space<vmem>>)
        %dma_wait3A_422 = arith.constant 7 : i32
        %dma_wait3A_423 = arith.constant 7 : i32
        %dma_wait3A_424 = arith.constant 0 : i32
        %dma_wait3A_425 = arith.constant 0 : i32
        %dma_wait3A_426 = tpu.memref_slice %arg13[%select_n3A_193, %dma_wait3A_423, %dma_wait3A_424, %dma_wait3A_425] : memref<2x10x80x32xf32, #tpu.memory_space<vmem>> -> memref<1x1x80x32xf32, #tpu.memory_space<vmem>>
        %dma_wait3A_427 = tpu.memref_squeeze %dma_wait3A_426 : memref<1x1x80x32xf32, #tpu.memory_space<vmem>> -> memref<80x32xf32, #tpu.memory_space<vmem>>
        %dma_wait3A_428 = arith.constant 0 : i32
        %dma_wait3A_429 = tpu.memref_slice %arg11[%select_n3A_193, %dma_wait3A_422, %dma_wait3A_428] : memref<2x10x80xi32, #tpu.memory_space<vmem>> -> memref<1x1x80xi32, #tpu.memory_space<vmem>>
        %dma_wait3A_430 = tpu.memref_squeeze %dma_wait3A_429 : memref<1x1x80xi32, #tpu.memory_space<vmem>> -> memref<80xi32, #tpu.memory_space<vmem>>
        %dma_wait3A_431 = arith.constant 0 : i32
        %dma_wait3A_432 = arith.constant 0 : i32
        %dma_wait3A_433 = tpu.memref_slice %arg3[%dma_wait3A_431, %dma_wait3A_432] : memref<10016x32xf32, #tpu.memory_space<hbm>> -> memref<10016x32xf32, #tpu.memory_space<hbm>>
        tpu.wait_indirect_dma semaphore(%arg15 : memref<!tpu.dma_semaphore, #tpu.memory_space<semaphore_mem>>) src(%dma_wait3A_433 : memref<10016x32xf32, #tpu.memory_space<hbm>>) dst(%dma_wait3A_427 : memref<80x32xf32, #tpu.memory_space<vmem>>)
        %dma_wait3A_434 = arith.constant 8 : i32
        %dma_wait3A_435 = arith.constant 8 : i32
        %dma_wait3A_436 = arith.constant 0 : i32
        %dma_wait3A_437 = arith.constant 0 : i32
        %dma_wait3A_438 = tpu.memref_slice %arg13[%select_n3A_193, %dma_wait3A_435, %dma_wait3A_436, %dma_wait3A_437] : memref<2x10x80x32xf32, #tpu.memory_space<vmem>> -> memref<1x1x80x32xf32, #tpu.memory_space<vmem>>
        %dma_wait3A_439 = tpu.memref_squeeze %dma_wait3A_438 : memref<1x1x80x32xf32, #tpu.memory_space<vmem>> -> memref<80x32xf32, #tpu.memory_space<vmem>>
        %dma_wait3A_440 = arith.constant 0 : i32
        %dma_wait3A_441 = tpu.memref_slice %arg11[%select_n3A_193, %dma_wait3A_434, %dma_wait3A_440] : memref<2x10x80xi32, #tpu.memory_space<vmem>> -> memref<1x1x80xi32, #tpu.memory_space<vmem>>
        %dma_wait3A_442 = tpu.memref_squeeze %dma_wait3A_441 : memref<1x1x80xi32, #tpu.memory_space<vmem>> -> memref<80xi32, #tpu.memory_space<vmem>>
        %dma_wait3A_443 = arith.constant 0 : i32
        %dma_wait3A_444 = arith.constant 0 : i32
        %dma_wait3A_445 = tpu.memref_slice %arg3[%dma_wait3A_443, %dma_wait3A_444] : memref<10016x32xf32, #tpu.memory_space<hbm>> -> memref<10016x32xf32, #tpu.memory_space<hbm>>
        tpu.wait_indirect_dma semaphore(%arg15 : memref<!tpu.dma_semaphore, #tpu.memory_space<semaphore_mem>>) src(%dma_wait3A_445 : memref<10016x32xf32, #tpu.memory_space<hbm>>) dst(%dma_wait3A_439 : memref<80x32xf32, #tpu.memory_space<vmem>>)
        %dma_wait3A_446 = arith.constant 9 : i32
        %dma_wait3A_447 = arith.constant 9 : i32
        %dma_wait3A_448 = arith.constant 0 : i32
        %dma_wait3A_449 = arith.constant 0 : i32
        %dma_wait3A_450 = tpu.memref_slice %arg13[%select_n3A_193, %dma_wait3A_447, %dma_wait3A_448, %dma_wait3A_449] : memref<2x10x80x32xf32, #tpu.memory_space<vmem>> -> memref<1x1x80x32xf32, #tpu.memory_space<vmem>>
        %dma_wait3A_451 = tpu.memref_squeeze %dma_wait3A_450 : memref<1x1x80x32xf32, #tpu.memory_space<vmem>> -> memref<80x32xf32, #tpu.memory_space<vmem>>
        %dma_wait3A_452 = arith.constant 0 : i32
        %dma_wait3A_453 = tpu.memref_slice %arg11[%select_n3A_193, %dma_wait3A_446, %dma_wait3A_452] : memref<2x10x80xi32, #tpu.memory_space<vmem>> -> memref<1x1x80xi32, #tpu.memory_space<vmem>>
        %dma_wait3A_454 = tpu.memref_squeeze %dma_wait3A_453 : memref<1x1x80xi32, #tpu.memory_space<vmem>> -> memref<80xi32, #tpu.memory_space<vmem>>
        %dma_wait3A_455 = arith.constant 0 : i32
        %dma_wait3A_456 = arith.constant 0 : i32
        %dma_wait3A_457 = tpu.memref_slice %arg3[%dma_wait3A_455, %dma_wait3A_456] : memref<10016x32xf32, #tpu.memory_space<hbm>> -> memref<10016x32xf32, #tpu.memory_space<hbm>>
        tpu.wait_indirect_dma semaphore(%arg15 : memref<!tpu.dma_semaphore, #tpu.memory_space<semaphore_mem>>) src(%dma_wait3A_457 : memref<10016x32xf32, #tpu.memory_space<hbm>>) dst(%dma_wait3A_451 : memref<80x32xf32, #tpu.memory_space<vmem>>)
        %ge3A = arith.constant 1 : i32
        %ge3A_458 = arith.cmpi sge, %scan3A_183, %ge3A : i32
        %convert_element_type3A_459 = arith.extui %ge3A_458 : i1 to i32
        %cond3A_460 = arith.constant 0 : i32
        %cond3A_461 = arith.cmpi ne, %convert_element_type3A_459, %cond3A_460 : i32
        scf.if %cond3A_461 {
          %sub3A = arith.constant 1 : i32
          %sub3A_589 = arith.subi %sub3A, %select_n3A_193 : i32
          %dma_wait3A_590 = arith.constant 0 : i32
          %dma_wait3A_591 = arith.constant 0 : i32
          %dma_wait3A_592 = arith.constant 0 : i32
          %dma_wait3A_593 = arith.constant 0 : i32
          %dma_wait3A_594 = tpu.memref_slice %arg13[%sub3A_589, %dma_wait3A_590, %dma_wait3A_592, %dma_wait3A_593] : memref<2x10x80x32xf32, #tpu.memory_space<vmem>> -> memref<1x1x80x32xf32, #tpu.memory_space<vmem>>
          %dma_wait3A_595 = tpu.memref_squeeze %dma_wait3A_594 : memref<1x1x80x32xf32, #tpu.memory_space<vmem>> -> memref<80x32xf32, #tpu.memory_space<vmem>>
          %dma_wait3A_596 = arith.constant 0 : i32
          %dma_wait3A_597 = tpu.memref_slice %arg12[%sub3A_589, %dma_wait3A_591, %dma_wait3A_596] : memref<2x10x80xi32, #tpu.memory_space<vmem>> -> memref<1x1x80xi32, #tpu.memory_space<vmem>>
          %dma_wait3A_598 = tpu.memref_squeeze %dma_wait3A_597 : memref<1x1x80xi32, #tpu.memory_space<vmem>> -> memref<80xi32, #tpu.memory_space<vmem>>
          %dma_wait3A_599 = arith.constant 0 : i32
          %dma_wait3A_600 = arith.constant 0 : i32
          %dma_wait3A_601 = tpu.memref_slice %arg17[%dma_wait3A_599, %dma_wait3A_600] : memref<10016x32xf32, #tpu.memory_space<vmem_shared>> -> memref<10016x32xf32, #tpu.memory_space<vmem_shared>>
          tpu.wait_indirect_dma semaphore(%arg16 : memref<!tpu.dma_semaphore, #tpu.memory_space<semaphore_mem>>) src(%dma_wait3A_595 : memref<80x32xf32, #tpu.memory_space<vmem>>) dst(%dma_wait3A_601 : memref<10016x32xf32, #tpu.memory_space<vmem_shared>>)
          %dma_wait3A_602 = arith.constant 1 : i32
          %dma_wait3A_603 = arith.constant 1 : i32
          %dma_wait3A_604 = arith.constant 0 : i32
          %dma_wait3A_605 = arith.constant 0 : i32
          %dma_wait3A_606 = tpu.memref_slice %arg13[%sub3A_589, %dma_wait3A_602, %dma_wait3A_604, %dma_wait3A_605] : memref<2x10x80x32xf32, #tpu.memory_space<vmem>> -> memref<1x1x80x32xf32, #tpu.memory_space<vmem>>
          %dma_wait3A_607 = tpu.memref_squeeze %dma_wait3A_606 : memref<1x1x80x32xf32, #tpu.memory_space<vmem>> -> memref<80x32xf32, #tpu.memory_space<vmem>>
          %dma_wait3A_608 = arith.constant 0 : i32
          %dma_wait3A_609 = tpu.memref_slice %arg12[%sub3A_589, %dma_wait3A_603, %dma_wait3A_608] : memref<2x10x80xi32, #tpu.memory_space<vmem>> -> memref<1x1x80xi32, #tpu.memory_space<vmem>>
          %dma_wait3A_610 = tpu.memref_squeeze %dma_wait3A_609 : memref<1x1x80xi32, #tpu.memory_space<vmem>> -> memref<80xi32, #tpu.memory_space<vmem>>
          %dma_wait3A_611 = arith.constant 0 : i32
          %dma_wait3A_612 = arith.constant 0 : i32
          %dma_wait3A_613 = tpu.memref_slice %arg17[%dma_wait3A_611, %dma_wait3A_612] : memref<10016x32xf32, #tpu.memory_space<vmem_shared>> -> memref<10016x32xf32, #tpu.memory_space<vmem_shared>>
          tpu.wait_indirect_dma semaphore(%arg16 : memref<!tpu.dma_semaphore, #tpu.memory_space<semaphore_mem>>) src(%dma_wait3A_607 : memref<80x32xf32, #tpu.memory_space<vmem>>) dst(%dma_wait3A_613 : memref<10016x32xf32, #tpu.memory_space<vmem_shared>>)
          %dma_wait3A_614 = arith.constant 2 : i32
          %dma_wait3A_615 = arith.constant 2 : i32
          %dma_wait3A_616 = arith.constant 0 : i32
          %dma_wait3A_617 = arith.constant 0 : i32
          %dma_wait3A_618 = tpu.memref_slice %arg13[%sub3A_589, %dma_wait3A_614, %dma_wait3A_616, %dma_wait3A_617] : memref<2x10x80x32xf32, #tpu.memory_space<vmem>> -> memref<1x1x80x32xf32, #tpu.memory_space<vmem>>
          %dma_wait3A_619 = tpu.memref_squeeze %dma_wait3A_618 : memref<1x1x80x32xf32, #tpu.memory_space<vmem>> -> memref<80x32xf32, #tpu.memory_space<vmem>>
          %dma_wait3A_620 = arith.constant 0 : i32
          %dma_wait3A_621 = tpu.memref_slice %arg12[%sub3A_589, %dma_wait3A_615, %dma_wait3A_620] : memref<2x10x80xi32, #tpu.memory_space<vmem>> -> memref<1x1x80xi32, #tpu.memory_space<vmem>>
          %dma_wait3A_622 = tpu.memref_squeeze %dma_wait3A_621 : memref<1x1x80xi32, #tpu.memory_space<vmem>> -> memref<80xi32, #tpu.memory_space<vmem>>
          %dma_wait3A_623 = arith.constant 0 : i32
          %dma_wait3A_624 = arith.constant 0 : i32
          %dma_wait3A_625 = tpu.memref_slice %arg17[%dma_wait3A_623, %dma_wait3A_624] : memref<10016x32xf32, #tpu.memory_space<vmem_shared>> -> memref<10016x32xf32, #tpu.memory_space<vmem_shared>>
          tpu.wait_indirect_dma semaphore(%arg16 : memref<!tpu.dma_semaphore, #tpu.memory_space<semaphore_mem>>) src(%dma_wait3A_619 : memref<80x32xf32, #tpu.memory_space<vmem>>) dst(%dma_wait3A_625 : memref<10016x32xf32, #tpu.memory_space<vmem_shared>>)
          %dma_wait3A_626 = arith.constant 3 : i32
          %dma_wait3A_627 = arith.constant 3 : i32
          %dma_wait3A_628 = arith.constant 0 : i32
          %dma_wait3A_629 = arith.constant 0 : i32
          %dma_wait3A_630 = tpu.memref_slice %arg13[%sub3A_589, %dma_wait3A_626, %dma_wait3A_628, %dma_wait3A_629] : memref<2x10x80x32xf32, #tpu.memory_space<vmem>> -> memref<1x1x80x32xf32, #tpu.memory_space<vmem>>
          %dma_wait3A_631 = tpu.memref_squeeze %dma_wait3A_630 : memref<1x1x80x32xf32, #tpu.memory_space<vmem>> -> memref<80x32xf32, #tpu.memory_space<vmem>>
          %dma_wait3A_632 = arith.constant 0 : i32
          %dma_wait3A_633 = tpu.memref_slice %arg12[%sub3A_589, %dma_wait3A_627, %dma_wait3A_632] : memref<2x10x80xi32, #tpu.memory_space<vmem>> -> memref<1x1x80xi32, #tpu.memory_space<vmem>>
          %dma_wait3A_634 = tpu.memref_squeeze %dma_wait3A_633 : memref<1x1x80xi32, #tpu.memory_space<vmem>> -> memref<80xi32, #tpu.memory_space<vmem>>
          %dma_wait3A_635 = arith.constant 0 : i32
          %dma_wait3A_636 = arith.constant 0 : i32
          %dma_wait3A_637 = tpu.memref_slice %arg17[%dma_wait3A_635, %dma_wait3A_636] : memref<10016x32xf32, #tpu.memory_space<vmem_shared>> -> memref<10016x32xf32, #tpu.memory_space<vmem_shared>>
          tpu.wait_indirect_dma semaphore(%arg16 : memref<!tpu.dma_semaphore, #tpu.memory_space<semaphore_mem>>) src(%dma_wait3A_631 : memref<80x32xf32, #tpu.memory_space<vmem>>) dst(%dma_wait3A_637 : memref<10016x32xf32, #tpu.memory_space<vmem_shared>>)
          %dma_wait3A_638 = arith.constant 4 : i32
          %dma_wait3A_639 = arith.constant 4 : i32
          %dma_wait3A_640 = arith.constant 0 : i32
          %dma_wait3A_641 = arith.constant 0 : i32
          %dma_wait3A_642 = tpu.memref_slice %arg13[%sub3A_589, %dma_wait3A_638, %dma_wait3A_640, %dma_wait3A_641] : memref<2x10x80x32xf32, #tpu.memory_space<vmem>> -> memref<1x1x80x32xf32, #tpu.memory_space<vmem>>
          %dma_wait3A_643 = tpu.memref_squeeze %dma_wait3A_642 : memref<1x1x80x32xf32, #tpu.memory_space<vmem>> -> memref<80x32xf32, #tpu.memory_space<vmem>>
          %dma_wait3A_644 = arith.constant 0 : i32
          %dma_wait3A_645 = tpu.memref_slice %arg12[%sub3A_589, %dma_wait3A_639, %dma_wait3A_644] : memref<2x10x80xi32, #tpu.memory_space<vmem>> -> memref<1x1x80xi32, #tpu.memory_space<vmem>>
          %dma_wait3A_646 = tpu.memref_squeeze %dma_wait3A_645 : memref<1x1x80xi32, #tpu.memory_space<vmem>> -> memref<80xi32, #tpu.memory_space<vmem>>
          %dma_wait3A_647 = arith.constant 0 : i32
          %dma_wait3A_648 = arith.constant 0 : i32
          %dma_wait3A_649 = tpu.memref_slice %arg17[%dma_wait3A_647, %dma_wait3A_648] : memref<10016x32xf32, #tpu.memory_space<vmem_shared>> -> memref<10016x32xf32, #tpu.memory_space<vmem_shared>>
          tpu.wait_indirect_dma semaphore(%arg16 : memref<!tpu.dma_semaphore, #tpu.memory_space<semaphore_mem>>) src(%dma_wait3A_643 : memref<80x32xf32, #tpu.memory_space<vmem>>) dst(%dma_wait3A_649 : memref<10016x32xf32, #tpu.memory_space<vmem_shared>>)
          %dma_wait3A_650 = arith.constant 5 : i32
          %dma_wait3A_651 = arith.constant 5 : i32
          %dma_wait3A_652 = arith.constant 0 : i32
          %dma_wait3A_653 = arith.constant 0 : i32
          %dma_wait3A_654 = tpu.memref_slice %arg13[%sub3A_589, %dma_wait3A_650, %dma_wait3A_652, %dma_wait3A_653] : memref<2x10x80x32xf32, #tpu.memory_space<vmem>> -> memref<1x1x80x32xf32, #tpu.memory_space<vmem>>
          %dma_wait3A_655 = tpu.memref_squeeze %dma_wait3A_654 : memref<1x1x80x32xf32, #tpu.memory_space<vmem>> -> memref<80x32xf32, #tpu.memory_space<vmem>>
          %dma_wait3A_656 = arith.constant 0 : i32
          %dma_wait3A_657 = tpu.memref_slice %arg12[%sub3A_589, %dma_wait3A_651, %dma_wait3A_656] : memref<2x10x80xi32, #tpu.memory_space<vmem>> -> memref<1x1x80xi32, #tpu.memory_space<vmem>>
          %dma_wait3A_658 = tpu.memref_squeeze %dma_wait3A_657 : memref<1x1x80xi32, #tpu.memory_space<vmem>> -> memref<80xi32, #tpu.memory_space<vmem>>
          %dma_wait3A_659 = arith.constant 0 : i32
          %dma_wait3A_660 = arith.constant 0 : i32
          %dma_wait3A_661 = tpu.memref_slice %arg17[%dma_wait3A_659, %dma_wait3A_660] : memref<10016x32xf32, #tpu.memory_space<vmem_shared>> -> memref<10016x32xf32, #tpu.memory_space<vmem_shared>>
          tpu.wait_indirect_dma semaphore(%arg16 : memref<!tpu.dma_semaphore, #tpu.memory_space<semaphore_mem>>) src(%dma_wait3A_655 : memref<80x32xf32, #tpu.memory_space<vmem>>) dst(%dma_wait3A_661 : memref<10016x32xf32, #tpu.memory_space<vmem_shared>>)
          %dma_wait3A_662 = arith.constant 6 : i32
          %dma_wait3A_663 = arith.constant 6 : i32
          %dma_wait3A_664 = arith.constant 0 : i32
          %dma_wait3A_665 = arith.constant 0 : i32
          %dma_wait3A_666 = tpu.memref_slice %arg13[%sub3A_589, %dma_wait3A_662, %dma_wait3A_664, %dma_wait3A_665] : memref<2x10x80x32xf32, #tpu.memory_space<vmem>> -> memref<1x1x80x32xf32, #tpu.memory_space<vmem>>
          %dma_wait3A_667 = tpu.memref_squeeze %dma_wait3A_666 : memref<1x1x80x32xf32, #tpu.memory_space<vmem>> -> memref<80x32xf32, #tpu.memory_space<vmem>>
          %dma_wait3A_668 = arith.constant 0 : i32
          %dma_wait3A_669 = tpu.memref_slice %arg12[%sub3A_589, %dma_wait3A_663, %dma_wait3A_668] : memref<2x10x80xi32, #tpu.memory_space<vmem>> -> memref<1x1x80xi32, #tpu.memory_space<vmem>>
          %dma_wait3A_670 = tpu.memref_squeeze %dma_wait3A_669 : memref<1x1x80xi32, #tpu.memory_space<vmem>> -> memref<80xi32, #tpu.memory_space<vmem>>
          %dma_wait3A_671 = arith.constant 0 : i32
          %dma_wait3A_672 = arith.constant 0 : i32
          %dma_wait3A_673 = tpu.memref_slice %arg17[%dma_wait3A_671, %dma_wait3A_672] : memref<10016x32xf32, #tpu.memory_space<vmem_shared>> -> memref<10016x32xf32, #tpu.memory_space<vmem_shared>>
          tpu.wait_indirect_dma semaphore(%arg16 : memref<!tpu.dma_semaphore, #tpu.memory_space<semaphore_mem>>) src(%dma_wait3A_667 : memref<80x32xf32, #tpu.memory_space<vmem>>) dst(%dma_wait3A_673 : memref<10016x32xf32, #tpu.memory_space<vmem_shared>>)
          %dma_wait3A_674 = arith.constant 7 : i32
          %dma_wait3A_675 = arith.constant 7 : i32
          %dma_wait3A_676 = arith.constant 0 : i32
          %dma_wait3A_677 = arith.constant 0 : i32
          %dma_wait3A_678 = tpu.memref_slice %arg13[%sub3A_589, %dma_wait3A_674, %dma_wait3A_676, %dma_wait3A_677] : memref<2x10x80x32xf32, #tpu.memory_space<vmem>> -> memref<1x1x80x32xf32, #tpu.memory_space<vmem>>
          %dma_wait3A_679 = tpu.memref_squeeze %dma_wait3A_678 : memref<1x1x80x32xf32, #tpu.memory_space<vmem>> -> memref<80x32xf32, #tpu.memory_space<vmem>>
          %dma_wait3A_680 = arith.constant 0 : i32
          %dma_wait3A_681 = tpu.memref_slice %arg12[%sub3A_589, %dma_wait3A_675, %dma_wait3A_680] : memref<2x10x80xi32, #tpu.memory_space<vmem>> -> memref<1x1x80xi32, #tpu.memory_space<vmem>>
          %dma_wait3A_682 = tpu.memref_squeeze %dma_wait3A_681 : memref<1x1x80xi32, #tpu.memory_space<vmem>> -> memref<80xi32, #tpu.memory_space<vmem>>
          %dma_wait3A_683 = arith.constant 0 : i32
          %dma_wait3A_684 = arith.constant 0 : i32
          %dma_wait3A_685 = tpu.memref_slice %arg17[%dma_wait3A_683, %dma_wait3A_684] : memref<10016x32xf32, #tpu.memory_space<vmem_shared>> -> memref<10016x32xf32, #tpu.memory_space<vmem_shared>>
          tpu.wait_indirect_dma semaphore(%arg16 : memref<!tpu.dma_semaphore, #tpu.memory_space<semaphore_mem>>) src(%dma_wait3A_679 : memref<80x32xf32, #tpu.memory_space<vmem>>) dst(%dma_wait3A_685 : memref<10016x32xf32, #tpu.memory_space<vmem_shared>>)
          %dma_wait3A_686 = arith.constant 8 : i32
          %dma_wait3A_687 = arith.constant 8 : i32
          %dma_wait3A_688 = arith.constant 0 : i32
          %dma_wait3A_689 = arith.constant 0 : i32
          %dma_wait3A_690 = tpu.memref_slice %arg13[%sub3A_589, %dma_wait3A_686, %dma_wait3A_688, %dma_wait3A_689] : memref<2x10x80x32xf32, #tpu.memory_space<vmem>> -> memref<1x1x80x32xf32, #tpu.memory_space<vmem>>
          %dma_wait3A_691 = tpu.memref_squeeze %dma_wait3A_690 : memref<1x1x80x32xf32, #tpu.memory_space<vmem>> -> memref<80x32xf32, #tpu.memory_space<vmem>>
          %dma_wait3A_692 = arith.constant 0 : i32
          %dma_wait3A_693 = tpu.memref_slice %arg12[%sub3A_589, %dma_wait3A_687, %dma_wait3A_692] : memref<2x10x80xi32, #tpu.memory_space<vmem>> -> memref<1x1x80xi32, #tpu.memory_space<vmem>>
          %dma_wait3A_694 = tpu.memref_squeeze %dma_wait3A_693 : memref<1x1x80xi32, #tpu.memory_space<vmem>> -> memref<80xi32, #tpu.memory_space<vmem>>
          %dma_wait3A_695 = arith.constant 0 : i32
          %dma_wait3A_696 = arith.constant 0 : i32
          %dma_wait3A_697 = tpu.memref_slice %arg17[%dma_wait3A_695, %dma_wait3A_696] : memref<10016x32xf32, #tpu.memory_space<vmem_shared>> -> memref<10016x32xf32, #tpu.memory_space<vmem_shared>>
          tpu.wait_indirect_dma semaphore(%arg16 : memref<!tpu.dma_semaphore, #tpu.memory_space<semaphore_mem>>) src(%dma_wait3A_691 : memref<80x32xf32, #tpu.memory_space<vmem>>) dst(%dma_wait3A_697 : memref<10016x32xf32, #tpu.memory_space<vmem_shared>>)
          %dma_wait3A_698 = arith.constant 9 : i32
          %dma_wait3A_699 = arith.constant 9 : i32
          %dma_wait3A_700 = arith.constant 0 : i32
          %dma_wait3A_701 = arith.constant 0 : i32
          %dma_wait3A_702 = tpu.memref_slice %arg13[%sub3A_589, %dma_wait3A_698, %dma_wait3A_700, %dma_wait3A_701] : memref<2x10x80x32xf32, #tpu.memory_space<vmem>> -> memref<1x1x80x32xf32, #tpu.memory_space<vmem>>
          %dma_wait3A_703 = tpu.memref_squeeze %dma_wait3A_702 : memref<1x1x80x32xf32, #tpu.memory_space<vmem>> -> memref<80x32xf32, #tpu.memory_space<vmem>>
          %dma_wait3A_704 = arith.constant 0 : i32
          %dma_wait3A_705 = tpu.memref_slice %arg12[%sub3A_589, %dma_wait3A_699, %dma_wait3A_704] : memref<2x10x80xi32, #tpu.memory_space<vmem>> -> memref<1x1x80xi32, #tpu.memory_space<vmem>>
          %dma_wait3A_706 = tpu.memref_squeeze %dma_wait3A_705 : memref<1x1x80xi32, #tpu.memory_space<vmem>> -> memref<80xi32, #tpu.memory_space<vmem>>
          %dma_wait3A_707 = arith.constant 0 : i32
          %dma_wait3A_708 = arith.constant 0 : i32
          %dma_wait3A_709 = tpu.memref_slice %arg17[%dma_wait3A_707, %dma_wait3A_708] : memref<10016x32xf32, #tpu.memory_space<vmem_shared>> -> memref<10016x32xf32, #tpu.memory_space<vmem_shared>>
          tpu.wait_indirect_dma semaphore(%arg16 : memref<!tpu.dma_semaphore, #tpu.memory_space<semaphore_mem>>) src(%dma_wait3A_703 : memref<80x32xf32, #tpu.memory_space<vmem>>) dst(%dma_wait3A_709 : memref<10016x32xf32, #tpu.memory_space<vmem_shared>>)
        } else {
        }
        %add3A_462 = arith.constant 1 : i32
        %add3A_463 = arith.addi %scan3A_183, %add3A_462 : i32
        %lt3A_464 = arith.constant 25 : i32
        %lt3A_465 = arith.cmpi slt, %add3A_463, %lt3A_464 : i32
        %convert_element_type3A_466 = arith.extui %lt3A_465 : i1 to i32
        %cond3A_467 = arith.constant 0 : i32
        %cond3A_468 = arith.cmpi ne, %convert_element_type3A_466, %cond3A_467 : i32
        scf.if %cond3A_468 {
          %add3A_589 = arith.constant 1 : i32
          %add3A_590 = arith.addi %scan3A_183, %add3A_589 : i32
          %sub3A = arith.constant 1 : i32
          %sub3A_591 = arith.subi %sub3A, %select_n3A_193 : i32
          %mul3A_592 = arith.constant 10 : i32
          %mul3A_593 = arith.muli %add3A_590, %mul3A_592 : i32
          %add3A_594 = arith.addi %mul3A_9, %mul3A_593 : i32
          %dma_start3A_595 = arith.constant 0 : i32
          %dma_start3A_596 = arith.constant 0 : i32
          %dma_start3A_597 = tpu.memref_slice %arg11[%sub3A_591, %dma_start3A_595, %dma_start3A_596] : memref<2x10x80xi32, #tpu.memory_space<vmem>> -> memref<1x10x80xi32, #tpu.memory_space<vmem>>
          %dma_start3A_598 = tpu.memref_squeeze %dma_start3A_597 : memref<1x10x80xi32, #tpu.memory_space<vmem>> -> memref<10x80xi32, #tpu.memory_space<vmem>>
          %dma_start3A_599 = arith.constant 0 : i32
          %dma_start3A_600 = tpu.memref_slice %arg5[%add3A_594, %dma_start3A_599] : memref<4000x80xi32, #tpu.memory_space<hbm>> -> memref<10x80xi32, #tpu.memory_space<hbm>>
          %dma_start3A_601 = arith.constant 0 : i32
          %dma_start3A_602 = arith.constant 0 : i32
          %dma_start3A_603 = tpu.memref_slice %arg11[%sub3A_591, %dma_start3A_601, %dma_start3A_602] : memref<2x10x80xi32, #tpu.memory_space<vmem>> -> memref<1x10x80xi32, #tpu.memory_space<vmem>>
          %dma_start3A_604 = tpu.memref_squeeze %dma_start3A_603 : memref<1x10x80xi32, #tpu.memory_space<vmem>> -> memref<10x80xi32, #tpu.memory_space<vmem>>
          %dma_start3A_605 = arith.constant 0 : i32
          %dma_start3A_606 = tpu.memref_slice %arg5[%add3A_594, %dma_start3A_605] : memref<4000x80xi32, #tpu.memory_space<hbm>> -> memref<10x80xi32, #tpu.memory_space<hbm>>
          tpu.enqueue_dma source(%dma_start3A_606 : memref<10x80xi32, #tpu.memory_space<hbm>>) target(%dma_start3A_604 : memref<10x80xi32, #tpu.memory_space<vmem>>) target_semaphore(%arg14 : memref<!tpu.dma_semaphore, #tpu.memory_space<semaphore_mem>>)
          %mul3A_607 = arith.constant 10 : i32
          %mul3A_608 = arith.muli %add3A_590, %mul3A_607 : i32
          %add3A_609 = arith.addi %mul3A_9, %mul3A_608 : i32
          %dma_start3A_610 = arith.constant 0 : i32
          %dma_start3A_611 = arith.constant 0 : i32
          %dma_start3A_612 = tpu.memref_slice %arg12[%sub3A_591, %dma_start3A_610, %dma_start3A_611] : memref<2x10x80xi32, #tpu.memory_space<vmem>> -> memref<1x10x80xi32, #tpu.memory_space<vmem>>
          %dma_start3A_613 = tpu.memref_squeeze %dma_start3A_612 : memref<1x10x80xi32, #tpu.memory_space<vmem>> -> memref<10x80xi32, #tpu.memory_space<vmem>>
          %dma_start3A_614 = arith.constant 0 : i32
          %dma_start3A_615 = tpu.memref_slice %arg7[%add3A_609, %dma_start3A_614] : memref<4000x80xi32, #tpu.memory_space<hbm>> -> memref<10x80xi32, #tpu.memory_space<hbm>>
          %dma_start3A_616 = arith.constant 0 : i32
          %dma_start3A_617 = arith.constant 0 : i32
          %dma_start3A_618 = tpu.memref_slice %arg12[%sub3A_591, %dma_start3A_616, %dma_start3A_617] : memref<2x10x80xi32, #tpu.memory_space<vmem>> -> memref<1x10x80xi32, #tpu.memory_space<vmem>>
          %dma_start3A_619 = tpu.memref_squeeze %dma_start3A_618 : memref<1x10x80xi32, #tpu.memory_space<vmem>> -> memref<10x80xi32, #tpu.memory_space<vmem>>
          %dma_start3A_620 = arith.constant 0 : i32
          %dma_start3A_621 = tpu.memref_slice %arg7[%add3A_609, %dma_start3A_620] : memref<4000x80xi32, #tpu.memory_space<hbm>> -> memref<10x80xi32, #tpu.memory_space<hbm>>
          tpu.enqueue_dma source(%dma_start3A_621 : memref<10x80xi32, #tpu.memory_space<hbm>>) target(%dma_start3A_619 : memref<10x80xi32, #tpu.memory_space<vmem>>) target_semaphore(%arg14 : memref<!tpu.dma_semaphore, #tpu.memory_space<semaphore_mem>>)
        } else {
        }
        %dma_start3A_469 = arith.constant 0 : i32
        %dma_start3A_470 = arith.constant 0 : i32
        %dma_start3A_471 = arith.constant 0 : i32
        %dma_start3A_472 = arith.constant 0 : i32
        %dma_start3A_473 = tpu.memref_slice %arg13[%select_n3A_193, %dma_start3A_469, %dma_start3A_471, %dma_start3A_472] : memref<2x10x80x32xf32, #tpu.memory_space<vmem>> -> memref<1x1x80x32xf32, #tpu.memory_space<vmem>>
        %dma_start3A_474 = tpu.memref_squeeze %dma_start3A_473 : memref<1x1x80x32xf32, #tpu.memory_space<vmem>> -> memref<80x32xf32, #tpu.memory_space<vmem>>
        %dma_start3A_475 = arith.constant 0 : i32
        %dma_start3A_476 = tpu.memref_slice %arg12[%select_n3A_193, %dma_start3A_470, %dma_start3A_475] : memref<2x10x80xi32, #tpu.memory_space<vmem>> -> memref<1x1x80xi32, #tpu.memory_space<vmem>>
        %dma_start3A_477 = tpu.memref_squeeze %dma_start3A_476 : memref<1x1x80xi32, #tpu.memory_space<vmem>> -> memref<80xi32, #tpu.memory_space<vmem>>
        %dma_start3A_478 = arith.constant 0 : i32
        %dma_start3A_479 = arith.constant 0 : i32
        %dma_start3A_480 = tpu.memref_slice %arg17[%dma_start3A_478, %dma_start3A_479] : memref<10016x32xf32, #tpu.memory_space<vmem_shared>> -> memref<10016x32xf32, #tpu.memory_space<vmem_shared>>
        tpu.enqueue_indirect_dma source(%dma_start3A_474 : memref<80x32xf32, #tpu.memory_space<vmem>>) target(%dma_start3A_480 : memref<10016x32xf32, #tpu.memory_space<vmem_shared>>) offsets(%dma_start3A_477 : memref<80xi32, #tpu.memory_space<vmem>>) semaphore(%arg16 : memref<!tpu.dma_semaphore, #tpu.memory_space<semaphore_mem>>) {add = true}
        %dma_start3A_481 = arith.constant 1 : i32
        %dma_start3A_482 = arith.constant 1 : i32
        %dma_start3A_483 = arith.constant 0 : i32
        %dma_start3A_484 = arith.constant 0 : i32
        %dma_start3A_485 = tpu.memref_slice %arg13[%select_n3A_193, %dma_start3A_481, %dma_start3A_483, %dma_start3A_484] : memref<2x10x80x32xf32, #tpu.memory_space<vmem>> -> memref<1x1x80x32xf32, #tpu.memory_space<vmem>>
        %dma_start3A_486 = tpu.memref_squeeze %dma_start3A_485 : memref<1x1x80x32xf32, #tpu.memory_space<vmem>> -> memref<80x32xf32, #tpu.memory_space<vmem>>
        %dma_start3A_487 = arith.constant 0 : i32
        %dma_start3A_488 = tpu.memref_slice %arg12[%select_n3A_193, %dma_start3A_482, %dma_start3A_487] : memref<2x10x80xi32, #tpu.memory_space<vmem>> -> memref<1x1x80xi32, #tpu.memory_space<vmem>>
        %dma_start3A_489 = tpu.memref_squeeze %dma_start3A_488 : memref<1x1x80xi32, #tpu.memory_space<vmem>> -> memref<80xi32, #tpu.memory_space<vmem>>
        %dma_start3A_490 = arith.constant 0 : i32
        %dma_start3A_491 = arith.constant 0 : i32
        %dma_start3A_492 = tpu.memref_slice %arg17[%dma_start3A_490, %dma_start3A_491] : memref<10016x32xf32, #tpu.memory_space<vmem_shared>> -> memref<10016x32xf32, #tpu.memory_space<vmem_shared>>
        tpu.enqueue_indirect_dma source(%dma_start3A_486 : memref<80x32xf32, #tpu.memory_space<vmem>>) target(%dma_start3A_492 : memref<10016x32xf32, #tpu.memory_space<vmem_shared>>) offsets(%dma_start3A_489 : memref<80xi32, #tpu.memory_space<vmem>>) semaphore(%arg16 : memref<!tpu.dma_semaphore, #tpu.memory_space<semaphore_mem>>) {add = true}
        %dma_start3A_493 = arith.constant 2 : i32
        %dma_start3A_494 = arith.constant 2 : i32
        %dma_start3A_495 = arith.constant 0 : i32
        %dma_start3A_496 = arith.constant 0 : i32
        %dma_start3A_497 = tpu.memref_slice %arg13[%select_n3A_193, %dma_start3A_493, %dma_start3A_495, %dma_start3A_496] : memref<2x10x80x32xf32, #tpu.memory_space<vmem>> -> memref<1x1x80x32xf32, #tpu.memory_space<vmem>>
        %dma_start3A_498 = tpu.memref_squeeze %dma_start3A_497 : memref<1x1x80x32xf32, #tpu.memory_space<vmem>> -> memref<80x32xf32, #tpu.memory_space<vmem>>
        %dma_start3A_499 = arith.constant 0 : i32
        %dma_start3A_500 = tpu.memref_slice %arg12[%select_n3A_193, %dma_start3A_494, %dma_start3A_499] : memref<2x10x80xi32, #tpu.memory_space<vmem>> -> memref<1x1x80xi32, #tpu.memory_space<vmem>>
        %dma_start3A_501 = tpu.memref_squeeze %dma_start3A_500 : memref<1x1x80xi32, #tpu.memory_space<vmem>> -> memref<80xi32, #tpu.memory_space<vmem>>
        %dma_start3A_502 = arith.constant 0 : i32
        %dma_start3A_503 = arith.constant 0 : i32
        %dma_start3A_504 = tpu.memref_slice %arg17[%dma_start3A_502, %dma_start3A_503] : memref<10016x32xf32, #tpu.memory_space<vmem_shared>> -> memref<10016x32xf32, #tpu.memory_space<vmem_shared>>
        tpu.enqueue_indirect_dma source(%dma_start3A_498 : memref<80x32xf32, #tpu.memory_space<vmem>>) target(%dma_start3A_504 : memref<10016x32xf32, #tpu.memory_space<vmem_shared>>) offsets(%dma_start3A_501 : memref<80xi32, #tpu.memory_space<vmem>>) semaphore(%arg16 : memref<!tpu.dma_semaphore, #tpu.memory_space<semaphore_mem>>) {add = true}
        %dma_start3A_505 = arith.constant 3 : i32
        %dma_start3A_506 = arith.constant 3 : i32
        %dma_start3A_507 = arith.constant 0 : i32
        %dma_start3A_508 = arith.constant 0 : i32
        %dma_start3A_509 = tpu.memref_slice %arg13[%select_n3A_193, %dma_start3A_505, %dma_start3A_507, %dma_start3A_508] : memref<2x10x80x32xf32, #tpu.memory_space<vmem>> -> memref<1x1x80x32xf32, #tpu.memory_space<vmem>>
        %dma_start3A_510 = tpu.memref_squeeze %dma_start3A_509 : memref<1x1x80x32xf32, #tpu.memory_space<vmem>> -> memref<80x32xf32, #tpu.memory_space<vmem>>
        %dma_start3A_511 = arith.constant 0 : i32
        %dma_start3A_512 = tpu.memref_slice %arg12[%select_n3A_193, %dma_start3A_506, %dma_start3A_511] : memref<2x10x80xi32, #tpu.memory_space<vmem>> -> memref<1x1x80xi32, #tpu.memory_space<vmem>>
        %dma_start3A_513 = tpu.memref_squeeze %dma_start3A_512 : memref<1x1x80xi32, #tpu.memory_space<vmem>> -> memref<80xi32, #tpu.memory_space<vmem>>
        %dma_start3A_514 = arith.constant 0 : i32
        %dma_start3A_515 = arith.constant 0 : i32
        %dma_start3A_516 = tpu.memref_slice %arg17[%dma_start3A_514, %dma_start3A_515] : memref<10016x32xf32, #tpu.memory_space<vmem_shared>> -> memref<10016x32xf32, #tpu.memory_space<vmem_shared>>
        tpu.enqueue_indirect_dma source(%dma_start3A_510 : memref<80x32xf32, #tpu.memory_space<vmem>>) target(%dma_start3A_516 : memref<10016x32xf32, #tpu.memory_space<vmem_shared>>) offsets(%dma_start3A_513 : memref<80xi32, #tpu.memory_space<vmem>>) semaphore(%arg16 : memref<!tpu.dma_semaphore, #tpu.memory_space<semaphore_mem>>) {add = true}
        %dma_start3A_517 = arith.constant 4 : i32
        %dma_start3A_518 = arith.constant 4 : i32
        %dma_start3A_519 = arith.constant 0 : i32
        %dma_start3A_520 = arith.constant 0 : i32
        %dma_start3A_521 = tpu.memref_slice %arg13[%select_n3A_193, %dma_start3A_517, %dma_start3A_519, %dma_start3A_520] : memref<2x10x80x32xf32, #tpu.memory_space<vmem>> -> memref<1x1x80x32xf32, #tpu.memory_space<vmem>>
        %dma_start3A_522 = tpu.memref_squeeze %dma_start3A_521 : memref<1x1x80x32xf32, #tpu.memory_space<vmem>> -> memref<80x32xf32, #tpu.memory_space<vmem>>
        %dma_start3A_523 = arith.constant 0 : i32
        %dma_start3A_524 = tpu.memref_slice %arg12[%select_n3A_193, %dma_start3A_518, %dma_start3A_523] : memref<2x10x80xi32, #tpu.memory_space<vmem>> -> memref<1x1x80xi32, #tpu.memory_space<vmem>>
        %dma_start3A_525 = tpu.memref_squeeze %dma_start3A_524 : memref<1x1x80xi32, #tpu.memory_space<vmem>> -> memref<80xi32, #tpu.memory_space<vmem>>
        %dma_start3A_526 = arith.constant 0 : i32
        %dma_start3A_527 = arith.constant 0 : i32
        %dma_start3A_528 = tpu.memref_slice %arg17[%dma_start3A_526, %dma_start3A_527] : memref<10016x32xf32, #tpu.memory_space<vmem_shared>> -> memref<10016x32xf32, #tpu.memory_space<vmem_shared>>
        tpu.enqueue_indirect_dma source(%dma_start3A_522 : memref<80x32xf32, #tpu.memory_space<vmem>>) target(%dma_start3A_528 : memref<10016x32xf32, #tpu.memory_space<vmem_shared>>) offsets(%dma_start3A_525 : memref<80xi32, #tpu.memory_space<vmem>>) semaphore(%arg16 : memref<!tpu.dma_semaphore, #tpu.memory_space<semaphore_mem>>) {add = true}
        %dma_start3A_529 = arith.constant 5 : i32
        %dma_start3A_530 = arith.constant 5 : i32
        %dma_start3A_531 = arith.constant 0 : i32
        %dma_start3A_532 = arith.constant 0 : i32
        %dma_start3A_533 = tpu.memref_slice %arg13[%select_n3A_193, %dma_start3A_529, %dma_start3A_531, %dma_start3A_532] : memref<2x10x80x32xf32, #tpu.memory_space<vmem>> -> memref<1x1x80x32xf32, #tpu.memory_space<vmem>>
        %dma_start3A_534 = tpu.memref_squeeze %dma_start3A_533 : memref<1x1x80x32xf32, #tpu.memory_space<vmem>> -> memref<80x32xf32, #tpu.memory_space<vmem>>
        %dma_start3A_535 = arith.constant 0 : i32
        %dma_start3A_536 = tpu.memref_slice %arg12[%select_n3A_193, %dma_start3A_530, %dma_start3A_535] : memref<2x10x80xi32, #tpu.memory_space<vmem>> -> memref<1x1x80xi32, #tpu.memory_space<vmem>>
        %dma_start3A_537 = tpu.memref_squeeze %dma_start3A_536 : memref<1x1x80xi32, #tpu.memory_space<vmem>> -> memref<80xi32, #tpu.memory_space<vmem>>
        %dma_start3A_538 = arith.constant 0 : i32
        %dma_start3A_539 = arith.constant 0 : i32
        %dma_start3A_540 = tpu.memref_slice %arg17[%dma_start3A_538, %dma_start3A_539] : memref<10016x32xf32, #tpu.memory_space<vmem_shared>> -> memref<10016x32xf32, #tpu.memory_space<vmem_shared>>
        tpu.enqueue_indirect_dma source(%dma_start3A_534 : memref<80x32xf32, #tpu.memory_space<vmem>>) target(%dma_start3A_540 : memref<10016x32xf32, #tpu.memory_space<vmem_shared>>) offsets(%dma_start3A_537 : memref<80xi32, #tpu.memory_space<vmem>>) semaphore(%arg16 : memref<!tpu.dma_semaphore, #tpu.memory_space<semaphore_mem>>) {add = true}
        %dma_start3A_541 = arith.constant 6 : i32
        %dma_start3A_542 = arith.constant 6 : i32
        %dma_start3A_543 = arith.constant 0 : i32
        %dma_start3A_544 = arith.constant 0 : i32
        %dma_start3A_545 = tpu.memref_slice %arg13[%select_n3A_193, %dma_start3A_541, %dma_start3A_543, %dma_start3A_544] : memref<2x10x80x32xf32, #tpu.memory_space<vmem>> -> memref<1x1x80x32xf32, #tpu.memory_space<vmem>>
        %dma_start3A_546 = tpu.memref_squeeze %dma_start3A_545 : memref<1x1x80x32xf32, #tpu.memory_space<vmem>> -> memref<80x32xf32, #tpu.memory_space<vmem>>
        %dma_start3A_547 = arith.constant 0 : i32
        %dma_start3A_548 = tpu.memref_slice %arg12[%select_n3A_193, %dma_start3A_542, %dma_start3A_547] : memref<2x10x80xi32, #tpu.memory_space<vmem>> -> memref<1x1x80xi32, #tpu.memory_space<vmem>>
        %dma_start3A_549 = tpu.memref_squeeze %dma_start3A_548 : memref<1x1x80xi32, #tpu.memory_space<vmem>> -> memref<80xi32, #tpu.memory_space<vmem>>
        %dma_start3A_550 = arith.constant 0 : i32
        %dma_start3A_551 = arith.constant 0 : i32
        %dma_start3A_552 = tpu.memref_slice %arg17[%dma_start3A_550, %dma_start3A_551] : memref<10016x32xf32, #tpu.memory_space<vmem_shared>> -> memref<10016x32xf32, #tpu.memory_space<vmem_shared>>
        tpu.enqueue_indirect_dma source(%dma_start3A_546 : memref<80x32xf32, #tpu.memory_space<vmem>>) target(%dma_start3A_552 : memref<10016x32xf32, #tpu.memory_space<vmem_shared>>) offsets(%dma_start3A_549 : memref<80xi32, #tpu.memory_space<vmem>>) semaphore(%arg16 : memref<!tpu.dma_semaphore, #tpu.memory_space<semaphore_mem>>) {add = true}
        %dma_start3A_553 = arith.constant 7 : i32
        %dma_start3A_554 = arith.constant 7 : i32
        %dma_start3A_555 = arith.constant 0 : i32
        %dma_start3A_556 = arith.constant 0 : i32
        %dma_start3A_557 = tpu.memref_slice %arg13[%select_n3A_193, %dma_start3A_553, %dma_start3A_555, %dma_start3A_556] : memref<2x10x80x32xf32, #tpu.memory_space<vmem>> -> memref<1x1x80x32xf32, #tpu.memory_space<vmem>>
        %dma_start3A_558 = tpu.memref_squeeze %dma_start3A_557 : memref<1x1x80x32xf32, #tpu.memory_space<vmem>> -> memref<80x32xf32, #tpu.memory_space<vmem>>
        %dma_start3A_559 = arith.constant 0 : i32
        %dma_start3A_560 = tpu.memref_slice %arg12[%select_n3A_193, %dma_start3A_554, %dma_start3A_559] : memref<2x10x80xi32, #tpu.memory_space<vmem>> -> memref<1x1x80xi32, #tpu.memory_space<vmem>>
        %dma_start3A_561 = tpu.memref_squeeze %dma_start3A_560 : memref<1x1x80xi32, #tpu.memory_space<vmem>> -> memref<80xi32, #tpu.memory_space<vmem>>
        %dma_start3A_562 = arith.constant 0 : i32
        %dma_start3A_563 = arith.constant 0 : i32
        %dma_start3A_564 = tpu.memref_slice %arg17[%dma_start3A_562, %dma_start3A_563] : memref<10016x32xf32, #tpu.memory_space<vmem_shared>> -> memref<10016x32xf32, #tpu.memory_space<vmem_shared>>
        tpu.enqueue_indirect_dma source(%dma_start3A_558 : memref<80x32xf32, #tpu.memory_space<vmem>>) target(%dma_start3A_564 : memref<10016x32xf32, #tpu.memory_space<vmem_shared>>) offsets(%dma_start3A_561 : memref<80xi32, #tpu.memory_space<vmem>>) semaphore(%arg16 : memref<!tpu.dma_semaphore, #tpu.memory_space<semaphore_mem>>) {add = true}
        %dma_start3A_565 = arith.constant 8 : i32
        %dma_start3A_566 = arith.constant 8 : i32
        %dma_start3A_567 = arith.constant 0 : i32
        %dma_start3A_568 = arith.constant 0 : i32
        %dma_start3A_569 = tpu.memref_slice %arg13[%select_n3A_193, %dma_start3A_565, %dma_start3A_567, %dma_start3A_568] : memref<2x10x80x32xf32, #tpu.memory_space<vmem>> -> memref<1x1x80x32xf32, #tpu.memory_space<vmem>>
        %dma_start3A_570 = tpu.memref_squeeze %dma_start3A_569 : memref<1x1x80x32xf32, #tpu.memory_space<vmem>> -> memref<80x32xf32, #tpu.memory_space<vmem>>
        %dma_start3A_571 = arith.constant 0 : i32
        %dma_start3A_572 = tpu.memref_slice %arg12[%select_n3A_193, %dma_start3A_566, %dma_start3A_571] : memref<2x10x80xi32, #tpu.memory_space<vmem>> -> memref<1x1x80xi32, #tpu.memory_space<vmem>>
        %dma_start3A_573 = tpu.memref_squeeze %dma_start3A_572 : memref<1x1x80xi32, #tpu.memory_space<vmem>> -> memref<80xi32, #tpu.memory_space<vmem>>
        %dma_start3A_574 = arith.constant 0 : i32
        %dma_start3A_575 = arith.constant 0 : i32
        %dma_start3A_576 = tpu.memref_slice %arg17[%dma_start3A_574, %dma_start3A_575] : memref<10016x32xf32, #tpu.memory_space<vmem_shared>> -> memref<10016x32xf32, #tpu.memory_space<vmem_shared>>
        tpu.enqueue_indirect_dma source(%dma_start3A_570 : memref<80x32xf32, #tpu.memory_space<vmem>>) target(%dma_start3A_576 : memref<10016x32xf32, #tpu.memory_space<vmem_shared>>) offsets(%dma_start3A_573 : memref<80xi32, #tpu.memory_space<vmem>>) semaphore(%arg16 : memref<!tpu.dma_semaphore, #tpu.memory_space<semaphore_mem>>) {add = true}
        %dma_start3A_577 = arith.constant 9 : i32
        %dma_start3A_578 = arith.constant 9 : i32
        %dma_start3A_579 = arith.constant 0 : i32
        %dma_start3A_580 = arith.constant 0 : i32
        %dma_start3A_581 = tpu.memref_slice %arg13[%select_n3A_193, %dma_start3A_577, %dma_start3A_579, %dma_start3A_580] : memref<2x10x80x32xf32, #tpu.memory_space<vmem>> -> memref<1x1x80x32xf32, #tpu.memory_space<vmem>>
        %dma_start3A_582 = tpu.memref_squeeze %dma_start3A_581 : memref<1x1x80x32xf32, #tpu.memory_space<vmem>> -> memref<80x32xf32, #tpu.memory_space<vmem>>
        %dma_start3A_583 = arith.constant 0 : i32
        %dma_start3A_584 = tpu.memref_slice %arg12[%select_n3A_193, %dma_start3A_578, %dma_start3A_583] : memref<2x10x80xi32, #tpu.memory_space<vmem>> -> memref<1x1x80xi32, #tpu.memory_space<vmem>>
        %dma_start3A_585 = tpu.memref_squeeze %dma_start3A_584 : memref<1x1x80xi32, #tpu.memory_space<vmem>> -> memref<80xi32, #tpu.memory_space<vmem>>
        %dma_start3A_586 = arith.constant 0 : i32
        %dma_start3A_587 = arith.constant 0 : i32
        %dma_start3A_588 = tpu.memref_slice %arg17[%dma_start3A_586, %dma_start3A_587] : memref<10016x32xf32, #tpu.memory_space<vmem_shared>> -> memref<10016x32xf32, #tpu.memory_space<vmem_shared>>
        tpu.enqueue_indirect_dma source(%dma_start3A_582 : memref<80x32xf32, #tpu.memory_space<vmem>>) target(%dma_start3A_588 : memref<10016x32xf32, #tpu.memory_space<vmem_shared>>) offsets(%dma_start3A_585 : memref<80xi32, #tpu.memory_space<vmem>>) semaphore(%arg16 : memref<!tpu.dma_semaphore, #tpu.memory_space<semaphore_mem>>) {add = true}
      }
      %scan3A_42 = arith.constant 25 : i32
      %dma_wait3A = arith.constant 0 : i32
      %dma_wait3A_43 = arith.constant 0 : i32
      %dma_wait3A_44 = arith.constant 0 : i32
      %dma_wait3A_45 = arith.constant 0 : i32
      %dma_wait3A_46 = arith.constant 0 : i32
      %dma_wait3A_47 = arith.constant 0 : i32
      %dma_wait3A_48 = tpu.memref_slice %arg13[%dma_wait3A, %dma_wait3A_43, %dma_wait3A_46, %dma_wait3A_47] : memref<2x10x80x32xf32, #tpu.memory_space<vmem>> -> memref<1x1x80x32xf32, #tpu.memory_space<vmem>>
      %dma_wait3A_49 = tpu.memref_squeeze %dma_wait3A_48 : memref<1x1x80x32xf32, #tpu.memory_space<vmem>> -> memref<80x32xf32, #tpu.memory_space<vmem>>
      %dma_wait3A_50 = arith.constant 0 : i32
      %dma_wait3A_51 = tpu.memref_slice %arg12[%dma_wait3A_44, %dma_wait3A_45, %dma_wait3A_50] : memref<2x10x80xi32, #tpu.memory_space<vmem>> -> memref<1x1x80xi32, #tpu.memory_space<vmem>>
      %dma_wait3A_52 = tpu.memref_squeeze %dma_wait3A_51 : memref<1x1x80xi32, #tpu.memory_space<vmem>> -> memref<80xi32, #tpu.memory_space<vmem>>
      %dma_wait3A_53 = arith.constant 0 : i32
      %dma_wait3A_54 = arith.constant 0 : i32
      %dma_wait3A_55 = tpu.memref_slice %arg17[%dma_wait3A_53, %dma_wait3A_54] : memref<10016x32xf32, #tpu.memory_space<vmem_shared>> -> memref<10016x32xf32, #tpu.memory_space<vmem_shared>>
      tpu.wait_indirect_dma semaphore(%arg16 : memref<!tpu.dma_semaphore, #tpu.memory_space<semaphore_mem>>) src(%dma_wait3A_49 : memref<80x32xf32, #tpu.memory_space<vmem>>) dst(%dma_wait3A_55 : memref<10016x32xf32, #tpu.memory_space<vmem_shared>>)
      %dma_wait3A_56 = arith.constant 0 : i32
      %dma_wait3A_57 = arith.constant 1 : i32
      %dma_wait3A_58 = arith.constant 0 : i32
      %dma_wait3A_59 = arith.constant 1 : i32
      %dma_wait3A_60 = arith.constant 0 : i32
      %dma_wait3A_61 = arith.constant 0 : i32
      %dma_wait3A_62 = tpu.memref_slice %arg13[%dma_wait3A_56, %dma_wait3A_57, %dma_wait3A_60, %dma_wait3A_61] : memref<2x10x80x32xf32, #tpu.memory_space<vmem>> -> memref<1x1x80x32xf32, #tpu.memory_space<vmem>>
      %dma_wait3A_63 = tpu.memref_squeeze %dma_wait3A_62 : memref<1x1x80x32xf32, #tpu.memory_space<vmem>> -> memref<80x32xf32, #tpu.memory_space<vmem>>
      %dma_wait3A_64 = arith.constant 0 : i32
      %dma_wait3A_65 = tpu.memref_slice %arg12[%dma_wait3A_58, %dma_wait3A_59, %dma_wait3A_64] : memref<2x10x80xi32, #tpu.memory_space<vmem>> -> memref<1x1x80xi32, #tpu.memory_space<vmem>>
      %dma_wait3A_66 = tpu.memref_squeeze %dma_wait3A_65 : memref<1x1x80xi32, #tpu.memory_space<vmem>> -> memref<80xi32, #tpu.memory_space<vmem>>
      %dma_wait3A_67 = arith.constant 0 : i32
      %dma_wait3A_68 = arith.constant 0 : i32
      %dma_wait3A_69 = tpu.memref_slice %arg17[%dma_wait3A_67, %dma_wait3A_68] : memref<10016x32xf32, #tpu.memory_space<vmem_shared>> -> memref<10016x32xf32, #tpu.memory_space<vmem_shared>>
      tpu.wait_indirect_dma semaphore(%arg16 : memref<!tpu.dma_semaphore, #tpu.memory_space<semaphore_mem>>) src(%dma_wait3A_63 : memref<80x32xf32, #tpu.memory_space<vmem>>) dst(%dma_wait3A_69 : memref<10016x32xf32, #tpu.memory_space<vmem_shared>>)
      %dma_wait3A_70 = arith.constant 0 : i32
      %dma_wait3A_71 = arith.constant 2 : i32
      %dma_wait3A_72 = arith.constant 0 : i32
      %dma_wait3A_73 = arith.constant 2 : i32
      %dma_wait3A_74 = arith.constant 0 : i32
      %dma_wait3A_75 = arith.constant 0 : i32
      %dma_wait3A_76 = tpu.memref_slice %arg13[%dma_wait3A_70, %dma_wait3A_71, %dma_wait3A_74, %dma_wait3A_75] : memref<2x10x80x32xf32, #tpu.memory_space<vmem>> -> memref<1x1x80x32xf32, #tpu.memory_space<vmem>>
      %dma_wait3A_77 = tpu.memref_squeeze %dma_wait3A_76 : memref<1x1x80x32xf32, #tpu.memory_space<vmem>> -> memref<80x32xf32, #tpu.memory_space<vmem>>
      %dma_wait3A_78 = arith.constant 0 : i32
      %dma_wait3A_79 = tpu.memref_slice %arg12[%dma_wait3A_72, %dma_wait3A_73, %dma_wait3A_78] : memref<2x10x80xi32, #tpu.memory_space<vmem>> -> memref<1x1x80xi32, #tpu.memory_space<vmem>>
      %dma_wait3A_80 = tpu.memref_squeeze %dma_wait3A_79 : memref<1x1x80xi32, #tpu.memory_space<vmem>> -> memref<80xi32, #tpu.memory_space<vmem>>
      %dma_wait3A_81 = arith.constant 0 : i32
      %dma_wait3A_82 = arith.constant 0 : i32
      %dma_wait3A_83 = tpu.memref_slice %arg17[%dma_wait3A_81, %dma_wait3A_82] : memref<10016x32xf32, #tpu.memory_space<vmem_shared>> -> memref<10016x32xf32, #tpu.memory_space<vmem_shared>>
      tpu.wait_indirect_dma semaphore(%arg16 : memref<!tpu.dma_semaphore, #tpu.memory_space<semaphore_mem>>) src(%dma_wait3A_77 : memref<80x32xf32, #tpu.memory_space<vmem>>) dst(%dma_wait3A_83 : memref<10016x32xf32, #tpu.memory_space<vmem_shared>>)
      %dma_wait3A_84 = arith.constant 0 : i32
      %dma_wait3A_85 = arith.constant 3 : i32
      %dma_wait3A_86 = arith.constant 0 : i32
      %dma_wait3A_87 = arith.constant 3 : i32
      %dma_wait3A_88 = arith.constant 0 : i32
      %dma_wait3A_89 = arith.constant 0 : i32
      %dma_wait3A_90 = tpu.memref_slice %arg13[%dma_wait3A_84, %dma_wait3A_85, %dma_wait3A_88, %dma_wait3A_89] : memref<2x10x80x32xf32, #tpu.memory_space<vmem>> -> memref<1x1x80x32xf32, #tpu.memory_space<vmem>>
      %dma_wait3A_91 = tpu.memref_squeeze %dma_wait3A_90 : memref<1x1x80x32xf32, #tpu.memory_space<vmem>> -> memref<80x32xf32, #tpu.memory_space<vmem>>
      %dma_wait3A_92 = arith.constant 0 : i32
      %dma_wait3A_93 = tpu.memref_slice %arg12[%dma_wait3A_86, %dma_wait3A_87, %dma_wait3A_92] : memref<2x10x80xi32, #tpu.memory_space<vmem>> -> memref<1x1x80xi32, #tpu.memory_space<vmem>>
      %dma_wait3A_94 = tpu.memref_squeeze %dma_wait3A_93 : memref<1x1x80xi32, #tpu.memory_space<vmem>> -> memref<80xi32, #tpu.memory_space<vmem>>
      %dma_wait3A_95 = arith.constant 0 : i32
      %dma_wait3A_96 = arith.constant 0 : i32
      %dma_wait3A_97 = tpu.memref_slice %arg17[%dma_wait3A_95, %dma_wait3A_96] : memref<10016x32xf32, #tpu.memory_space<vmem_shared>> -> memref<10016x32xf32, #tpu.memory_space<vmem_shared>>
      tpu.wait_indirect_dma semaphore(%arg16 : memref<!tpu.dma_semaphore, #tpu.memory_space<semaphore_mem>>) src(%dma_wait3A_91 : memref<80x32xf32, #tpu.memory_space<vmem>>) dst(%dma_wait3A_97 : memref<10016x32xf32, #tpu.memory_space<vmem_shared>>)
      %dma_wait3A_98 = arith.constant 0 : i32
      %dma_wait3A_99 = arith.constant 4 : i32
      %dma_wait3A_100 = arith.constant 0 : i32
      %dma_wait3A_101 = arith.constant 4 : i32
      %dma_wait3A_102 = arith.constant 0 : i32
      %dma_wait3A_103 = arith.constant 0 : i32
      %dma_wait3A_104 = tpu.memref_slice %arg13[%dma_wait3A_98, %dma_wait3A_99, %dma_wait3A_102, %dma_wait3A_103] : memref<2x10x80x32xf32, #tpu.memory_space<vmem>> -> memref<1x1x80x32xf32, #tpu.memory_space<vmem>>
      %dma_wait3A_105 = tpu.memref_squeeze %dma_wait3A_104 : memref<1x1x80x32xf32, #tpu.memory_space<vmem>> -> memref<80x32xf32, #tpu.memory_space<vmem>>
      %dma_wait3A_106 = arith.constant 0 : i32
      %dma_wait3A_107 = tpu.memref_slice %arg12[%dma_wait3A_100, %dma_wait3A_101, %dma_wait3A_106] : memref<2x10x80xi32, #tpu.memory_space<vmem>> -> memref<1x1x80xi32, #tpu.memory_space<vmem>>
      %dma_wait3A_108 = tpu.memref_squeeze %dma_wait3A_107 : memref<1x1x80xi32, #tpu.memory_space<vmem>> -> memref<80xi32, #tpu.memory_space<vmem>>
      %dma_wait3A_109 = arith.constant 0 : i32
      %dma_wait3A_110 = arith.constant 0 : i32
      %dma_wait3A_111 = tpu.memref_slice %arg17[%dma_wait3A_109, %dma_wait3A_110] : memref<10016x32xf32, #tpu.memory_space<vmem_shared>> -> memref<10016x32xf32, #tpu.memory_space<vmem_shared>>
      tpu.wait_indirect_dma semaphore(%arg16 : memref<!tpu.dma_semaphore, #tpu.memory_space<semaphore_mem>>) src(%dma_wait3A_105 : memref<80x32xf32, #tpu.memory_space<vmem>>) dst(%dma_wait3A_111 : memref<10016x32xf32, #tpu.memory_space<vmem_shared>>)
      %dma_wait3A_112 = arith.constant 0 : i32
      %dma_wait3A_113 = arith.constant 5 : i32
      %dma_wait3A_114 = arith.constant 0 : i32
      %dma_wait3A_115 = arith.constant 5 : i32
      %dma_wait3A_116 = arith.constant 0 : i32
      %dma_wait3A_117 = arith.constant 0 : i32
      %dma_wait3A_118 = tpu.memref_slice %arg13[%dma_wait3A_112, %dma_wait3A_113, %dma_wait3A_116, %dma_wait3A_117] : memref<2x10x80x32xf32, #tpu.memory_space<vmem>> -> memref<1x1x80x32xf32, #tpu.memory_space<vmem>>
      %dma_wait3A_119 = tpu.memref_squeeze %dma_wait3A_118 : memref<1x1x80x32xf32, #tpu.memory_space<vmem>> -> memref<80x32xf32, #tpu.memory_space<vmem>>
      %dma_wait3A_120 = arith.constant 0 : i32
      %dma_wait3A_121 = tpu.memref_slice %arg12[%dma_wait3A_114, %dma_wait3A_115, %dma_wait3A_120] : memref<2x10x80xi32, #tpu.memory_space<vmem>> -> memref<1x1x80xi32, #tpu.memory_space<vmem>>
      %dma_wait3A_122 = tpu.memref_squeeze %dma_wait3A_121 : memref<1x1x80xi32, #tpu.memory_space<vmem>> -> memref<80xi32, #tpu.memory_space<vmem>>
      %dma_wait3A_123 = arith.constant 0 : i32
      %dma_wait3A_124 = arith.constant 0 : i32
      %dma_wait3A_125 = tpu.memref_slice %arg17[%dma_wait3A_123, %dma_wait3A_124] : memref<10016x32xf32, #tpu.memory_space<vmem_shared>> -> memref<10016x32xf32, #tpu.memory_space<vmem_shared>>
      tpu.wait_indirect_dma semaphore(%arg16 : memref<!tpu.dma_semaphore, #tpu.memory_space<semaphore_mem>>) src(%dma_wait3A_119 : memref<80x32xf32, #tpu.memory_space<vmem>>) dst(%dma_wait3A_125 : memref<10016x32xf32, #tpu.memory_space<vmem_shared>>)
      %dma_wait3A_126 = arith.constant 0 : i32
      %dma_wait3A_127 = arith.constant 6 : i32
      %dma_wait3A_128 = arith.constant 0 : i32
      %dma_wait3A_129 = arith.constant 6 : i32
      %dma_wait3A_130 = arith.constant 0 : i32
      %dma_wait3A_131 = arith.constant 0 : i32
      %dma_wait3A_132 = tpu.memref_slice %arg13[%dma_wait3A_126, %dma_wait3A_127, %dma_wait3A_130, %dma_wait3A_131] : memref<2x10x80x32xf32, #tpu.memory_space<vmem>> -> memref<1x1x80x32xf32, #tpu.memory_space<vmem>>
      %dma_wait3A_133 = tpu.memref_squeeze %dma_wait3A_132 : memref<1x1x80x32xf32, #tpu.memory_space<vmem>> -> memref<80x32xf32, #tpu.memory_space<vmem>>
      %dma_wait3A_134 = arith.constant 0 : i32
      %dma_wait3A_135 = tpu.memref_slice %arg12[%dma_wait3A_128, %dma_wait3A_129, %dma_wait3A_134] : memref<2x10x80xi32, #tpu.memory_space<vmem>> -> memref<1x1x80xi32, #tpu.memory_space<vmem>>
      %dma_wait3A_136 = tpu.memref_squeeze %dma_wait3A_135 : memref<1x1x80xi32, #tpu.memory_space<vmem>> -> memref<80xi32, #tpu.memory_space<vmem>>
      %dma_wait3A_137 = arith.constant 0 : i32
      %dma_wait3A_138 = arith.constant 0 : i32
      %dma_wait3A_139 = tpu.memref_slice %arg17[%dma_wait3A_137, %dma_wait3A_138] : memref<10016x32xf32, #tpu.memory_space<vmem_shared>> -> memref<10016x32xf32, #tpu.memory_space<vmem_shared>>
      tpu.wait_indirect_dma semaphore(%arg16 : memref<!tpu.dma_semaphore, #tpu.memory_space<semaphore_mem>>) src(%dma_wait3A_133 : memref<80x32xf32, #tpu.memory_space<vmem>>) dst(%dma_wait3A_139 : memref<10016x32xf32, #tpu.memory_space<vmem_shared>>)
      %dma_wait3A_140 = arith.constant 0 : i32
      %dma_wait3A_141 = arith.constant 7 : i32
      %dma_wait3A_142 = arith.constant 0 : i32
      %dma_wait3A_143 = arith.constant 7 : i32
      %dma_wait3A_144 = arith.constant 0 : i32
      %dma_wait3A_145 = arith.constant 0 : i32
      %dma_wait3A_146 = tpu.memref_slice %arg13[%dma_wait3A_140, %dma_wait3A_141, %dma_wait3A_144, %dma_wait3A_145] : memref<2x10x80x32xf32, #tpu.memory_space<vmem>> -> memref<1x1x80x32xf32, #tpu.memory_space<vmem>>
      %dma_wait3A_147 = tpu.memref_squeeze %dma_wait3A_146 : memref<1x1x80x32xf32, #tpu.memory_space<vmem>> -> memref<80x32xf32, #tpu.memory_space<vmem>>
      %dma_wait3A_148 = arith.constant 0 : i32
      %dma_wait3A_149 = tpu.memref_slice %arg12[%dma_wait3A_142, %dma_wait3A_143, %dma_wait3A_148] : memref<2x10x80xi32, #tpu.memory_space<vmem>> -> memref<1x1x80xi32, #tpu.memory_space<vmem>>
      %dma_wait3A_150 = tpu.memref_squeeze %dma_wait3A_149 : memref<1x1x80xi32, #tpu.memory_space<vmem>> -> memref<80xi32, #tpu.memory_space<vmem>>
      %dma_wait3A_151 = arith.constant 0 : i32
      %dma_wait3A_152 = arith.constant 0 : i32
      %dma_wait3A_153 = tpu.memref_slice %arg17[%dma_wait3A_151, %dma_wait3A_152] : memref<10016x32xf32, #tpu.memory_space<vmem_shared>> -> memref<10016x32xf32, #tpu.memory_space<vmem_shared>>
      tpu.wait_indirect_dma semaphore(%arg16 : memref<!tpu.dma_semaphore, #tpu.memory_space<semaphore_mem>>) src(%dma_wait3A_147 : memref<80x32xf32, #tpu.memory_space<vmem>>) dst(%dma_wait3A_153 : memref<10016x32xf32, #tpu.memory_space<vmem_shared>>)
      %dma_wait3A_154 = arith.constant 0 : i32
      %dma_wait3A_155 = arith.constant 8 : i32
      %dma_wait3A_156 = arith.constant 0 : i32
      %dma_wait3A_157 = arith.constant 8 : i32
      %dma_wait3A_158 = arith.constant 0 : i32
      %dma_wait3A_159 = arith.constant 0 : i32
      %dma_wait3A_160 = tpu.memref_slice %arg13[%dma_wait3A_154, %dma_wait3A_155, %dma_wait3A_158, %dma_wait3A_159] : memref<2x10x80x32xf32, #tpu.memory_space<vmem>> -> memref<1x1x80x32xf32, #tpu.memory_space<vmem>>
      %dma_wait3A_161 = tpu.memref_squeeze %dma_wait3A_160 : memref<1x1x80x32xf32, #tpu.memory_space<vmem>> -> memref<80x32xf32, #tpu.memory_space<vmem>>
      %dma_wait3A_162 = arith.constant 0 : i32
      %dma_wait3A_163 = tpu.memref_slice %arg12[%dma_wait3A_156, %dma_wait3A_157, %dma_wait3A_162] : memref<2x10x80xi32, #tpu.memory_space<vmem>> -> memref<1x1x80xi32, #tpu.memory_space<vmem>>
      %dma_wait3A_164 = tpu.memref_squeeze %dma_wait3A_163 : memref<1x1x80xi32, #tpu.memory_space<vmem>> -> memref<80xi32, #tpu.memory_space<vmem>>
      %dma_wait3A_165 = arith.constant 0 : i32
      %dma_wait3A_166 = arith.constant 0 : i32
      %dma_wait3A_167 = tpu.memref_slice %arg17[%dma_wait3A_165, %dma_wait3A_166] : memref<10016x32xf32, #tpu.memory_space<vmem_shared>> -> memref<10016x32xf32, #tpu.memory_space<vmem_shared>>
      tpu.wait_indirect_dma semaphore(%arg16 : memref<!tpu.dma_semaphore, #tpu.memory_space<semaphore_mem>>) src(%dma_wait3A_161 : memref<80x32xf32, #tpu.memory_space<vmem>>) dst(%dma_wait3A_167 : memref<10016x32xf32, #tpu.memory_space<vmem_shared>>)
      %dma_wait3A_168 = arith.constant 0 : i32
      %dma_wait3A_169 = arith.constant 9 : i32
      %dma_wait3A_170 = arith.constant 0 : i32
      %dma_wait3A_171 = arith.constant 9 : i32
      %dma_wait3A_172 = arith.constant 0 : i32
      %dma_wait3A_173 = arith.constant 0 : i32
      %dma_wait3A_174 = tpu.memref_slice %arg13[%dma_wait3A_168, %dma_wait3A_169, %dma_wait3A_172, %dma_wait3A_173] : memref<2x10x80x32xf32, #tpu.memory_space<vmem>> -> memref<1x1x80x32xf32, #tpu.memory_space<vmem>>
      %dma_wait3A_175 = tpu.memref_squeeze %dma_wait3A_174 : memref<1x1x80x32xf32, #tpu.memory_space<vmem>> -> memref<80x32xf32, #tpu.memory_space<vmem>>
      %dma_wait3A_176 = arith.constant 0 : i32
      %dma_wait3A_177 = tpu.memref_slice %arg12[%dma_wait3A_170, %dma_wait3A_171, %dma_wait3A_176] : memref<2x10x80xi32, #tpu.memory_space<vmem>> -> memref<1x1x80xi32, #tpu.memory_space<vmem>>
      %dma_wait3A_178 = tpu.memref_squeeze %dma_wait3A_177 : memref<1x1x80xi32, #tpu.memory_space<vmem>> -> memref<80xi32, #tpu.memory_space<vmem>>
      %dma_wait3A_179 = arith.constant 0 : i32
      %dma_wait3A_180 = arith.constant 0 : i32
      %dma_wait3A_181 = tpu.memref_slice %arg17[%dma_wait3A_179, %dma_wait3A_180] : memref<10016x32xf32, #tpu.memory_space<vmem_shared>> -> memref<10016x32xf32, #tpu.memory_space<vmem_shared>>
      tpu.wait_indirect_dma semaphore(%arg16 : memref<!tpu.dma_semaphore, #tpu.memory_space<semaphore_mem>>) src(%dma_wait3A_175 : memref<80x32xf32, #tpu.memory_space<vmem>>) dst(%dma_wait3A_181 : memref<10016x32xf32, #tpu.memory_space<vmem_shared>>)
      %barrier3A_182 = arith.constant 0 : index
      tpu.barrier barrier_id(%barrier3A_182)
      "tpu.region"() ({
        %run_scoped3A = tpu.sem_alloc : memref<!tpu.dma_semaphore, #tpu.memory_space<semaphore_mem>>
        %dma_start3A_183 = arith.constant 0 : i32
        %dma_start3A_184 = tpu.memref_slice %arg10[%mul3A_0, %dma_start3A_183] : memref<10016x32xf32, #tpu.memory_space<hbm>> -> memref<626x32xf32, #tpu.memory_space<hbm>>
        %dma_start3A_185 = arith.constant 0 : i32
        %dma_start3A_186 = tpu.memref_slice %arg17[%mul3A_0, %dma_start3A_185] : memref<10016x32xf32, #tpu.memory_space<vmem_shared>> -> memref<626x32xf32, #tpu.memory_space<vmem_shared>>
        tpu.enqueue_dma source(%dma_start3A_186 : memref<626x32xf32, #tpu.memory_space<vmem_shared>>) target(%dma_start3A_184 : memref<626x32xf32, #tpu.memory_space<hbm>>) target_semaphore(%run_scoped3A : memref<!tpu.dma_semaphore, #tpu.memory_space<semaphore_mem>>)
        %dma_wait3A_187 = arith.constant 0 : i32
        %dma_wait3A_188 = tpu.memref_slice %arg10[%mul3A_0, %dma_wait3A_187] : memref<10016x32xf32, #tpu.memory_space<hbm>> -> memref<626x32xf32, #tpu.memory_space<hbm>>
        %dma_wait3A_189 = arith.constant 0 : i32
        %dma_wait3A_190 = tpu.memref_slice %arg17[%mul3A_0, %dma_wait3A_189] : memref<10016x32xf32, #tpu.memory_space<vmem_shared>> -> memref<626x32xf32, #tpu.memory_space<vmem_shared>>
        tpu.wait_dma2 semaphore(%run_scoped3A : memref<!tpu.dma_semaphore, #tpu.memory_space<semaphore_mem>>) src(%dma_wait3A_190 : memref<626x32xf32, #tpu.memory_space<vmem_shared>>) dst(%dma_wait3A_188 : memref<626x32xf32, #tpu.memory_space<hbm>>)
        tpu.yield
      }) : () -> ()
    } else {
    }
    return
  }
}

#map = affine_map<(d0, d1) -> (0, 0)>
module attributes {stable_mosaic.version = 14 : i64} {
  func.func @_agg_body(%arg0: i32, %arg1: i32, %arg2: memref<10016x32xf32, #tpu.memory_space<hbm>>, %arg3: memref<10016x32xf32, #tpu.memory_space<hbm>>, %arg4: memref<4000x80xi32, #tpu.memory_space<hbm>>, %arg5: memref<4000x80xi32, #tpu.memory_space<hbm>>, %arg6: memref<4000x80xi32, #tpu.memory_space<hbm>>, %arg7: memref<4000x80xi32, #tpu.memory_space<hbm>>, %arg8: memref<10016x32xf32, #tpu.memory_space<hbm>>, %arg9: memref<10016x32xf32, #tpu.memory_space<hbm>>, %arg10: memref<10016x32xf32, #tpu.memory_space<hbm>>, %arg11: memref<2x10x80xi32, #tpu.memory_space<vmem>>, %arg12: memref<2x10x80xi32, #tpu.memory_space<vmem>>, %arg13: memref<2x10x80x32xf32, #tpu.memory_space<vmem>>, %arg14: memref<!tpu.dma_semaphore, #tpu.memory_space<semaphore_mem>>, %arg15: memref<!tpu.dma_semaphore, #tpu.memory_space<semaphore_mem>>, %arg16: memref<!tpu.dma_semaphore, #tpu.memory_space<semaphore_mem>>, %arg17: memref<10016x32xf32, #tpu.memory_space<vmem_shared>>) attributes {dimension_semantics = [#tpu.dimension_semantics<core_parallel>, #tpu.dimension_semantics<subcore_parallel>], iteration_bounds = array<i64: 2, 16>, scalar_prefetch = 0 : i64, scratch_operands = 7 : i64, tpu.core_type = #tpu.core_type<sc_vector_subcore>, window_params = [{transform_indices = #map}, {transform_indices = #map}, {transform_indices = #map}, {transform_indices = #map}, {transform_indices = #map}, {transform_indices = #map}, {transform_indices = #map}, {transform_indices = #map}, {transform_indices = #map}]} {
    %mul3A = arith.constant 626 : i32
    %mul3A_0 = arith.muli %arg1, %mul3A : i32
    %eq3A = arith.constant 0 : i32
    %eq3A_1 = arith.cmpi eq, %arg0, %eq3A : i32
    %convert_element_type3A = arith.extui %eq3A_1 : i1 to i32
    %cond3A = arith.constant 0 : i32
    %cond3A_2 = arith.cmpi ne, %convert_element_type3A, %cond3A : i32
    scf.if %cond3A_2 {
      "tpu.region"() ({
        %run_scoped3A = tpu.sem_alloc : memref<!tpu.dma_semaphore, #tpu.memory_space<semaphore_mem>>
        %dma_start3A_183 = arith.constant 0 : i32
        %dma_start3A_184 = tpu.memref_slice %arg17[%mul3A_0, %dma_start3A_183] : memref<10016x32xf32, #tpu.memory_space<vmem_shared>> -> memref<626x32xf32, #tpu.memory_space<vmem_shared>>
        %dma_start3A_185 = arith.constant 0 : i32
        %dma_start3A_186 = tpu.memref_slice %arg8[%mul3A_0, %dma_start3A_185] : memref<10016x32xf32, #tpu.memory_space<hbm>> -> memref<626x32xf32, #tpu.memory_space<hbm>>
        tpu.enqueue_dma source(%dma_start3A_186 : memref<626x32xf32, #tpu.memory_space<hbm>>) target(%dma_start3A_184 : memref<626x32xf32, #tpu.memory_space<vmem_shared>>) target_semaphore(%run_scoped3A : memref<!tpu.dma_semaphore, #tpu.memory_space<semaphore_mem>>)
        %dma_wait3A_187 = arith.constant 0 : i32
        %dma_wait3A_188 = tpu.memref_slice %arg17[%mul3A_0, %dma_wait3A_187] : memref<10016x32xf32, #tpu.memory_space<vmem_shared>> -> memref<626x32xf32, #tpu.memory_space<vmem_shared>>
        %dma_wait3A_189 = arith.constant 0 : i32
        %dma_wait3A_190 = tpu.memref_slice %arg8[%mul3A_0, %dma_wait3A_189] : memref<10016x32xf32, #tpu.memory_space<hbm>> -> memref<626x32xf32, #tpu.memory_space<hbm>>
        tpu.wait_dma2 semaphore(%run_scoped3A : memref<!tpu.dma_semaphore, #tpu.memory_space<semaphore_mem>>) src(%dma_wait3A_190 : memref<626x32xf32, #tpu.memory_space<hbm>>) dst(%dma_wait3A_188 : memref<626x32xf32, #tpu.memory_space<vmem_shared>>)
        tpu.yield
      }) : () -> ()
      %barrier3A = arith.constant 0 : index
      tpu.barrier barrier_id(%barrier3A)
      %mul3A_8 = arith.constant 250 : i32
      %mul3A_9 = arith.muli %arg1, %mul3A_8 : i32
      %add3A = arith.constant 0 : i32
      %add3A_10 = arith.addi %mul3A_9, %add3A : i32
      %dma_start3A = arith.constant 0 : i32
      %dma_start3A_11 = arith.constant 0 : i32
      %dma_start3A_12 = arith.constant 0 : i32
      %dma_start3A_13 = tpu.memref_slice %arg11[%dma_start3A, %dma_start3A_11, %dma_start3A_12] : memref<2x10x80xi32, #tpu.memory_space<vmem>> -> memref<1x10x80xi32, #tpu.memory_space<vmem>>
      %dma_start3A_14 = tpu.memref_squeeze %dma_start3A_13 : memref<1x10x80xi32, #tpu.memory_space<vmem>> -> memref<10x80xi32, #tpu.memory_space<vmem>>
      %dma_start3A_15 = arith.constant 0 : i32
      %dma_start3A_16 = tpu.memref_slice %arg4[%add3A_10, %dma_start3A_15] : memref<4000x80xi32, #tpu.memory_space<hbm>> -> memref<10x80xi32, #tpu.memory_space<hbm>>
      %dma_start3A_17 = arith.constant 0 : i32
      %dma_start3A_18 = arith.constant 0 : i32
      %dma_start3A_19 = tpu.memref_slice %arg11[%dma_start3A, %dma_start3A_17, %dma_start3A_18] : memref<2x10x80xi32, #tpu.memory_space<vmem>> -> memref<1x10x80xi32, #tpu.memory_space<vmem>>
      %dma_start3A_20 = tpu.memref_squeeze %dma_start3A_19 : memref<1x10x80xi32, #tpu.memory_space<vmem>> -> memref<10x80xi32, #tpu.memory_space<vmem>>
      %dma_start3A_21 = arith.constant 0 : i32
      %dma_start3A_22 = tpu.memref_slice %arg4[%add3A_10, %dma_start3A_21] : memref<4000x80xi32, #tpu.memory_space<hbm>> -> memref<10x80xi32, #tpu.memory_space<hbm>>
      tpu.enqueue_dma source(%dma_start3A_22 : memref<10x80xi32, #tpu.memory_space<hbm>>) target(%dma_start3A_20 : memref<10x80xi32, #tpu.memory_space<vmem>>) target_semaphore(%arg14 : memref<!tpu.dma_semaphore, #tpu.memory_space<semaphore_mem>>)
      %add3A_23 = arith.constant 0 : i32
      %add3A_24 = arith.addi %mul3A_9, %add3A_23 : i32
      %dma_start3A_25 = arith.constant 0 : i32
      %dma_start3A_26 = arith.constant 0 : i32
      %dma_start3A_27 = arith.constant 0 : i32
      %dma_start3A_28 = tpu.memref_slice %arg12[%dma_start3A_25, %dma_start3A_26, %dma_start3A_27] : memref<2x10x80xi32, #tpu.memory_space<vmem>> -> memref<1x10x80xi32, #tpu.memory_space<vmem>>
      %dma_start3A_29 = tpu.memref_squeeze %dma_start3A_28 : memref<1x10x80xi32, #tpu.memory_space<vmem>> -> memref<10x80xi32, #tpu.memory_space<vmem>>
      %dma_start3A_30 = arith.constant 0 : i32
      %dma_start3A_31 = tpu.memref_slice %arg6[%add3A_24, %dma_start3A_30] : memref<4000x80xi32, #tpu.memory_space<hbm>> -> memref<10x80xi32, #tpu.memory_space<hbm>>
      %dma_start3A_32 = arith.constant 0 : i32
      %dma_start3A_33 = arith.constant 0 : i32
      %dma_start3A_34 = tpu.memref_slice %arg12[%dma_start3A_25, %dma_start3A_32, %dma_start3A_33] : memref<2x10x80xi32, #tpu.memory_space<vmem>> -> memref<1x10x80xi32, #tpu.memory_space<vmem>>
      %dma_start3A_35 = tpu.memref_squeeze %dma_start3A_34 : memref<1x10x80xi32, #tpu.memory_space<vmem>> -> memref<10x80xi32, #tpu.memory_space<vmem>>
      %dma_start3A_36 = arith.constant 0 : i32
      %dma_start3A_37 = tpu.memref_slice %arg6[%add3A_24, %dma_start3A_36] : memref<4000x80xi32, #tpu.memory_space<hbm>> -> memref<10x80xi32, #tpu.memory_space<hbm>>
      tpu.enqueue_dma source(%dma_start3A_37 : memref<10x80xi32, #tpu.memory_space<hbm>>) target(%dma_start3A_35 : memref<10x80xi32, #tpu.memory_space<vmem>>) target_semaphore(%arg14 : memref<!tpu.dma_semaphore, #tpu.memory_space<semaphore_mem>>)
      %scan3A = arith.constant 0 : i32
      %scan3A_38 = arith.constant 0 : i32
      %scan3A_39 = arith.constant 25 : i32
      %scan3A_40 = arith.addi %scan3A_38, %scan3A_39 : i32
      %scan3A_41 = arith.constant 1 : i32
      scf.for %scan3A_183 = %scan3A_38 to %scan3A_40 step %scan3A_41  : i32 {
        %jit3A = arith.constant 2 : i32
        %eq3A_184 = arith.constant 0 : i32
        %eq3A_185 = arith.cmpi eq, %jit3A, %eq3A_184 : i32
        %jit3A_186 = arith.constant 1 : i32
        %select_n3A = arith.select %eq3A_185, %jit3A_186, %jit3A : i32
        %rem3A = arith.remsi %scan3A_183, %select_n3A : i32
        %ne3A = arith.constant 0 : i32
        %ne3A_187 = arith.cmpi ne, %rem3A, %ne3A : i32
        %lt3A = arith.constant 0 : i32
        %lt3A_188 = arith.cmpi slt, %rem3A, %lt3A : i32
        %lt3A_189 = arith.constant 0 : i32
        %lt3A_190 = arith.cmpi slt, %select_n3A, %lt3A_189 : i32
        %ne3A_191 = arith.xori %lt3A_188, %lt3A_190 : i1
        %and3A = arith.andi %ne3A_191, %ne3A_187 : i1
        %add3A_192 = arith.addi %rem3A, %select_n3A : i32
        %select_n3A_193 = arith.select %and3A, %add3A_192, %rem3A : i32
        %dma_wait3A_194 = arith.constant 0 : i32
        %dma_wait3A_195 = arith.constant 0 : i32
        %dma_wait3A_196 = tpu.memref_slice %arg11[%select_n3A_193, %dma_wait3A_194, %dma_wait3A_195] : memref<2x10x80xi32, #tpu.memory_space<vmem>> -> memref<1x10x80xi32, #tpu.memory_space<vmem>>
        %dma_wait3A_197 = tpu.memref_squeeze %dma_wait3A_196 : memref<1x10x80xi32, #tpu.memory_space<vmem>> -> memref<10x80xi32, #tpu.memory_space<vmem>>
        %dma_wait3A_198 = arith.constant 0 : i32
        %dma_wait3A_199 = tpu.memref_slice %arg4[%mul3A_9, %dma_wait3A_198] : memref<4000x80xi32, #tpu.memory_space<hbm>> -> memref<10x80xi32, #tpu.memory_space<hbm>>
        %dma_wait3A_200 = arith.constant 0 : i32
        %dma_wait3A_201 = arith.constant 0 : i32
        %dma_wait3A_202 = tpu.memref_slice %arg11[%select_n3A_193, %dma_wait3A_200, %dma_wait3A_201] : memref<2x10x80xi32, #tpu.memory_space<vmem>> -> memref<1x10x80xi32, #tpu.memory_space<vmem>>
        %dma_wait3A_203 = tpu.memref_squeeze %dma_wait3A_202 : memref<1x10x80xi32, #tpu.memory_space<vmem>> -> memref<10x80xi32, #tpu.memory_space<vmem>>
        %dma_wait3A_204 = arith.constant 0 : i32
        %dma_wait3A_205 = tpu.memref_slice %arg4[%mul3A_9, %dma_wait3A_204] : memref<4000x80xi32, #tpu.memory_space<hbm>> -> memref<10x80xi32, #tpu.memory_space<hbm>>
        tpu.wait_dma2 semaphore(%arg14 : memref<!tpu.dma_semaphore, #tpu.memory_space<semaphore_mem>>) src(%dma_wait3A_205 : memref<10x80xi32, #tpu.memory_space<hbm>>) dst(%dma_wait3A_203 : memref<10x80xi32, #tpu.memory_space<vmem>>)
        %dma_wait3A_206 = arith.constant 0 : i32
        %dma_wait3A_207 = arith.constant 0 : i32
        %dma_wait3A_208 = tpu.memref_slice %arg12[%select_n3A_193, %dma_wait3A_206, %dma_wait3A_207] : memref<2x10x80xi32, #tpu.memory_space<vmem>> -> memref<1x10x80xi32, #tpu.memory_space<vmem>>
        %dma_wait3A_209 = tpu.memref_squeeze %dma_wait3A_208 : memref<1x10x80xi32, #tpu.memory_space<vmem>> -> memref<10x80xi32, #tpu.memory_space<vmem>>
        %dma_wait3A_210 = arith.constant 0 : i32
        %dma_wait3A_211 = tpu.memref_slice %arg6[%mul3A_9, %dma_wait3A_210] : memref<4000x80xi32, #tpu.memory_space<hbm>> -> memref<10x80xi32, #tpu.memory_space<hbm>>
        %dma_wait3A_212 = arith.constant 0 : i32
        %dma_wait3A_213 = arith.constant 0 : i32
        %dma_wait3A_214 = tpu.memref_slice %arg12[%select_n3A_193, %dma_wait3A_212, %dma_wait3A_213] : memref<2x10x80xi32, #tpu.memory_space<vmem>> -> memref<1x10x80xi32, #tpu.memory_space<vmem>>
        %dma_wait3A_215 = tpu.memref_squeeze %dma_wait3A_214 : memref<1x10x80xi32, #tpu.memory_space<vmem>> -> memref<10x80xi32, #tpu.memory_space<vmem>>
        %dma_wait3A_216 = arith.constant 0 : i32
        %dma_wait3A_217 = tpu.memref_slice %arg6[%mul3A_9, %dma_wait3A_216] : memref<4000x80xi32, #tpu.memory_space<hbm>> -> memref<10x80xi32, #tpu.memory_space<hbm>>
        tpu.wait_dma2 semaphore(%arg14 : memref<!tpu.dma_semaphore, #tpu.memory_space<semaphore_mem>>) src(%dma_wait3A_217 : memref<10x80xi32, #tpu.memory_space<hbm>>) dst(%dma_wait3A_215 : memref<10x80xi32, #tpu.memory_space<vmem>>)
        %dma_start3A_218 = arith.constant 0 : i32
        %dma_start3A_219 = arith.constant 0 : i32
        %dma_start3A_220 = arith.constant 0 : i32
        %dma_start3A_221 = arith.constant 0 : i32
        %dma_start3A_222 = tpu.memref_slice %arg13[%select_n3A_193, %dma_start3A_219, %dma_start3A_220, %dma_start3A_221] : memref<2x10x80x32xf32, #tpu.memory_space<vmem>> -> memref<1x1x80x32xf32, #tpu.memory_space<vmem>>
        %dma_start3A_223 = tpu.memref_squeeze %dma_start3A_222 : memref<1x1x80x32xf32, #tpu.memory_space<vmem>> -> memref<80x32xf32, #tpu.memory_space<vmem>>
        %dma_start3A_224 = arith.constant 0 : i32
        %dma_start3A_225 = tpu.memref_slice %arg11[%select_n3A_193, %dma_start3A_218, %dma_start3A_224] : memref<2x10x80xi32, #tpu.memory_space<vmem>> -> memref<1x1x80xi32, #tpu.memory_space<vmem>>
        %dma_start3A_226 = tpu.memref_squeeze %dma_start3A_225 : memref<1x1x80xi32, #tpu.memory_space<vmem>> -> memref<80xi32, #tpu.memory_space<vmem>>
        %dma_start3A_227 = arith.constant 0 : i32
        %dma_start3A_228 = arith.constant 0 : i32
        %dma_start3A_229 = tpu.memref_slice %arg2[%dma_start3A_227, %dma_start3A_228] : memref<10016x32xf32, #tpu.memory_space<hbm>> -> memref<10016x32xf32, #tpu.memory_space<hbm>>
        tpu.enqueue_indirect_dma source(%dma_start3A_229 : memref<10016x32xf32, #tpu.memory_space<hbm>>) target(%dma_start3A_223 : memref<80x32xf32, #tpu.memory_space<vmem>>) offsets(%dma_start3A_226 : memref<80xi32, #tpu.memory_space<vmem>>) semaphore(%arg15 : memref<!tpu.dma_semaphore, #tpu.memory_space<semaphore_mem>>)
        %dma_start3A_230 = arith.constant 1 : i32
        %dma_start3A_231 = arith.constant 1 : i32
        %dma_start3A_232 = arith.constant 0 : i32
        %dma_start3A_233 = arith.constant 0 : i32
        %dma_start3A_234 = tpu.memref_slice %arg13[%select_n3A_193, %dma_start3A_231, %dma_start3A_232, %dma_start3A_233] : memref<2x10x80x32xf32, #tpu.memory_space<vmem>> -> memref<1x1x80x32xf32, #tpu.memory_space<vmem>>
        %dma_start3A_235 = tpu.memref_squeeze %dma_start3A_234 : memref<1x1x80x32xf32, #tpu.memory_space<vmem>> -> memref<80x32xf32, #tpu.memory_space<vmem>>
        %dma_start3A_236 = arith.constant 0 : i32
        %dma_start3A_237 = tpu.memref_slice %arg11[%select_n3A_193, %dma_start3A_230, %dma_start3A_236] : memref<2x10x80xi32, #tpu.memory_space<vmem>> -> memref<1x1x80xi32, #tpu.memory_space<vmem>>
        %dma_start3A_238 = tpu.memref_squeeze %dma_start3A_237 : memref<1x1x80xi32, #tpu.memory_space<vmem>> -> memref<80xi32, #tpu.memory_space<vmem>>
        %dma_start3A_239 = arith.constant 0 : i32
        %dma_start3A_240 = arith.constant 0 : i32
        %dma_start3A_241 = tpu.memref_slice %arg2[%dma_start3A_239, %dma_start3A_240] : memref<10016x32xf32, #tpu.memory_space<hbm>> -> memref<10016x32xf32, #tpu.memory_space<hbm>>
        tpu.enqueue_indirect_dma source(%dma_start3A_241 : memref<10016x32xf32, #tpu.memory_space<hbm>>) target(%dma_start3A_235 : memref<80x32xf32, #tpu.memory_space<vmem>>) offsets(%dma_start3A_238 : memref<80xi32, #tpu.memory_space<vmem>>) semaphore(%arg15 : memref<!tpu.dma_semaphore, #tpu.memory_space<semaphore_mem>>)
        %dma_start3A_242 = arith.constant 2 : i32
        %dma_start3A_243 = arith.constant 2 : i32
        %dma_start3A_244 = arith.constant 0 : i32
        %dma_start3A_245 = arith.constant 0 : i32
        %dma_start3A_246 = tpu.memref_slice %arg13[%select_n3A_193, %dma_start3A_243, %dma_start3A_244, %dma_start3A_245] : memref<2x10x80x32xf32, #tpu.memory_space<vmem>> -> memref<1x1x80x32xf32, #tpu.memory_space<vmem>>
        %dma_start3A_247 = tpu.memref_squeeze %dma_start3A_246 : memref<1x1x80x32xf32, #tpu.memory_space<vmem>> -> memref<80x32xf32, #tpu.memory_space<vmem>>
        %dma_start3A_248 = arith.constant 0 : i32
        %dma_start3A_249 = tpu.memref_slice %arg11[%select_n3A_193, %dma_start3A_242, %dma_start3A_248] : memref<2x10x80xi32, #tpu.memory_space<vmem>> -> memref<1x1x80xi32, #tpu.memory_space<vmem>>
        %dma_start3A_250 = tpu.memref_squeeze %dma_start3A_249 : memref<1x1x80xi32, #tpu.memory_space<vmem>> -> memref<80xi32, #tpu.memory_space<vmem>>
        %dma_start3A_251 = arith.constant 0 : i32
        %dma_start3A_252 = arith.constant 0 : i32
        %dma_start3A_253 = tpu.memref_slice %arg2[%dma_start3A_251, %dma_start3A_252] : memref<10016x32xf32, #tpu.memory_space<hbm>> -> memref<10016x32xf32, #tpu.memory_space<hbm>>
        tpu.enqueue_indirect_dma source(%dma_start3A_253 : memref<10016x32xf32, #tpu.memory_space<hbm>>) target(%dma_start3A_247 : memref<80x32xf32, #tpu.memory_space<vmem>>) offsets(%dma_start3A_250 : memref<80xi32, #tpu.memory_space<vmem>>) semaphore(%arg15 : memref<!tpu.dma_semaphore, #tpu.memory_space<semaphore_mem>>)
        %dma_start3A_254 = arith.constant 3 : i32
        %dma_start3A_255 = arith.constant 3 : i32
        %dma_start3A_256 = arith.constant 0 : i32
        %dma_start3A_257 = arith.constant 0 : i32
        %dma_start3A_258 = tpu.memref_slice %arg13[%select_n3A_193, %dma_start3A_255, %dma_start3A_256, %dma_start3A_257] : memref<2x10x80x32xf32, #tpu.memory_space<vmem>> -> memref<1x1x80x32xf32, #tpu.memory_space<vmem>>
        %dma_start3A_259 = tpu.memref_squeeze %dma_start3A_258 : memref<1x1x80x32xf32, #tpu.memory_space<vmem>> -> memref<80x32xf32, #tpu.memory_space<vmem>>
        %dma_start3A_260 = arith.constant 0 : i32
        %dma_start3A_261 = tpu.memref_slice %arg11[%select_n3A_193, %dma_start3A_254, %dma_start3A_260] : memref<2x10x80xi32, #tpu.memory_space<vmem>> -> memref<1x1x80xi32, #tpu.memory_space<vmem>>
        %dma_start3A_262 = tpu.memref_squeeze %dma_start3A_261 : memref<1x1x80xi32, #tpu.memory_space<vmem>> -> memref<80xi32, #tpu.memory_space<vmem>>
        %dma_start3A_263 = arith.constant 0 : i32
        %dma_start3A_264 = arith.constant 0 : i32
        %dma_start3A_265 = tpu.memref_slice %arg2[%dma_start3A_263, %dma_start3A_264] : memref<10016x32xf32, #tpu.memory_space<hbm>> -> memref<10016x32xf32, #tpu.memory_space<hbm>>
        tpu.enqueue_indirect_dma source(%dma_start3A_265 : memref<10016x32xf32, #tpu.memory_space<hbm>>) target(%dma_start3A_259 : memref<80x32xf32, #tpu.memory_space<vmem>>) offsets(%dma_start3A_262 : memref<80xi32, #tpu.memory_space<vmem>>) semaphore(%arg15 : memref<!tpu.dma_semaphore, #tpu.memory_space<semaphore_mem>>)
        %dma_start3A_266 = arith.constant 4 : i32
        %dma_start3A_267 = arith.constant 4 : i32
        %dma_start3A_268 = arith.constant 0 : i32
        %dma_start3A_269 = arith.constant 0 : i32
        %dma_start3A_270 = tpu.memref_slice %arg13[%select_n3A_193, %dma_start3A_267, %dma_start3A_268, %dma_start3A_269] : memref<2x10x80x32xf32, #tpu.memory_space<vmem>> -> memref<1x1x80x32xf32, #tpu.memory_space<vmem>>
        %dma_start3A_271 = tpu.memref_squeeze %dma_start3A_270 : memref<1x1x80x32xf32, #tpu.memory_space<vmem>> -> memref<80x32xf32, #tpu.memory_space<vmem>>
        %dma_start3A_272 = arith.constant 0 : i32
        %dma_start3A_273 = tpu.memref_slice %arg11[%select_n3A_193, %dma_start3A_266, %dma_start3A_272] : memref<2x10x80xi32, #tpu.memory_space<vmem>> -> memref<1x1x80xi32, #tpu.memory_space<vmem>>
        %dma_start3A_274 = tpu.memref_squeeze %dma_start3A_273 : memref<1x1x80xi32, #tpu.memory_space<vmem>> -> memref<80xi32, #tpu.memory_space<vmem>>
        %dma_start3A_275 = arith.constant 0 : i32
        %dma_start3A_276 = arith.constant 0 : i32
        %dma_start3A_277 = tpu.memref_slice %arg2[%dma_start3A_275, %dma_start3A_276] : memref<10016x32xf32, #tpu.memory_space<hbm>> -> memref<10016x32xf32, #tpu.memory_space<hbm>>
        tpu.enqueue_indirect_dma source(%dma_start3A_277 : memref<10016x32xf32, #tpu.memory_space<hbm>>) target(%dma_start3A_271 : memref<80x32xf32, #tpu.memory_space<vmem>>) offsets(%dma_start3A_274 : memref<80xi32, #tpu.memory_space<vmem>>) semaphore(%arg15 : memref<!tpu.dma_semaphore, #tpu.memory_space<semaphore_mem>>)
        %dma_start3A_278 = arith.constant 5 : i32
        %dma_start3A_279 = arith.constant 5 : i32
        %dma_start3A_280 = arith.constant 0 : i32
        %dma_start3A_281 = arith.constant 0 : i32
        %dma_start3A_282 = tpu.memref_slice %arg13[%select_n3A_193, %dma_start3A_279, %dma_start3A_280, %dma_start3A_281] : memref<2x10x80x32xf32, #tpu.memory_space<vmem>> -> memref<1x1x80x32xf32, #tpu.memory_space<vmem>>
        %dma_start3A_283 = tpu.memref_squeeze %dma_start3A_282 : memref<1x1x80x32xf32, #tpu.memory_space<vmem>> -> memref<80x32xf32, #tpu.memory_space<vmem>>
        %dma_start3A_284 = arith.constant 0 : i32
        %dma_start3A_285 = tpu.memref_slice %arg11[%select_n3A_193, %dma_start3A_278, %dma_start3A_284] : memref<2x10x80xi32, #tpu.memory_space<vmem>> -> memref<1x1x80xi32, #tpu.memory_space<vmem>>
        %dma_start3A_286 = tpu.memref_squeeze %dma_start3A_285 : memref<1x1x80xi32, #tpu.memory_space<vmem>> -> memref<80xi32, #tpu.memory_space<vmem>>
        %dma_start3A_287 = arith.constant 0 : i32
        %dma_start3A_288 = arith.constant 0 : i32
        %dma_start3A_289 = tpu.memref_slice %arg2[%dma_start3A_287, %dma_start3A_288] : memref<10016x32xf32, #tpu.memory_space<hbm>> -> memref<10016x32xf32, #tpu.memory_space<hbm>>
        tpu.enqueue_indirect_dma source(%dma_start3A_289 : memref<10016x32xf32, #tpu.memory_space<hbm>>) target(%dma_start3A_283 : memref<80x32xf32, #tpu.memory_space<vmem>>) offsets(%dma_start3A_286 : memref<80xi32, #tpu.memory_space<vmem>>) semaphore(%arg15 : memref<!tpu.dma_semaphore, #tpu.memory_space<semaphore_mem>>)
        %dma_start3A_290 = arith.constant 6 : i32
        %dma_start3A_291 = arith.constant 6 : i32
        %dma_start3A_292 = arith.constant 0 : i32
        %dma_start3A_293 = arith.constant 0 : i32
        %dma_start3A_294 = tpu.memref_slice %arg13[%select_n3A_193, %dma_start3A_291, %dma_start3A_292, %dma_start3A_293] : memref<2x10x80x32xf32, #tpu.memory_space<vmem>> -> memref<1x1x80x32xf32, #tpu.memory_space<vmem>>
        %dma_start3A_295 = tpu.memref_squeeze %dma_start3A_294 : memref<1x1x80x32xf32, #tpu.memory_space<vmem>> -> memref<80x32xf32, #tpu.memory_space<vmem>>
        %dma_start3A_296 = arith.constant 0 : i32
        %dma_start3A_297 = tpu.memref_slice %arg11[%select_n3A_193, %dma_start3A_290, %dma_start3A_296] : memref<2x10x80xi32, #tpu.memory_space<vmem>> -> memref<1x1x80xi32, #tpu.memory_space<vmem>>
        %dma_start3A_298 = tpu.memref_squeeze %dma_start3A_297 : memref<1x1x80xi32, #tpu.memory_space<vmem>> -> memref<80xi32, #tpu.memory_space<vmem>>
        %dma_start3A_299 = arith.constant 0 : i32
        %dma_start3A_300 = arith.constant 0 : i32
        %dma_start3A_301 = tpu.memref_slice %arg2[%dma_start3A_299, %dma_start3A_300] : memref<10016x32xf32, #tpu.memory_space<hbm>> -> memref<10016x32xf32, #tpu.memory_space<hbm>>
        tpu.enqueue_indirect_dma source(%dma_start3A_301 : memref<10016x32xf32, #tpu.memory_space<hbm>>) target(%dma_start3A_295 : memref<80x32xf32, #tpu.memory_space<vmem>>) offsets(%dma_start3A_298 : memref<80xi32, #tpu.memory_space<vmem>>) semaphore(%arg15 : memref<!tpu.dma_semaphore, #tpu.memory_space<semaphore_mem>>)
        %dma_start3A_302 = arith.constant 7 : i32
        %dma_start3A_303 = arith.constant 7 : i32
        %dma_start3A_304 = arith.constant 0 : i32
        %dma_start3A_305 = arith.constant 0 : i32
        %dma_start3A_306 = tpu.memref_slice %arg13[%select_n3A_193, %dma_start3A_303, %dma_start3A_304, %dma_start3A_305] : memref<2x10x80x32xf32, #tpu.memory_space<vmem>> -> memref<1x1x80x32xf32, #tpu.memory_space<vmem>>
        %dma_start3A_307 = tpu.memref_squeeze %dma_start3A_306 : memref<1x1x80x32xf32, #tpu.memory_space<vmem>> -> memref<80x32xf32, #tpu.memory_space<vmem>>
        %dma_start3A_308 = arith.constant 0 : i32
        %dma_start3A_309 = tpu.memref_slice %arg11[%select_n3A_193, %dma_start3A_302, %dma_start3A_308] : memref<2x10x80xi32, #tpu.memory_space<vmem>> -> memref<1x1x80xi32, #tpu.memory_space<vmem>>
        %dma_start3A_310 = tpu.memref_squeeze %dma_start3A_309 : memref<1x1x80xi32, #tpu.memory_space<vmem>> -> memref<80xi32, #tpu.memory_space<vmem>>
        %dma_start3A_311 = arith.constant 0 : i32
        %dma_start3A_312 = arith.constant 0 : i32
        %dma_start3A_313 = tpu.memref_slice %arg2[%dma_start3A_311, %dma_start3A_312] : memref<10016x32xf32, #tpu.memory_space<hbm>> -> memref<10016x32xf32, #tpu.memory_space<hbm>>
        tpu.enqueue_indirect_dma source(%dma_start3A_313 : memref<10016x32xf32, #tpu.memory_space<hbm>>) target(%dma_start3A_307 : memref<80x32xf32, #tpu.memory_space<vmem>>) offsets(%dma_start3A_310 : memref<80xi32, #tpu.memory_space<vmem>>) semaphore(%arg15 : memref<!tpu.dma_semaphore, #tpu.memory_space<semaphore_mem>>)
        %dma_start3A_314 = arith.constant 8 : i32
        %dma_start3A_315 = arith.constant 8 : i32
        %dma_start3A_316 = arith.constant 0 : i32
        %dma_start3A_317 = arith.constant 0 : i32
        %dma_start3A_318 = tpu.memref_slice %arg13[%select_n3A_193, %dma_start3A_315, %dma_start3A_316, %dma_start3A_317] : memref<2x10x80x32xf32, #tpu.memory_space<vmem>> -> memref<1x1x80x32xf32, #tpu.memory_space<vmem>>
        %dma_start3A_319 = tpu.memref_squeeze %dma_start3A_318 : memref<1x1x80x32xf32, #tpu.memory_space<vmem>> -> memref<80x32xf32, #tpu.memory_space<vmem>>
        %dma_start3A_320 = arith.constant 0 : i32
        %dma_start3A_321 = tpu.memref_slice %arg11[%select_n3A_193, %dma_start3A_314, %dma_start3A_320] : memref<2x10x80xi32, #tpu.memory_space<vmem>> -> memref<1x1x80xi32, #tpu.memory_space<vmem>>
        %dma_start3A_322 = tpu.memref_squeeze %dma_start3A_321 : memref<1x1x80xi32, #tpu.memory_space<vmem>> -> memref<80xi32, #tpu.memory_space<vmem>>
        %dma_start3A_323 = arith.constant 0 : i32
        %dma_start3A_324 = arith.constant 0 : i32
        %dma_start3A_325 = tpu.memref_slice %arg2[%dma_start3A_323, %dma_start3A_324] : memref<10016x32xf32, #tpu.memory_space<hbm>> -> memref<10016x32xf32, #tpu.memory_space<hbm>>
        tpu.enqueue_indirect_dma source(%dma_start3A_325 : memref<10016x32xf32, #tpu.memory_space<hbm>>) target(%dma_start3A_319 : memref<80x32xf32, #tpu.memory_space<vmem>>) offsets(%dma_start3A_322 : memref<80xi32, #tpu.memory_space<vmem>>) semaphore(%arg15 : memref<!tpu.dma_semaphore, #tpu.memory_space<semaphore_mem>>)
        %dma_start3A_326 = arith.constant 9 : i32
        %dma_start3A_327 = arith.constant 9 : i32
        %dma_start3A_328 = arith.constant 0 : i32
        %dma_start3A_329 = arith.constant 0 : i32
        %dma_start3A_330 = tpu.memref_slice %arg13[%select_n3A_193, %dma_start3A_327, %dma_start3A_328, %dma_start3A_329] : memref<2x10x80x32xf32, #tpu.memory_space<vmem>> -> memref<1x1x80x32xf32, #tpu.memory_space<vmem>>
        %dma_start3A_331 = tpu.memref_squeeze %dma_start3A_330 : memref<1x1x80x32xf32, #tpu.memory_space<vmem>> -> memref<80x32xf32, #tpu.memory_space<vmem>>
        %dma_start3A_332 = arith.constant 0 : i32
        %dma_start3A_333 = tpu.memref_slice %arg11[%select_n3A_193, %dma_start3A_326, %dma_start3A_332] : memref<2x10x80xi32, #tpu.memory_space<vmem>> -> memref<1x1x80xi32, #tpu.memory_space<vmem>>
        %dma_start3A_334 = tpu.memref_squeeze %dma_start3A_333 : memref<1x1x80xi32, #tpu.memory_space<vmem>> -> memref<80xi32, #tpu.memory_space<vmem>>
        %dma_start3A_335 = arith.constant 0 : i32
        %dma_start3A_336 = arith.constant 0 : i32
        %dma_start3A_337 = tpu.memref_slice %arg2[%dma_start3A_335, %dma_start3A_336] : memref<10016x32xf32, #tpu.memory_space<hbm>> -> memref<10016x32xf32, #tpu.memory_space<hbm>>
        tpu.enqueue_indirect_dma source(%dma_start3A_337 : memref<10016x32xf32, #tpu.memory_space<hbm>>) target(%dma_start3A_331 : memref<80x32xf32, #tpu.memory_space<vmem>>) offsets(%dma_start3A_334 : memref<80xi32, #tpu.memory_space<vmem>>) semaphore(%arg15 : memref<!tpu.dma_semaphore, #tpu.memory_space<semaphore_mem>>)
        %dma_wait3A_338 = arith.constant 0 : i32
        %dma_wait3A_339 = arith.constant 0 : i32
        %dma_wait3A_340 = arith.constant 0 : i32
        %dma_wait3A_341 = arith.constant 0 : i32
        %dma_wait3A_342 = tpu.memref_slice %arg13[%select_n3A_193, %dma_wait3A_339, %dma_wait3A_340, %dma_wait3A_341] : memref<2x10x80x32xf32, #tpu.memory_space<vmem>> -> memref<1x1x80x32xf32, #tpu.memory_space<vmem>>
        %dma_wait3A_343 = tpu.memref_squeeze %dma_wait3A_342 : memref<1x1x80x32xf32, #tpu.memory_space<vmem>> -> memref<80x32xf32, #tpu.memory_space<vmem>>
        %dma_wait3A_344 = arith.constant 0 : i32
        %dma_wait3A_345 = tpu.memref_slice %arg11[%select_n3A_193, %dma_wait3A_338, %dma_wait3A_344] : memref<2x10x80xi32, #tpu.memory_space<vmem>> -> memref<1x1x80xi32, #tpu.memory_space<vmem>>
        %dma_wait3A_346 = tpu.memref_squeeze %dma_wait3A_345 : memref<1x1x80xi32, #tpu.memory_space<vmem>> -> memref<80xi32, #tpu.memory_space<vmem>>
        %dma_wait3A_347 = arith.constant 0 : i32
        %dma_wait3A_348 = arith.constant 0 : i32
        %dma_wait3A_349 = tpu.memref_slice %arg2[%dma_wait3A_347, %dma_wait3A_348] : memref<10016x32xf32, #tpu.memory_space<hbm>> -> memref<10016x32xf32, #tpu.memory_space<hbm>>
        tpu.wait_indirect_dma semaphore(%arg15 : memref<!tpu.dma_semaphore, #tpu.memory_space<semaphore_mem>>) src(%dma_wait3A_349 : memref<10016x32xf32, #tpu.memory_space<hbm>>) dst(%dma_wait3A_343 : memref<80x32xf32, #tpu.memory_space<vmem>>)
        %dma_wait3A_350 = arith.constant 1 : i32
        %dma_wait3A_351 = arith.constant 1 : i32
        %dma_wait3A_352 = arith.constant 0 : i32
        %dma_wait3A_353 = arith.constant 0 : i32
        %dma_wait3A_354 = tpu.memref_slice %arg13[%select_n3A_193, %dma_wait3A_351, %dma_wait3A_352, %dma_wait3A_353] : memref<2x10x80x32xf32, #tpu.memory_space<vmem>> -> memref<1x1x80x32xf32, #tpu.memory_space<vmem>>
        %dma_wait3A_355 = tpu.memref_squeeze %dma_wait3A_354 : memref<1x1x80x32xf32, #tpu.memory_space<vmem>> -> memref<80x32xf32, #tpu.memory_space<vmem>>
        %dma_wait3A_356 = arith.constant 0 : i32
        %dma_wait3A_357 = tpu.memref_slice %arg11[%select_n3A_193, %dma_wait3A_350, %dma_wait3A_356] : memref<2x10x80xi32, #tpu.memory_space<vmem>> -> memref<1x1x80xi32, #tpu.memory_space<vmem>>
        %dma_wait3A_358 = tpu.memref_squeeze %dma_wait3A_357 : memref<1x1x80xi32, #tpu.memory_space<vmem>> -> memref<80xi32, #tpu.memory_space<vmem>>
        %dma_wait3A_359 = arith.constant 0 : i32
        %dma_wait3A_360 = arith.constant 0 : i32
        %dma_wait3A_361 = tpu.memref_slice %arg2[%dma_wait3A_359, %dma_wait3A_360] : memref<10016x32xf32, #tpu.memory_space<hbm>> -> memref<10016x32xf32, #tpu.memory_space<hbm>>
        tpu.wait_indirect_dma semaphore(%arg15 : memref<!tpu.dma_semaphore, #tpu.memory_space<semaphore_mem>>) src(%dma_wait3A_361 : memref<10016x32xf32, #tpu.memory_space<hbm>>) dst(%dma_wait3A_355 : memref<80x32xf32, #tpu.memory_space<vmem>>)
        %dma_wait3A_362 = arith.constant 2 : i32
        %dma_wait3A_363 = arith.constant 2 : i32
        %dma_wait3A_364 = arith.constant 0 : i32
        %dma_wait3A_365 = arith.constant 0 : i32
        %dma_wait3A_366 = tpu.memref_slice %arg13[%select_n3A_193, %dma_wait3A_363, %dma_wait3A_364, %dma_wait3A_365] : memref<2x10x80x32xf32, #tpu.memory_space<vmem>> -> memref<1x1x80x32xf32, #tpu.memory_space<vmem>>
        %dma_wait3A_367 = tpu.memref_squeeze %dma_wait3A_366 : memref<1x1x80x32xf32, #tpu.memory_space<vmem>> -> memref<80x32xf32, #tpu.memory_space<vmem>>
        %dma_wait3A_368 = arith.constant 0 : i32
        %dma_wait3A_369 = tpu.memref_slice %arg11[%select_n3A_193, %dma_wait3A_362, %dma_wait3A_368] : memref<2x10x80xi32, #tpu.memory_space<vmem>> -> memref<1x1x80xi32, #tpu.memory_space<vmem>>
        %dma_wait3A_370 = tpu.memref_squeeze %dma_wait3A_369 : memref<1x1x80xi32, #tpu.memory_space<vmem>> -> memref<80xi32, #tpu.memory_space<vmem>>
        %dma_wait3A_371 = arith.constant 0 : i32
        %dma_wait3A_372 = arith.constant 0 : i32
        %dma_wait3A_373 = tpu.memref_slice %arg2[%dma_wait3A_371, %dma_wait3A_372] : memref<10016x32xf32, #tpu.memory_space<hbm>> -> memref<10016x32xf32, #tpu.memory_space<hbm>>
        tpu.wait_indirect_dma semaphore(%arg15 : memref<!tpu.dma_semaphore, #tpu.memory_space<semaphore_mem>>) src(%dma_wait3A_373 : memref<10016x32xf32, #tpu.memory_space<hbm>>) dst(%dma_wait3A_367 : memref<80x32xf32, #tpu.memory_space<vmem>>)
        %dma_wait3A_374 = arith.constant 3 : i32
        %dma_wait3A_375 = arith.constant 3 : i32
        %dma_wait3A_376 = arith.constant 0 : i32
        %dma_wait3A_377 = arith.constant 0 : i32
        %dma_wait3A_378 = tpu.memref_slice %arg13[%select_n3A_193, %dma_wait3A_375, %dma_wait3A_376, %dma_wait3A_377] : memref<2x10x80x32xf32, #tpu.memory_space<vmem>> -> memref<1x1x80x32xf32, #tpu.memory_space<vmem>>
        %dma_wait3A_379 = tpu.memref_squeeze %dma_wait3A_378 : memref<1x1x80x32xf32, #tpu.memory_space<vmem>> -> memref<80x32xf32, #tpu.memory_space<vmem>>
        %dma_wait3A_380 = arith.constant 0 : i32
        %dma_wait3A_381 = tpu.memref_slice %arg11[%select_n3A_193, %dma_wait3A_374, %dma_wait3A_380] : memref<2x10x80xi32, #tpu.memory_space<vmem>> -> memref<1x1x80xi32, #tpu.memory_space<vmem>>
        %dma_wait3A_382 = tpu.memref_squeeze %dma_wait3A_381 : memref<1x1x80xi32, #tpu.memory_space<vmem>> -> memref<80xi32, #tpu.memory_space<vmem>>
        %dma_wait3A_383 = arith.constant 0 : i32
        %dma_wait3A_384 = arith.constant 0 : i32
        %dma_wait3A_385 = tpu.memref_slice %arg2[%dma_wait3A_383, %dma_wait3A_384] : memref<10016x32xf32, #tpu.memory_space<hbm>> -> memref<10016x32xf32, #tpu.memory_space<hbm>>
        tpu.wait_indirect_dma semaphore(%arg15 : memref<!tpu.dma_semaphore, #tpu.memory_space<semaphore_mem>>) src(%dma_wait3A_385 : memref<10016x32xf32, #tpu.memory_space<hbm>>) dst(%dma_wait3A_379 : memref<80x32xf32, #tpu.memory_space<vmem>>)
        %dma_wait3A_386 = arith.constant 4 : i32
        %dma_wait3A_387 = arith.constant 4 : i32
        %dma_wait3A_388 = arith.constant 0 : i32
        %dma_wait3A_389 = arith.constant 0 : i32
        %dma_wait3A_390 = tpu.memref_slice %arg13[%select_n3A_193, %dma_wait3A_387, %dma_wait3A_388, %dma_wait3A_389] : memref<2x10x80x32xf32, #tpu.memory_space<vmem>> -> memref<1x1x80x32xf32, #tpu.memory_space<vmem>>
        %dma_wait3A_391 = tpu.memref_squeeze %dma_wait3A_390 : memref<1x1x80x32xf32, #tpu.memory_space<vmem>> -> memref<80x32xf32, #tpu.memory_space<vmem>>
        %dma_wait3A_392 = arith.constant 0 : i32
        %dma_wait3A_393 = tpu.memref_slice %arg11[%select_n3A_193, %dma_wait3A_386, %dma_wait3A_392] : memref<2x10x80xi32, #tpu.memory_space<vmem>> -> memref<1x1x80xi32, #tpu.memory_space<vmem>>
        %dma_wait3A_394 = tpu.memref_squeeze %dma_wait3A_393 : memref<1x1x80xi32, #tpu.memory_space<vmem>> -> memref<80xi32, #tpu.memory_space<vmem>>
        %dma_wait3A_395 = arith.constant 0 : i32
        %dma_wait3A_396 = arith.constant 0 : i32
        %dma_wait3A_397 = tpu.memref_slice %arg2[%dma_wait3A_395, %dma_wait3A_396] : memref<10016x32xf32, #tpu.memory_space<hbm>> -> memref<10016x32xf32, #tpu.memory_space<hbm>>
        tpu.wait_indirect_dma semaphore(%arg15 : memref<!tpu.dma_semaphore, #tpu.memory_space<semaphore_mem>>) src(%dma_wait3A_397 : memref<10016x32xf32, #tpu.memory_space<hbm>>) dst(%dma_wait3A_391 : memref<80x32xf32, #tpu.memory_space<vmem>>)
        %dma_wait3A_398 = arith.constant 5 : i32
        %dma_wait3A_399 = arith.constant 5 : i32
        %dma_wait3A_400 = arith.constant 0 : i32
        %dma_wait3A_401 = arith.constant 0 : i32
        %dma_wait3A_402 = tpu.memref_slice %arg13[%select_n3A_193, %dma_wait3A_399, %dma_wait3A_400, %dma_wait3A_401] : memref<2x10x80x32xf32, #tpu.memory_space<vmem>> -> memref<1x1x80x32xf32, #tpu.memory_space<vmem>>
        %dma_wait3A_403 = tpu.memref_squeeze %dma_wait3A_402 : memref<1x1x80x32xf32, #tpu.memory_space<vmem>> -> memref<80x32xf32, #tpu.memory_space<vmem>>
        %dma_wait3A_404 = arith.constant 0 : i32
        %dma_wait3A_405 = tpu.memref_slice %arg11[%select_n3A_193, %dma_wait3A_398, %dma_wait3A_404] : memref<2x10x80xi32, #tpu.memory_space<vmem>> -> memref<1x1x80xi32, #tpu.memory_space<vmem>>
        %dma_wait3A_406 = tpu.memref_squeeze %dma_wait3A_405 : memref<1x1x80xi32, #tpu.memory_space<vmem>> -> memref<80xi32, #tpu.memory_space<vmem>>
        %dma_wait3A_407 = arith.constant 0 : i32
        %dma_wait3A_408 = arith.constant 0 : i32
        %dma_wait3A_409 = tpu.memref_slice %arg2[%dma_wait3A_407, %dma_wait3A_408] : memref<10016x32xf32, #tpu.memory_space<hbm>> -> memref<10016x32xf32, #tpu.memory_space<hbm>>
        tpu.wait_indirect_dma semaphore(%arg15 : memref<!tpu.dma_semaphore, #tpu.memory_space<semaphore_mem>>) src(%dma_wait3A_409 : memref<10016x32xf32, #tpu.memory_space<hbm>>) dst(%dma_wait3A_403 : memref<80x32xf32, #tpu.memory_space<vmem>>)
        %dma_wait3A_410 = arith.constant 6 : i32
        %dma_wait3A_411 = arith.constant 6 : i32
        %dma_wait3A_412 = arith.constant 0 : i32
        %dma_wait3A_413 = arith.constant 0 : i32
        %dma_wait3A_414 = tpu.memref_slice %arg13[%select_n3A_193, %dma_wait3A_411, %dma_wait3A_412, %dma_wait3A_413] : memref<2x10x80x32xf32, #tpu.memory_space<vmem>> -> memref<1x1x80x32xf32, #tpu.memory_space<vmem>>
        %dma_wait3A_415 = tpu.memref_squeeze %dma_wait3A_414 : memref<1x1x80x32xf32, #tpu.memory_space<vmem>> -> memref<80x32xf32, #tpu.memory_space<vmem>>
        %dma_wait3A_416 = arith.constant 0 : i32
        %dma_wait3A_417 = tpu.memref_slice %arg11[%select_n3A_193, %dma_wait3A_410, %dma_wait3A_416] : memref<2x10x80xi32, #tpu.memory_space<vmem>> -> memref<1x1x80xi32, #tpu.memory_space<vmem>>
        %dma_wait3A_418 = tpu.memref_squeeze %dma_wait3A_417 : memref<1x1x80xi32, #tpu.memory_space<vmem>> -> memref<80xi32, #tpu.memory_space<vmem>>
        %dma_wait3A_419 = arith.constant 0 : i32
        %dma_wait3A_420 = arith.constant 0 : i32
        %dma_wait3A_421 = tpu.memref_slice %arg2[%dma_wait3A_419, %dma_wait3A_420] : memref<10016x32xf32, #tpu.memory_space<hbm>> -> memref<10016x32xf32, #tpu.memory_space<hbm>>
        tpu.wait_indirect_dma semaphore(%arg15 : memref<!tpu.dma_semaphore, #tpu.memory_space<semaphore_mem>>) src(%dma_wait3A_421 : memref<10016x32xf32, #tpu.memory_space<hbm>>) dst(%dma_wait3A_415 : memref<80x32xf32, #tpu.memory_space<vmem>>)
        %dma_wait3A_422 = arith.constant 7 : i32
        %dma_wait3A_423 = arith.constant 7 : i32
        %dma_wait3A_424 = arith.constant 0 : i32
        %dma_wait3A_425 = arith.constant 0 : i32
        %dma_wait3A_426 = tpu.memref_slice %arg13[%select_n3A_193, %dma_wait3A_423, %dma_wait3A_424, %dma_wait3A_425] : memref<2x10x80x32xf32, #tpu.memory_space<vmem>> -> memref<1x1x80x32xf32, #tpu.memory_space<vmem>>
        %dma_wait3A_427 = tpu.memref_squeeze %dma_wait3A_426 : memref<1x1x80x32xf32, #tpu.memory_space<vmem>> -> memref<80x32xf32, #tpu.memory_space<vmem>>
        %dma_wait3A_428 = arith.constant 0 : i32
        %dma_wait3A_429 = tpu.memref_slice %arg11[%select_n3A_193, %dma_wait3A_422, %dma_wait3A_428] : memref<2x10x80xi32, #tpu.memory_space<vmem>> -> memref<1x1x80xi32, #tpu.memory_space<vmem>>
        %dma_wait3A_430 = tpu.memref_squeeze %dma_wait3A_429 : memref<1x1x80xi32, #tpu.memory_space<vmem>> -> memref<80xi32, #tpu.memory_space<vmem>>
        %dma_wait3A_431 = arith.constant 0 : i32
        %dma_wait3A_432 = arith.constant 0 : i32
        %dma_wait3A_433 = tpu.memref_slice %arg2[%dma_wait3A_431, %dma_wait3A_432] : memref<10016x32xf32, #tpu.memory_space<hbm>> -> memref<10016x32xf32, #tpu.memory_space<hbm>>
        tpu.wait_indirect_dma semaphore(%arg15 : memref<!tpu.dma_semaphore, #tpu.memory_space<semaphore_mem>>) src(%dma_wait3A_433 : memref<10016x32xf32, #tpu.memory_space<hbm>>) dst(%dma_wait3A_427 : memref<80x32xf32, #tpu.memory_space<vmem>>)
        %dma_wait3A_434 = arith.constant 8 : i32
        %dma_wait3A_435 = arith.constant 8 : i32
        %dma_wait3A_436 = arith.constant 0 : i32
        %dma_wait3A_437 = arith.constant 0 : i32
        %dma_wait3A_438 = tpu.memref_slice %arg13[%select_n3A_193, %dma_wait3A_435, %dma_wait3A_436, %dma_wait3A_437] : memref<2x10x80x32xf32, #tpu.memory_space<vmem>> -> memref<1x1x80x32xf32, #tpu.memory_space<vmem>>
        %dma_wait3A_439 = tpu.memref_squeeze %dma_wait3A_438 : memref<1x1x80x32xf32, #tpu.memory_space<vmem>> -> memref<80x32xf32, #tpu.memory_space<vmem>>
        %dma_wait3A_440 = arith.constant 0 : i32
        %dma_wait3A_441 = tpu.memref_slice %arg11[%select_n3A_193, %dma_wait3A_434, %dma_wait3A_440] : memref<2x10x80xi32, #tpu.memory_space<vmem>> -> memref<1x1x80xi32, #tpu.memory_space<vmem>>
        %dma_wait3A_442 = tpu.memref_squeeze %dma_wait3A_441 : memref<1x1x80xi32, #tpu.memory_space<vmem>> -> memref<80xi32, #tpu.memory_space<vmem>>
        %dma_wait3A_443 = arith.constant 0 : i32
        %dma_wait3A_444 = arith.constant 0 : i32
        %dma_wait3A_445 = tpu.memref_slice %arg2[%dma_wait3A_443, %dma_wait3A_444] : memref<10016x32xf32, #tpu.memory_space<hbm>> -> memref<10016x32xf32, #tpu.memory_space<hbm>>
        tpu.wait_indirect_dma semaphore(%arg15 : memref<!tpu.dma_semaphore, #tpu.memory_space<semaphore_mem>>) src(%dma_wait3A_445 : memref<10016x32xf32, #tpu.memory_space<hbm>>) dst(%dma_wait3A_439 : memref<80x32xf32, #tpu.memory_space<vmem>>)
        %dma_wait3A_446 = arith.constant 9 : i32
        %dma_wait3A_447 = arith.constant 9 : i32
        %dma_wait3A_448 = arith.constant 0 : i32
        %dma_wait3A_449 = arith.constant 0 : i32
        %dma_wait3A_450 = tpu.memref_slice %arg13[%select_n3A_193, %dma_wait3A_447, %dma_wait3A_448, %dma_wait3A_449] : memref<2x10x80x32xf32, #tpu.memory_space<vmem>> -> memref<1x1x80x32xf32, #tpu.memory_space<vmem>>
        %dma_wait3A_451 = tpu.memref_squeeze %dma_wait3A_450 : memref<1x1x80x32xf32, #tpu.memory_space<vmem>> -> memref<80x32xf32, #tpu.memory_space<vmem>>
        %dma_wait3A_452 = arith.constant 0 : i32
        %dma_wait3A_453 = tpu.memref_slice %arg11[%select_n3A_193, %dma_wait3A_446, %dma_wait3A_452] : memref<2x10x80xi32, #tpu.memory_space<vmem>> -> memref<1x1x80xi32, #tpu.memory_space<vmem>>
        %dma_wait3A_454 = tpu.memref_squeeze %dma_wait3A_453 : memref<1x1x80xi32, #tpu.memory_space<vmem>> -> memref<80xi32, #tpu.memory_space<vmem>>
        %dma_wait3A_455 = arith.constant 0 : i32
        %dma_wait3A_456 = arith.constant 0 : i32
        %dma_wait3A_457 = tpu.memref_slice %arg2[%dma_wait3A_455, %dma_wait3A_456] : memref<10016x32xf32, #tpu.memory_space<hbm>> -> memref<10016x32xf32, #tpu.memory_space<hbm>>
        tpu.wait_indirect_dma semaphore(%arg15 : memref<!tpu.dma_semaphore, #tpu.memory_space<semaphore_mem>>) src(%dma_wait3A_457 : memref<10016x32xf32, #tpu.memory_space<hbm>>) dst(%dma_wait3A_451 : memref<80x32xf32, #tpu.memory_space<vmem>>)
        %ge3A = arith.constant 1 : i32
        %ge3A_458 = arith.cmpi sge, %scan3A_183, %ge3A : i32
        %convert_element_type3A_459 = arith.extui %ge3A_458 : i1 to i32
        %cond3A_460 = arith.constant 0 : i32
        %cond3A_461 = arith.cmpi ne, %convert_element_type3A_459, %cond3A_460 : i32
        scf.if %cond3A_461 {
          %sub3A = arith.constant 1 : i32
          %sub3A_589 = arith.subi %sub3A, %select_n3A_193 : i32
          %dma_wait3A_590 = arith.constant 0 : i32
          %dma_wait3A_591 = arith.constant 0 : i32
          %dma_wait3A_592 = arith.constant 0 : i32
          %dma_wait3A_593 = arith.constant 0 : i32
          %dma_wait3A_594 = tpu.memref_slice %arg13[%sub3A_589, %dma_wait3A_590, %dma_wait3A_592, %dma_wait3A_593] : memref<2x10x80x32xf32, #tpu.memory_space<vmem>> -> memref<1x1x80x32xf32, #tpu.memory_space<vmem>>
          %dma_wait3A_595 = tpu.memref_squeeze %dma_wait3A_594 : memref<1x1x80x32xf32, #tpu.memory_space<vmem>> -> memref<80x32xf32, #tpu.memory_space<vmem>>
          %dma_wait3A_596 = arith.constant 0 : i32
          %dma_wait3A_597 = tpu.memref_slice %arg12[%sub3A_589, %dma_wait3A_591, %dma_wait3A_596] : memref<2x10x80xi32, #tpu.memory_space<vmem>> -> memref<1x1x80xi32, #tpu.memory_space<vmem>>
          %dma_wait3A_598 = tpu.memref_squeeze %dma_wait3A_597 : memref<1x1x80xi32, #tpu.memory_space<vmem>> -> memref<80xi32, #tpu.memory_space<vmem>>
          %dma_wait3A_599 = arith.constant 0 : i32
          %dma_wait3A_600 = arith.constant 0 : i32
          %dma_wait3A_601 = tpu.memref_slice %arg17[%dma_wait3A_599, %dma_wait3A_600] : memref<10016x32xf32, #tpu.memory_space<vmem_shared>> -> memref<10016x32xf32, #tpu.memory_space<vmem_shared>>
          tpu.wait_indirect_dma semaphore(%arg16 : memref<!tpu.dma_semaphore, #tpu.memory_space<semaphore_mem>>) src(%dma_wait3A_595 : memref<80x32xf32, #tpu.memory_space<vmem>>) dst(%dma_wait3A_601 : memref<10016x32xf32, #tpu.memory_space<vmem_shared>>)
          %dma_wait3A_602 = arith.constant 1 : i32
          %dma_wait3A_603 = arith.constant 1 : i32
          %dma_wait3A_604 = arith.constant 0 : i32
          %dma_wait3A_605 = arith.constant 0 : i32
          %dma_wait3A_606 = tpu.memref_slice %arg13[%sub3A_589, %dma_wait3A_602, %dma_wait3A_604, %dma_wait3A_605] : memref<2x10x80x32xf32, #tpu.memory_space<vmem>> -> memref<1x1x80x32xf32, #tpu.memory_space<vmem>>
          %dma_wait3A_607 = tpu.memref_squeeze %dma_wait3A_606 : memref<1x1x80x32xf32, #tpu.memory_space<vmem>> -> memref<80x32xf32, #tpu.memory_space<vmem>>
          %dma_wait3A_608 = arith.constant 0 : i32
          %dma_wait3A_609 = tpu.memref_slice %arg12[%sub3A_589, %dma_wait3A_603, %dma_wait3A_608] : memref<2x10x80xi32, #tpu.memory_space<vmem>> -> memref<1x1x80xi32, #tpu.memory_space<vmem>>
          %dma_wait3A_610 = tpu.memref_squeeze %dma_wait3A_609 : memref<1x1x80xi32, #tpu.memory_space<vmem>> -> memref<80xi32, #tpu.memory_space<vmem>>
          %dma_wait3A_611 = arith.constant 0 : i32
          %dma_wait3A_612 = arith.constant 0 : i32
          %dma_wait3A_613 = tpu.memref_slice %arg17[%dma_wait3A_611, %dma_wait3A_612] : memref<10016x32xf32, #tpu.memory_space<vmem_shared>> -> memref<10016x32xf32, #tpu.memory_space<vmem_shared>>
          tpu.wait_indirect_dma semaphore(%arg16 : memref<!tpu.dma_semaphore, #tpu.memory_space<semaphore_mem>>) src(%dma_wait3A_607 : memref<80x32xf32, #tpu.memory_space<vmem>>) dst(%dma_wait3A_613 : memref<10016x32xf32, #tpu.memory_space<vmem_shared>>)
          %dma_wait3A_614 = arith.constant 2 : i32
          %dma_wait3A_615 = arith.constant 2 : i32
          %dma_wait3A_616 = arith.constant 0 : i32
          %dma_wait3A_617 = arith.constant 0 : i32
          %dma_wait3A_618 = tpu.memref_slice %arg13[%sub3A_589, %dma_wait3A_614, %dma_wait3A_616, %dma_wait3A_617] : memref<2x10x80x32xf32, #tpu.memory_space<vmem>> -> memref<1x1x80x32xf32, #tpu.memory_space<vmem>>
          %dma_wait3A_619 = tpu.memref_squeeze %dma_wait3A_618 : memref<1x1x80x32xf32, #tpu.memory_space<vmem>> -> memref<80x32xf32, #tpu.memory_space<vmem>>
          %dma_wait3A_620 = arith.constant 0 : i32
          %dma_wait3A_621 = tpu.memref_slice %arg12[%sub3A_589, %dma_wait3A_615, %dma_wait3A_620] : memref<2x10x80xi32, #tpu.memory_space<vmem>> -> memref<1x1x80xi32, #tpu.memory_space<vmem>>
          %dma_wait3A_622 = tpu.memref_squeeze %dma_wait3A_621 : memref<1x1x80xi32, #tpu.memory_space<vmem>> -> memref<80xi32, #tpu.memory_space<vmem>>
          %dma_wait3A_623 = arith.constant 0 : i32
          %dma_wait3A_624 = arith.constant 0 : i32
          %dma_wait3A_625 = tpu.memref_slice %arg17[%dma_wait3A_623, %dma_wait3A_624] : memref<10016x32xf32, #tpu.memory_space<vmem_shared>> -> memref<10016x32xf32, #tpu.memory_space<vmem_shared>>
          tpu.wait_indirect_dma semaphore(%arg16 : memref<!tpu.dma_semaphore, #tpu.memory_space<semaphore_mem>>) src(%dma_wait3A_619 : memref<80x32xf32, #tpu.memory_space<vmem>>) dst(%dma_wait3A_625 : memref<10016x32xf32, #tpu.memory_space<vmem_shared>>)
          %dma_wait3A_626 = arith.constant 3 : i32
          %dma_wait3A_627 = arith.constant 3 : i32
          %dma_wait3A_628 = arith.constant 0 : i32
          %dma_wait3A_629 = arith.constant 0 : i32
          %dma_wait3A_630 = tpu.memref_slice %arg13[%sub3A_589, %dma_wait3A_626, %dma_wait3A_628, %dma_wait3A_629] : memref<2x10x80x32xf32, #tpu.memory_space<vmem>> -> memref<1x1x80x32xf32, #tpu.memory_space<vmem>>
          %dma_wait3A_631 = tpu.memref_squeeze %dma_wait3A_630 : memref<1x1x80x32xf32, #tpu.memory_space<vmem>> -> memref<80x32xf32, #tpu.memory_space<vmem>>
          %dma_wait3A_632 = arith.constant 0 : i32
          %dma_wait3A_633 = tpu.memref_slice %arg12[%sub3A_589, %dma_wait3A_627, %dma_wait3A_632] : memref<2x10x80xi32, #tpu.memory_space<vmem>> -> memref<1x1x80xi32, #tpu.memory_space<vmem>>
          %dma_wait3A_634 = tpu.memref_squeeze %dma_wait3A_633 : memref<1x1x80xi32, #tpu.memory_space<vmem>> -> memref<80xi32, #tpu.memory_space<vmem>>
          %dma_wait3A_635 = arith.constant 0 : i32
          %dma_wait3A_636 = arith.constant 0 : i32
          %dma_wait3A_637 = tpu.memref_slice %arg17[%dma_wait3A_635, %dma_wait3A_636] : memref<10016x32xf32, #tpu.memory_space<vmem_shared>> -> memref<10016x32xf32, #tpu.memory_space<vmem_shared>>
          tpu.wait_indirect_dma semaphore(%arg16 : memref<!tpu.dma_semaphore, #tpu.memory_space<semaphore_mem>>) src(%dma_wait3A_631 : memref<80x32xf32, #tpu.memory_space<vmem>>) dst(%dma_wait3A_637 : memref<10016x32xf32, #tpu.memory_space<vmem_shared>>)
          %dma_wait3A_638 = arith.constant 4 : i32
          %dma_wait3A_639 = arith.constant 4 : i32
          %dma_wait3A_640 = arith.constant 0 : i32
          %dma_wait3A_641 = arith.constant 0 : i32
          %dma_wait3A_642 = tpu.memref_slice %arg13[%sub3A_589, %dma_wait3A_638, %dma_wait3A_640, %dma_wait3A_641] : memref<2x10x80x32xf32, #tpu.memory_space<vmem>> -> memref<1x1x80x32xf32, #tpu.memory_space<vmem>>
          %dma_wait3A_643 = tpu.memref_squeeze %dma_wait3A_642 : memref<1x1x80x32xf32, #tpu.memory_space<vmem>> -> memref<80x32xf32, #tpu.memory_space<vmem>>
          %dma_wait3A_644 = arith.constant 0 : i32
          %dma_wait3A_645 = tpu.memref_slice %arg12[%sub3A_589, %dma_wait3A_639, %dma_wait3A_644] : memref<2x10x80xi32, #tpu.memory_space<vmem>> -> memref<1x1x80xi32, #tpu.memory_space<vmem>>
          %dma_wait3A_646 = tpu.memref_squeeze %dma_wait3A_645 : memref<1x1x80xi32, #tpu.memory_space<vmem>> -> memref<80xi32, #tpu.memory_space<vmem>>
          %dma_wait3A_647 = arith.constant 0 : i32
          %dma_wait3A_648 = arith.constant 0 : i32
          %dma_wait3A_649 = tpu.memref_slice %arg17[%dma_wait3A_647, %dma_wait3A_648] : memref<10016x32xf32, #tpu.memory_space<vmem_shared>> -> memref<10016x32xf32, #tpu.memory_space<vmem_shared>>
          tpu.wait_indirect_dma semaphore(%arg16 : memref<!tpu.dma_semaphore, #tpu.memory_space<semaphore_mem>>) src(%dma_wait3A_643 : memref<80x32xf32, #tpu.memory_space<vmem>>) dst(%dma_wait3A_649 : memref<10016x32xf32, #tpu.memory_space<vmem_shared>>)
          %dma_wait3A_650 = arith.constant 5 : i32
          %dma_wait3A_651 = arith.constant 5 : i32
          %dma_wait3A_652 = arith.constant 0 : i32
          %dma_wait3A_653 = arith.constant 0 : i32
          %dma_wait3A_654 = tpu.memref_slice %arg13[%sub3A_589, %dma_wait3A_650, %dma_wait3A_652, %dma_wait3A_653] : memref<2x10x80x32xf32, #tpu.memory_space<vmem>> -> memref<1x1x80x32xf32, #tpu.memory_space<vmem>>
          %dma_wait3A_655 = tpu.memref_squeeze %dma_wait3A_654 : memref<1x1x80x32xf32, #tpu.memory_space<vmem>> -> memref<80x32xf32, #tpu.memory_space<vmem>>
          %dma_wait3A_656 = arith.constant 0 : i32
          %dma_wait3A_657 = tpu.memref_slice %arg12[%sub3A_589, %dma_wait3A_651, %dma_wait3A_656] : memref<2x10x80xi32, #tpu.memory_space<vmem>> -> memref<1x1x80xi32, #tpu.memory_space<vmem>>
          %dma_wait3A_658 = tpu.memref_squeeze %dma_wait3A_657 : memref<1x1x80xi32, #tpu.memory_space<vmem>> -> memref<80xi32, #tpu.memory_space<vmem>>
          %dma_wait3A_659 = arith.constant 0 : i32
          %dma_wait3A_660 = arith.constant 0 : i32
          %dma_wait3A_661 = tpu.memref_slice %arg17[%dma_wait3A_659, %dma_wait3A_660] : memref<10016x32xf32, #tpu.memory_space<vmem_shared>> -> memref<10016x32xf32, #tpu.memory_space<vmem_shared>>
          tpu.wait_indirect_dma semaphore(%arg16 : memref<!tpu.dma_semaphore, #tpu.memory_space<semaphore_mem>>) src(%dma_wait3A_655 : memref<80x32xf32, #tpu.memory_space<vmem>>) dst(%dma_wait3A_661 : memref<10016x32xf32, #tpu.memory_space<vmem_shared>>)
          %dma_wait3A_662 = arith.constant 6 : i32
          %dma_wait3A_663 = arith.constant 6 : i32
          %dma_wait3A_664 = arith.constant 0 : i32
          %dma_wait3A_665 = arith.constant 0 : i32
          %dma_wait3A_666 = tpu.memref_slice %arg13[%sub3A_589, %dma_wait3A_662, %dma_wait3A_664, %dma_wait3A_665] : memref<2x10x80x32xf32, #tpu.memory_space<vmem>> -> memref<1x1x80x32xf32, #tpu.memory_space<vmem>>
          %dma_wait3A_667 = tpu.memref_squeeze %dma_wait3A_666 : memref<1x1x80x32xf32, #tpu.memory_space<vmem>> -> memref<80x32xf32, #tpu.memory_space<vmem>>
          %dma_wait3A_668 = arith.constant 0 : i32
          %dma_wait3A_669 = tpu.memref_slice %arg12[%sub3A_589, %dma_wait3A_663, %dma_wait3A_668] : memref<2x10x80xi32, #tpu.memory_space<vmem>> -> memref<1x1x80xi32, #tpu.memory_space<vmem>>
          %dma_wait3A_670 = tpu.memref_squeeze %dma_wait3A_669 : memref<1x1x80xi32, #tpu.memory_space<vmem>> -> memref<80xi32, #tpu.memory_space<vmem>>
          %dma_wait3A_671 = arith.constant 0 : i32
          %dma_wait3A_672 = arith.constant 0 : i32
          %dma_wait3A_673 = tpu.memref_slice %arg17[%dma_wait3A_671, %dma_wait3A_672] : memref<10016x32xf32, #tpu.memory_space<vmem_shared>> -> memref<10016x32xf32, #tpu.memory_space<vmem_shared>>
          tpu.wait_indirect_dma semaphore(%arg16 : memref<!tpu.dma_semaphore, #tpu.memory_space<semaphore_mem>>) src(%dma_wait3A_667 : memref<80x32xf32, #tpu.memory_space<vmem>>) dst(%dma_wait3A_673 : memref<10016x32xf32, #tpu.memory_space<vmem_shared>>)
          %dma_wait3A_674 = arith.constant 7 : i32
          %dma_wait3A_675 = arith.constant 7 : i32
          %dma_wait3A_676 = arith.constant 0 : i32
          %dma_wait3A_677 = arith.constant 0 : i32
          %dma_wait3A_678 = tpu.memref_slice %arg13[%sub3A_589, %dma_wait3A_674, %dma_wait3A_676, %dma_wait3A_677] : memref<2x10x80x32xf32, #tpu.memory_space<vmem>> -> memref<1x1x80x32xf32, #tpu.memory_space<vmem>>
          %dma_wait3A_679 = tpu.memref_squeeze %dma_wait3A_678 : memref<1x1x80x32xf32, #tpu.memory_space<vmem>> -> memref<80x32xf32, #tpu.memory_space<vmem>>
          %dma_wait3A_680 = arith.constant 0 : i32
          %dma_wait3A_681 = tpu.memref_slice %arg12[%sub3A_589, %dma_wait3A_675, %dma_wait3A_680] : memref<2x10x80xi32, #tpu.memory_space<vmem>> -> memref<1x1x80xi32, #tpu.memory_space<vmem>>
          %dma_wait3A_682 = tpu.memref_squeeze %dma_wait3A_681 : memref<1x1x80xi32, #tpu.memory_space<vmem>> -> memref<80xi32, #tpu.memory_space<vmem>>
          %dma_wait3A_683 = arith.constant 0 : i32
          %dma_wait3A_684 = arith.constant 0 : i32
          %dma_wait3A_685 = tpu.memref_slice %arg17[%dma_wait3A_683, %dma_wait3A_684] : memref<10016x32xf32, #tpu.memory_space<vmem_shared>> -> memref<10016x32xf32, #tpu.memory_space<vmem_shared>>
          tpu.wait_indirect_dma semaphore(%arg16 : memref<!tpu.dma_semaphore, #tpu.memory_space<semaphore_mem>>) src(%dma_wait3A_679 : memref<80x32xf32, #tpu.memory_space<vmem>>) dst(%dma_wait3A_685 : memref<10016x32xf32, #tpu.memory_space<vmem_shared>>)
          %dma_wait3A_686 = arith.constant 8 : i32
          %dma_wait3A_687 = arith.constant 8 : i32
          %dma_wait3A_688 = arith.constant 0 : i32
          %dma_wait3A_689 = arith.constant 0 : i32
          %dma_wait3A_690 = tpu.memref_slice %arg13[%sub3A_589, %dma_wait3A_686, %dma_wait3A_688, %dma_wait3A_689] : memref<2x10x80x32xf32, #tpu.memory_space<vmem>> -> memref<1x1x80x32xf32, #tpu.memory_space<vmem>>
          %dma_wait3A_691 = tpu.memref_squeeze %dma_wait3A_690 : memref<1x1x80x32xf32, #tpu.memory_space<vmem>> -> memref<80x32xf32, #tpu.memory_space<vmem>>
          %dma_wait3A_692 = arith.constant 0 : i32
          %dma_wait3A_693 = tpu.memref_slice %arg12[%sub3A_589, %dma_wait3A_687, %dma_wait3A_692] : memref<2x10x80xi32, #tpu.memory_space<vmem>> -> memref<1x1x80xi32, #tpu.memory_space<vmem>>
          %dma_wait3A_694 = tpu.memref_squeeze %dma_wait3A_693 : memref<1x1x80xi32, #tpu.memory_space<vmem>> -> memref<80xi32, #tpu.memory_space<vmem>>
          %dma_wait3A_695 = arith.constant 0 : i32
          %dma_wait3A_696 = arith.constant 0 : i32
          %dma_wait3A_697 = tpu.memref_slice %arg17[%dma_wait3A_695, %dma_wait3A_696] : memref<10016x32xf32, #tpu.memory_space<vmem_shared>> -> memref<10016x32xf32, #tpu.memory_space<vmem_shared>>
          tpu.wait_indirect_dma semaphore(%arg16 : memref<!tpu.dma_semaphore, #tpu.memory_space<semaphore_mem>>) src(%dma_wait3A_691 : memref<80x32xf32, #tpu.memory_space<vmem>>) dst(%dma_wait3A_697 : memref<10016x32xf32, #tpu.memory_space<vmem_shared>>)
          %dma_wait3A_698 = arith.constant 9 : i32
          %dma_wait3A_699 = arith.constant 9 : i32
          %dma_wait3A_700 = arith.constant 0 : i32
          %dma_wait3A_701 = arith.constant 0 : i32
          %dma_wait3A_702 = tpu.memref_slice %arg13[%sub3A_589, %dma_wait3A_698, %dma_wait3A_700, %dma_wait3A_701] : memref<2x10x80x32xf32, #tpu.memory_space<vmem>> -> memref<1x1x80x32xf32, #tpu.memory_space<vmem>>
          %dma_wait3A_703 = tpu.memref_squeeze %dma_wait3A_702 : memref<1x1x80x32xf32, #tpu.memory_space<vmem>> -> memref<80x32xf32, #tpu.memory_space<vmem>>
          %dma_wait3A_704 = arith.constant 0 : i32
          %dma_wait3A_705 = tpu.memref_slice %arg12[%sub3A_589, %dma_wait3A_699, %dma_wait3A_704] : memref<2x10x80xi32, #tpu.memory_space<vmem>> -> memref<1x1x80xi32, #tpu.memory_space<vmem>>
          %dma_wait3A_706 = tpu.memref_squeeze %dma_wait3A_705 : memref<1x1x80xi32, #tpu.memory_space<vmem>> -> memref<80xi32, #tpu.memory_space<vmem>>
          %dma_wait3A_707 = arith.constant 0 : i32
          %dma_wait3A_708 = arith.constant 0 : i32
          %dma_wait3A_709 = tpu.memref_slice %arg17[%dma_wait3A_707, %dma_wait3A_708] : memref<10016x32xf32, #tpu.memory_space<vmem_shared>> -> memref<10016x32xf32, #tpu.memory_space<vmem_shared>>
          tpu.wait_indirect_dma semaphore(%arg16 : memref<!tpu.dma_semaphore, #tpu.memory_space<semaphore_mem>>) src(%dma_wait3A_703 : memref<80x32xf32, #tpu.memory_space<vmem>>) dst(%dma_wait3A_709 : memref<10016x32xf32, #tpu.memory_space<vmem_shared>>)
        } else {
        }
        %add3A_462 = arith.constant 1 : i32
        %add3A_463 = arith.addi %scan3A_183, %add3A_462 : i32
        %lt3A_464 = arith.constant 25 : i32
        %lt3A_465 = arith.cmpi slt, %add3A_463, %lt3A_464 : i32
        %convert_element_type3A_466 = arith.extui %lt3A_465 : i1 to i32
        %cond3A_467 = arith.constant 0 : i32
        %cond3A_468 = arith.cmpi ne, %convert_element_type3A_466, %cond3A_467 : i32
        scf.if %cond3A_468 {
          %add3A_589 = arith.constant 1 : i32
          %add3A_590 = arith.addi %scan3A_183, %add3A_589 : i32
          %sub3A = arith.constant 1 : i32
          %sub3A_591 = arith.subi %sub3A, %select_n3A_193 : i32
          %mul3A_592 = arith.constant 10 : i32
          %mul3A_593 = arith.muli %add3A_590, %mul3A_592 : i32
          %add3A_594 = arith.addi %mul3A_9, %mul3A_593 : i32
          %dma_start3A_595 = arith.constant 0 : i32
          %dma_start3A_596 = arith.constant 0 : i32
          %dma_start3A_597 = tpu.memref_slice %arg11[%sub3A_591, %dma_start3A_595, %dma_start3A_596] : memref<2x10x80xi32, #tpu.memory_space<vmem>> -> memref<1x10x80xi32, #tpu.memory_space<vmem>>
          %dma_start3A_598 = tpu.memref_squeeze %dma_start3A_597 : memref<1x10x80xi32, #tpu.memory_space<vmem>> -> memref<10x80xi32, #tpu.memory_space<vmem>>
          %dma_start3A_599 = arith.constant 0 : i32
          %dma_start3A_600 = tpu.memref_slice %arg4[%add3A_594, %dma_start3A_599] : memref<4000x80xi32, #tpu.memory_space<hbm>> -> memref<10x80xi32, #tpu.memory_space<hbm>>
          %dma_start3A_601 = arith.constant 0 : i32
          %dma_start3A_602 = arith.constant 0 : i32
          %dma_start3A_603 = tpu.memref_slice %arg11[%sub3A_591, %dma_start3A_601, %dma_start3A_602] : memref<2x10x80xi32, #tpu.memory_space<vmem>> -> memref<1x10x80xi32, #tpu.memory_space<vmem>>
          %dma_start3A_604 = tpu.memref_squeeze %dma_start3A_603 : memref<1x10x80xi32, #tpu.memory_space<vmem>> -> memref<10x80xi32, #tpu.memory_space<vmem>>
          %dma_start3A_605 = arith.constant 0 : i32
          %dma_start3A_606 = tpu.memref_slice %arg4[%add3A_594, %dma_start3A_605] : memref<4000x80xi32, #tpu.memory_space<hbm>> -> memref<10x80xi32, #tpu.memory_space<hbm>>
          tpu.enqueue_dma source(%dma_start3A_606 : memref<10x80xi32, #tpu.memory_space<hbm>>) target(%dma_start3A_604 : memref<10x80xi32, #tpu.memory_space<vmem>>) target_semaphore(%arg14 : memref<!tpu.dma_semaphore, #tpu.memory_space<semaphore_mem>>)
          %mul3A_607 = arith.constant 10 : i32
          %mul3A_608 = arith.muli %add3A_590, %mul3A_607 : i32
          %add3A_609 = arith.addi %mul3A_9, %mul3A_608 : i32
          %dma_start3A_610 = arith.constant 0 : i32
          %dma_start3A_611 = arith.constant 0 : i32
          %dma_start3A_612 = tpu.memref_slice %arg12[%sub3A_591, %dma_start3A_610, %dma_start3A_611] : memref<2x10x80xi32, #tpu.memory_space<vmem>> -> memref<1x10x80xi32, #tpu.memory_space<vmem>>
          %dma_start3A_613 = tpu.memref_squeeze %dma_start3A_612 : memref<1x10x80xi32, #tpu.memory_space<vmem>> -> memref<10x80xi32, #tpu.memory_space<vmem>>
          %dma_start3A_614 = arith.constant 0 : i32
          %dma_start3A_615 = tpu.memref_slice %arg6[%add3A_609, %dma_start3A_614] : memref<4000x80xi32, #tpu.memory_space<hbm>> -> memref<10x80xi32, #tpu.memory_space<hbm>>
          %dma_start3A_616 = arith.constant 0 : i32
          %dma_start3A_617 = arith.constant 0 : i32
          %dma_start3A_618 = tpu.memref_slice %arg12[%sub3A_591, %dma_start3A_616, %dma_start3A_617] : memref<2x10x80xi32, #tpu.memory_space<vmem>> -> memref<1x10x80xi32, #tpu.memory_space<vmem>>
          %dma_start3A_619 = tpu.memref_squeeze %dma_start3A_618 : memref<1x10x80xi32, #tpu.memory_space<vmem>> -> memref<10x80xi32, #tpu.memory_space<vmem>>
          %dma_start3A_620 = arith.constant 0 : i32
          %dma_start3A_621 = tpu.memref_slice %arg6[%add3A_609, %dma_start3A_620] : memref<4000x80xi32, #tpu.memory_space<hbm>> -> memref<10x80xi32, #tpu.memory_space<hbm>>
          tpu.enqueue_dma source(%dma_start3A_621 : memref<10x80xi32, #tpu.memory_space<hbm>>) target(%dma_start3A_619 : memref<10x80xi32, #tpu.memory_space<vmem>>) target_semaphore(%arg14 : memref<!tpu.dma_semaphore, #tpu.memory_space<semaphore_mem>>)
        } else {
        }
        %dma_start3A_469 = arith.constant 0 : i32
        %dma_start3A_470 = arith.constant 0 : i32
        %dma_start3A_471 = arith.constant 0 : i32
        %dma_start3A_472 = arith.constant 0 : i32
        %dma_start3A_473 = tpu.memref_slice %arg13[%select_n3A_193, %dma_start3A_469, %dma_start3A_471, %dma_start3A_472] : memref<2x10x80x32xf32, #tpu.memory_space<vmem>> -> memref<1x1x80x32xf32, #tpu.memory_space<vmem>>
        %dma_start3A_474 = tpu.memref_squeeze %dma_start3A_473 : memref<1x1x80x32xf32, #tpu.memory_space<vmem>> -> memref<80x32xf32, #tpu.memory_space<vmem>>
        %dma_start3A_475 = arith.constant 0 : i32
        %dma_start3A_476 = tpu.memref_slice %arg12[%select_n3A_193, %dma_start3A_470, %dma_start3A_475] : memref<2x10x80xi32, #tpu.memory_space<vmem>> -> memref<1x1x80xi32, #tpu.memory_space<vmem>>
        %dma_start3A_477 = tpu.memref_squeeze %dma_start3A_476 : memref<1x1x80xi32, #tpu.memory_space<vmem>> -> memref<80xi32, #tpu.memory_space<vmem>>
        %dma_start3A_478 = arith.constant 0 : i32
        %dma_start3A_479 = arith.constant 0 : i32
        %dma_start3A_480 = tpu.memref_slice %arg17[%dma_start3A_478, %dma_start3A_479] : memref<10016x32xf32, #tpu.memory_space<vmem_shared>> -> memref<10016x32xf32, #tpu.memory_space<vmem_shared>>
        tpu.enqueue_indirect_dma source(%dma_start3A_474 : memref<80x32xf32, #tpu.memory_space<vmem>>) target(%dma_start3A_480 : memref<10016x32xf32, #tpu.memory_space<vmem_shared>>) offsets(%dma_start3A_477 : memref<80xi32, #tpu.memory_space<vmem>>) semaphore(%arg16 : memref<!tpu.dma_semaphore, #tpu.memory_space<semaphore_mem>>) {add = true}
        %dma_start3A_481 = arith.constant 1 : i32
        %dma_start3A_482 = arith.constant 1 : i32
        %dma_start3A_483 = arith.constant 0 : i32
        %dma_start3A_484 = arith.constant 0 : i32
        %dma_start3A_485 = tpu.memref_slice %arg13[%select_n3A_193, %dma_start3A_481, %dma_start3A_483, %dma_start3A_484] : memref<2x10x80x32xf32, #tpu.memory_space<vmem>> -> memref<1x1x80x32xf32, #tpu.memory_space<vmem>>
        %dma_start3A_486 = tpu.memref_squeeze %dma_start3A_485 : memref<1x1x80x32xf32, #tpu.memory_space<vmem>> -> memref<80x32xf32, #tpu.memory_space<vmem>>
        %dma_start3A_487 = arith.constant 0 : i32
        %dma_start3A_488 = tpu.memref_slice %arg12[%select_n3A_193, %dma_start3A_482, %dma_start3A_487] : memref<2x10x80xi32, #tpu.memory_space<vmem>> -> memref<1x1x80xi32, #tpu.memory_space<vmem>>
        %dma_start3A_489 = tpu.memref_squeeze %dma_start3A_488 : memref<1x1x80xi32, #tpu.memory_space<vmem>> -> memref<80xi32, #tpu.memory_space<vmem>>
        %dma_start3A_490 = arith.constant 0 : i32
        %dma_start3A_491 = arith.constant 0 : i32
        %dma_start3A_492 = tpu.memref_slice %arg17[%dma_start3A_490, %dma_start3A_491] : memref<10016x32xf32, #tpu.memory_space<vmem_shared>> -> memref<10016x32xf32, #tpu.memory_space<vmem_shared>>
        tpu.enqueue_indirect_dma source(%dma_start3A_486 : memref<80x32xf32, #tpu.memory_space<vmem>>) target(%dma_start3A_492 : memref<10016x32xf32, #tpu.memory_space<vmem_shared>>) offsets(%dma_start3A_489 : memref<80xi32, #tpu.memory_space<vmem>>) semaphore(%arg16 : memref<!tpu.dma_semaphore, #tpu.memory_space<semaphore_mem>>) {add = true}
        %dma_start3A_493 = arith.constant 2 : i32
        %dma_start3A_494 = arith.constant 2 : i32
        %dma_start3A_495 = arith.constant 0 : i32
        %dma_start3A_496 = arith.constant 0 : i32
        %dma_start3A_497 = tpu.memref_slice %arg13[%select_n3A_193, %dma_start3A_493, %dma_start3A_495, %dma_start3A_496] : memref<2x10x80x32xf32, #tpu.memory_space<vmem>> -> memref<1x1x80x32xf32, #tpu.memory_space<vmem>>
        %dma_start3A_498 = tpu.memref_squeeze %dma_start3A_497 : memref<1x1x80x32xf32, #tpu.memory_space<vmem>> -> memref<80x32xf32, #tpu.memory_space<vmem>>
        %dma_start3A_499 = arith.constant 0 : i32
        %dma_start3A_500 = tpu.memref_slice %arg12[%select_n3A_193, %dma_start3A_494, %dma_start3A_499] : memref<2x10x80xi32, #tpu.memory_space<vmem>> -> memref<1x1x80xi32, #tpu.memory_space<vmem>>
        %dma_start3A_501 = tpu.memref_squeeze %dma_start3A_500 : memref<1x1x80xi32, #tpu.memory_space<vmem>> -> memref<80xi32, #tpu.memory_space<vmem>>
        %dma_start3A_502 = arith.constant 0 : i32
        %dma_start3A_503 = arith.constant 0 : i32
        %dma_start3A_504 = tpu.memref_slice %arg17[%dma_start3A_502, %dma_start3A_503] : memref<10016x32xf32, #tpu.memory_space<vmem_shared>> -> memref<10016x32xf32, #tpu.memory_space<vmem_shared>>
        tpu.enqueue_indirect_dma source(%dma_start3A_498 : memref<80x32xf32, #tpu.memory_space<vmem>>) target(%dma_start3A_504 : memref<10016x32xf32, #tpu.memory_space<vmem_shared>>) offsets(%dma_start3A_501 : memref<80xi32, #tpu.memory_space<vmem>>) semaphore(%arg16 : memref<!tpu.dma_semaphore, #tpu.memory_space<semaphore_mem>>) {add = true}
        %dma_start3A_505 = arith.constant 3 : i32
        %dma_start3A_506 = arith.constant 3 : i32
        %dma_start3A_507 = arith.constant 0 : i32
        %dma_start3A_508 = arith.constant 0 : i32
        %dma_start3A_509 = tpu.memref_slice %arg13[%select_n3A_193, %dma_start3A_505, %dma_start3A_507, %dma_start3A_508] : memref<2x10x80x32xf32, #tpu.memory_space<vmem>> -> memref<1x1x80x32xf32, #tpu.memory_space<vmem>>
        %dma_start3A_510 = tpu.memref_squeeze %dma_start3A_509 : memref<1x1x80x32xf32, #tpu.memory_space<vmem>> -> memref<80x32xf32, #tpu.memory_space<vmem>>
        %dma_start3A_511 = arith.constant 0 : i32
        %dma_start3A_512 = tpu.memref_slice %arg12[%select_n3A_193, %dma_start3A_506, %dma_start3A_511] : memref<2x10x80xi32, #tpu.memory_space<vmem>> -> memref<1x1x80xi32, #tpu.memory_space<vmem>>
        %dma_start3A_513 = tpu.memref_squeeze %dma_start3A_512 : memref<1x1x80xi32, #tpu.memory_space<vmem>> -> memref<80xi32, #tpu.memory_space<vmem>>
        %dma_start3A_514 = arith.constant 0 : i32
        %dma_start3A_515 = arith.constant 0 : i32
        %dma_start3A_516 = tpu.memref_slice %arg17[%dma_start3A_514, %dma_start3A_515] : memref<10016x32xf32, #tpu.memory_space<vmem_shared>> -> memref<10016x32xf32, #tpu.memory_space<vmem_shared>>
        tpu.enqueue_indirect_dma source(%dma_start3A_510 : memref<80x32xf32, #tpu.memory_space<vmem>>) target(%dma_start3A_516 : memref<10016x32xf32, #tpu.memory_space<vmem_shared>>) offsets(%dma_start3A_513 : memref<80xi32, #tpu.memory_space<vmem>>) semaphore(%arg16 : memref<!tpu.dma_semaphore, #tpu.memory_space<semaphore_mem>>) {add = true}
        %dma_start3A_517 = arith.constant 4 : i32
        %dma_start3A_518 = arith.constant 4 : i32
        %dma_start3A_519 = arith.constant 0 : i32
        %dma_start3A_520 = arith.constant 0 : i32
        %dma_start3A_521 = tpu.memref_slice %arg13[%select_n3A_193, %dma_start3A_517, %dma_start3A_519, %dma_start3A_520] : memref<2x10x80x32xf32, #tpu.memory_space<vmem>> -> memref<1x1x80x32xf32, #tpu.memory_space<vmem>>
        %dma_start3A_522 = tpu.memref_squeeze %dma_start3A_521 : memref<1x1x80x32xf32, #tpu.memory_space<vmem>> -> memref<80x32xf32, #tpu.memory_space<vmem>>
        %dma_start3A_523 = arith.constant 0 : i32
        %dma_start3A_524 = tpu.memref_slice %arg12[%select_n3A_193, %dma_start3A_518, %dma_start3A_523] : memref<2x10x80xi32, #tpu.memory_space<vmem>> -> memref<1x1x80xi32, #tpu.memory_space<vmem>>
        %dma_start3A_525 = tpu.memref_squeeze %dma_start3A_524 : memref<1x1x80xi32, #tpu.memory_space<vmem>> -> memref<80xi32, #tpu.memory_space<vmem>>
        %dma_start3A_526 = arith.constant 0 : i32
        %dma_start3A_527 = arith.constant 0 : i32
        %dma_start3A_528 = tpu.memref_slice %arg17[%dma_start3A_526, %dma_start3A_527] : memref<10016x32xf32, #tpu.memory_space<vmem_shared>> -> memref<10016x32xf32, #tpu.memory_space<vmem_shared>>
        tpu.enqueue_indirect_dma source(%dma_start3A_522 : memref<80x32xf32, #tpu.memory_space<vmem>>) target(%dma_start3A_528 : memref<10016x32xf32, #tpu.memory_space<vmem_shared>>) offsets(%dma_start3A_525 : memref<80xi32, #tpu.memory_space<vmem>>) semaphore(%arg16 : memref<!tpu.dma_semaphore, #tpu.memory_space<semaphore_mem>>) {add = true}
        %dma_start3A_529 = arith.constant 5 : i32
        %dma_start3A_530 = arith.constant 5 : i32
        %dma_start3A_531 = arith.constant 0 : i32
        %dma_start3A_532 = arith.constant 0 : i32
        %dma_start3A_533 = tpu.memref_slice %arg13[%select_n3A_193, %dma_start3A_529, %dma_start3A_531, %dma_start3A_532] : memref<2x10x80x32xf32, #tpu.memory_space<vmem>> -> memref<1x1x80x32xf32, #tpu.memory_space<vmem>>
        %dma_start3A_534 = tpu.memref_squeeze %dma_start3A_533 : memref<1x1x80x32xf32, #tpu.memory_space<vmem>> -> memref<80x32xf32, #tpu.memory_space<vmem>>
        %dma_start3A_535 = arith.constant 0 : i32
        %dma_start3A_536 = tpu.memref_slice %arg12[%select_n3A_193, %dma_start3A_530, %dma_start3A_535] : memref<2x10x80xi32, #tpu.memory_space<vmem>> -> memref<1x1x80xi32, #tpu.memory_space<vmem>>
        %dma_start3A_537 = tpu.memref_squeeze %dma_start3A_536 : memref<1x1x80xi32, #tpu.memory_space<vmem>> -> memref<80xi32, #tpu.memory_space<vmem>>
        %dma_start3A_538 = arith.constant 0 : i32
        %dma_start3A_539 = arith.constant 0 : i32
        %dma_start3A_540 = tpu.memref_slice %arg17[%dma_start3A_538, %dma_start3A_539] : memref<10016x32xf32, #tpu.memory_space<vmem_shared>> -> memref<10016x32xf32, #tpu.memory_space<vmem_shared>>
        tpu.enqueue_indirect_dma source(%dma_start3A_534 : memref<80x32xf32, #tpu.memory_space<vmem>>) target(%dma_start3A_540 : memref<10016x32xf32, #tpu.memory_space<vmem_shared>>) offsets(%dma_start3A_537 : memref<80xi32, #tpu.memory_space<vmem>>) semaphore(%arg16 : memref<!tpu.dma_semaphore, #tpu.memory_space<semaphore_mem>>) {add = true}
        %dma_start3A_541 = arith.constant 6 : i32
        %dma_start3A_542 = arith.constant 6 : i32
        %dma_start3A_543 = arith.constant 0 : i32
        %dma_start3A_544 = arith.constant 0 : i32
        %dma_start3A_545 = tpu.memref_slice %arg13[%select_n3A_193, %dma_start3A_541, %dma_start3A_543, %dma_start3A_544] : memref<2x10x80x32xf32, #tpu.memory_space<vmem>> -> memref<1x1x80x32xf32, #tpu.memory_space<vmem>>
        %dma_start3A_546 = tpu.memref_squeeze %dma_start3A_545 : memref<1x1x80x32xf32, #tpu.memory_space<vmem>> -> memref<80x32xf32, #tpu.memory_space<vmem>>
        %dma_start3A_547 = arith.constant 0 : i32
        %dma_start3A_548 = tpu.memref_slice %arg12[%select_n3A_193, %dma_start3A_542, %dma_start3A_547] : memref<2x10x80xi32, #tpu.memory_space<vmem>> -> memref<1x1x80xi32, #tpu.memory_space<vmem>>
        %dma_start3A_549 = tpu.memref_squeeze %dma_start3A_548 : memref<1x1x80xi32, #tpu.memory_space<vmem>> -> memref<80xi32, #tpu.memory_space<vmem>>
        %dma_start3A_550 = arith.constant 0 : i32
        %dma_start3A_551 = arith.constant 0 : i32
        %dma_start3A_552 = tpu.memref_slice %arg17[%dma_start3A_550, %dma_start3A_551] : memref<10016x32xf32, #tpu.memory_space<vmem_shared>> -> memref<10016x32xf32, #tpu.memory_space<vmem_shared>>
        tpu.enqueue_indirect_dma source(%dma_start3A_546 : memref<80x32xf32, #tpu.memory_space<vmem>>) target(%dma_start3A_552 : memref<10016x32xf32, #tpu.memory_space<vmem_shared>>) offsets(%dma_start3A_549 : memref<80xi32, #tpu.memory_space<vmem>>) semaphore(%arg16 : memref<!tpu.dma_semaphore, #tpu.memory_space<semaphore_mem>>) {add = true}
        %dma_start3A_553 = arith.constant 7 : i32
        %dma_start3A_554 = arith.constant 7 : i32
        %dma_start3A_555 = arith.constant 0 : i32
        %dma_start3A_556 = arith.constant 0 : i32
        %dma_start3A_557 = tpu.memref_slice %arg13[%select_n3A_193, %dma_start3A_553, %dma_start3A_555, %dma_start3A_556] : memref<2x10x80x32xf32, #tpu.memory_space<vmem>> -> memref<1x1x80x32xf32, #tpu.memory_space<vmem>>
        %dma_start3A_558 = tpu.memref_squeeze %dma_start3A_557 : memref<1x1x80x32xf32, #tpu.memory_space<vmem>> -> memref<80x32xf32, #tpu.memory_space<vmem>>
        %dma_start3A_559 = arith.constant 0 : i32
        %dma_start3A_560 = tpu.memref_slice %arg12[%select_n3A_193, %dma_start3A_554, %dma_start3A_559] : memref<2x10x80xi32, #tpu.memory_space<vmem>> -> memref<1x1x80xi32, #tpu.memory_space<vmem>>
        %dma_start3A_561 = tpu.memref_squeeze %dma_start3A_560 : memref<1x1x80xi32, #tpu.memory_space<vmem>> -> memref<80xi32, #tpu.memory_space<vmem>>
        %dma_start3A_562 = arith.constant 0 : i32
        %dma_start3A_563 = arith.constant 0 : i32
        %dma_start3A_564 = tpu.memref_slice %arg17[%dma_start3A_562, %dma_start3A_563] : memref<10016x32xf32, #tpu.memory_space<vmem_shared>> -> memref<10016x32xf32, #tpu.memory_space<vmem_shared>>
        tpu.enqueue_indirect_dma source(%dma_start3A_558 : memref<80x32xf32, #tpu.memory_space<vmem>>) target(%dma_start3A_564 : memref<10016x32xf32, #tpu.memory_space<vmem_shared>>) offsets(%dma_start3A_561 : memref<80xi32, #tpu.memory_space<vmem>>) semaphore(%arg16 : memref<!tpu.dma_semaphore, #tpu.memory_space<semaphore_mem>>) {add = true}
        %dma_start3A_565 = arith.constant 8 : i32
        %dma_start3A_566 = arith.constant 8 : i32
        %dma_start3A_567 = arith.constant 0 : i32
        %dma_start3A_568 = arith.constant 0 : i32
        %dma_start3A_569 = tpu.memref_slice %arg13[%select_n3A_193, %dma_start3A_565, %dma_start3A_567, %dma_start3A_568] : memref<2x10x80x32xf32, #tpu.memory_space<vmem>> -> memref<1x1x80x32xf32, #tpu.memory_space<vmem>>
        %dma_start3A_570 = tpu.memref_squeeze %dma_start3A_569 : memref<1x1x80x32xf32, #tpu.memory_space<vmem>> -> memref<80x32xf32, #tpu.memory_space<vmem>>
        %dma_start3A_571 = arith.constant 0 : i32
        %dma_start3A_572 = tpu.memref_slice %arg12[%select_n3A_193, %dma_start3A_566, %dma_start3A_571] : memref<2x10x80xi32, #tpu.memory_space<vmem>> -> memref<1x1x80xi32, #tpu.memory_space<vmem>>
        %dma_start3A_573 = tpu.memref_squeeze %dma_start3A_572 : memref<1x1x80xi32, #tpu.memory_space<vmem>> -> memref<80xi32, #tpu.memory_space<vmem>>
        %dma_start3A_574 = arith.constant 0 : i32
        %dma_start3A_575 = arith.constant 0 : i32
        %dma_start3A_576 = tpu.memref_slice %arg17[%dma_start3A_574, %dma_start3A_575] : memref<10016x32xf32, #tpu.memory_space<vmem_shared>> -> memref<10016x32xf32, #tpu.memory_space<vmem_shared>>
        tpu.enqueue_indirect_dma source(%dma_start3A_570 : memref<80x32xf32, #tpu.memory_space<vmem>>) target(%dma_start3A_576 : memref<10016x32xf32, #tpu.memory_space<vmem_shared>>) offsets(%dma_start3A_573 : memref<80xi32, #tpu.memory_space<vmem>>) semaphore(%arg16 : memref<!tpu.dma_semaphore, #tpu.memory_space<semaphore_mem>>) {add = true}
        %dma_start3A_577 = arith.constant 9 : i32
        %dma_start3A_578 = arith.constant 9 : i32
        %dma_start3A_579 = arith.constant 0 : i32
        %dma_start3A_580 = arith.constant 0 : i32
        %dma_start3A_581 = tpu.memref_slice %arg13[%select_n3A_193, %dma_start3A_577, %dma_start3A_579, %dma_start3A_580] : memref<2x10x80x32xf32, #tpu.memory_space<vmem>> -> memref<1x1x80x32xf32, #tpu.memory_space<vmem>>
        %dma_start3A_582 = tpu.memref_squeeze %dma_start3A_581 : memref<1x1x80x32xf32, #tpu.memory_space<vmem>> -> memref<80x32xf32, #tpu.memory_space<vmem>>
        %dma_start3A_583 = arith.constant 0 : i32
        %dma_start3A_584 = tpu.memref_slice %arg12[%select_n3A_193, %dma_start3A_578, %dma_start3A_583] : memref<2x10x80xi32, #tpu.memory_space<vmem>> -> memref<1x1x80xi32, #tpu.memory_space<vmem>>
        %dma_start3A_585 = tpu.memref_squeeze %dma_start3A_584 : memref<1x1x80xi32, #tpu.memory_space<vmem>> -> memref<80xi32, #tpu.memory_space<vmem>>
        %dma_start3A_586 = arith.constant 0 : i32
        %dma_start3A_587 = arith.constant 0 : i32
        %dma_start3A_588 = tpu.memref_slice %arg17[%dma_start3A_586, %dma_start3A_587] : memref<10016x32xf32, #tpu.memory_space<vmem_shared>> -> memref<10016x32xf32, #tpu.memory_space<vmem_shared>>
        tpu.enqueue_indirect_dma source(%dma_start3A_582 : memref<80x32xf32, #tpu.memory_space<vmem>>) target(%dma_start3A_588 : memref<10016x32xf32, #tpu.memory_space<vmem_shared>>) offsets(%dma_start3A_585 : memref<80xi32, #tpu.memory_space<vmem>>) semaphore(%arg16 : memref<!tpu.dma_semaphore, #tpu.memory_space<semaphore_mem>>) {add = true}
      }
      %scan3A_42 = arith.constant 25 : i32
      %dma_wait3A = arith.constant 0 : i32
      %dma_wait3A_43 = arith.constant 0 : i32
      %dma_wait3A_44 = arith.constant 0 : i32
      %dma_wait3A_45 = arith.constant 0 : i32
      %dma_wait3A_46 = arith.constant 0 : i32
      %dma_wait3A_47 = arith.constant 0 : i32
      %dma_wait3A_48 = tpu.memref_slice %arg13[%dma_wait3A, %dma_wait3A_43, %dma_wait3A_46, %dma_wait3A_47] : memref<2x10x80x32xf32, #tpu.memory_space<vmem>> -> memref<1x1x80x32xf32, #tpu.memory_space<vmem>>
      %dma_wait3A_49 = tpu.memref_squeeze %dma_wait3A_48 : memref<1x1x80x32xf32, #tpu.memory_space<vmem>> -> memref<80x32xf32, #tpu.memory_space<vmem>>
      %dma_wait3A_50 = arith.constant 0 : i32
      %dma_wait3A_51 = tpu.memref_slice %arg12[%dma_wait3A_44, %dma_wait3A_45, %dma_wait3A_50] : memref<2x10x80xi32, #tpu.memory_space<vmem>> -> memref<1x1x80xi32, #tpu.memory_space<vmem>>
      %dma_wait3A_52 = tpu.memref_squeeze %dma_wait3A_51 : memref<1x1x80xi32, #tpu.memory_space<vmem>> -> memref<80xi32, #tpu.memory_space<vmem>>
      %dma_wait3A_53 = arith.constant 0 : i32
      %dma_wait3A_54 = arith.constant 0 : i32
      %dma_wait3A_55 = tpu.memref_slice %arg17[%dma_wait3A_53, %dma_wait3A_54] : memref<10016x32xf32, #tpu.memory_space<vmem_shared>> -> memref<10016x32xf32, #tpu.memory_space<vmem_shared>>
      tpu.wait_indirect_dma semaphore(%arg16 : memref<!tpu.dma_semaphore, #tpu.memory_space<semaphore_mem>>) src(%dma_wait3A_49 : memref<80x32xf32, #tpu.memory_space<vmem>>) dst(%dma_wait3A_55 : memref<10016x32xf32, #tpu.memory_space<vmem_shared>>)
      %dma_wait3A_56 = arith.constant 0 : i32
      %dma_wait3A_57 = arith.constant 1 : i32
      %dma_wait3A_58 = arith.constant 0 : i32
      %dma_wait3A_59 = arith.constant 1 : i32
      %dma_wait3A_60 = arith.constant 0 : i32
      %dma_wait3A_61 = arith.constant 0 : i32
      %dma_wait3A_62 = tpu.memref_slice %arg13[%dma_wait3A_56, %dma_wait3A_57, %dma_wait3A_60, %dma_wait3A_61] : memref<2x10x80x32xf32, #tpu.memory_space<vmem>> -> memref<1x1x80x32xf32, #tpu.memory_space<vmem>>
      %dma_wait3A_63 = tpu.memref_squeeze %dma_wait3A_62 : memref<1x1x80x32xf32, #tpu.memory_space<vmem>> -> memref<80x32xf32, #tpu.memory_space<vmem>>
      %dma_wait3A_64 = arith.constant 0 : i32
      %dma_wait3A_65 = tpu.memref_slice %arg12[%dma_wait3A_58, %dma_wait3A_59, %dma_wait3A_64] : memref<2x10x80xi32, #tpu.memory_space<vmem>> -> memref<1x1x80xi32, #tpu.memory_space<vmem>>
      %dma_wait3A_66 = tpu.memref_squeeze %dma_wait3A_65 : memref<1x1x80xi32, #tpu.memory_space<vmem>> -> memref<80xi32, #tpu.memory_space<vmem>>
      %dma_wait3A_67 = arith.constant 0 : i32
      %dma_wait3A_68 = arith.constant 0 : i32
      %dma_wait3A_69 = tpu.memref_slice %arg17[%dma_wait3A_67, %dma_wait3A_68] : memref<10016x32xf32, #tpu.memory_space<vmem_shared>> -> memref<10016x32xf32, #tpu.memory_space<vmem_shared>>
      tpu.wait_indirect_dma semaphore(%arg16 : memref<!tpu.dma_semaphore, #tpu.memory_space<semaphore_mem>>) src(%dma_wait3A_63 : memref<80x32xf32, #tpu.memory_space<vmem>>) dst(%dma_wait3A_69 : memref<10016x32xf32, #tpu.memory_space<vmem_shared>>)
      %dma_wait3A_70 = arith.constant 0 : i32
      %dma_wait3A_71 = arith.constant 2 : i32
      %dma_wait3A_72 = arith.constant 0 : i32
      %dma_wait3A_73 = arith.constant 2 : i32
      %dma_wait3A_74 = arith.constant 0 : i32
      %dma_wait3A_75 = arith.constant 0 : i32
      %dma_wait3A_76 = tpu.memref_slice %arg13[%dma_wait3A_70, %dma_wait3A_71, %dma_wait3A_74, %dma_wait3A_75] : memref<2x10x80x32xf32, #tpu.memory_space<vmem>> -> memref<1x1x80x32xf32, #tpu.memory_space<vmem>>
      %dma_wait3A_77 = tpu.memref_squeeze %dma_wait3A_76 : memref<1x1x80x32xf32, #tpu.memory_space<vmem>> -> memref<80x32xf32, #tpu.memory_space<vmem>>
      %dma_wait3A_78 = arith.constant 0 : i32
      %dma_wait3A_79 = tpu.memref_slice %arg12[%dma_wait3A_72, %dma_wait3A_73, %dma_wait3A_78] : memref<2x10x80xi32, #tpu.memory_space<vmem>> -> memref<1x1x80xi32, #tpu.memory_space<vmem>>
      %dma_wait3A_80 = tpu.memref_squeeze %dma_wait3A_79 : memref<1x1x80xi32, #tpu.memory_space<vmem>> -> memref<80xi32, #tpu.memory_space<vmem>>
      %dma_wait3A_81 = arith.constant 0 : i32
      %dma_wait3A_82 = arith.constant 0 : i32
      %dma_wait3A_83 = tpu.memref_slice %arg17[%dma_wait3A_81, %dma_wait3A_82] : memref<10016x32xf32, #tpu.memory_space<vmem_shared>> -> memref<10016x32xf32, #tpu.memory_space<vmem_shared>>
      tpu.wait_indirect_dma semaphore(%arg16 : memref<!tpu.dma_semaphore, #tpu.memory_space<semaphore_mem>>) src(%dma_wait3A_77 : memref<80x32xf32, #tpu.memory_space<vmem>>) dst(%dma_wait3A_83 : memref<10016x32xf32, #tpu.memory_space<vmem_shared>>)
      %dma_wait3A_84 = arith.constant 0 : i32
      %dma_wait3A_85 = arith.constant 3 : i32
      %dma_wait3A_86 = arith.constant 0 : i32
      %dma_wait3A_87 = arith.constant 3 : i32
      %dma_wait3A_88 = arith.constant 0 : i32
      %dma_wait3A_89 = arith.constant 0 : i32
      %dma_wait3A_90 = tpu.memref_slice %arg13[%dma_wait3A_84, %dma_wait3A_85, %dma_wait3A_88, %dma_wait3A_89] : memref<2x10x80x32xf32, #tpu.memory_space<vmem>> -> memref<1x1x80x32xf32, #tpu.memory_space<vmem>>
      %dma_wait3A_91 = tpu.memref_squeeze %dma_wait3A_90 : memref<1x1x80x32xf32, #tpu.memory_space<vmem>> -> memref<80x32xf32, #tpu.memory_space<vmem>>
      %dma_wait3A_92 = arith.constant 0 : i32
      %dma_wait3A_93 = tpu.memref_slice %arg12[%dma_wait3A_86, %dma_wait3A_87, %dma_wait3A_92] : memref<2x10x80xi32, #tpu.memory_space<vmem>> -> memref<1x1x80xi32, #tpu.memory_space<vmem>>
      %dma_wait3A_94 = tpu.memref_squeeze %dma_wait3A_93 : memref<1x1x80xi32, #tpu.memory_space<vmem>> -> memref<80xi32, #tpu.memory_space<vmem>>
      %dma_wait3A_95 = arith.constant 0 : i32
      %dma_wait3A_96 = arith.constant 0 : i32
      %dma_wait3A_97 = tpu.memref_slice %arg17[%dma_wait3A_95, %dma_wait3A_96] : memref<10016x32xf32, #tpu.memory_space<vmem_shared>> -> memref<10016x32xf32, #tpu.memory_space<vmem_shared>>
      tpu.wait_indirect_dma semaphore(%arg16 : memref<!tpu.dma_semaphore, #tpu.memory_space<semaphore_mem>>) src(%dma_wait3A_91 : memref<80x32xf32, #tpu.memory_space<vmem>>) dst(%dma_wait3A_97 : memref<10016x32xf32, #tpu.memory_space<vmem_shared>>)
      %dma_wait3A_98 = arith.constant 0 : i32
      %dma_wait3A_99 = arith.constant 4 : i32
      %dma_wait3A_100 = arith.constant 0 : i32
      %dma_wait3A_101 = arith.constant 4 : i32
      %dma_wait3A_102 = arith.constant 0 : i32
      %dma_wait3A_103 = arith.constant 0 : i32
      %dma_wait3A_104 = tpu.memref_slice %arg13[%dma_wait3A_98, %dma_wait3A_99, %dma_wait3A_102, %dma_wait3A_103] : memref<2x10x80x32xf32, #tpu.memory_space<vmem>> -> memref<1x1x80x32xf32, #tpu.memory_space<vmem>>
      %dma_wait3A_105 = tpu.memref_squeeze %dma_wait3A_104 : memref<1x1x80x32xf32, #tpu.memory_space<vmem>> -> memref<80x32xf32, #tpu.memory_space<vmem>>
      %dma_wait3A_106 = arith.constant 0 : i32
      %dma_wait3A_107 = tpu.memref_slice %arg12[%dma_wait3A_100, %dma_wait3A_101, %dma_wait3A_106] : memref<2x10x80xi32, #tpu.memory_space<vmem>> -> memref<1x1x80xi32, #tpu.memory_space<vmem>>
      %dma_wait3A_108 = tpu.memref_squeeze %dma_wait3A_107 : memref<1x1x80xi32, #tpu.memory_space<vmem>> -> memref<80xi32, #tpu.memory_space<vmem>>
      %dma_wait3A_109 = arith.constant 0 : i32
      %dma_wait3A_110 = arith.constant 0 : i32
      %dma_wait3A_111 = tpu.memref_slice %arg17[%dma_wait3A_109, %dma_wait3A_110] : memref<10016x32xf32, #tpu.memory_space<vmem_shared>> -> memref<10016x32xf32, #tpu.memory_space<vmem_shared>>
      tpu.wait_indirect_dma semaphore(%arg16 : memref<!tpu.dma_semaphore, #tpu.memory_space<semaphore_mem>>) src(%dma_wait3A_105 : memref<80x32xf32, #tpu.memory_space<vmem>>) dst(%dma_wait3A_111 : memref<10016x32xf32, #tpu.memory_space<vmem_shared>>)
      %dma_wait3A_112 = arith.constant 0 : i32
      %dma_wait3A_113 = arith.constant 5 : i32
      %dma_wait3A_114 = arith.constant 0 : i32
      %dma_wait3A_115 = arith.constant 5 : i32
      %dma_wait3A_116 = arith.constant 0 : i32
      %dma_wait3A_117 = arith.constant 0 : i32
      %dma_wait3A_118 = tpu.memref_slice %arg13[%dma_wait3A_112, %dma_wait3A_113, %dma_wait3A_116, %dma_wait3A_117] : memref<2x10x80x32xf32, #tpu.memory_space<vmem>> -> memref<1x1x80x32xf32, #tpu.memory_space<vmem>>
      %dma_wait3A_119 = tpu.memref_squeeze %dma_wait3A_118 : memref<1x1x80x32xf32, #tpu.memory_space<vmem>> -> memref<80x32xf32, #tpu.memory_space<vmem>>
      %dma_wait3A_120 = arith.constant 0 : i32
      %dma_wait3A_121 = tpu.memref_slice %arg12[%dma_wait3A_114, %dma_wait3A_115, %dma_wait3A_120] : memref<2x10x80xi32, #tpu.memory_space<vmem>> -> memref<1x1x80xi32, #tpu.memory_space<vmem>>
      %dma_wait3A_122 = tpu.memref_squeeze %dma_wait3A_121 : memref<1x1x80xi32, #tpu.memory_space<vmem>> -> memref<80xi32, #tpu.memory_space<vmem>>
      %dma_wait3A_123 = arith.constant 0 : i32
      %dma_wait3A_124 = arith.constant 0 : i32
      %dma_wait3A_125 = tpu.memref_slice %arg17[%dma_wait3A_123, %dma_wait3A_124] : memref<10016x32xf32, #tpu.memory_space<vmem_shared>> -> memref<10016x32xf32, #tpu.memory_space<vmem_shared>>
      tpu.wait_indirect_dma semaphore(%arg16 : memref<!tpu.dma_semaphore, #tpu.memory_space<semaphore_mem>>) src(%dma_wait3A_119 : memref<80x32xf32, #tpu.memory_space<vmem>>) dst(%dma_wait3A_125 : memref<10016x32xf32, #tpu.memory_space<vmem_shared>>)
      %dma_wait3A_126 = arith.constant 0 : i32
      %dma_wait3A_127 = arith.constant 6 : i32
      %dma_wait3A_128 = arith.constant 0 : i32
      %dma_wait3A_129 = arith.constant 6 : i32
      %dma_wait3A_130 = arith.constant 0 : i32
      %dma_wait3A_131 = arith.constant 0 : i32
      %dma_wait3A_132 = tpu.memref_slice %arg13[%dma_wait3A_126, %dma_wait3A_127, %dma_wait3A_130, %dma_wait3A_131] : memref<2x10x80x32xf32, #tpu.memory_space<vmem>> -> memref<1x1x80x32xf32, #tpu.memory_space<vmem>>
      %dma_wait3A_133 = tpu.memref_squeeze %dma_wait3A_132 : memref<1x1x80x32xf32, #tpu.memory_space<vmem>> -> memref<80x32xf32, #tpu.memory_space<vmem>>
      %dma_wait3A_134 = arith.constant 0 : i32
      %dma_wait3A_135 = tpu.memref_slice %arg12[%dma_wait3A_128, %dma_wait3A_129, %dma_wait3A_134] : memref<2x10x80xi32, #tpu.memory_space<vmem>> -> memref<1x1x80xi32, #tpu.memory_space<vmem>>
      %dma_wait3A_136 = tpu.memref_squeeze %dma_wait3A_135 : memref<1x1x80xi32, #tpu.memory_space<vmem>> -> memref<80xi32, #tpu.memory_space<vmem>>
      %dma_wait3A_137 = arith.constant 0 : i32
      %dma_wait3A_138 = arith.constant 0 : i32
      %dma_wait3A_139 = tpu.memref_slice %arg17[%dma_wait3A_137, %dma_wait3A_138] : memref<10016x32xf32, #tpu.memory_space<vmem_shared>> -> memref<10016x32xf32, #tpu.memory_space<vmem_shared>>
      tpu.wait_indirect_dma semaphore(%arg16 : memref<!tpu.dma_semaphore, #tpu.memory_space<semaphore_mem>>) src(%dma_wait3A_133 : memref<80x32xf32, #tpu.memory_space<vmem>>) dst(%dma_wait3A_139 : memref<10016x32xf32, #tpu.memory_space<vmem_shared>>)
      %dma_wait3A_140 = arith.constant 0 : i32
      %dma_wait3A_141 = arith.constant 7 : i32
      %dma_wait3A_142 = arith.constant 0 : i32
      %dma_wait3A_143 = arith.constant 7 : i32
      %dma_wait3A_144 = arith.constant 0 : i32
      %dma_wait3A_145 = arith.constant 0 : i32
      %dma_wait3A_146 = tpu.memref_slice %arg13[%dma_wait3A_140, %dma_wait3A_141, %dma_wait3A_144, %dma_wait3A_145] : memref<2x10x80x32xf32, #tpu.memory_space<vmem>> -> memref<1x1x80x32xf32, #tpu.memory_space<vmem>>
      %dma_wait3A_147 = tpu.memref_squeeze %dma_wait3A_146 : memref<1x1x80x32xf32, #tpu.memory_space<vmem>> -> memref<80x32xf32, #tpu.memory_space<vmem>>
      %dma_wait3A_148 = arith.constant 0 : i32
      %dma_wait3A_149 = tpu.memref_slice %arg12[%dma_wait3A_142, %dma_wait3A_143, %dma_wait3A_148] : memref<2x10x80xi32, #tpu.memory_space<vmem>> -> memref<1x1x80xi32, #tpu.memory_space<vmem>>
      %dma_wait3A_150 = tpu.memref_squeeze %dma_wait3A_149 : memref<1x1x80xi32, #tpu.memory_space<vmem>> -> memref<80xi32, #tpu.memory_space<vmem>>
      %dma_wait3A_151 = arith.constant 0 : i32
      %dma_wait3A_152 = arith.constant 0 : i32
      %dma_wait3A_153 = tpu.memref_slice %arg17[%dma_wait3A_151, %dma_wait3A_152] : memref<10016x32xf32, #tpu.memory_space<vmem_shared>> -> memref<10016x32xf32, #tpu.memory_space<vmem_shared>>
      tpu.wait_indirect_dma semaphore(%arg16 : memref<!tpu.dma_semaphore, #tpu.memory_space<semaphore_mem>>) src(%dma_wait3A_147 : memref<80x32xf32, #tpu.memory_space<vmem>>) dst(%dma_wait3A_153 : memref<10016x32xf32, #tpu.memory_space<vmem_shared>>)
      %dma_wait3A_154 = arith.constant 0 : i32
      %dma_wait3A_155 = arith.constant 8 : i32
      %dma_wait3A_156 = arith.constant 0 : i32
      %dma_wait3A_157 = arith.constant 8 : i32
      %dma_wait3A_158 = arith.constant 0 : i32
      %dma_wait3A_159 = arith.constant 0 : i32
      %dma_wait3A_160 = tpu.memref_slice %arg13[%dma_wait3A_154, %dma_wait3A_155, %dma_wait3A_158, %dma_wait3A_159] : memref<2x10x80x32xf32, #tpu.memory_space<vmem>> -> memref<1x1x80x32xf32, #tpu.memory_space<vmem>>
      %dma_wait3A_161 = tpu.memref_squeeze %dma_wait3A_160 : memref<1x1x80x32xf32, #tpu.memory_space<vmem>> -> memref<80x32xf32, #tpu.memory_space<vmem>>
      %dma_wait3A_162 = arith.constant 0 : i32
      %dma_wait3A_163 = tpu.memref_slice %arg12[%dma_wait3A_156, %dma_wait3A_157, %dma_wait3A_162] : memref<2x10x80xi32, #tpu.memory_space<vmem>> -> memref<1x1x80xi32, #tpu.memory_space<vmem>>
      %dma_wait3A_164 = tpu.memref_squeeze %dma_wait3A_163 : memref<1x1x80xi32, #tpu.memory_space<vmem>> -> memref<80xi32, #tpu.memory_space<vmem>>
      %dma_wait3A_165 = arith.constant 0 : i32
      %dma_wait3A_166 = arith.constant 0 : i32
      %dma_wait3A_167 = tpu.memref_slice %arg17[%dma_wait3A_165, %dma_wait3A_166] : memref<10016x32xf32, #tpu.memory_space<vmem_shared>> -> memref<10016x32xf32, #tpu.memory_space<vmem_shared>>
      tpu.wait_indirect_dma semaphore(%arg16 : memref<!tpu.dma_semaphore, #tpu.memory_space<semaphore_mem>>) src(%dma_wait3A_161 : memref<80x32xf32, #tpu.memory_space<vmem>>) dst(%dma_wait3A_167 : memref<10016x32xf32, #tpu.memory_space<vmem_shared>>)
      %dma_wait3A_168 = arith.constant 0 : i32
      %dma_wait3A_169 = arith.constant 9 : i32
      %dma_wait3A_170 = arith.constant 0 : i32
      %dma_wait3A_171 = arith.constant 9 : i32
      %dma_wait3A_172 = arith.constant 0 : i32
      %dma_wait3A_173 = arith.constant 0 : i32
      %dma_wait3A_174 = tpu.memref_slice %arg13[%dma_wait3A_168, %dma_wait3A_169, %dma_wait3A_172, %dma_wait3A_173] : memref<2x10x80x32xf32, #tpu.memory_space<vmem>> -> memref<1x1x80x32xf32, #tpu.memory_space<vmem>>
      %dma_wait3A_175 = tpu.memref_squeeze %dma_wait3A_174 : memref<1x1x80x32xf32, #tpu.memory_space<vmem>> -> memref<80x32xf32, #tpu.memory_space<vmem>>
      %dma_wait3A_176 = arith.constant 0 : i32
      %dma_wait3A_177 = tpu.memref_slice %arg12[%dma_wait3A_170, %dma_wait3A_171, %dma_wait3A_176] : memref<2x10x80xi32, #tpu.memory_space<vmem>> -> memref<1x1x80xi32, #tpu.memory_space<vmem>>
      %dma_wait3A_178 = tpu.memref_squeeze %dma_wait3A_177 : memref<1x1x80xi32, #tpu.memory_space<vmem>> -> memref<80xi32, #tpu.memory_space<vmem>>
      %dma_wait3A_179 = arith.constant 0 : i32
      %dma_wait3A_180 = arith.constant 0 : i32
      %dma_wait3A_181 = tpu.memref_slice %arg17[%dma_wait3A_179, %dma_wait3A_180] : memref<10016x32xf32, #tpu.memory_space<vmem_shared>> -> memref<10016x32xf32, #tpu.memory_space<vmem_shared>>
      tpu.wait_indirect_dma semaphore(%arg16 : memref<!tpu.dma_semaphore, #tpu.memory_space<semaphore_mem>>) src(%dma_wait3A_175 : memref<80x32xf32, #tpu.memory_space<vmem>>) dst(%dma_wait3A_181 : memref<10016x32xf32, #tpu.memory_space<vmem_shared>>)
      %barrier3A_182 = arith.constant 0 : index
      tpu.barrier barrier_id(%barrier3A_182)
      "tpu.region"() ({
        %run_scoped3A = tpu.sem_alloc : memref<!tpu.dma_semaphore, #tpu.memory_space<semaphore_mem>>
        %dma_start3A_183 = arith.constant 0 : i32
        %dma_start3A_184 = tpu.memref_slice %arg9[%mul3A_0, %dma_start3A_183] : memref<10016x32xf32, #tpu.memory_space<hbm>> -> memref<626x32xf32, #tpu.memory_space<hbm>>
        %dma_start3A_185 = arith.constant 0 : i32
        %dma_start3A_186 = tpu.memref_slice %arg17[%mul3A_0, %dma_start3A_185] : memref<10016x32xf32, #tpu.memory_space<vmem_shared>> -> memref<626x32xf32, #tpu.memory_space<vmem_shared>>
        tpu.enqueue_dma source(%dma_start3A_186 : memref<626x32xf32, #tpu.memory_space<vmem_shared>>) target(%dma_start3A_184 : memref<626x32xf32, #tpu.memory_space<hbm>>) target_semaphore(%run_scoped3A : memref<!tpu.dma_semaphore, #tpu.memory_space<semaphore_mem>>)
        %dma_wait3A_187 = arith.constant 0 : i32
        %dma_wait3A_188 = tpu.memref_slice %arg9[%mul3A_0, %dma_wait3A_187] : memref<10016x32xf32, #tpu.memory_space<hbm>> -> memref<626x32xf32, #tpu.memory_space<hbm>>
        %dma_wait3A_189 = arith.constant 0 : i32
        %dma_wait3A_190 = tpu.memref_slice %arg17[%mul3A_0, %dma_wait3A_189] : memref<10016x32xf32, #tpu.memory_space<vmem_shared>> -> memref<626x32xf32, #tpu.memory_space<vmem_shared>>
        tpu.wait_dma2 semaphore(%run_scoped3A : memref<!tpu.dma_semaphore, #tpu.memory_space<semaphore_mem>>) src(%dma_wait3A_190 : memref<626x32xf32, #tpu.memory_space<vmem_shared>>) dst(%dma_wait3A_188 : memref<626x32xf32, #tpu.memory_space<hbm>>)
        tpu.yield
      }) : () -> ()
    } else {
    }
    %eq3A_3 = arith.constant 1 : i32
    %eq3A_4 = arith.cmpi eq, %arg0, %eq3A_3 : i32
    %convert_element_type3A_5 = arith.extui %eq3A_4 : i1 to i32
    %cond3A_6 = arith.constant 0 : i32
    %cond3A_7 = arith.cmpi ne, %convert_element_type3A_5, %cond3A_6 : i32
    scf.if %cond3A_7 {
      "tpu.region"() ({
        %run_scoped3A = tpu.sem_alloc : memref<!tpu.dma_semaphore, #tpu.memory_space<semaphore_mem>>
        %dma_start3A_183 = arith.constant 0 : i32
        %dma_start3A_184 = tpu.memref_slice %arg17[%mul3A_0, %dma_start3A_183] : memref<10016x32xf32, #tpu.memory_space<vmem_shared>> -> memref<626x32xf32, #tpu.memory_space<vmem_shared>>
        %dma_start3A_185 = arith.constant 0 : i32
        %dma_start3A_186 = tpu.memref_slice %arg8[%mul3A_0, %dma_start3A_185] : memref<10016x32xf32, #tpu.memory_space<hbm>> -> memref<626x32xf32, #tpu.memory_space<hbm>>
        tpu.enqueue_dma source(%dma_start3A_186 : memref<626x32xf32, #tpu.memory_space<hbm>>) target(%dma_start3A_184 : memref<626x32xf32, #tpu.memory_space<vmem_shared>>) target_semaphore(%run_scoped3A : memref<!tpu.dma_semaphore, #tpu.memory_space<semaphore_mem>>)
        %dma_wait3A_187 = arith.constant 0 : i32
        %dma_wait3A_188 = tpu.memref_slice %arg17[%mul3A_0, %dma_wait3A_187] : memref<10016x32xf32, #tpu.memory_space<vmem_shared>> -> memref<626x32xf32, #tpu.memory_space<vmem_shared>>
        %dma_wait3A_189 = arith.constant 0 : i32
        %dma_wait3A_190 = tpu.memref_slice %arg8[%mul3A_0, %dma_wait3A_189] : memref<10016x32xf32, #tpu.memory_space<hbm>> -> memref<626x32xf32, #tpu.memory_space<hbm>>
        tpu.wait_dma2 semaphore(%run_scoped3A : memref<!tpu.dma_semaphore, #tpu.memory_space<semaphore_mem>>) src(%dma_wait3A_190 : memref<626x32xf32, #tpu.memory_space<hbm>>) dst(%dma_wait3A_188 : memref<626x32xf32, #tpu.memory_space<vmem_shared>>)
        tpu.yield
      }) : () -> ()
      %barrier3A = arith.constant 0 : index
      tpu.barrier barrier_id(%barrier3A)
      %mul3A_8 = arith.constant 250 : i32
      %mul3A_9 = arith.muli %arg1, %mul3A_8 : i32
      %add3A = arith.constant 0 : i32
      %add3A_10 = arith.addi %mul3A_9, %add3A : i32
      %dma_start3A = arith.constant 0 : i32
      %dma_start3A_11 = arith.constant 0 : i32
      %dma_start3A_12 = arith.constant 0 : i32
      %dma_start3A_13 = tpu.memref_slice %arg11[%dma_start3A, %dma_start3A_11, %dma_start3A_12] : memref<2x10x80xi32, #tpu.memory_space<vmem>> -> memref<1x10x80xi32, #tpu.memory_space<vmem>>
      %dma_start3A_14 = tpu.memref_squeeze %dma_start3A_13 : memref<1x10x80xi32, #tpu.memory_space<vmem>> -> memref<10x80xi32, #tpu.memory_space<vmem>>
      %dma_start3A_15 = arith.constant 0 : i32
      %dma_start3A_16 = tpu.memref_slice %arg5[%add3A_10, %dma_start3A_15] : memref<4000x80xi32, #tpu.memory_space<hbm>> -> memref<10x80xi32, #tpu.memory_space<hbm>>
      %dma_start3A_17 = arith.constant 0 : i32
      %dma_start3A_18 = arith.constant 0 : i32
      %dma_start3A_19 = tpu.memref_slice %arg11[%dma_start3A, %dma_start3A_17, %dma_start3A_18] : memref<2x10x80xi32, #tpu.memory_space<vmem>> -> memref<1x10x80xi32, #tpu.memory_space<vmem>>
      %dma_start3A_20 = tpu.memref_squeeze %dma_start3A_19 : memref<1x10x80xi32, #tpu.memory_space<vmem>> -> memref<10x80xi32, #tpu.memory_space<vmem>>
      %dma_start3A_21 = arith.constant 0 : i32
      %dma_start3A_22 = tpu.memref_slice %arg5[%add3A_10, %dma_start3A_21] : memref<4000x80xi32, #tpu.memory_space<hbm>> -> memref<10x80xi32, #tpu.memory_space<hbm>>
      tpu.enqueue_dma source(%dma_start3A_22 : memref<10x80xi32, #tpu.memory_space<hbm>>) target(%dma_start3A_20 : memref<10x80xi32, #tpu.memory_space<vmem>>) target_semaphore(%arg14 : memref<!tpu.dma_semaphore, #tpu.memory_space<semaphore_mem>>)
      %add3A_23 = arith.constant 0 : i32
      %add3A_24 = arith.addi %mul3A_9, %add3A_23 : i32
      %dma_start3A_25 = arith.constant 0 : i32
      %dma_start3A_26 = arith.constant 0 : i32
      %dma_start3A_27 = arith.constant 0 : i32
      %dma_start3A_28 = tpu.memref_slice %arg12[%dma_start3A_25, %dma_start3A_26, %dma_start3A_27] : memref<2x10x80xi32, #tpu.memory_space<vmem>> -> memref<1x10x80xi32, #tpu.memory_space<vmem>>
      %dma_start3A_29 = tpu.memref_squeeze %dma_start3A_28 : memref<1x10x80xi32, #tpu.memory_space<vmem>> -> memref<10x80xi32, #tpu.memory_space<vmem>>
      %dma_start3A_30 = arith.constant 0 : i32
      %dma_start3A_31 = tpu.memref_slice %arg7[%add3A_24, %dma_start3A_30] : memref<4000x80xi32, #tpu.memory_space<hbm>> -> memref<10x80xi32, #tpu.memory_space<hbm>>
      %dma_start3A_32 = arith.constant 0 : i32
      %dma_start3A_33 = arith.constant 0 : i32
      %dma_start3A_34 = tpu.memref_slice %arg12[%dma_start3A_25, %dma_start3A_32, %dma_start3A_33] : memref<2x10x80xi32, #tpu.memory_space<vmem>> -> memref<1x10x80xi32, #tpu.memory_space<vmem>>
      %dma_start3A_35 = tpu.memref_squeeze %dma_start3A_34 : memref<1x10x80xi32, #tpu.memory_space<vmem>> -> memref<10x80xi32, #tpu.memory_space<vmem>>
      %dma_start3A_36 = arith.constant 0 : i32
      %dma_start3A_37 = tpu.memref_slice %arg7[%add3A_24, %dma_start3A_36] : memref<4000x80xi32, #tpu.memory_space<hbm>> -> memref<10x80xi32, #tpu.memory_space<hbm>>
      tpu.enqueue_dma source(%dma_start3A_37 : memref<10x80xi32, #tpu.memory_space<hbm>>) target(%dma_start3A_35 : memref<10x80xi32, #tpu.memory_space<vmem>>) target_semaphore(%arg14 : memref<!tpu.dma_semaphore, #tpu.memory_space<semaphore_mem>>)
      %scan3A = arith.constant 0 : i32
      %scan3A_38 = arith.constant 0 : i32
      %scan3A_39 = arith.constant 25 : i32
      %scan3A_40 = arith.addi %scan3A_38, %scan3A_39 : i32
      %scan3A_41 = arith.constant 1 : i32
      scf.for %scan3A_183 = %scan3A_38 to %scan3A_40 step %scan3A_41  : i32 {
        %jit3A = arith.constant 2 : i32
        %eq3A_184 = arith.constant 0 : i32
        %eq3A_185 = arith.cmpi eq, %jit3A, %eq3A_184 : i32
        %jit3A_186 = arith.constant 1 : i32
        %select_n3A = arith.select %eq3A_185, %jit3A_186, %jit3A : i32
        %rem3A = arith.remsi %scan3A_183, %select_n3A : i32
        %ne3A = arith.constant 0 : i32
        %ne3A_187 = arith.cmpi ne, %rem3A, %ne3A : i32
        %lt3A = arith.constant 0 : i32
        %lt3A_188 = arith.cmpi slt, %rem3A, %lt3A : i32
        %lt3A_189 = arith.constant 0 : i32
        %lt3A_190 = arith.cmpi slt, %select_n3A, %lt3A_189 : i32
        %ne3A_191 = arith.xori %lt3A_188, %lt3A_190 : i1
        %and3A = arith.andi %ne3A_191, %ne3A_187 : i1
        %add3A_192 = arith.addi %rem3A, %select_n3A : i32
        %select_n3A_193 = arith.select %and3A, %add3A_192, %rem3A : i32
        %dma_wait3A_194 = arith.constant 0 : i32
        %dma_wait3A_195 = arith.constant 0 : i32
        %dma_wait3A_196 = tpu.memref_slice %arg11[%select_n3A_193, %dma_wait3A_194, %dma_wait3A_195] : memref<2x10x80xi32, #tpu.memory_space<vmem>> -> memref<1x10x80xi32, #tpu.memory_space<vmem>>
        %dma_wait3A_197 = tpu.memref_squeeze %dma_wait3A_196 : memref<1x10x80xi32, #tpu.memory_space<vmem>> -> memref<10x80xi32, #tpu.memory_space<vmem>>
        %dma_wait3A_198 = arith.constant 0 : i32
        %dma_wait3A_199 = tpu.memref_slice %arg5[%mul3A_9, %dma_wait3A_198] : memref<4000x80xi32, #tpu.memory_space<hbm>> -> memref<10x80xi32, #tpu.memory_space<hbm>>
        %dma_wait3A_200 = arith.constant 0 : i32
        %dma_wait3A_201 = arith.constant 0 : i32
        %dma_wait3A_202 = tpu.memref_slice %arg11[%select_n3A_193, %dma_wait3A_200, %dma_wait3A_201] : memref<2x10x80xi32, #tpu.memory_space<vmem>> -> memref<1x10x80xi32, #tpu.memory_space<vmem>>
        %dma_wait3A_203 = tpu.memref_squeeze %dma_wait3A_202 : memref<1x10x80xi32, #tpu.memory_space<vmem>> -> memref<10x80xi32, #tpu.memory_space<vmem>>
        %dma_wait3A_204 = arith.constant 0 : i32
        %dma_wait3A_205 = tpu.memref_slice %arg5[%mul3A_9, %dma_wait3A_204] : memref<4000x80xi32, #tpu.memory_space<hbm>> -> memref<10x80xi32, #tpu.memory_space<hbm>>
        tpu.wait_dma2 semaphore(%arg14 : memref<!tpu.dma_semaphore, #tpu.memory_space<semaphore_mem>>) src(%dma_wait3A_205 : memref<10x80xi32, #tpu.memory_space<hbm>>) dst(%dma_wait3A_203 : memref<10x80xi32, #tpu.memory_space<vmem>>)
        %dma_wait3A_206 = arith.constant 0 : i32
        %dma_wait3A_207 = arith.constant 0 : i32
        %dma_wait3A_208 = tpu.memref_slice %arg12[%select_n3A_193, %dma_wait3A_206, %dma_wait3A_207] : memref<2x10x80xi32, #tpu.memory_space<vmem>> -> memref<1x10x80xi32, #tpu.memory_space<vmem>>
        %dma_wait3A_209 = tpu.memref_squeeze %dma_wait3A_208 : memref<1x10x80xi32, #tpu.memory_space<vmem>> -> memref<10x80xi32, #tpu.memory_space<vmem>>
        %dma_wait3A_210 = arith.constant 0 : i32
        %dma_wait3A_211 = tpu.memref_slice %arg7[%mul3A_9, %dma_wait3A_210] : memref<4000x80xi32, #tpu.memory_space<hbm>> -> memref<10x80xi32, #tpu.memory_space<hbm>>
        %dma_wait3A_212 = arith.constant 0 : i32
        %dma_wait3A_213 = arith.constant 0 : i32
        %dma_wait3A_214 = tpu.memref_slice %arg12[%select_n3A_193, %dma_wait3A_212, %dma_wait3A_213] : memref<2x10x80xi32, #tpu.memory_space<vmem>> -> memref<1x10x80xi32, #tpu.memory_space<vmem>>
        %dma_wait3A_215 = tpu.memref_squeeze %dma_wait3A_214 : memref<1x10x80xi32, #tpu.memory_space<vmem>> -> memref<10x80xi32, #tpu.memory_space<vmem>>
        %dma_wait3A_216 = arith.constant 0 : i32
        %dma_wait3A_217 = tpu.memref_slice %arg7[%mul3A_9, %dma_wait3A_216] : memref<4000x80xi32, #tpu.memory_space<hbm>> -> memref<10x80xi32, #tpu.memory_space<hbm>>
        tpu.wait_dma2 semaphore(%arg14 : memref<!tpu.dma_semaphore, #tpu.memory_space<semaphore_mem>>) src(%dma_wait3A_217 : memref<10x80xi32, #tpu.memory_space<hbm>>) dst(%dma_wait3A_215 : memref<10x80xi32, #tpu.memory_space<vmem>>)
        %dma_start3A_218 = arith.constant 0 : i32
        %dma_start3A_219 = arith.constant 0 : i32
        %dma_start3A_220 = arith.constant 0 : i32
        %dma_start3A_221 = arith.constant 0 : i32
        %dma_start3A_222 = tpu.memref_slice %arg13[%select_n3A_193, %dma_start3A_219, %dma_start3A_220, %dma_start3A_221] : memref<2x10x80x32xf32, #tpu.memory_space<vmem>> -> memref<1x1x80x32xf32, #tpu.memory_space<vmem>>
        %dma_start3A_223 = tpu.memref_squeeze %dma_start3A_222 : memref<1x1x80x32xf32, #tpu.memory_space<vmem>> -> memref<80x32xf32, #tpu.memory_space<vmem>>
        %dma_start3A_224 = arith.constant 0 : i32
        %dma_start3A_225 = tpu.memref_slice %arg11[%select_n3A_193, %dma_start3A_218, %dma_start3A_224] : memref<2x10x80xi32, #tpu.memory_space<vmem>> -> memref<1x1x80xi32, #tpu.memory_space<vmem>>
        %dma_start3A_226 = tpu.memref_squeeze %dma_start3A_225 : memref<1x1x80xi32, #tpu.memory_space<vmem>> -> memref<80xi32, #tpu.memory_space<vmem>>
        %dma_start3A_227 = arith.constant 0 : i32
        %dma_start3A_228 = arith.constant 0 : i32
        %dma_start3A_229 = tpu.memref_slice %arg3[%dma_start3A_227, %dma_start3A_228] : memref<10016x32xf32, #tpu.memory_space<hbm>> -> memref<10016x32xf32, #tpu.memory_space<hbm>>
        tpu.enqueue_indirect_dma source(%dma_start3A_229 : memref<10016x32xf32, #tpu.memory_space<hbm>>) target(%dma_start3A_223 : memref<80x32xf32, #tpu.memory_space<vmem>>) offsets(%dma_start3A_226 : memref<80xi32, #tpu.memory_space<vmem>>) semaphore(%arg15 : memref<!tpu.dma_semaphore, #tpu.memory_space<semaphore_mem>>)
        %dma_start3A_230 = arith.constant 1 : i32
        %dma_start3A_231 = arith.constant 1 : i32
        %dma_start3A_232 = arith.constant 0 : i32
        %dma_start3A_233 = arith.constant 0 : i32
        %dma_start3A_234 = tpu.memref_slice %arg13[%select_n3A_193, %dma_start3A_231, %dma_start3A_232, %dma_start3A_233] : memref<2x10x80x32xf32, #tpu.memory_space<vmem>> -> memref<1x1x80x32xf32, #tpu.memory_space<vmem>>
        %dma_start3A_235 = tpu.memref_squeeze %dma_start3A_234 : memref<1x1x80x32xf32, #tpu.memory_space<vmem>> -> memref<80x32xf32, #tpu.memory_space<vmem>>
        %dma_start3A_236 = arith.constant 0 : i32
        %dma_start3A_237 = tpu.memref_slice %arg11[%select_n3A_193, %dma_start3A_230, %dma_start3A_236] : memref<2x10x80xi32, #tpu.memory_space<vmem>> -> memref<1x1x80xi32, #tpu.memory_space<vmem>>
        %dma_start3A_238 = tpu.memref_squeeze %dma_start3A_237 : memref<1x1x80xi32, #tpu.memory_space<vmem>> -> memref<80xi32, #tpu.memory_space<vmem>>
        %dma_start3A_239 = arith.constant 0 : i32
        %dma_start3A_240 = arith.constant 0 : i32
        %dma_start3A_241 = tpu.memref_slice %arg3[%dma_start3A_239, %dma_start3A_240] : memref<10016x32xf32, #tpu.memory_space<hbm>> -> memref<10016x32xf32, #tpu.memory_space<hbm>>
        tpu.enqueue_indirect_dma source(%dma_start3A_241 : memref<10016x32xf32, #tpu.memory_space<hbm>>) target(%dma_start3A_235 : memref<80x32xf32, #tpu.memory_space<vmem>>) offsets(%dma_start3A_238 : memref<80xi32, #tpu.memory_space<vmem>>) semaphore(%arg15 : memref<!tpu.dma_semaphore, #tpu.memory_space<semaphore_mem>>)
        %dma_start3A_242 = arith.constant 2 : i32
        %dma_start3A_243 = arith.constant 2 : i32
        %dma_start3A_244 = arith.constant 0 : i32
        %dma_start3A_245 = arith.constant 0 : i32
        %dma_start3A_246 = tpu.memref_slice %arg13[%select_n3A_193, %dma_start3A_243, %dma_start3A_244, %dma_start3A_245] : memref<2x10x80x32xf32, #tpu.memory_space<vmem>> -> memref<1x1x80x32xf32, #tpu.memory_space<vmem>>
        %dma_start3A_247 = tpu.memref_squeeze %dma_start3A_246 : memref<1x1x80x32xf32, #tpu.memory_space<vmem>> -> memref<80x32xf32, #tpu.memory_space<vmem>>
        %dma_start3A_248 = arith.constant 0 : i32
        %dma_start3A_249 = tpu.memref_slice %arg11[%select_n3A_193, %dma_start3A_242, %dma_start3A_248] : memref<2x10x80xi32, #tpu.memory_space<vmem>> -> memref<1x1x80xi32, #tpu.memory_space<vmem>>
        %dma_start3A_250 = tpu.memref_squeeze %dma_start3A_249 : memref<1x1x80xi32, #tpu.memory_space<vmem>> -> memref<80xi32, #tpu.memory_space<vmem>>
        %dma_start3A_251 = arith.constant 0 : i32
        %dma_start3A_252 = arith.constant 0 : i32
        %dma_start3A_253 = tpu.memref_slice %arg3[%dma_start3A_251, %dma_start3A_252] : memref<10016x32xf32, #tpu.memory_space<hbm>> -> memref<10016x32xf32, #tpu.memory_space<hbm>>
        tpu.enqueue_indirect_dma source(%dma_start3A_253 : memref<10016x32xf32, #tpu.memory_space<hbm>>) target(%dma_start3A_247 : memref<80x32xf32, #tpu.memory_space<vmem>>) offsets(%dma_start3A_250 : memref<80xi32, #tpu.memory_space<vmem>>) semaphore(%arg15 : memref<!tpu.dma_semaphore, #tpu.memory_space<semaphore_mem>>)
        %dma_start3A_254 = arith.constant 3 : i32
        %dma_start3A_255 = arith.constant 3 : i32
        %dma_start3A_256 = arith.constant 0 : i32
        %dma_start3A_257 = arith.constant 0 : i32
        %dma_start3A_258 = tpu.memref_slice %arg13[%select_n3A_193, %dma_start3A_255, %dma_start3A_256, %dma_start3A_257] : memref<2x10x80x32xf32, #tpu.memory_space<vmem>> -> memref<1x1x80x32xf32, #tpu.memory_space<vmem>>
        %dma_start3A_259 = tpu.memref_squeeze %dma_start3A_258 : memref<1x1x80x32xf32, #tpu.memory_space<vmem>> -> memref<80x32xf32, #tpu.memory_space<vmem>>
        %dma_start3A_260 = arith.constant 0 : i32
        %dma_start3A_261 = tpu.memref_slice %arg11[%select_n3A_193, %dma_start3A_254, %dma_start3A_260] : memref<2x10x80xi32, #tpu.memory_space<vmem>> -> memref<1x1x80xi32, #tpu.memory_space<vmem>>
        %dma_start3A_262 = tpu.memref_squeeze %dma_start3A_261 : memref<1x1x80xi32, #tpu.memory_space<vmem>> -> memref<80xi32, #tpu.memory_space<vmem>>
        %dma_start3A_263 = arith.constant 0 : i32
        %dma_start3A_264 = arith.constant 0 : i32
        %dma_start3A_265 = tpu.memref_slice %arg3[%dma_start3A_263, %dma_start3A_264] : memref<10016x32xf32, #tpu.memory_space<hbm>> -> memref<10016x32xf32, #tpu.memory_space<hbm>>
        tpu.enqueue_indirect_dma source(%dma_start3A_265 : memref<10016x32xf32, #tpu.memory_space<hbm>>) target(%dma_start3A_259 : memref<80x32xf32, #tpu.memory_space<vmem>>) offsets(%dma_start3A_262 : memref<80xi32, #tpu.memory_space<vmem>>) semaphore(%arg15 : memref<!tpu.dma_semaphore, #tpu.memory_space<semaphore_mem>>)
        %dma_start3A_266 = arith.constant 4 : i32
        %dma_start3A_267 = arith.constant 4 : i32
        %dma_start3A_268 = arith.constant 0 : i32
        %dma_start3A_269 = arith.constant 0 : i32
        %dma_start3A_270 = tpu.memref_slice %arg13[%select_n3A_193, %dma_start3A_267, %dma_start3A_268, %dma_start3A_269] : memref<2x10x80x32xf32, #tpu.memory_space<vmem>> -> memref<1x1x80x32xf32, #tpu.memory_space<vmem>>
        %dma_start3A_271 = tpu.memref_squeeze %dma_start3A_270 : memref<1x1x80x32xf32, #tpu.memory_space<vmem>> -> memref<80x32xf32, #tpu.memory_space<vmem>>
        %dma_start3A_272 = arith.constant 0 : i32
        %dma_start3A_273 = tpu.memref_slice %arg11[%select_n3A_193, %dma_start3A_266, %dma_start3A_272] : memref<2x10x80xi32, #tpu.memory_space<vmem>> -> memref<1x1x80xi32, #tpu.memory_space<vmem>>
        %dma_start3A_274 = tpu.memref_squeeze %dma_start3A_273 : memref<1x1x80xi32, #tpu.memory_space<vmem>> -> memref<80xi32, #tpu.memory_space<vmem>>
        %dma_start3A_275 = arith.constant 0 : i32
        %dma_start3A_276 = arith.constant 0 : i32
        %dma_start3A_277 = tpu.memref_slice %arg3[%dma_start3A_275, %dma_start3A_276] : memref<10016x32xf32, #tpu.memory_space<hbm>> -> memref<10016x32xf32, #tpu.memory_space<hbm>>
        tpu.enqueue_indirect_dma source(%dma_start3A_277 : memref<10016x32xf32, #tpu.memory_space<hbm>>) target(%dma_start3A_271 : memref<80x32xf32, #tpu.memory_space<vmem>>) offsets(%dma_start3A_274 : memref<80xi32, #tpu.memory_space<vmem>>) semaphore(%arg15 : memref<!tpu.dma_semaphore, #tpu.memory_space<semaphore_mem>>)
        %dma_start3A_278 = arith.constant 5 : i32
        %dma_start3A_279 = arith.constant 5 : i32
        %dma_start3A_280 = arith.constant 0 : i32
        %dma_start3A_281 = arith.constant 0 : i32
        %dma_start3A_282 = tpu.memref_slice %arg13[%select_n3A_193, %dma_start3A_279, %dma_start3A_280, %dma_start3A_281] : memref<2x10x80x32xf32, #tpu.memory_space<vmem>> -> memref<1x1x80x32xf32, #tpu.memory_space<vmem>>
        %dma_start3A_283 = tpu.memref_squeeze %dma_start3A_282 : memref<1x1x80x32xf32, #tpu.memory_space<vmem>> -> memref<80x32xf32, #tpu.memory_space<vmem>>
        %dma_start3A_284 = arith.constant 0 : i32
        %dma_start3A_285 = tpu.memref_slice %arg11[%select_n3A_193, %dma_start3A_278, %dma_start3A_284] : memref<2x10x80xi32, #tpu.memory_space<vmem>> -> memref<1x1x80xi32, #tpu.memory_space<vmem>>
        %dma_start3A_286 = tpu.memref_squeeze %dma_start3A_285 : memref<1x1x80xi32, #tpu.memory_space<vmem>> -> memref<80xi32, #tpu.memory_space<vmem>>
        %dma_start3A_287 = arith.constant 0 : i32
        %dma_start3A_288 = arith.constant 0 : i32
        %dma_start3A_289 = tpu.memref_slice %arg3[%dma_start3A_287, %dma_start3A_288] : memref<10016x32xf32, #tpu.memory_space<hbm>> -> memref<10016x32xf32, #tpu.memory_space<hbm>>
        tpu.enqueue_indirect_dma source(%dma_start3A_289 : memref<10016x32xf32, #tpu.memory_space<hbm>>) target(%dma_start3A_283 : memref<80x32xf32, #tpu.memory_space<vmem>>) offsets(%dma_start3A_286 : memref<80xi32, #tpu.memory_space<vmem>>) semaphore(%arg15 : memref<!tpu.dma_semaphore, #tpu.memory_space<semaphore_mem>>)
        %dma_start3A_290 = arith.constant 6 : i32
        %dma_start3A_291 = arith.constant 6 : i32
        %dma_start3A_292 = arith.constant 0 : i32
        %dma_start3A_293 = arith.constant 0 : i32
        %dma_start3A_294 = tpu.memref_slice %arg13[%select_n3A_193, %dma_start3A_291, %dma_start3A_292, %dma_start3A_293] : memref<2x10x80x32xf32, #tpu.memory_space<vmem>> -> memref<1x1x80x32xf32, #tpu.memory_space<vmem>>
        %dma_start3A_295 = tpu.memref_squeeze %dma_start3A_294 : memref<1x1x80x32xf32, #tpu.memory_space<vmem>> -> memref<80x32xf32, #tpu.memory_space<vmem>>
        %dma_start3A_296 = arith.constant 0 : i32
        %dma_start3A_297 = tpu.memref_slice %arg11[%select_n3A_193, %dma_start3A_290, %dma_start3A_296] : memref<2x10x80xi32, #tpu.memory_space<vmem>> -> memref<1x1x80xi32, #tpu.memory_space<vmem>>
        %dma_start3A_298 = tpu.memref_squeeze %dma_start3A_297 : memref<1x1x80xi32, #tpu.memory_space<vmem>> -> memref<80xi32, #tpu.memory_space<vmem>>
        %dma_start3A_299 = arith.constant 0 : i32
        %dma_start3A_300 = arith.constant 0 : i32
        %dma_start3A_301 = tpu.memref_slice %arg3[%dma_start3A_299, %dma_start3A_300] : memref<10016x32xf32, #tpu.memory_space<hbm>> -> memref<10016x32xf32, #tpu.memory_space<hbm>>
        tpu.enqueue_indirect_dma source(%dma_start3A_301 : memref<10016x32xf32, #tpu.memory_space<hbm>>) target(%dma_start3A_295 : memref<80x32xf32, #tpu.memory_space<vmem>>) offsets(%dma_start3A_298 : memref<80xi32, #tpu.memory_space<vmem>>) semaphore(%arg15 : memref<!tpu.dma_semaphore, #tpu.memory_space<semaphore_mem>>)
        %dma_start3A_302 = arith.constant 7 : i32
        %dma_start3A_303 = arith.constant 7 : i32
        %dma_start3A_304 = arith.constant 0 : i32
        %dma_start3A_305 = arith.constant 0 : i32
        %dma_start3A_306 = tpu.memref_slice %arg13[%select_n3A_193, %dma_start3A_303, %dma_start3A_304, %dma_start3A_305] : memref<2x10x80x32xf32, #tpu.memory_space<vmem>> -> memref<1x1x80x32xf32, #tpu.memory_space<vmem>>
        %dma_start3A_307 = tpu.memref_squeeze %dma_start3A_306 : memref<1x1x80x32xf32, #tpu.memory_space<vmem>> -> memref<80x32xf32, #tpu.memory_space<vmem>>
        %dma_start3A_308 = arith.constant 0 : i32
        %dma_start3A_309 = tpu.memref_slice %arg11[%select_n3A_193, %dma_start3A_302, %dma_start3A_308] : memref<2x10x80xi32, #tpu.memory_space<vmem>> -> memref<1x1x80xi32, #tpu.memory_space<vmem>>
        %dma_start3A_310 = tpu.memref_squeeze %dma_start3A_309 : memref<1x1x80xi32, #tpu.memory_space<vmem>> -> memref<80xi32, #tpu.memory_space<vmem>>
        %dma_start3A_311 = arith.constant 0 : i32
        %dma_start3A_312 = arith.constant 0 : i32
        %dma_start3A_313 = tpu.memref_slice %arg3[%dma_start3A_311, %dma_start3A_312] : memref<10016x32xf32, #tpu.memory_space<hbm>> -> memref<10016x32xf32, #tpu.memory_space<hbm>>
        tpu.enqueue_indirect_dma source(%dma_start3A_313 : memref<10016x32xf32, #tpu.memory_space<hbm>>) target(%dma_start3A_307 : memref<80x32xf32, #tpu.memory_space<vmem>>) offsets(%dma_start3A_310 : memref<80xi32, #tpu.memory_space<vmem>>) semaphore(%arg15 : memref<!tpu.dma_semaphore, #tpu.memory_space<semaphore_mem>>)
        %dma_start3A_314 = arith.constant 8 : i32
        %dma_start3A_315 = arith.constant 8 : i32
        %dma_start3A_316 = arith.constant 0 : i32
        %dma_start3A_317 = arith.constant 0 : i32
        %dma_start3A_318 = tpu.memref_slice %arg13[%select_n3A_193, %dma_start3A_315, %dma_start3A_316, %dma_start3A_317] : memref<2x10x80x32xf32, #tpu.memory_space<vmem>> -> memref<1x1x80x32xf32, #tpu.memory_space<vmem>>
        %dma_start3A_319 = tpu.memref_squeeze %dma_start3A_318 : memref<1x1x80x32xf32, #tpu.memory_space<vmem>> -> memref<80x32xf32, #tpu.memory_space<vmem>>
        %dma_start3A_320 = arith.constant 0 : i32
        %dma_start3A_321 = tpu.memref_slice %arg11[%select_n3A_193, %dma_start3A_314, %dma_start3A_320] : memref<2x10x80xi32, #tpu.memory_space<vmem>> -> memref<1x1x80xi32, #tpu.memory_space<vmem>>
        %dma_start3A_322 = tpu.memref_squeeze %dma_start3A_321 : memref<1x1x80xi32, #tpu.memory_space<vmem>> -> memref<80xi32, #tpu.memory_space<vmem>>
        %dma_start3A_323 = arith.constant 0 : i32
        %dma_start3A_324 = arith.constant 0 : i32
        %dma_start3A_325 = tpu.memref_slice %arg3[%dma_start3A_323, %dma_start3A_324] : memref<10016x32xf32, #tpu.memory_space<hbm>> -> memref<10016x32xf32, #tpu.memory_space<hbm>>
        tpu.enqueue_indirect_dma source(%dma_start3A_325 : memref<10016x32xf32, #tpu.memory_space<hbm>>) target(%dma_start3A_319 : memref<80x32xf32, #tpu.memory_space<vmem>>) offsets(%dma_start3A_322 : memref<80xi32, #tpu.memory_space<vmem>>) semaphore(%arg15 : memref<!tpu.dma_semaphore, #tpu.memory_space<semaphore_mem>>)
        %dma_start3A_326 = arith.constant 9 : i32
        %dma_start3A_327 = arith.constant 9 : i32
        %dma_start3A_328 = arith.constant 0 : i32
        %dma_start3A_329 = arith.constant 0 : i32
        %dma_start3A_330 = tpu.memref_slice %arg13[%select_n3A_193, %dma_start3A_327, %dma_start3A_328, %dma_start3A_329] : memref<2x10x80x32xf32, #tpu.memory_space<vmem>> -> memref<1x1x80x32xf32, #tpu.memory_space<vmem>>
        %dma_start3A_331 = tpu.memref_squeeze %dma_start3A_330 : memref<1x1x80x32xf32, #tpu.memory_space<vmem>> -> memref<80x32xf32, #tpu.memory_space<vmem>>
        %dma_start3A_332 = arith.constant 0 : i32
        %dma_start3A_333 = tpu.memref_slice %arg11[%select_n3A_193, %dma_start3A_326, %dma_start3A_332] : memref<2x10x80xi32, #tpu.memory_space<vmem>> -> memref<1x1x80xi32, #tpu.memory_space<vmem>>
        %dma_start3A_334 = tpu.memref_squeeze %dma_start3A_333 : memref<1x1x80xi32, #tpu.memory_space<vmem>> -> memref<80xi32, #tpu.memory_space<vmem>>
        %dma_start3A_335 = arith.constant 0 : i32
        %dma_start3A_336 = arith.constant 0 : i32
        %dma_start3A_337 = tpu.memref_slice %arg3[%dma_start3A_335, %dma_start3A_336] : memref<10016x32xf32, #tpu.memory_space<hbm>> -> memref<10016x32xf32, #tpu.memory_space<hbm>>
        tpu.enqueue_indirect_dma source(%dma_start3A_337 : memref<10016x32xf32, #tpu.memory_space<hbm>>) target(%dma_start3A_331 : memref<80x32xf32, #tpu.memory_space<vmem>>) offsets(%dma_start3A_334 : memref<80xi32, #tpu.memory_space<vmem>>) semaphore(%arg15 : memref<!tpu.dma_semaphore, #tpu.memory_space<semaphore_mem>>)
        %dma_wait3A_338 = arith.constant 0 : i32
        %dma_wait3A_339 = arith.constant 0 : i32
        %dma_wait3A_340 = arith.constant 0 : i32
        %dma_wait3A_341 = arith.constant 0 : i32
        %dma_wait3A_342 = tpu.memref_slice %arg13[%select_n3A_193, %dma_wait3A_339, %dma_wait3A_340, %dma_wait3A_341] : memref<2x10x80x32xf32, #tpu.memory_space<vmem>> -> memref<1x1x80x32xf32, #tpu.memory_space<vmem>>
        %dma_wait3A_343 = tpu.memref_squeeze %dma_wait3A_342 : memref<1x1x80x32xf32, #tpu.memory_space<vmem>> -> memref<80x32xf32, #tpu.memory_space<vmem>>
        %dma_wait3A_344 = arith.constant 0 : i32
        %dma_wait3A_345 = tpu.memref_slice %arg11[%select_n3A_193, %dma_wait3A_338, %dma_wait3A_344] : memref<2x10x80xi32, #tpu.memory_space<vmem>> -> memref<1x1x80xi32, #tpu.memory_space<vmem>>
        %dma_wait3A_346 = tpu.memref_squeeze %dma_wait3A_345 : memref<1x1x80xi32, #tpu.memory_space<vmem>> -> memref<80xi32, #tpu.memory_space<vmem>>
        %dma_wait3A_347 = arith.constant 0 : i32
        %dma_wait3A_348 = arith.constant 0 : i32
        %dma_wait3A_349 = tpu.memref_slice %arg3[%dma_wait3A_347, %dma_wait3A_348] : memref<10016x32xf32, #tpu.memory_space<hbm>> -> memref<10016x32xf32, #tpu.memory_space<hbm>>
        tpu.wait_indirect_dma semaphore(%arg15 : memref<!tpu.dma_semaphore, #tpu.memory_space<semaphore_mem>>) src(%dma_wait3A_349 : memref<10016x32xf32, #tpu.memory_space<hbm>>) dst(%dma_wait3A_343 : memref<80x32xf32, #tpu.memory_space<vmem>>)
        %dma_wait3A_350 = arith.constant 1 : i32
        %dma_wait3A_351 = arith.constant 1 : i32
        %dma_wait3A_352 = arith.constant 0 : i32
        %dma_wait3A_353 = arith.constant 0 : i32
        %dma_wait3A_354 = tpu.memref_slice %arg13[%select_n3A_193, %dma_wait3A_351, %dma_wait3A_352, %dma_wait3A_353] : memref<2x10x80x32xf32, #tpu.memory_space<vmem>> -> memref<1x1x80x32xf32, #tpu.memory_space<vmem>>
        %dma_wait3A_355 = tpu.memref_squeeze %dma_wait3A_354 : memref<1x1x80x32xf32, #tpu.memory_space<vmem>> -> memref<80x32xf32, #tpu.memory_space<vmem>>
        %dma_wait3A_356 = arith.constant 0 : i32
        %dma_wait3A_357 = tpu.memref_slice %arg11[%select_n3A_193, %dma_wait3A_350, %dma_wait3A_356] : memref<2x10x80xi32, #tpu.memory_space<vmem>> -> memref<1x1x80xi32, #tpu.memory_space<vmem>>
        %dma_wait3A_358 = tpu.memref_squeeze %dma_wait3A_357 : memref<1x1x80xi32, #tpu.memory_space<vmem>> -> memref<80xi32, #tpu.memory_space<vmem>>
        %dma_wait3A_359 = arith.constant 0 : i32
        %dma_wait3A_360 = arith.constant 0 : i32
        %dma_wait3A_361 = tpu.memref_slice %arg3[%dma_wait3A_359, %dma_wait3A_360] : memref<10016x32xf32, #tpu.memory_space<hbm>> -> memref<10016x32xf32, #tpu.memory_space<hbm>>
        tpu.wait_indirect_dma semaphore(%arg15 : memref<!tpu.dma_semaphore, #tpu.memory_space<semaphore_mem>>) src(%dma_wait3A_361 : memref<10016x32xf32, #tpu.memory_space<hbm>>) dst(%dma_wait3A_355 : memref<80x32xf32, #tpu.memory_space<vmem>>)
        %dma_wait3A_362 = arith.constant 2 : i32
        %dma_wait3A_363 = arith.constant 2 : i32
        %dma_wait3A_364 = arith.constant 0 : i32
        %dma_wait3A_365 = arith.constant 0 : i32
        %dma_wait3A_366 = tpu.memref_slice %arg13[%select_n3A_193, %dma_wait3A_363, %dma_wait3A_364, %dma_wait3A_365] : memref<2x10x80x32xf32, #tpu.memory_space<vmem>> -> memref<1x1x80x32xf32, #tpu.memory_space<vmem>>
        %dma_wait3A_367 = tpu.memref_squeeze %dma_wait3A_366 : memref<1x1x80x32xf32, #tpu.memory_space<vmem>> -> memref<80x32xf32, #tpu.memory_space<vmem>>
        %dma_wait3A_368 = arith.constant 0 : i32
        %dma_wait3A_369 = tpu.memref_slice %arg11[%select_n3A_193, %dma_wait3A_362, %dma_wait3A_368] : memref<2x10x80xi32, #tpu.memory_space<vmem>> -> memref<1x1x80xi32, #tpu.memory_space<vmem>>
        %dma_wait3A_370 = tpu.memref_squeeze %dma_wait3A_369 : memref<1x1x80xi32, #tpu.memory_space<vmem>> -> memref<80xi32, #tpu.memory_space<vmem>>
        %dma_wait3A_371 = arith.constant 0 : i32
        %dma_wait3A_372 = arith.constant 0 : i32
        %dma_wait3A_373 = tpu.memref_slice %arg3[%dma_wait3A_371, %dma_wait3A_372] : memref<10016x32xf32, #tpu.memory_space<hbm>> -> memref<10016x32xf32, #tpu.memory_space<hbm>>
        tpu.wait_indirect_dma semaphore(%arg15 : memref<!tpu.dma_semaphore, #tpu.memory_space<semaphore_mem>>) src(%dma_wait3A_373 : memref<10016x32xf32, #tpu.memory_space<hbm>>) dst(%dma_wait3A_367 : memref<80x32xf32, #tpu.memory_space<vmem>>)
        %dma_wait3A_374 = arith.constant 3 : i32
        %dma_wait3A_375 = arith.constant 3 : i32
        %dma_wait3A_376 = arith.constant 0 : i32
        %dma_wait3A_377 = arith.constant 0 : i32
        %dma_wait3A_378 = tpu.memref_slice %arg13[%select_n3A_193, %dma_wait3A_375, %dma_wait3A_376, %dma_wait3A_377] : memref<2x10x80x32xf32, #tpu.memory_space<vmem>> -> memref<1x1x80x32xf32, #tpu.memory_space<vmem>>
        %dma_wait3A_379 = tpu.memref_squeeze %dma_wait3A_378 : memref<1x1x80x32xf32, #tpu.memory_space<vmem>> -> memref<80x32xf32, #tpu.memory_space<vmem>>
        %dma_wait3A_380 = arith.constant 0 : i32
        %dma_wait3A_381 = tpu.memref_slice %arg11[%select_n3A_193, %dma_wait3A_374, %dma_wait3A_380] : memref<2x10x80xi32, #tpu.memory_space<vmem>> -> memref<1x1x80xi32, #tpu.memory_space<vmem>>
        %dma_wait3A_382 = tpu.memref_squeeze %dma_wait3A_381 : memref<1x1x80xi32, #tpu.memory_space<vmem>> -> memref<80xi32, #tpu.memory_space<vmem>>
        %dma_wait3A_383 = arith.constant 0 : i32
        %dma_wait3A_384 = arith.constant 0 : i32
        %dma_wait3A_385 = tpu.memref_slice %arg3[%dma_wait3A_383, %dma_wait3A_384] : memref<10016x32xf32, #tpu.memory_space<hbm>> -> memref<10016x32xf32, #tpu.memory_space<hbm>>
        tpu.wait_indirect_dma semaphore(%arg15 : memref<!tpu.dma_semaphore, #tpu.memory_space<semaphore_mem>>) src(%dma_wait3A_385 : memref<10016x32xf32, #tpu.memory_space<hbm>>) dst(%dma_wait3A_379 : memref<80x32xf32, #tpu.memory_space<vmem>>)
        %dma_wait3A_386 = arith.constant 4 : i32
        %dma_wait3A_387 = arith.constant 4 : i32
        %dma_wait3A_388 = arith.constant 0 : i32
        %dma_wait3A_389 = arith.constant 0 : i32
        %dma_wait3A_390 = tpu.memref_slice %arg13[%select_n3A_193, %dma_wait3A_387, %dma_wait3A_388, %dma_wait3A_389] : memref<2x10x80x32xf32, #tpu.memory_space<vmem>> -> memref<1x1x80x32xf32, #tpu.memory_space<vmem>>
        %dma_wait3A_391 = tpu.memref_squeeze %dma_wait3A_390 : memref<1x1x80x32xf32, #tpu.memory_space<vmem>> -> memref<80x32xf32, #tpu.memory_space<vmem>>
        %dma_wait3A_392 = arith.constant 0 : i32
        %dma_wait3A_393 = tpu.memref_slice %arg11[%select_n3A_193, %dma_wait3A_386, %dma_wait3A_392] : memref<2x10x80xi32, #tpu.memory_space<vmem>> -> memref<1x1x80xi32, #tpu.memory_space<vmem>>
        %dma_wait3A_394 = tpu.memref_squeeze %dma_wait3A_393 : memref<1x1x80xi32, #tpu.memory_space<vmem>> -> memref<80xi32, #tpu.memory_space<vmem>>
        %dma_wait3A_395 = arith.constant 0 : i32
        %dma_wait3A_396 = arith.constant 0 : i32
        %dma_wait3A_397 = tpu.memref_slice %arg3[%dma_wait3A_395, %dma_wait3A_396] : memref<10016x32xf32, #tpu.memory_space<hbm>> -> memref<10016x32xf32, #tpu.memory_space<hbm>>
        tpu.wait_indirect_dma semaphore(%arg15 : memref<!tpu.dma_semaphore, #tpu.memory_space<semaphore_mem>>) src(%dma_wait3A_397 : memref<10016x32xf32, #tpu.memory_space<hbm>>) dst(%dma_wait3A_391 : memref<80x32xf32, #tpu.memory_space<vmem>>)
        %dma_wait3A_398 = arith.constant 5 : i32
        %dma_wait3A_399 = arith.constant 5 : i32
        %dma_wait3A_400 = arith.constant 0 : i32
        %dma_wait3A_401 = arith.constant 0 : i32
        %dma_wait3A_402 = tpu.memref_slice %arg13[%select_n3A_193, %dma_wait3A_399, %dma_wait3A_400, %dma_wait3A_401] : memref<2x10x80x32xf32, #tpu.memory_space<vmem>> -> memref<1x1x80x32xf32, #tpu.memory_space<vmem>>
        %dma_wait3A_403 = tpu.memref_squeeze %dma_wait3A_402 : memref<1x1x80x32xf32, #tpu.memory_space<vmem>> -> memref<80x32xf32, #tpu.memory_space<vmem>>
        %dma_wait3A_404 = arith.constant 0 : i32
        %dma_wait3A_405 = tpu.memref_slice %arg11[%select_n3A_193, %dma_wait3A_398, %dma_wait3A_404] : memref<2x10x80xi32, #tpu.memory_space<vmem>> -> memref<1x1x80xi32, #tpu.memory_space<vmem>>
        %dma_wait3A_406 = tpu.memref_squeeze %dma_wait3A_405 : memref<1x1x80xi32, #tpu.memory_space<vmem>> -> memref<80xi32, #tpu.memory_space<vmem>>
        %dma_wait3A_407 = arith.constant 0 : i32
        %dma_wait3A_408 = arith.constant 0 : i32
        %dma_wait3A_409 = tpu.memref_slice %arg3[%dma_wait3A_407, %dma_wait3A_408] : memref<10016x32xf32, #tpu.memory_space<hbm>> -> memref<10016x32xf32, #tpu.memory_space<hbm>>
        tpu.wait_indirect_dma semaphore(%arg15 : memref<!tpu.dma_semaphore, #tpu.memory_space<semaphore_mem>>) src(%dma_wait3A_409 : memref<10016x32xf32, #tpu.memory_space<hbm>>) dst(%dma_wait3A_403 : memref<80x32xf32, #tpu.memory_space<vmem>>)
        %dma_wait3A_410 = arith.constant 6 : i32
        %dma_wait3A_411 = arith.constant 6 : i32
        %dma_wait3A_412 = arith.constant 0 : i32
        %dma_wait3A_413 = arith.constant 0 : i32
        %dma_wait3A_414 = tpu.memref_slice %arg13[%select_n3A_193, %dma_wait3A_411, %dma_wait3A_412, %dma_wait3A_413] : memref<2x10x80x32xf32, #tpu.memory_space<vmem>> -> memref<1x1x80x32xf32, #tpu.memory_space<vmem>>
        %dma_wait3A_415 = tpu.memref_squeeze %dma_wait3A_414 : memref<1x1x80x32xf32, #tpu.memory_space<vmem>> -> memref<80x32xf32, #tpu.memory_space<vmem>>
        %dma_wait3A_416 = arith.constant 0 : i32
        %dma_wait3A_417 = tpu.memref_slice %arg11[%select_n3A_193, %dma_wait3A_410, %dma_wait3A_416] : memref<2x10x80xi32, #tpu.memory_space<vmem>> -> memref<1x1x80xi32, #tpu.memory_space<vmem>>
        %dma_wait3A_418 = tpu.memref_squeeze %dma_wait3A_417 : memref<1x1x80xi32, #tpu.memory_space<vmem>> -> memref<80xi32, #tpu.memory_space<vmem>>
        %dma_wait3A_419 = arith.constant 0 : i32
        %dma_wait3A_420 = arith.constant 0 : i32
        %dma_wait3A_421 = tpu.memref_slice %arg3[%dma_wait3A_419, %dma_wait3A_420] : memref<10016x32xf32, #tpu.memory_space<hbm>> -> memref<10016x32xf32, #tpu.memory_space<hbm>>
        tpu.wait_indirect_dma semaphore(%arg15 : memref<!tpu.dma_semaphore, #tpu.memory_space<semaphore_mem>>) src(%dma_wait3A_421 : memref<10016x32xf32, #tpu.memory_space<hbm>>) dst(%dma_wait3A_415 : memref<80x32xf32, #tpu.memory_space<vmem>>)
        %dma_wait3A_422 = arith.constant 7 : i32
        %dma_wait3A_423 = arith.constant 7 : i32
        %dma_wait3A_424 = arith.constant 0 : i32
        %dma_wait3A_425 = arith.constant 0 : i32
        %dma_wait3A_426 = tpu.memref_slice %arg13[%select_n3A_193, %dma_wait3A_423, %dma_wait3A_424, %dma_wait3A_425] : memref<2x10x80x32xf32, #tpu.memory_space<vmem>> -> memref<1x1x80x32xf32, #tpu.memory_space<vmem>>
        %dma_wait3A_427 = tpu.memref_squeeze %dma_wait3A_426 : memref<1x1x80x32xf32, #tpu.memory_space<vmem>> -> memref<80x32xf32, #tpu.memory_space<vmem>>
        %dma_wait3A_428 = arith.constant 0 : i32
        %dma_wait3A_429 = tpu.memref_slice %arg11[%select_n3A_193, %dma_wait3A_422, %dma_wait3A_428] : memref<2x10x80xi32, #tpu.memory_space<vmem>> -> memref<1x1x80xi32, #tpu.memory_space<vmem>>
        %dma_wait3A_430 = tpu.memref_squeeze %dma_wait3A_429 : memref<1x1x80xi32, #tpu.memory_space<vmem>> -> memref<80xi32, #tpu.memory_space<vmem>>
        %dma_wait3A_431 = arith.constant 0 : i32
        %dma_wait3A_432 = arith.constant 0 : i32
        %dma_wait3A_433 = tpu.memref_slice %arg3[%dma_wait3A_431, %dma_wait3A_432] : memref<10016x32xf32, #tpu.memory_space<hbm>> -> memref<10016x32xf32, #tpu.memory_space<hbm>>
        tpu.wait_indirect_dma semaphore(%arg15 : memref<!tpu.dma_semaphore, #tpu.memory_space<semaphore_mem>>) src(%dma_wait3A_433 : memref<10016x32xf32, #tpu.memory_space<hbm>>) dst(%dma_wait3A_427 : memref<80x32xf32, #tpu.memory_space<vmem>>)
        %dma_wait3A_434 = arith.constant 8 : i32
        %dma_wait3A_435 = arith.constant 8 : i32
        %dma_wait3A_436 = arith.constant 0 : i32
        %dma_wait3A_437 = arith.constant 0 : i32
        %dma_wait3A_438 = tpu.memref_slice %arg13[%select_n3A_193, %dma_wait3A_435, %dma_wait3A_436, %dma_wait3A_437] : memref<2x10x80x32xf32, #tpu.memory_space<vmem>> -> memref<1x1x80x32xf32, #tpu.memory_space<vmem>>
        %dma_wait3A_439 = tpu.memref_squeeze %dma_wait3A_438 : memref<1x1x80x32xf32, #tpu.memory_space<vmem>> -> memref<80x32xf32, #tpu.memory_space<vmem>>
        %dma_wait3A_440 = arith.constant 0 : i32
        %dma_wait3A_441 = tpu.memref_slice %arg11[%select_n3A_193, %dma_wait3A_434, %dma_wait3A_440] : memref<2x10x80xi32, #tpu.memory_space<vmem>> -> memref<1x1x80xi32, #tpu.memory_space<vmem>>
        %dma_wait3A_442 = tpu.memref_squeeze %dma_wait3A_441 : memref<1x1x80xi32, #tpu.memory_space<vmem>> -> memref<80xi32, #tpu.memory_space<vmem>>
        %dma_wait3A_443 = arith.constant 0 : i32
        %dma_wait3A_444 = arith.constant 0 : i32
        %dma_wait3A_445 = tpu.memref_slice %arg3[%dma_wait3A_443, %dma_wait3A_444] : memref<10016x32xf32, #tpu.memory_space<hbm>> -> memref<10016x32xf32, #tpu.memory_space<hbm>>
        tpu.wait_indirect_dma semaphore(%arg15 : memref<!tpu.dma_semaphore, #tpu.memory_space<semaphore_mem>>) src(%dma_wait3A_445 : memref<10016x32xf32, #tpu.memory_space<hbm>>) dst(%dma_wait3A_439 : memref<80x32xf32, #tpu.memory_space<vmem>>)
        %dma_wait3A_446 = arith.constant 9 : i32
        %dma_wait3A_447 = arith.constant 9 : i32
        %dma_wait3A_448 = arith.constant 0 : i32
        %dma_wait3A_449 = arith.constant 0 : i32
        %dma_wait3A_450 = tpu.memref_slice %arg13[%select_n3A_193, %dma_wait3A_447, %dma_wait3A_448, %dma_wait3A_449] : memref<2x10x80x32xf32, #tpu.memory_space<vmem>> -> memref<1x1x80x32xf32, #tpu.memory_space<vmem>>
        %dma_wait3A_451 = tpu.memref_squeeze %dma_wait3A_450 : memref<1x1x80x32xf32, #tpu.memory_space<vmem>> -> memref<80x32xf32, #tpu.memory_space<vmem>>
        %dma_wait3A_452 = arith.constant 0 : i32
        %dma_wait3A_453 = tpu.memref_slice %arg11[%select_n3A_193, %dma_wait3A_446, %dma_wait3A_452] : memref<2x10x80xi32, #tpu.memory_space<vmem>> -> memref<1x1x80xi32, #tpu.memory_space<vmem>>
        %dma_wait3A_454 = tpu.memref_squeeze %dma_wait3A_453 : memref<1x1x80xi32, #tpu.memory_space<vmem>> -> memref<80xi32, #tpu.memory_space<vmem>>
        %dma_wait3A_455 = arith.constant 0 : i32
        %dma_wait3A_456 = arith.constant 0 : i32
        %dma_wait3A_457 = tpu.memref_slice %arg3[%dma_wait3A_455, %dma_wait3A_456] : memref<10016x32xf32, #tpu.memory_space<hbm>> -> memref<10016x32xf32, #tpu.memory_space<hbm>>
        tpu.wait_indirect_dma semaphore(%arg15 : memref<!tpu.dma_semaphore, #tpu.memory_space<semaphore_mem>>) src(%dma_wait3A_457 : memref<10016x32xf32, #tpu.memory_space<hbm>>) dst(%dma_wait3A_451 : memref<80x32xf32, #tpu.memory_space<vmem>>)
        %ge3A = arith.constant 1 : i32
        %ge3A_458 = arith.cmpi sge, %scan3A_183, %ge3A : i32
        %convert_element_type3A_459 = arith.extui %ge3A_458 : i1 to i32
        %cond3A_460 = arith.constant 0 : i32
        %cond3A_461 = arith.cmpi ne, %convert_element_type3A_459, %cond3A_460 : i32
        scf.if %cond3A_461 {
          %sub3A = arith.constant 1 : i32
          %sub3A_589 = arith.subi %sub3A, %select_n3A_193 : i32
          %dma_wait3A_590 = arith.constant 0 : i32
          %dma_wait3A_591 = arith.constant 0 : i32
          %dma_wait3A_592 = arith.constant 0 : i32
          %dma_wait3A_593 = arith.constant 0 : i32
          %dma_wait3A_594 = tpu.memref_slice %arg13[%sub3A_589, %dma_wait3A_590, %dma_wait3A_592, %dma_wait3A_593] : memref<2x10x80x32xf32, #tpu.memory_space<vmem>> -> memref<1x1x80x32xf32, #tpu.memory_space<vmem>>
          %dma_wait3A_595 = tpu.memref_squeeze %dma_wait3A_594 : memref<1x1x80x32xf32, #tpu.memory_space<vmem>> -> memref<80x32xf32, #tpu.memory_space<vmem>>
          %dma_wait3A_596 = arith.constant 0 : i32
          %dma_wait3A_597 = tpu.memref_slice %arg12[%sub3A_589, %dma_wait3A_591, %dma_wait3A_596] : memref<2x10x80xi32, #tpu.memory_space<vmem>> -> memref<1x1x80xi32, #tpu.memory_space<vmem>>
          %dma_wait3A_598 = tpu.memref_squeeze %dma_wait3A_597 : memref<1x1x80xi32, #tpu.memory_space<vmem>> -> memref<80xi32, #tpu.memory_space<vmem>>
          %dma_wait3A_599 = arith.constant 0 : i32
          %dma_wait3A_600 = arith.constant 0 : i32
          %dma_wait3A_601 = tpu.memref_slice %arg17[%dma_wait3A_599, %dma_wait3A_600] : memref<10016x32xf32, #tpu.memory_space<vmem_shared>> -> memref<10016x32xf32, #tpu.memory_space<vmem_shared>>
          tpu.wait_indirect_dma semaphore(%arg16 : memref<!tpu.dma_semaphore, #tpu.memory_space<semaphore_mem>>) src(%dma_wait3A_595 : memref<80x32xf32, #tpu.memory_space<vmem>>) dst(%dma_wait3A_601 : memref<10016x32xf32, #tpu.memory_space<vmem_shared>>)
          %dma_wait3A_602 = arith.constant 1 : i32
          %dma_wait3A_603 = arith.constant 1 : i32
          %dma_wait3A_604 = arith.constant 0 : i32
          %dma_wait3A_605 = arith.constant 0 : i32
          %dma_wait3A_606 = tpu.memref_slice %arg13[%sub3A_589, %dma_wait3A_602, %dma_wait3A_604, %dma_wait3A_605] : memref<2x10x80x32xf32, #tpu.memory_space<vmem>> -> memref<1x1x80x32xf32, #tpu.memory_space<vmem>>
          %dma_wait3A_607 = tpu.memref_squeeze %dma_wait3A_606 : memref<1x1x80x32xf32, #tpu.memory_space<vmem>> -> memref<80x32xf32, #tpu.memory_space<vmem>>
          %dma_wait3A_608 = arith.constant 0 : i32
          %dma_wait3A_609 = tpu.memref_slice %arg12[%sub3A_589, %dma_wait3A_603, %dma_wait3A_608] : memref<2x10x80xi32, #tpu.memory_space<vmem>> -> memref<1x1x80xi32, #tpu.memory_space<vmem>>
          %dma_wait3A_610 = tpu.memref_squeeze %dma_wait3A_609 : memref<1x1x80xi32, #tpu.memory_space<vmem>> -> memref<80xi32, #tpu.memory_space<vmem>>
          %dma_wait3A_611 = arith.constant 0 : i32
          %dma_wait3A_612 = arith.constant 0 : i32
          %dma_wait3A_613 = tpu.memref_slice %arg17[%dma_wait3A_611, %dma_wait3A_612] : memref<10016x32xf32, #tpu.memory_space<vmem_shared>> -> memref<10016x32xf32, #tpu.memory_space<vmem_shared>>
          tpu.wait_indirect_dma semaphore(%arg16 : memref<!tpu.dma_semaphore, #tpu.memory_space<semaphore_mem>>) src(%dma_wait3A_607 : memref<80x32xf32, #tpu.memory_space<vmem>>) dst(%dma_wait3A_613 : memref<10016x32xf32, #tpu.memory_space<vmem_shared>>)
          %dma_wait3A_614 = arith.constant 2 : i32
          %dma_wait3A_615 = arith.constant 2 : i32
          %dma_wait3A_616 = arith.constant 0 : i32
          %dma_wait3A_617 = arith.constant 0 : i32
          %dma_wait3A_618 = tpu.memref_slice %arg13[%sub3A_589, %dma_wait3A_614, %dma_wait3A_616, %dma_wait3A_617] : memref<2x10x80x32xf32, #tpu.memory_space<vmem>> -> memref<1x1x80x32xf32, #tpu.memory_space<vmem>>
          %dma_wait3A_619 = tpu.memref_squeeze %dma_wait3A_618 : memref<1x1x80x32xf32, #tpu.memory_space<vmem>> -> memref<80x32xf32, #tpu.memory_space<vmem>>
          %dma_wait3A_620 = arith.constant 0 : i32
          %dma_wait3A_621 = tpu.memref_slice %arg12[%sub3A_589, %dma_wait3A_615, %dma_wait3A_620] : memref<2x10x80xi32, #tpu.memory_space<vmem>> -> memref<1x1x80xi32, #tpu.memory_space<vmem>>
          %dma_wait3A_622 = tpu.memref_squeeze %dma_wait3A_621 : memref<1x1x80xi32, #tpu.memory_space<vmem>> -> memref<80xi32, #tpu.memory_space<vmem>>
          %dma_wait3A_623 = arith.constant 0 : i32
          %dma_wait3A_624 = arith.constant 0 : i32
          %dma_wait3A_625 = tpu.memref_slice %arg17[%dma_wait3A_623, %dma_wait3A_624] : memref<10016x32xf32, #tpu.memory_space<vmem_shared>> -> memref<10016x32xf32, #tpu.memory_space<vmem_shared>>
          tpu.wait_indirect_dma semaphore(%arg16 : memref<!tpu.dma_semaphore, #tpu.memory_space<semaphore_mem>>) src(%dma_wait3A_619 : memref<80x32xf32, #tpu.memory_space<vmem>>) dst(%dma_wait3A_625 : memref<10016x32xf32, #tpu.memory_space<vmem_shared>>)
          %dma_wait3A_626 = arith.constant 3 : i32
          %dma_wait3A_627 = arith.constant 3 : i32
          %dma_wait3A_628 = arith.constant 0 : i32
          %dma_wait3A_629 = arith.constant 0 : i32
          %dma_wait3A_630 = tpu.memref_slice %arg13[%sub3A_589, %dma_wait3A_626, %dma_wait3A_628, %dma_wait3A_629] : memref<2x10x80x32xf32, #tpu.memory_space<vmem>> -> memref<1x1x80x32xf32, #tpu.memory_space<vmem>>
          %dma_wait3A_631 = tpu.memref_squeeze %dma_wait3A_630 : memref<1x1x80x32xf32, #tpu.memory_space<vmem>> -> memref<80x32xf32, #tpu.memory_space<vmem>>
          %dma_wait3A_632 = arith.constant 0 : i32
          %dma_wait3A_633 = tpu.memref_slice %arg12[%sub3A_589, %dma_wait3A_627, %dma_wait3A_632] : memref<2x10x80xi32, #tpu.memory_space<vmem>> -> memref<1x1x80xi32, #tpu.memory_space<vmem>>
          %dma_wait3A_634 = tpu.memref_squeeze %dma_wait3A_633 : memref<1x1x80xi32, #tpu.memory_space<vmem>> -> memref<80xi32, #tpu.memory_space<vmem>>
          %dma_wait3A_635 = arith.constant 0 : i32
          %dma_wait3A_636 = arith.constant 0 : i32
          %dma_wait3A_637 = tpu.memref_slice %arg17[%dma_wait3A_635, %dma_wait3A_636] : memref<10016x32xf32, #tpu.memory_space<vmem_shared>> -> memref<10016x32xf32, #tpu.memory_space<vmem_shared>>
          tpu.wait_indirect_dma semaphore(%arg16 : memref<!tpu.dma_semaphore, #tpu.memory_space<semaphore_mem>>) src(%dma_wait3A_631 : memref<80x32xf32, #tpu.memory_space<vmem>>) dst(%dma_wait3A_637 : memref<10016x32xf32, #tpu.memory_space<vmem_shared>>)
          %dma_wait3A_638 = arith.constant 4 : i32
          %dma_wait3A_639 = arith.constant 4 : i32
          %dma_wait3A_640 = arith.constant 0 : i32
          %dma_wait3A_641 = arith.constant 0 : i32
          %dma_wait3A_642 = tpu.memref_slice %arg13[%sub3A_589, %dma_wait3A_638, %dma_wait3A_640, %dma_wait3A_641] : memref<2x10x80x32xf32, #tpu.memory_space<vmem>> -> memref<1x1x80x32xf32, #tpu.memory_space<vmem>>
          %dma_wait3A_643 = tpu.memref_squeeze %dma_wait3A_642 : memref<1x1x80x32xf32, #tpu.memory_space<vmem>> -> memref<80x32xf32, #tpu.memory_space<vmem>>
          %dma_wait3A_644 = arith.constant 0 : i32
          %dma_wait3A_645 = tpu.memref_slice %arg12[%sub3A_589, %dma_wait3A_639, %dma_wait3A_644] : memref<2x10x80xi32, #tpu.memory_space<vmem>> -> memref<1x1x80xi32, #tpu.memory_space<vmem>>
          %dma_wait3A_646 = tpu.memref_squeeze %dma_wait3A_645 : memref<1x1x80xi32, #tpu.memory_space<vmem>> -> memref<80xi32, #tpu.memory_space<vmem>>
          %dma_wait3A_647 = arith.constant 0 : i32
          %dma_wait3A_648 = arith.constant 0 : i32
          %dma_wait3A_649 = tpu.memref_slice %arg17[%dma_wait3A_647, %dma_wait3A_648] : memref<10016x32xf32, #tpu.memory_space<vmem_shared>> -> memref<10016x32xf32, #tpu.memory_space<vmem_shared>>
          tpu.wait_indirect_dma semaphore(%arg16 : memref<!tpu.dma_semaphore, #tpu.memory_space<semaphore_mem>>) src(%dma_wait3A_643 : memref<80x32xf32, #tpu.memory_space<vmem>>) dst(%dma_wait3A_649 : memref<10016x32xf32, #tpu.memory_space<vmem_shared>>)
          %dma_wait3A_650 = arith.constant 5 : i32
          %dma_wait3A_651 = arith.constant 5 : i32
          %dma_wait3A_652 = arith.constant 0 : i32
          %dma_wait3A_653 = arith.constant 0 : i32
          %dma_wait3A_654 = tpu.memref_slice %arg13[%sub3A_589, %dma_wait3A_650, %dma_wait3A_652, %dma_wait3A_653] : memref<2x10x80x32xf32, #tpu.memory_space<vmem>> -> memref<1x1x80x32xf32, #tpu.memory_space<vmem>>
          %dma_wait3A_655 = tpu.memref_squeeze %dma_wait3A_654 : memref<1x1x80x32xf32, #tpu.memory_space<vmem>> -> memref<80x32xf32, #tpu.memory_space<vmem>>
          %dma_wait3A_656 = arith.constant 0 : i32
          %dma_wait3A_657 = tpu.memref_slice %arg12[%sub3A_589, %dma_wait3A_651, %dma_wait3A_656] : memref<2x10x80xi32, #tpu.memory_space<vmem>> -> memref<1x1x80xi32, #tpu.memory_space<vmem>>
          %dma_wait3A_658 = tpu.memref_squeeze %dma_wait3A_657 : memref<1x1x80xi32, #tpu.memory_space<vmem>> -> memref<80xi32, #tpu.memory_space<vmem>>
          %dma_wait3A_659 = arith.constant 0 : i32
          %dma_wait3A_660 = arith.constant 0 : i32
          %dma_wait3A_661 = tpu.memref_slice %arg17[%dma_wait3A_659, %dma_wait3A_660] : memref<10016x32xf32, #tpu.memory_space<vmem_shared>> -> memref<10016x32xf32, #tpu.memory_space<vmem_shared>>
          tpu.wait_indirect_dma semaphore(%arg16 : memref<!tpu.dma_semaphore, #tpu.memory_space<semaphore_mem>>) src(%dma_wait3A_655 : memref<80x32xf32, #tpu.memory_space<vmem>>) dst(%dma_wait3A_661 : memref<10016x32xf32, #tpu.memory_space<vmem_shared>>)
          %dma_wait3A_662 = arith.constant 6 : i32
          %dma_wait3A_663 = arith.constant 6 : i32
          %dma_wait3A_664 = arith.constant 0 : i32
          %dma_wait3A_665 = arith.constant 0 : i32
          %dma_wait3A_666 = tpu.memref_slice %arg13[%sub3A_589, %dma_wait3A_662, %dma_wait3A_664, %dma_wait3A_665] : memref<2x10x80x32xf32, #tpu.memory_space<vmem>> -> memref<1x1x80x32xf32, #tpu.memory_space<vmem>>
          %dma_wait3A_667 = tpu.memref_squeeze %dma_wait3A_666 : memref<1x1x80x32xf32, #tpu.memory_space<vmem>> -> memref<80x32xf32, #tpu.memory_space<vmem>>
          %dma_wait3A_668 = arith.constant 0 : i32
          %dma_wait3A_669 = tpu.memref_slice %arg12[%sub3A_589, %dma_wait3A_663, %dma_wait3A_668] : memref<2x10x80xi32, #tpu.memory_space<vmem>> -> memref<1x1x80xi32, #tpu.memory_space<vmem>>
          %dma_wait3A_670 = tpu.memref_squeeze %dma_wait3A_669 : memref<1x1x80xi32, #tpu.memory_space<vmem>> -> memref<80xi32, #tpu.memory_space<vmem>>
          %dma_wait3A_671 = arith.constant 0 : i32
          %dma_wait3A_672 = arith.constant 0 : i32
          %dma_wait3A_673 = tpu.memref_slice %arg17[%dma_wait3A_671, %dma_wait3A_672] : memref<10016x32xf32, #tpu.memory_space<vmem_shared>> -> memref<10016x32xf32, #tpu.memory_space<vmem_shared>>
          tpu.wait_indirect_dma semaphore(%arg16 : memref<!tpu.dma_semaphore, #tpu.memory_space<semaphore_mem>>) src(%dma_wait3A_667 : memref<80x32xf32, #tpu.memory_space<vmem>>) dst(%dma_wait3A_673 : memref<10016x32xf32, #tpu.memory_space<vmem_shared>>)
          %dma_wait3A_674 = arith.constant 7 : i32
          %dma_wait3A_675 = arith.constant 7 : i32
          %dma_wait3A_676 = arith.constant 0 : i32
          %dma_wait3A_677 = arith.constant 0 : i32
          %dma_wait3A_678 = tpu.memref_slice %arg13[%sub3A_589, %dma_wait3A_674, %dma_wait3A_676, %dma_wait3A_677] : memref<2x10x80x32xf32, #tpu.memory_space<vmem>> -> memref<1x1x80x32xf32, #tpu.memory_space<vmem>>
          %dma_wait3A_679 = tpu.memref_squeeze %dma_wait3A_678 : memref<1x1x80x32xf32, #tpu.memory_space<vmem>> -> memref<80x32xf32, #tpu.memory_space<vmem>>
          %dma_wait3A_680 = arith.constant 0 : i32
          %dma_wait3A_681 = tpu.memref_slice %arg12[%sub3A_589, %dma_wait3A_675, %dma_wait3A_680] : memref<2x10x80xi32, #tpu.memory_space<vmem>> -> memref<1x1x80xi32, #tpu.memory_space<vmem>>
          %dma_wait3A_682 = tpu.memref_squeeze %dma_wait3A_681 : memref<1x1x80xi32, #tpu.memory_space<vmem>> -> memref<80xi32, #tpu.memory_space<vmem>>
          %dma_wait3A_683 = arith.constant 0 : i32
          %dma_wait3A_684 = arith.constant 0 : i32
          %dma_wait3A_685 = tpu.memref_slice %arg17[%dma_wait3A_683, %dma_wait3A_684] : memref<10016x32xf32, #tpu.memory_space<vmem_shared>> -> memref<10016x32xf32, #tpu.memory_space<vmem_shared>>
          tpu.wait_indirect_dma semaphore(%arg16 : memref<!tpu.dma_semaphore, #tpu.memory_space<semaphore_mem>>) src(%dma_wait3A_679 : memref<80x32xf32, #tpu.memory_space<vmem>>) dst(%dma_wait3A_685 : memref<10016x32xf32, #tpu.memory_space<vmem_shared>>)
          %dma_wait3A_686 = arith.constant 8 : i32
          %dma_wait3A_687 = arith.constant 8 : i32
          %dma_wait3A_688 = arith.constant 0 : i32
          %dma_wait3A_689 = arith.constant 0 : i32
          %dma_wait3A_690 = tpu.memref_slice %arg13[%sub3A_589, %dma_wait3A_686, %dma_wait3A_688, %dma_wait3A_689] : memref<2x10x80x32xf32, #tpu.memory_space<vmem>> -> memref<1x1x80x32xf32, #tpu.memory_space<vmem>>
          %dma_wait3A_691 = tpu.memref_squeeze %dma_wait3A_690 : memref<1x1x80x32xf32, #tpu.memory_space<vmem>> -> memref<80x32xf32, #tpu.memory_space<vmem>>
          %dma_wait3A_692 = arith.constant 0 : i32
          %dma_wait3A_693 = tpu.memref_slice %arg12[%sub3A_589, %dma_wait3A_687, %dma_wait3A_692] : memref<2x10x80xi32, #tpu.memory_space<vmem>> -> memref<1x1x80xi32, #tpu.memory_space<vmem>>
          %dma_wait3A_694 = tpu.memref_squeeze %dma_wait3A_693 : memref<1x1x80xi32, #tpu.memory_space<vmem>> -> memref<80xi32, #tpu.memory_space<vmem>>
          %dma_wait3A_695 = arith.constant 0 : i32
          %dma_wait3A_696 = arith.constant 0 : i32
          %dma_wait3A_697 = tpu.memref_slice %arg17[%dma_wait3A_695, %dma_wait3A_696] : memref<10016x32xf32, #tpu.memory_space<vmem_shared>> -> memref<10016x32xf32, #tpu.memory_space<vmem_shared>>
          tpu.wait_indirect_dma semaphore(%arg16 : memref<!tpu.dma_semaphore, #tpu.memory_space<semaphore_mem>>) src(%dma_wait3A_691 : memref<80x32xf32, #tpu.memory_space<vmem>>) dst(%dma_wait3A_697 : memref<10016x32xf32, #tpu.memory_space<vmem_shared>>)
          %dma_wait3A_698 = arith.constant 9 : i32
          %dma_wait3A_699 = arith.constant 9 : i32
          %dma_wait3A_700 = arith.constant 0 : i32
          %dma_wait3A_701 = arith.constant 0 : i32
          %dma_wait3A_702 = tpu.memref_slice %arg13[%sub3A_589, %dma_wait3A_698, %dma_wait3A_700, %dma_wait3A_701] : memref<2x10x80x32xf32, #tpu.memory_space<vmem>> -> memref<1x1x80x32xf32, #tpu.memory_space<vmem>>
          %dma_wait3A_703 = tpu.memref_squeeze %dma_wait3A_702 : memref<1x1x80x32xf32, #tpu.memory_space<vmem>> -> memref<80x32xf32, #tpu.memory_space<vmem>>
          %dma_wait3A_704 = arith.constant 0 : i32
          %dma_wait3A_705 = tpu.memref_slice %arg12[%sub3A_589, %dma_wait3A_699, %dma_wait3A_704] : memref<2x10x80xi32, #tpu.memory_space<vmem>> -> memref<1x1x80xi32, #tpu.memory_space<vmem>>
          %dma_wait3A_706 = tpu.memref_squeeze %dma_wait3A_705 : memref<1x1x80xi32, #tpu.memory_space<vmem>> -> memref<80xi32, #tpu.memory_space<vmem>>
          %dma_wait3A_707 = arith.constant 0 : i32
          %dma_wait3A_708 = arith.constant 0 : i32
          %dma_wait3A_709 = tpu.memref_slice %arg17[%dma_wait3A_707, %dma_wait3A_708] : memref<10016x32xf32, #tpu.memory_space<vmem_shared>> -> memref<10016x32xf32, #tpu.memory_space<vmem_shared>>
          tpu.wait_indirect_dma semaphore(%arg16 : memref<!tpu.dma_semaphore, #tpu.memory_space<semaphore_mem>>) src(%dma_wait3A_703 : memref<80x32xf32, #tpu.memory_space<vmem>>) dst(%dma_wait3A_709 : memref<10016x32xf32, #tpu.memory_space<vmem_shared>>)
        } else {
        }
        %add3A_462 = arith.constant 1 : i32
        %add3A_463 = arith.addi %scan3A_183, %add3A_462 : i32
        %lt3A_464 = arith.constant 25 : i32
        %lt3A_465 = arith.cmpi slt, %add3A_463, %lt3A_464 : i32
        %convert_element_type3A_466 = arith.extui %lt3A_465 : i1 to i32
        %cond3A_467 = arith.constant 0 : i32
        %cond3A_468 = arith.cmpi ne, %convert_element_type3A_466, %cond3A_467 : i32
        scf.if %cond3A_468 {
          %add3A_589 = arith.constant 1 : i32
          %add3A_590 = arith.addi %scan3A_183, %add3A_589 : i32
          %sub3A = arith.constant 1 : i32
          %sub3A_591 = arith.subi %sub3A, %select_n3A_193 : i32
          %mul3A_592 = arith.constant 10 : i32
          %mul3A_593 = arith.muli %add3A_590, %mul3A_592 : i32
          %add3A_594 = arith.addi %mul3A_9, %mul3A_593 : i32
          %dma_start3A_595 = arith.constant 0 : i32
          %dma_start3A_596 = arith.constant 0 : i32
          %dma_start3A_597 = tpu.memref_slice %arg11[%sub3A_591, %dma_start3A_595, %dma_start3A_596] : memref<2x10x80xi32, #tpu.memory_space<vmem>> -> memref<1x10x80xi32, #tpu.memory_space<vmem>>
          %dma_start3A_598 = tpu.memref_squeeze %dma_start3A_597 : memref<1x10x80xi32, #tpu.memory_space<vmem>> -> memref<10x80xi32, #tpu.memory_space<vmem>>
          %dma_start3A_599 = arith.constant 0 : i32
          %dma_start3A_600 = tpu.memref_slice %arg5[%add3A_594, %dma_start3A_599] : memref<4000x80xi32, #tpu.memory_space<hbm>> -> memref<10x80xi32, #tpu.memory_space<hbm>>
          %dma_start3A_601 = arith.constant 0 : i32
          %dma_start3A_602 = arith.constant 0 : i32
          %dma_start3A_603 = tpu.memref_slice %arg11[%sub3A_591, %dma_start3A_601, %dma_start3A_602] : memref<2x10x80xi32, #tpu.memory_space<vmem>> -> memref<1x10x80xi32, #tpu.memory_space<vmem>>
          %dma_start3A_604 = tpu.memref_squeeze %dma_start3A_603 : memref<1x10x80xi32, #tpu.memory_space<vmem>> -> memref<10x80xi32, #tpu.memory_space<vmem>>
          %dma_start3A_605 = arith.constant 0 : i32
          %dma_start3A_606 = tpu.memref_slice %arg5[%add3A_594, %dma_start3A_605] : memref<4000x80xi32, #tpu.memory_space<hbm>> -> memref<10x80xi32, #tpu.memory_space<hbm>>
          tpu.enqueue_dma source(%dma_start3A_606 : memref<10x80xi32, #tpu.memory_space<hbm>>) target(%dma_start3A_604 : memref<10x80xi32, #tpu.memory_space<vmem>>) target_semaphore(%arg14 : memref<!tpu.dma_semaphore, #tpu.memory_space<semaphore_mem>>)
          %mul3A_607 = arith.constant 10 : i32
          %mul3A_608 = arith.muli %add3A_590, %mul3A_607 : i32
          %add3A_609 = arith.addi %mul3A_9, %mul3A_608 : i32
          %dma_start3A_610 = arith.constant 0 : i32
          %dma_start3A_611 = arith.constant 0 : i32
          %dma_start3A_612 = tpu.memref_slice %arg12[%sub3A_591, %dma_start3A_610, %dma_start3A_611] : memref<2x10x80xi32, #tpu.memory_space<vmem>> -> memref<1x10x80xi32, #tpu.memory_space<vmem>>
          %dma_start3A_613 = tpu.memref_squeeze %dma_start3A_612 : memref<1x10x80xi32, #tpu.memory_space<vmem>> -> memref<10x80xi32, #tpu.memory_space<vmem>>
          %dma_start3A_614 = arith.constant 0 : i32
          %dma_start3A_615 = tpu.memref_slice %arg7[%add3A_609, %dma_start3A_614] : memref<4000x80xi32, #tpu.memory_space<hbm>> -> memref<10x80xi32, #tpu.memory_space<hbm>>
          %dma_start3A_616 = arith.constant 0 : i32
          %dma_start3A_617 = arith.constant 0 : i32
          %dma_start3A_618 = tpu.memref_slice %arg12[%sub3A_591, %dma_start3A_616, %dma_start3A_617] : memref<2x10x80xi32, #tpu.memory_space<vmem>> -> memref<1x10x80xi32, #tpu.memory_space<vmem>>
          %dma_start3A_619 = tpu.memref_squeeze %dma_start3A_618 : memref<1x10x80xi32, #tpu.memory_space<vmem>> -> memref<10x80xi32, #tpu.memory_space<vmem>>
          %dma_start3A_620 = arith.constant 0 : i32
          %dma_start3A_621 = tpu.memref_slice %arg7[%add3A_609, %dma_start3A_620] : memref<4000x80xi32, #tpu.memory_space<hbm>> -> memref<10x80xi32, #tpu.memory_space<hbm>>
          tpu.enqueue_dma source(%dma_start3A_621 : memref<10x80xi32, #tpu.memory_space<hbm>>) target(%dma_start3A_619 : memref<10x80xi32, #tpu.memory_space<vmem>>) target_semaphore(%arg14 : memref<!tpu.dma_semaphore, #tpu.memory_space<semaphore_mem>>)
        } else {
        }
        %dma_start3A_469 = arith.constant 0 : i32
        %dma_start3A_470 = arith.constant 0 : i32
        %dma_start3A_471 = arith.constant 0 : i32
        %dma_start3A_472 = arith.constant 0 : i32
        %dma_start3A_473 = tpu.memref_slice %arg13[%select_n3A_193, %dma_start3A_469, %dma_start3A_471, %dma_start3A_472] : memref<2x10x80x32xf32, #tpu.memory_space<vmem>> -> memref<1x1x80x32xf32, #tpu.memory_space<vmem>>
        %dma_start3A_474 = tpu.memref_squeeze %dma_start3A_473 : memref<1x1x80x32xf32, #tpu.memory_space<vmem>> -> memref<80x32xf32, #tpu.memory_space<vmem>>
        %dma_start3A_475 = arith.constant 0 : i32
        %dma_start3A_476 = tpu.memref_slice %arg12[%select_n3A_193, %dma_start3A_470, %dma_start3A_475] : memref<2x10x80xi32, #tpu.memory_space<vmem>> -> memref<1x1x80xi32, #tpu.memory_space<vmem>>
        %dma_start3A_477 = tpu.memref_squeeze %dma_start3A_476 : memref<1x1x80xi32, #tpu.memory_space<vmem>> -> memref<80xi32, #tpu.memory_space<vmem>>
        %dma_start3A_478 = arith.constant 0 : i32
        %dma_start3A_479 = arith.constant 0 : i32
        %dma_start3A_480 = tpu.memref_slice %arg17[%dma_start3A_478, %dma_start3A_479] : memref<10016x32xf32, #tpu.memory_space<vmem_shared>> -> memref<10016x32xf32, #tpu.memory_space<vmem_shared>>
        tpu.enqueue_indirect_dma source(%dma_start3A_474 : memref<80x32xf32, #tpu.memory_space<vmem>>) target(%dma_start3A_480 : memref<10016x32xf32, #tpu.memory_space<vmem_shared>>) offsets(%dma_start3A_477 : memref<80xi32, #tpu.memory_space<vmem>>) semaphore(%arg16 : memref<!tpu.dma_semaphore, #tpu.memory_space<semaphore_mem>>) {add = true}
        %dma_start3A_481 = arith.constant 1 : i32
        %dma_start3A_482 = arith.constant 1 : i32
        %dma_start3A_483 = arith.constant 0 : i32
        %dma_start3A_484 = arith.constant 0 : i32
        %dma_start3A_485 = tpu.memref_slice %arg13[%select_n3A_193, %dma_start3A_481, %dma_start3A_483, %dma_start3A_484] : memref<2x10x80x32xf32, #tpu.memory_space<vmem>> -> memref<1x1x80x32xf32, #tpu.memory_space<vmem>>
        %dma_start3A_486 = tpu.memref_squeeze %dma_start3A_485 : memref<1x1x80x32xf32, #tpu.memory_space<vmem>> -> memref<80x32xf32, #tpu.memory_space<vmem>>
        %dma_start3A_487 = arith.constant 0 : i32
        %dma_start3A_488 = tpu.memref_slice %arg12[%select_n3A_193, %dma_start3A_482, %dma_start3A_487] : memref<2x10x80xi32, #tpu.memory_space<vmem>> -> memref<1x1x80xi32, #tpu.memory_space<vmem>>
        %dma_start3A_489 = tpu.memref_squeeze %dma_start3A_488 : memref<1x1x80xi32, #tpu.memory_space<vmem>> -> memref<80xi32, #tpu.memory_space<vmem>>
        %dma_start3A_490 = arith.constant 0 : i32
        %dma_start3A_491 = arith.constant 0 : i32
        %dma_start3A_492 = tpu.memref_slice %arg17[%dma_start3A_490, %dma_start3A_491] : memref<10016x32xf32, #tpu.memory_space<vmem_shared>> -> memref<10016x32xf32, #tpu.memory_space<vmem_shared>>
        tpu.enqueue_indirect_dma source(%dma_start3A_486 : memref<80x32xf32, #tpu.memory_space<vmem>>) target(%dma_start3A_492 : memref<10016x32xf32, #tpu.memory_space<vmem_shared>>) offsets(%dma_start3A_489 : memref<80xi32, #tpu.memory_space<vmem>>) semaphore(%arg16 : memref<!tpu.dma_semaphore, #tpu.memory_space<semaphore_mem>>) {add = true}
        %dma_start3A_493 = arith.constant 2 : i32
        %dma_start3A_494 = arith.constant 2 : i32
        %dma_start3A_495 = arith.constant 0 : i32
        %dma_start3A_496 = arith.constant 0 : i32
        %dma_start3A_497 = tpu.memref_slice %arg13[%select_n3A_193, %dma_start3A_493, %dma_start3A_495, %dma_start3A_496] : memref<2x10x80x32xf32, #tpu.memory_space<vmem>> -> memref<1x1x80x32xf32, #tpu.memory_space<vmem>>
        %dma_start3A_498 = tpu.memref_squeeze %dma_start3A_497 : memref<1x1x80x32xf32, #tpu.memory_space<vmem>> -> memref<80x32xf32, #tpu.memory_space<vmem>>
        %dma_start3A_499 = arith.constant 0 : i32
        %dma_start3A_500 = tpu.memref_slice %arg12[%select_n3A_193, %dma_start3A_494, %dma_start3A_499] : memref<2x10x80xi32, #tpu.memory_space<vmem>> -> memref<1x1x80xi32, #tpu.memory_space<vmem>>
        %dma_start3A_501 = tpu.memref_squeeze %dma_start3A_500 : memref<1x1x80xi32, #tpu.memory_space<vmem>> -> memref<80xi32, #tpu.memory_space<vmem>>
        %dma_start3A_502 = arith.constant 0 : i32
        %dma_start3A_503 = arith.constant 0 : i32
        %dma_start3A_504 = tpu.memref_slice %arg17[%dma_start3A_502, %dma_start3A_503] : memref<10016x32xf32, #tpu.memory_space<vmem_shared>> -> memref<10016x32xf32, #tpu.memory_space<vmem_shared>>
        tpu.enqueue_indirect_dma source(%dma_start3A_498 : memref<80x32xf32, #tpu.memory_space<vmem>>) target(%dma_start3A_504 : memref<10016x32xf32, #tpu.memory_space<vmem_shared>>) offsets(%dma_start3A_501 : memref<80xi32, #tpu.memory_space<vmem>>) semaphore(%arg16 : memref<!tpu.dma_semaphore, #tpu.memory_space<semaphore_mem>>) {add = true}
        %dma_start3A_505 = arith.constant 3 : i32
        %dma_start3A_506 = arith.constant 3 : i32
        %dma_start3A_507 = arith.constant 0 : i32
        %dma_start3A_508 = arith.constant 0 : i32
        %dma_start3A_509 = tpu.memref_slice %arg13[%select_n3A_193, %dma_start3A_505, %dma_start3A_507, %dma_start3A_508] : memref<2x10x80x32xf32, #tpu.memory_space<vmem>> -> memref<1x1x80x32xf32, #tpu.memory_space<vmem>>
        %dma_start3A_510 = tpu.memref_squeeze %dma_start3A_509 : memref<1x1x80x32xf32, #tpu.memory_space<vmem>> -> memref<80x32xf32, #tpu.memory_space<vmem>>
        %dma_start3A_511 = arith.constant 0 : i32
        %dma_start3A_512 = tpu.memref_slice %arg12[%select_n3A_193, %dma_start3A_506, %dma_start3A_511] : memref<2x10x80xi32, #tpu.memory_space<vmem>> -> memref<1x1x80xi32, #tpu.memory_space<vmem>>
        %dma_start3A_513 = tpu.memref_squeeze %dma_start3A_512 : memref<1x1x80xi32, #tpu.memory_space<vmem>> -> memref<80xi32, #tpu.memory_space<vmem>>
        %dma_start3A_514 = arith.constant 0 : i32
        %dma_start3A_515 = arith.constant 0 : i32
        %dma_start3A_516 = tpu.memref_slice %arg17[%dma_start3A_514, %dma_start3A_515] : memref<10016x32xf32, #tpu.memory_space<vmem_shared>> -> memref<10016x32xf32, #tpu.memory_space<vmem_shared>>
        tpu.enqueue_indirect_dma source(%dma_start3A_510 : memref<80x32xf32, #tpu.memory_space<vmem>>) target(%dma_start3A_516 : memref<10016x32xf32, #tpu.memory_space<vmem_shared>>) offsets(%dma_start3A_513 : memref<80xi32, #tpu.memory_space<vmem>>) semaphore(%arg16 : memref<!tpu.dma_semaphore, #tpu.memory_space<semaphore_mem>>) {add = true}
        %dma_start3A_517 = arith.constant 4 : i32
        %dma_start3A_518 = arith.constant 4 : i32
        %dma_start3A_519 = arith.constant 0 : i32
        %dma_start3A_520 = arith.constant 0 : i32
        %dma_start3A_521 = tpu.memref_slice %arg13[%select_n3A_193, %dma_start3A_517, %dma_start3A_519, %dma_start3A_520] : memref<2x10x80x32xf32, #tpu.memory_space<vmem>> -> memref<1x1x80x32xf32, #tpu.memory_space<vmem>>
        %dma_start3A_522 = tpu.memref_squeeze %dma_start3A_521 : memref<1x1x80x32xf32, #tpu.memory_space<vmem>> -> memref<80x32xf32, #tpu.memory_space<vmem>>
        %dma_start3A_523 = arith.constant 0 : i32
        %dma_start3A_524 = tpu.memref_slice %arg12[%select_n3A_193, %dma_start3A_518, %dma_start3A_523] : memref<2x10x80xi32, #tpu.memory_space<vmem>> -> memref<1x1x80xi32, #tpu.memory_space<vmem>>
        %dma_start3A_525 = tpu.memref_squeeze %dma_start3A_524 : memref<1x1x80xi32, #tpu.memory_space<vmem>> -> memref<80xi32, #tpu.memory_space<vmem>>
        %dma_start3A_526 = arith.constant 0 : i32
        %dma_start3A_527 = arith.constant 0 : i32
        %dma_start3A_528 = tpu.memref_slice %arg17[%dma_start3A_526, %dma_start3A_527] : memref<10016x32xf32, #tpu.memory_space<vmem_shared>> -> memref<10016x32xf32, #tpu.memory_space<vmem_shared>>
        tpu.enqueue_indirect_dma source(%dma_start3A_522 : memref<80x32xf32, #tpu.memory_space<vmem>>) target(%dma_start3A_528 : memref<10016x32xf32, #tpu.memory_space<vmem_shared>>) offsets(%dma_start3A_525 : memref<80xi32, #tpu.memory_space<vmem>>) semaphore(%arg16 : memref<!tpu.dma_semaphore, #tpu.memory_space<semaphore_mem>>) {add = true}
        %dma_start3A_529 = arith.constant 5 : i32
        %dma_start3A_530 = arith.constant 5 : i32
        %dma_start3A_531 = arith.constant 0 : i32
        %dma_start3A_532 = arith.constant 0 : i32
        %dma_start3A_533 = tpu.memref_slice %arg13[%select_n3A_193, %dma_start3A_529, %dma_start3A_531, %dma_start3A_532] : memref<2x10x80x32xf32, #tpu.memory_space<vmem>> -> memref<1x1x80x32xf32, #tpu.memory_space<vmem>>
        %dma_start3A_534 = tpu.memref_squeeze %dma_start3A_533 : memref<1x1x80x32xf32, #tpu.memory_space<vmem>> -> memref<80x32xf32, #tpu.memory_space<vmem>>
        %dma_start3A_535 = arith.constant 0 : i32
        %dma_start3A_536 = tpu.memref_slice %arg12[%select_n3A_193, %dma_start3A_530, %dma_start3A_535] : memref<2x10x80xi32, #tpu.memory_space<vmem>> -> memref<1x1x80xi32, #tpu.memory_space<vmem>>
        %dma_start3A_537 = tpu.memref_squeeze %dma_start3A_536 : memref<1x1x80xi32, #tpu.memory_space<vmem>> -> memref<80xi32, #tpu.memory_space<vmem>>
        %dma_start3A_538 = arith.constant 0 : i32
        %dma_start3A_539 = arith.constant 0 : i32
        %dma_start3A_540 = tpu.memref_slice %arg17[%dma_start3A_538, %dma_start3A_539] : memref<10016x32xf32, #tpu.memory_space<vmem_shared>> -> memref<10016x32xf32, #tpu.memory_space<vmem_shared>>
        tpu.enqueue_indirect_dma source(%dma_start3A_534 : memref<80x32xf32, #tpu.memory_space<vmem>>) target(%dma_start3A_540 : memref<10016x32xf32, #tpu.memory_space<vmem_shared>>) offsets(%dma_start3A_537 : memref<80xi32, #tpu.memory_space<vmem>>) semaphore(%arg16 : memref<!tpu.dma_semaphore, #tpu.memory_space<semaphore_mem>>) {add = true}
        %dma_start3A_541 = arith.constant 6 : i32
        %dma_start3A_542 = arith.constant 6 : i32
        %dma_start3A_543 = arith.constant 0 : i32
        %dma_start3A_544 = arith.constant 0 : i32
        %dma_start3A_545 = tpu.memref_slice %arg13[%select_n3A_193, %dma_start3A_541, %dma_start3A_543, %dma_start3A_544] : memref<2x10x80x32xf32, #tpu.memory_space<vmem>> -> memref<1x1x80x32xf32, #tpu.memory_space<vmem>>
        %dma_start3A_546 = tpu.memref_squeeze %dma_start3A_545 : memref<1x1x80x32xf32, #tpu.memory_space<vmem>> -> memref<80x32xf32, #tpu.memory_space<vmem>>
        %dma_start3A_547 = arith.constant 0 : i32
        %dma_start3A_548 = tpu.memref_slice %arg12[%select_n3A_193, %dma_start3A_542, %dma_start3A_547] : memref<2x10x80xi32, #tpu.memory_space<vmem>> -> memref<1x1x80xi32, #tpu.memory_space<vmem>>
        %dma_start3A_549 = tpu.memref_squeeze %dma_start3A_548 : memref<1x1x80xi32, #tpu.memory_space<vmem>> -> memref<80xi32, #tpu.memory_space<vmem>>
        %dma_start3A_550 = arith.constant 0 : i32
        %dma_start3A_551 = arith.constant 0 : i32
        %dma_start3A_552 = tpu.memref_slice %arg17[%dma_start3A_550, %dma_start3A_551] : memref<10016x32xf32, #tpu.memory_space<vmem_shared>> -> memref<10016x32xf32, #tpu.memory_space<vmem_shared>>
        tpu.enqueue_indirect_dma source(%dma_start3A_546 : memref<80x32xf32, #tpu.memory_space<vmem>>) target(%dma_start3A_552 : memref<10016x32xf32, #tpu.memory_space<vmem_shared>>) offsets(%dma_start3A_549 : memref<80xi32, #tpu.memory_space<vmem>>) semaphore(%arg16 : memref<!tpu.dma_semaphore, #tpu.memory_space<semaphore_mem>>) {add = true}
        %dma_start3A_553 = arith.constant 7 : i32
        %dma_start3A_554 = arith.constant 7 : i32
        %dma_start3A_555 = arith.constant 0 : i32
        %dma_start3A_556 = arith.constant 0 : i32
        %dma_start3A_557 = tpu.memref_slice %arg13[%select_n3A_193, %dma_start3A_553, %dma_start3A_555, %dma_start3A_556] : memref<2x10x80x32xf32, #tpu.memory_space<vmem>> -> memref<1x1x80x32xf32, #tpu.memory_space<vmem>>
        %dma_start3A_558 = tpu.memref_squeeze %dma_start3A_557 : memref<1x1x80x32xf32, #tpu.memory_space<vmem>> -> memref<80x32xf32, #tpu.memory_space<vmem>>
        %dma_start3A_559 = arith.constant 0 : i32
        %dma_start3A_560 = tpu.memref_slice %arg12[%select_n3A_193, %dma_start3A_554, %dma_start3A_559] : memref<2x10x80xi32, #tpu.memory_space<vmem>> -> memref<1x1x80xi32, #tpu.memory_space<vmem>>
        %dma_start3A_561 = tpu.memref_squeeze %dma_start3A_560 : memref<1x1x80xi32, #tpu.memory_space<vmem>> -> memref<80xi32, #tpu.memory_space<vmem>>
        %dma_start3A_562 = arith.constant 0 : i32
        %dma_start3A_563 = arith.constant 0 : i32
        %dma_start3A_564 = tpu.memref_slice %arg17[%dma_start3A_562, %dma_start3A_563] : memref<10016x32xf32, #tpu.memory_space<vmem_shared>> -> memref<10016x32xf32, #tpu.memory_space<vmem_shared>>
        tpu.enqueue_indirect_dma source(%dma_start3A_558 : memref<80x32xf32, #tpu.memory_space<vmem>>) target(%dma_start3A_564 : memref<10016x32xf32, #tpu.memory_space<vmem_shared>>) offsets(%dma_start3A_561 : memref<80xi32, #tpu.memory_space<vmem>>) semaphore(%arg16 : memref<!tpu.dma_semaphore, #tpu.memory_space<semaphore_mem>>) {add = true}
        %dma_start3A_565 = arith.constant 8 : i32
        %dma_start3A_566 = arith.constant 8 : i32
        %dma_start3A_567 = arith.constant 0 : i32
        %dma_start3A_568 = arith.constant 0 : i32
        %dma_start3A_569 = tpu.memref_slice %arg13[%select_n3A_193, %dma_start3A_565, %dma_start3A_567, %dma_start3A_568] : memref<2x10x80x32xf32, #tpu.memory_space<vmem>> -> memref<1x1x80x32xf32, #tpu.memory_space<vmem>>
        %dma_start3A_570 = tpu.memref_squeeze %dma_start3A_569 : memref<1x1x80x32xf32, #tpu.memory_space<vmem>> -> memref<80x32xf32, #tpu.memory_space<vmem>>
        %dma_start3A_571 = arith.constant 0 : i32
        %dma_start3A_572 = tpu.memref_slice %arg12[%select_n3A_193, %dma_start3A_566, %dma_start3A_571] : memref<2x10x80xi32, #tpu.memory_space<vmem>> -> memref<1x1x80xi32, #tpu.memory_space<vmem>>
        %dma_start3A_573 = tpu.memref_squeeze %dma_start3A_572 : memref<1x1x80xi32, #tpu.memory_space<vmem>> -> memref<80xi32, #tpu.memory_space<vmem>>
        %dma_start3A_574 = arith.constant 0 : i32
        %dma_start3A_575 = arith.constant 0 : i32
        %dma_start3A_576 = tpu.memref_slice %arg17[%dma_start3A_574, %dma_start3A_575] : memref<10016x32xf32, #tpu.memory_space<vmem_shared>> -> memref<10016x32xf32, #tpu.memory_space<vmem_shared>>
        tpu.enqueue_indirect_dma source(%dma_start3A_570 : memref<80x32xf32, #tpu.memory_space<vmem>>) target(%dma_start3A_576 : memref<10016x32xf32, #tpu.memory_space<vmem_shared>>) offsets(%dma_start3A_573 : memref<80xi32, #tpu.memory_space<vmem>>) semaphore(%arg16 : memref<!tpu.dma_semaphore, #tpu.memory_space<semaphore_mem>>) {add = true}
        %dma_start3A_577 = arith.constant 9 : i32
        %dma_start3A_578 = arith.constant 9 : i32
        %dma_start3A_579 = arith.constant 0 : i32
        %dma_start3A_580 = arith.constant 0 : i32
        %dma_start3A_581 = tpu.memref_slice %arg13[%select_n3A_193, %dma_start3A_577, %dma_start3A_579, %dma_start3A_580] : memref<2x10x80x32xf32, #tpu.memory_space<vmem>> -> memref<1x1x80x32xf32, #tpu.memory_space<vmem>>
        %dma_start3A_582 = tpu.memref_squeeze %dma_start3A_581 : memref<1x1x80x32xf32, #tpu.memory_space<vmem>> -> memref<80x32xf32, #tpu.memory_space<vmem>>
        %dma_start3A_583 = arith.constant 0 : i32
        %dma_start3A_584 = tpu.memref_slice %arg12[%select_n3A_193, %dma_start3A_578, %dma_start3A_583] : memref<2x10x80xi32, #tpu.memory_space<vmem>> -> memref<1x1x80xi32, #tpu.memory_space<vmem>>
        %dma_start3A_585 = tpu.memref_squeeze %dma_start3A_584 : memref<1x1x80xi32, #tpu.memory_space<vmem>> -> memref<80xi32, #tpu.memory_space<vmem>>
        %dma_start3A_586 = arith.constant 0 : i32
        %dma_start3A_587 = arith.constant 0 : i32
        %dma_start3A_588 = tpu.memref_slice %arg17[%dma_start3A_586, %dma_start3A_587] : memref<10016x32xf32, #tpu.memory_space<vmem_shared>> -> memref<10016x32xf32, #tpu.memory_space<vmem_shared>>
        tpu.enqueue_indirect_dma source(%dma_start3A_582 : memref<80x32xf32, #tpu.memory_space<vmem>>) target(%dma_start3A_588 : memref<10016x32xf32, #tpu.memory_space<vmem_shared>>) offsets(%dma_start3A_585 : memref<80xi32, #tpu.memory_space<vmem>>) semaphore(%arg16 : memref<!tpu.dma_semaphore, #tpu.memory_space<semaphore_mem>>) {add = true}
      }
      %scan3A_42 = arith.constant 25 : i32
      %dma_wait3A = arith.constant 0 : i32
      %dma_wait3A_43 = arith.constant 0 : i32
      %dma_wait3A_44 = arith.constant 0 : i32
      %dma_wait3A_45 = arith.constant 0 : i32
      %dma_wait3A_46 = arith.constant 0 : i32
      %dma_wait3A_47 = arith.constant 0 : i32
      %dma_wait3A_48 = tpu.memref_slice %arg13[%dma_wait3A, %dma_wait3A_43, %dma_wait3A_46, %dma_wait3A_47] : memref<2x10x80x32xf32, #tpu.memory_space<vmem>> -> memref<1x1x80x32xf32, #tpu.memory_space<vmem>>
      %dma_wait3A_49 = tpu.memref_squeeze %dma_wait3A_48 : memref<1x1x80x32xf32, #tpu.memory_space<vmem>> -> memref<80x32xf32, #tpu.memory_space<vmem>>
      %dma_wait3A_50 = arith.constant 0 : i32
      %dma_wait3A_51 = tpu.memref_slice %arg12[%dma_wait3A_44, %dma_wait3A_45, %dma_wait3A_50] : memref<2x10x80xi32, #tpu.memory_space<vmem>> -> memref<1x1x80xi32, #tpu.memory_space<vmem>>
      %dma_wait3A_52 = tpu.memref_squeeze %dma_wait3A_51 : memref<1x1x80xi32, #tpu.memory_space<vmem>> -> memref<80xi32, #tpu.memory_space<vmem>>
      %dma_wait3A_53 = arith.constant 0 : i32
      %dma_wait3A_54 = arith.constant 0 : i32
      %dma_wait3A_55 = tpu.memref_slice %arg17[%dma_wait3A_53, %dma_wait3A_54] : memref<10016x32xf32, #tpu.memory_space<vmem_shared>> -> memref<10016x32xf32, #tpu.memory_space<vmem_shared>>
      tpu.wait_indirect_dma semaphore(%arg16 : memref<!tpu.dma_semaphore, #tpu.memory_space<semaphore_mem>>) src(%dma_wait3A_49 : memref<80x32xf32, #tpu.memory_space<vmem>>) dst(%dma_wait3A_55 : memref<10016x32xf32, #tpu.memory_space<vmem_shared>>)
      %dma_wait3A_56 = arith.constant 0 : i32
      %dma_wait3A_57 = arith.constant 1 : i32
      %dma_wait3A_58 = arith.constant 0 : i32
      %dma_wait3A_59 = arith.constant 1 : i32
      %dma_wait3A_60 = arith.constant 0 : i32
      %dma_wait3A_61 = arith.constant 0 : i32
      %dma_wait3A_62 = tpu.memref_slice %arg13[%dma_wait3A_56, %dma_wait3A_57, %dma_wait3A_60, %dma_wait3A_61] : memref<2x10x80x32xf32, #tpu.memory_space<vmem>> -> memref<1x1x80x32xf32, #tpu.memory_space<vmem>>
      %dma_wait3A_63 = tpu.memref_squeeze %dma_wait3A_62 : memref<1x1x80x32xf32, #tpu.memory_space<vmem>> -> memref<80x32xf32, #tpu.memory_space<vmem>>
      %dma_wait3A_64 = arith.constant 0 : i32
      %dma_wait3A_65 = tpu.memref_slice %arg12[%dma_wait3A_58, %dma_wait3A_59, %dma_wait3A_64] : memref<2x10x80xi32, #tpu.memory_space<vmem>> -> memref<1x1x80xi32, #tpu.memory_space<vmem>>
      %dma_wait3A_66 = tpu.memref_squeeze %dma_wait3A_65 : memref<1x1x80xi32, #tpu.memory_space<vmem>> -> memref<80xi32, #tpu.memory_space<vmem>>
      %dma_wait3A_67 = arith.constant 0 : i32
      %dma_wait3A_68 = arith.constant 0 : i32
      %dma_wait3A_69 = tpu.memref_slice %arg17[%dma_wait3A_67, %dma_wait3A_68] : memref<10016x32xf32, #tpu.memory_space<vmem_shared>> -> memref<10016x32xf32, #tpu.memory_space<vmem_shared>>
      tpu.wait_indirect_dma semaphore(%arg16 : memref<!tpu.dma_semaphore, #tpu.memory_space<semaphore_mem>>) src(%dma_wait3A_63 : memref<80x32xf32, #tpu.memory_space<vmem>>) dst(%dma_wait3A_69 : memref<10016x32xf32, #tpu.memory_space<vmem_shared>>)
      %dma_wait3A_70 = arith.constant 0 : i32
      %dma_wait3A_71 = arith.constant 2 : i32
      %dma_wait3A_72 = arith.constant 0 : i32
      %dma_wait3A_73 = arith.constant 2 : i32
      %dma_wait3A_74 = arith.constant 0 : i32
      %dma_wait3A_75 = arith.constant 0 : i32
      %dma_wait3A_76 = tpu.memref_slice %arg13[%dma_wait3A_70, %dma_wait3A_71, %dma_wait3A_74, %dma_wait3A_75] : memref<2x10x80x32xf32, #tpu.memory_space<vmem>> -> memref<1x1x80x32xf32, #tpu.memory_space<vmem>>
      %dma_wait3A_77 = tpu.memref_squeeze %dma_wait3A_76 : memref<1x1x80x32xf32, #tpu.memory_space<vmem>> -> memref<80x32xf32, #tpu.memory_space<vmem>>
      %dma_wait3A_78 = arith.constant 0 : i32
      %dma_wait3A_79 = tpu.memref_slice %arg12[%dma_wait3A_72, %dma_wait3A_73, %dma_wait3A_78] : memref<2x10x80xi32, #tpu.memory_space<vmem>> -> memref<1x1x80xi32, #tpu.memory_space<vmem>>
      %dma_wait3A_80 = tpu.memref_squeeze %dma_wait3A_79 : memref<1x1x80xi32, #tpu.memory_space<vmem>> -> memref<80xi32, #tpu.memory_space<vmem>>
      %dma_wait3A_81 = arith.constant 0 : i32
      %dma_wait3A_82 = arith.constant 0 : i32
      %dma_wait3A_83 = tpu.memref_slice %arg17[%dma_wait3A_81, %dma_wait3A_82] : memref<10016x32xf32, #tpu.memory_space<vmem_shared>> -> memref<10016x32xf32, #tpu.memory_space<vmem_shared>>
      tpu.wait_indirect_dma semaphore(%arg16 : memref<!tpu.dma_semaphore, #tpu.memory_space<semaphore_mem>>) src(%dma_wait3A_77 : memref<80x32xf32, #tpu.memory_space<vmem>>) dst(%dma_wait3A_83 : memref<10016x32xf32, #tpu.memory_space<vmem_shared>>)
      %dma_wait3A_84 = arith.constant 0 : i32
      %dma_wait3A_85 = arith.constant 3 : i32
      %dma_wait3A_86 = arith.constant 0 : i32
      %dma_wait3A_87 = arith.constant 3 : i32
      %dma_wait3A_88 = arith.constant 0 : i32
      %dma_wait3A_89 = arith.constant 0 : i32
      %dma_wait3A_90 = tpu.memref_slice %arg13[%dma_wait3A_84, %dma_wait3A_85, %dma_wait3A_88, %dma_wait3A_89] : memref<2x10x80x32xf32, #tpu.memory_space<vmem>> -> memref<1x1x80x32xf32, #tpu.memory_space<vmem>>
      %dma_wait3A_91 = tpu.memref_squeeze %dma_wait3A_90 : memref<1x1x80x32xf32, #tpu.memory_space<vmem>> -> memref<80x32xf32, #tpu.memory_space<vmem>>
      %dma_wait3A_92 = arith.constant 0 : i32
      %dma_wait3A_93 = tpu.memref_slice %arg12[%dma_wait3A_86, %dma_wait3A_87, %dma_wait3A_92] : memref<2x10x80xi32, #tpu.memory_space<vmem>> -> memref<1x1x80xi32, #tpu.memory_space<vmem>>
      %dma_wait3A_94 = tpu.memref_squeeze %dma_wait3A_93 : memref<1x1x80xi32, #tpu.memory_space<vmem>> -> memref<80xi32, #tpu.memory_space<vmem>>
      %dma_wait3A_95 = arith.constant 0 : i32
      %dma_wait3A_96 = arith.constant 0 : i32
      %dma_wait3A_97 = tpu.memref_slice %arg17[%dma_wait3A_95, %dma_wait3A_96] : memref<10016x32xf32, #tpu.memory_space<vmem_shared>> -> memref<10016x32xf32, #tpu.memory_space<vmem_shared>>
      tpu.wait_indirect_dma semaphore(%arg16 : memref<!tpu.dma_semaphore, #tpu.memory_space<semaphore_mem>>) src(%dma_wait3A_91 : memref<80x32xf32, #tpu.memory_space<vmem>>) dst(%dma_wait3A_97 : memref<10016x32xf32, #tpu.memory_space<vmem_shared>>)
      %dma_wait3A_98 = arith.constant 0 : i32
      %dma_wait3A_99 = arith.constant 4 : i32
      %dma_wait3A_100 = arith.constant 0 : i32
      %dma_wait3A_101 = arith.constant 4 : i32
      %dma_wait3A_102 = arith.constant 0 : i32
      %dma_wait3A_103 = arith.constant 0 : i32
      %dma_wait3A_104 = tpu.memref_slice %arg13[%dma_wait3A_98, %dma_wait3A_99, %dma_wait3A_102, %dma_wait3A_103] : memref<2x10x80x32xf32, #tpu.memory_space<vmem>> -> memref<1x1x80x32xf32, #tpu.memory_space<vmem>>
      %dma_wait3A_105 = tpu.memref_squeeze %dma_wait3A_104 : memref<1x1x80x32xf32, #tpu.memory_space<vmem>> -> memref<80x32xf32, #tpu.memory_space<vmem>>
      %dma_wait3A_106 = arith.constant 0 : i32
      %dma_wait3A_107 = tpu.memref_slice %arg12[%dma_wait3A_100, %dma_wait3A_101, %dma_wait3A_106] : memref<2x10x80xi32, #tpu.memory_space<vmem>> -> memref<1x1x80xi32, #tpu.memory_space<vmem>>
      %dma_wait3A_108 = tpu.memref_squeeze %dma_wait3A_107 : memref<1x1x80xi32, #tpu.memory_space<vmem>> -> memref<80xi32, #tpu.memory_space<vmem>>
      %dma_wait3A_109 = arith.constant 0 : i32
      %dma_wait3A_110 = arith.constant 0 : i32
      %dma_wait3A_111 = tpu.memref_slice %arg17[%dma_wait3A_109, %dma_wait3A_110] : memref<10016x32xf32, #tpu.memory_space<vmem_shared>> -> memref<10016x32xf32, #tpu.memory_space<vmem_shared>>
      tpu.wait_indirect_dma semaphore(%arg16 : memref<!tpu.dma_semaphore, #tpu.memory_space<semaphore_mem>>) src(%dma_wait3A_105 : memref<80x32xf32, #tpu.memory_space<vmem>>) dst(%dma_wait3A_111 : memref<10016x32xf32, #tpu.memory_space<vmem_shared>>)
      %dma_wait3A_112 = arith.constant 0 : i32
      %dma_wait3A_113 = arith.constant 5 : i32
      %dma_wait3A_114 = arith.constant 0 : i32
      %dma_wait3A_115 = arith.constant 5 : i32
      %dma_wait3A_116 = arith.constant 0 : i32
      %dma_wait3A_117 = arith.constant 0 : i32
      %dma_wait3A_118 = tpu.memref_slice %arg13[%dma_wait3A_112, %dma_wait3A_113, %dma_wait3A_116, %dma_wait3A_117] : memref<2x10x80x32xf32, #tpu.memory_space<vmem>> -> memref<1x1x80x32xf32, #tpu.memory_space<vmem>>
      %dma_wait3A_119 = tpu.memref_squeeze %dma_wait3A_118 : memref<1x1x80x32xf32, #tpu.memory_space<vmem>> -> memref<80x32xf32, #tpu.memory_space<vmem>>
      %dma_wait3A_120 = arith.constant 0 : i32
      %dma_wait3A_121 = tpu.memref_slice %arg12[%dma_wait3A_114, %dma_wait3A_115, %dma_wait3A_120] : memref<2x10x80xi32, #tpu.memory_space<vmem>> -> memref<1x1x80xi32, #tpu.memory_space<vmem>>
      %dma_wait3A_122 = tpu.memref_squeeze %dma_wait3A_121 : memref<1x1x80xi32, #tpu.memory_space<vmem>> -> memref<80xi32, #tpu.memory_space<vmem>>
      %dma_wait3A_123 = arith.constant 0 : i32
      %dma_wait3A_124 = arith.constant 0 : i32
      %dma_wait3A_125 = tpu.memref_slice %arg17[%dma_wait3A_123, %dma_wait3A_124] : memref<10016x32xf32, #tpu.memory_space<vmem_shared>> -> memref<10016x32xf32, #tpu.memory_space<vmem_shared>>
      tpu.wait_indirect_dma semaphore(%arg16 : memref<!tpu.dma_semaphore, #tpu.memory_space<semaphore_mem>>) src(%dma_wait3A_119 : memref<80x32xf32, #tpu.memory_space<vmem>>) dst(%dma_wait3A_125 : memref<10016x32xf32, #tpu.memory_space<vmem_shared>>)
      %dma_wait3A_126 = arith.constant 0 : i32
      %dma_wait3A_127 = arith.constant 6 : i32
      %dma_wait3A_128 = arith.constant 0 : i32
      %dma_wait3A_129 = arith.constant 6 : i32
      %dma_wait3A_130 = arith.constant 0 : i32
      %dma_wait3A_131 = arith.constant 0 : i32
      %dma_wait3A_132 = tpu.memref_slice %arg13[%dma_wait3A_126, %dma_wait3A_127, %dma_wait3A_130, %dma_wait3A_131] : memref<2x10x80x32xf32, #tpu.memory_space<vmem>> -> memref<1x1x80x32xf32, #tpu.memory_space<vmem>>
      %dma_wait3A_133 = tpu.memref_squeeze %dma_wait3A_132 : memref<1x1x80x32xf32, #tpu.memory_space<vmem>> -> memref<80x32xf32, #tpu.memory_space<vmem>>
      %dma_wait3A_134 = arith.constant 0 : i32
      %dma_wait3A_135 = tpu.memref_slice %arg12[%dma_wait3A_128, %dma_wait3A_129, %dma_wait3A_134] : memref<2x10x80xi32, #tpu.memory_space<vmem>> -> memref<1x1x80xi32, #tpu.memory_space<vmem>>
      %dma_wait3A_136 = tpu.memref_squeeze %dma_wait3A_135 : memref<1x1x80xi32, #tpu.memory_space<vmem>> -> memref<80xi32, #tpu.memory_space<vmem>>
      %dma_wait3A_137 = arith.constant 0 : i32
      %dma_wait3A_138 = arith.constant 0 : i32
      %dma_wait3A_139 = tpu.memref_slice %arg17[%dma_wait3A_137, %dma_wait3A_138] : memref<10016x32xf32, #tpu.memory_space<vmem_shared>> -> memref<10016x32xf32, #tpu.memory_space<vmem_shared>>
      tpu.wait_indirect_dma semaphore(%arg16 : memref<!tpu.dma_semaphore, #tpu.memory_space<semaphore_mem>>) src(%dma_wait3A_133 : memref<80x32xf32, #tpu.memory_space<vmem>>) dst(%dma_wait3A_139 : memref<10016x32xf32, #tpu.memory_space<vmem_shared>>)
      %dma_wait3A_140 = arith.constant 0 : i32
      %dma_wait3A_141 = arith.constant 7 : i32
      %dma_wait3A_142 = arith.constant 0 : i32
      %dma_wait3A_143 = arith.constant 7 : i32
      %dma_wait3A_144 = arith.constant 0 : i32
      %dma_wait3A_145 = arith.constant 0 : i32
      %dma_wait3A_146 = tpu.memref_slice %arg13[%dma_wait3A_140, %dma_wait3A_141, %dma_wait3A_144, %dma_wait3A_145] : memref<2x10x80x32xf32, #tpu.memory_space<vmem>> -> memref<1x1x80x32xf32, #tpu.memory_space<vmem>>
      %dma_wait3A_147 = tpu.memref_squeeze %dma_wait3A_146 : memref<1x1x80x32xf32, #tpu.memory_space<vmem>> -> memref<80x32xf32, #tpu.memory_space<vmem>>
      %dma_wait3A_148 = arith.constant 0 : i32
      %dma_wait3A_149 = tpu.memref_slice %arg12[%dma_wait3A_142, %dma_wait3A_143, %dma_wait3A_148] : memref<2x10x80xi32, #tpu.memory_space<vmem>> -> memref<1x1x80xi32, #tpu.memory_space<vmem>>
      %dma_wait3A_150 = tpu.memref_squeeze %dma_wait3A_149 : memref<1x1x80xi32, #tpu.memory_space<vmem>> -> memref<80xi32, #tpu.memory_space<vmem>>
      %dma_wait3A_151 = arith.constant 0 : i32
      %dma_wait3A_152 = arith.constant 0 : i32
      %dma_wait3A_153 = tpu.memref_slice %arg17[%dma_wait3A_151, %dma_wait3A_152] : memref<10016x32xf32, #tpu.memory_space<vmem_shared>> -> memref<10016x32xf32, #tpu.memory_space<vmem_shared>>
      tpu.wait_indirect_dma semaphore(%arg16 : memref<!tpu.dma_semaphore, #tpu.memory_space<semaphore_mem>>) src(%dma_wait3A_147 : memref<80x32xf32, #tpu.memory_space<vmem>>) dst(%dma_wait3A_153 : memref<10016x32xf32, #tpu.memory_space<vmem_shared>>)
      %dma_wait3A_154 = arith.constant 0 : i32
      %dma_wait3A_155 = arith.constant 8 : i32
      %dma_wait3A_156 = arith.constant 0 : i32
      %dma_wait3A_157 = arith.constant 8 : i32
      %dma_wait3A_158 = arith.constant 0 : i32
      %dma_wait3A_159 = arith.constant 0 : i32
      %dma_wait3A_160 = tpu.memref_slice %arg13[%dma_wait3A_154, %dma_wait3A_155, %dma_wait3A_158, %dma_wait3A_159] : memref<2x10x80x32xf32, #tpu.memory_space<vmem>> -> memref<1x1x80x32xf32, #tpu.memory_space<vmem>>
      %dma_wait3A_161 = tpu.memref_squeeze %dma_wait3A_160 : memref<1x1x80x32xf32, #tpu.memory_space<vmem>> -> memref<80x32xf32, #tpu.memory_space<vmem>>
      %dma_wait3A_162 = arith.constant 0 : i32
      %dma_wait3A_163 = tpu.memref_slice %arg12[%dma_wait3A_156, %dma_wait3A_157, %dma_wait3A_162] : memref<2x10x80xi32, #tpu.memory_space<vmem>> -> memref<1x1x80xi32, #tpu.memory_space<vmem>>
      %dma_wait3A_164 = tpu.memref_squeeze %dma_wait3A_163 : memref<1x1x80xi32, #tpu.memory_space<vmem>> -> memref<80xi32, #tpu.memory_space<vmem>>
      %dma_wait3A_165 = arith.constant 0 : i32
      %dma_wait3A_166 = arith.constant 0 : i32
      %dma_wait3A_167 = tpu.memref_slice %arg17[%dma_wait3A_165, %dma_wait3A_166] : memref<10016x32xf32, #tpu.memory_space<vmem_shared>> -> memref<10016x32xf32, #tpu.memory_space<vmem_shared>>
      tpu.wait_indirect_dma semaphore(%arg16 : memref<!tpu.dma_semaphore, #tpu.memory_space<semaphore_mem>>) src(%dma_wait3A_161 : memref<80x32xf32, #tpu.memory_space<vmem>>) dst(%dma_wait3A_167 : memref<10016x32xf32, #tpu.memory_space<vmem_shared>>)
      %dma_wait3A_168 = arith.constant 0 : i32
      %dma_wait3A_169 = arith.constant 9 : i32
      %dma_wait3A_170 = arith.constant 0 : i32
      %dma_wait3A_171 = arith.constant 9 : i32
      %dma_wait3A_172 = arith.constant 0 : i32
      %dma_wait3A_173 = arith.constant 0 : i32
      %dma_wait3A_174 = tpu.memref_slice %arg13[%dma_wait3A_168, %dma_wait3A_169, %dma_wait3A_172, %dma_wait3A_173] : memref<2x10x80x32xf32, #tpu.memory_space<vmem>> -> memref<1x1x80x32xf32, #tpu.memory_space<vmem>>
      %dma_wait3A_175 = tpu.memref_squeeze %dma_wait3A_174 : memref<1x1x80x32xf32, #tpu.memory_space<vmem>> -> memref<80x32xf32, #tpu.memory_space<vmem>>
      %dma_wait3A_176 = arith.constant 0 : i32
      %dma_wait3A_177 = tpu.memref_slice %arg12[%dma_wait3A_170, %dma_wait3A_171, %dma_wait3A_176] : memref<2x10x80xi32, #tpu.memory_space<vmem>> -> memref<1x1x80xi32, #tpu.memory_space<vmem>>
      %dma_wait3A_178 = tpu.memref_squeeze %dma_wait3A_177 : memref<1x1x80xi32, #tpu.memory_space<vmem>> -> memref<80xi32, #tpu.memory_space<vmem>>
      %dma_wait3A_179 = arith.constant 0 : i32
      %dma_wait3A_180 = arith.constant 0 : i32
      %dma_wait3A_181 = tpu.memref_slice %arg17[%dma_wait3A_179, %dma_wait3A_180] : memref<10016x32xf32, #tpu.memory_space<vmem_shared>> -> memref<10016x32xf32, #tpu.memory_space<vmem_shared>>
      tpu.wait_indirect_dma semaphore(%arg16 : memref<!tpu.dma_semaphore, #tpu.memory_space<semaphore_mem>>) src(%dma_wait3A_175 : memref<80x32xf32, #tpu.memory_space<vmem>>) dst(%dma_wait3A_181 : memref<10016x32xf32, #tpu.memory_space<vmem_shared>>)
      %barrier3A_182 = arith.constant 0 : index
      tpu.barrier barrier_id(%barrier3A_182)
      "tpu.region"() ({
        %run_scoped3A = tpu.sem_alloc : memref<!tpu.dma_semaphore, #tpu.memory_space<semaphore_mem>>
        %dma_start3A_183 = arith.constant 0 : i32
        %dma_start3A_184 = tpu.memref_slice %arg10[%mul3A_0, %dma_start3A_183] : memref<10016x32xf32, #tpu.memory_space<hbm>> -> memref<626x32xf32, #tpu.memory_space<hbm>>
        %dma_start3A_185 = arith.constant 0 : i32
        %dma_start3A_186 = tpu.memref_slice %arg17[%mul3A_0, %dma_start3A_185] : memref<10016x32xf32, #tpu.memory_space<vmem_shared>> -> memref<626x32xf32, #tpu.memory_space<vmem_shared>>
        tpu.enqueue_dma source(%dma_start3A_186 : memref<626x32xf32, #tpu.memory_space<vmem_shared>>) target(%dma_start3A_184 : memref<626x32xf32, #tpu.memory_space<hbm>>) target_semaphore(%run_scoped3A : memref<!tpu.dma_semaphore, #tpu.memory_space<semaphore_mem>>)
        %dma_wait3A_187 = arith.constant 0 : i32
        %dma_wait3A_188 = tpu.memref_slice %arg10[%mul3A_0, %dma_wait3A_187] : memref<10016x32xf32, #tpu.memory_space<hbm>> -> memref<626x32xf32, #tpu.memory_space<hbm>>
        %dma_wait3A_189 = arith.constant 0 : i32
        %dma_wait3A_190 = tpu.memref_slice %arg17[%mul3A_0, %dma_wait3A_189] : memref<10016x32xf32, #tpu.memory_space<vmem_shared>> -> memref<626x32xf32, #tpu.memory_space<vmem_shared>>
        tpu.wait_dma2 semaphore(%run_scoped3A : memref<!tpu.dma_semaphore, #tpu.memory_space<semaphore_mem>>) src(%dma_wait3A_190 : memref<626x32xf32, #tpu.memory_space<vmem_shared>>) dst(%dma_wait3A_188 : memref<626x32xf32, #tpu.memory_space<hbm>>)
        tpu.yield
      }) : () -> ()
    } else {
    }
    return
  }
}

module attributes {stable_mosaic.version = 14 : i64} {
  func.func @_tc1_body(%arg0: memref<10000x128xf32, #tpu.memory_space<vmem>>, %arg1: memref<128x32xf32, #tpu.memory_space<vmem>>, %arg2: memref<128x32xf32, #tpu.memory_space<vmem>>, %arg3: memref<10000x32xf32, #tpu.memory_space<vmem>>, %arg4: memref<10000x32xf32, #tpu.memory_space<vmem>>) attributes {dimension_semantics = [], scalar_prefetch = 0 : i64, scratch_operands = 0 : i64, tpu.core_type = #tpu.core_type<tc>} {
    %get3A = arith.constant 0 : index
    %get3A_0 = arith.constant 0 : index
    %get3A_1 = vector.load %arg0[%get3A, %get3A_0] : memref<10000x128xf32, #tpu.memory_space<vmem>>, vector<10000x128xf32>
    %get3A_2 = arith.constant 0 : index
    %get3A_3 = arith.constant 0 : index
    %get3A_4 = vector.load %arg1[%get3A_2, %get3A_3] : memref<128x32xf32, #tpu.memory_space<vmem>>, vector<128x32xf32>
    %dot_general3A = arith.constant dense<0.000000e+00> : vector<10000x32xf32>
    %dot_general3A_5 = tpu.matmul %get3A_1, %get3A_4, %dot_general3A {dimension_numbers = #tpu.dot_dimension_numbers<[1], [0], [0], [1], [0, 0, 1, 1], [], []>, transpose_lhs_hint = false} : vector<10000x128xf32>, vector<128x32xf32>, vector<10000x32xf32> -> vector<10000x32xf32>
    %swap3A = arith.constant 0 : index
    %swap3A_6 = arith.constant 0 : index
    %swap3A_7 = vector.load %arg3[%swap3A, %swap3A_6] : memref<10000x32xf32, #tpu.memory_space<vmem>>, vector<10000x32xf32>
    tpu.vector_store %arg3[%swap3A, %swap3A_6], %dot_general3A_5 {strides = array<i32>} : memref<10000x32xf32, #tpu.memory_space<vmem>>, vector<10000x32xf32>,
    %get3A_8 = arith.constant 0 : index
    %get3A_9 = arith.constant 0 : index
    %get3A_10 = vector.load %arg2[%get3A_8, %get3A_9] : memref<128x32xf32, #tpu.memory_space<vmem>>, vector<128x32xf32>
    %dot_general3A_11 = arith.constant dense<0.000000e+00> : vector<10000x32xf32>
    %dot_general3A_12 = tpu.matmul %get3A_1, %get3A_10, %dot_general3A_11 {dimension_numbers = #tpu.dot_dimension_numbers<[1], [0], [0], [1], [0, 0, 1, 1], [], []>, transpose_lhs_hint = false} : vector<10000x128xf32>, vector<128x32xf32>, vector<10000x32xf32> -> vector<10000x32xf32>
    %swap3A_13 = arith.constant 0 : index
    %swap3A_14 = arith.constant 0 : index
    %swap3A_15 = vector.load %arg4[%swap3A_13, %swap3A_14] : memref<10000x32xf32, #tpu.memory_space<vmem>>, vector<10000x32xf32>
    tpu.vector_store %arg4[%swap3A_13, %swap3A_14], %dot_general3A_12 {strides = array<i32>} : memref<10000x32xf32, #tpu.memory_space<vmem>>, vector<10000x32xf32>,
    return
  }
}

module attributes {stable_mosaic.version = 14 : i64} {
  func.func @_tc2_body(%arg0: memref<2504x128xf32, #tpu.memory_space<vmem>>, %arg1: memref<2504x128xf32, #tpu.memory_space<vmem>>, %arg2: memref<2504x128xf32, #tpu.memory_space<vmem>>, %arg3: memref<2504x128xf32, #tpu.memory_space<vmem>>, %arg4: memref<2504x128xf32, #tpu.memory_space<vmem>>, %arg5: memref<2504x128xf32, #tpu.memory_space<vmem>>, %arg6: memref<4x32xf32, #tpu.memory_space<vmem>>, %arg7: memref<4x32xf32, #tpu.memory_space<vmem>>, %arg8: memref<2504x128xf32, #tpu.memory_space<vmem>>, %arg9: memref<2504x128xf32, #tpu.memory_space<vmem>>) attributes {dimension_semantics = [], scalar_prefetch = 0 : i64, scratch_operands = 0 : i64, tpu.core_type = #tpu.core_type<tc>} {
    %get3A = arith.constant 0 : index
    %get3A_0 = arith.constant 0 : index
    %get3A_1 = vector.load %arg4[%get3A, %get3A_0] : memref<2504x128xf32, #tpu.memory_space<vmem>>, vector<2504x128xf32>
    %get3A_2 = arith.constant 0 : index
    %get3A_3 = arith.constant 0 : index
    %get3A_4 = vector.load %arg5[%get3A_2, %get3A_3] : memref<2504x128xf32, #tpu.memory_space<vmem>>, vector<2504x128xf32>
    %iota3A = tpu.iota {dimensions = array<i32: 0>} : vector<2504x128xi32>
    %lt3A = arith.constant 2500 : i32
    %lt3A_5 = vector.broadcast %lt3A : i32 to vector<2504x128xi32>
    %lt3A_6 = arith.cmpi slt, %iota3A, %lt3A_5 : vector<2504x128xi32>
    %convert_element_type3A = arith.extui %lt3A_6 : vector<2504x128xi1> to vector<2504x128xi32>
    %convert_element_type3A_7 = arith.sitofp %convert_element_type3A : vector<2504x128xi32> to vector<2504x128xf32>
    %iota3A_8 = tpu.iota {dimensions = array<i32: 0>} : vector<128x32xi32>
    %jit3A = arith.constant 32 : i32
    %eq3A = arith.constant 0 : i32
    %eq3A_9 = arith.cmpi eq, %jit3A, %eq3A : i32
    %jit3A_10 = arith.constant 1 : i32
    %select_n3A = arith.select %eq3A_9, %jit3A_10, %jit3A : i32
    %rem3A = vector.broadcast %select_n3A : i32 to vector<128x32xi32>
    %rem3A_11 = arith.remsi %iota3A_8, %rem3A : vector<128x32xi32>
    %ne3A = arith.constant 0 : i32
    %ne3A_12 = vector.broadcast %ne3A : i32 to vector<128x32xi32>
    %ne3A_13 = arith.cmpi ne, %rem3A_11, %ne3A_12 : vector<128x32xi32>
    %lt3A_14 = arith.constant 0 : i32
    %lt3A_15 = vector.broadcast %lt3A_14 : i32 to vector<128x32xi32>
    %lt3A_16 = arith.cmpi slt, %rem3A_11, %lt3A_15 : vector<128x32xi32>
    %lt3A_17 = arith.constant 0 : i32
    %lt3A_18 = arith.cmpi slt, %select_n3A, %lt3A_17 : i32
    %ne3A_19 = vector.broadcast %lt3A_18 : i1 to vector<128x32xi1>
    %ne3A_20 = vector.broadcast %ne3A_19 : vector<128x32xi1> to vector<128x32xi1>
    %ne3A_21 = arith.xori %lt3A_16, %ne3A_20 : vector<128x32xi1>
    %and3A = arith.andi %ne3A_21, %ne3A_13 : vector<128x32xi1>
    %add3A = vector.broadcast %select_n3A : i32 to vector<128x32xi32>
    %add3A_22 = arith.addi %rem3A_11, %add3A : vector<128x32xi32>
    %select_n3A_23 = arith.select %and3A, %add3A_22, %rem3A_11 : vector<128x32xi1>, vector<128x32xi32>
    %iota3A_24 = tpu.iota {dimensions = array<i32: 1>} : vector<128x32xi32>
    %eq3A_25 = arith.cmpi eq, %select_n3A_23, %iota3A_24 : vector<128x32xi32>
    %convert_element_type3A_26 = arith.extui %eq3A_25 : vector<128x32xi1> to vector<128x32xi32>
    %convert_element_type3A_27 = arith.sitofp %convert_element_type3A_26 : vector<128x32xi32> to vector<128x32xf32>
    %iota3A_28 = tpu.iota {dimensions = array<i32: 0>} : vector<128x128xi32>
    %jit3A_29 = arith.constant 32 : i32
    %div3A = vector.broadcast %jit3A_29 : i32 to vector<128x128xi32>
    %div3A_30 = arith.divsi %iota3A_28, %div3A : vector<128x128xi32>
    %sign3A = arith.constant 0 : i32
    %sign3A_31 = vector.broadcast %sign3A : i32 to vector<128x128xi32>
    %sign3A_32 = arith.cmpi sgt, %iota3A_28, %sign3A_31 : vector<128x128xi32>
    %sign3A_33 = arith.extui %sign3A_32 : vector<128x128xi1> to vector<128x128xi32>
    %sign3A_34 = arith.constant 0 : i32
    %sign3A_35 = vector.broadcast %sign3A_34 : i32 to vector<128x128xi32>
    %sign3A_36 = arith.cmpi slt, %iota3A_28, %sign3A_35 : vector<128x128xi32>
    %sign3A_37 = arith.extui %sign3A_36 : vector<128x128xi1> to vector<128x128xi32>
    %sign3A_38 = arith.subi %sign3A_33, %sign3A_37 : vector<128x128xi32>
    %sign3A_39 = arith.constant 0 : i32
    %sign3A_40 = arith.cmpi sgt, %jit3A_29, %sign3A_39 : i32
    %sign3A_41 = arith.extui %sign3A_40 : i1 to i32
    %sign3A_42 = arith.constant 0 : i32
    %sign3A_43 = arith.cmpi slt, %jit3A_29, %sign3A_42 : i32
    %sign3A_44 = arith.extui %sign3A_43 : i1 to i32
    %sign3A_45 = arith.subi %sign3A_41, %sign3A_44 : i32
    %ne3A_46 = vector.broadcast %sign3A_45 : i32 to vector<128x128xi32>
    %ne3A_47 = arith.cmpi ne, %sign3A_38, %ne3A_46 : vector<128x128xi32>
    %rem3A_48 = vector.broadcast %jit3A_29 : i32 to vector<128x128xi32>
    %rem3A_49 = arith.remsi %iota3A_28, %rem3A_48 : vector<128x128xi32>
    %ne3A_50 = arith.constant 0 : i32
    %ne3A_51 = vector.broadcast %ne3A_50 : i32 to vector<128x128xi32>
    %ne3A_52 = arith.cmpi ne, %rem3A_49, %ne3A_51 : vector<128x128xi32>
    %and3A_53 = arith.andi %ne3A_47, %ne3A_52 : vector<128x128xi1>
    %sub3A = arith.constant 1 : i32
    %sub3A_54 = vector.broadcast %sub3A : i32 to vector<128x128xi32>
    %sub3A_55 = arith.subi %div3A_30, %sub3A_54 : vector<128x128xi32>
    %select_n3A_56 = arith.select %and3A_53, %sub3A_55, %div3A_30 : vector<128x128xi1>, vector<128x128xi32>
    %iota3A_57 = tpu.iota {dimensions = array<i32: 1>} : vector<128x128xi32>
    %jit3A_58 = arith.constant 32 : i32
    %div3A_59 = vector.broadcast %jit3A_58 : i32 to vector<128x128xi32>
    %div3A_60 = arith.divsi %iota3A_57, %div3A_59 : vector<128x128xi32>
    %sign3A_61 = arith.constant 0 : i32
    %sign3A_62 = vector.broadcast %sign3A_61 : i32 to vector<128x128xi32>
    %sign3A_63 = arith.cmpi sgt, %iota3A_57, %sign3A_62 : vector<128x128xi32>
    %sign3A_64 = arith.extui %sign3A_63 : vector<128x128xi1> to vector<128x128xi32>
    %sign3A_65 = arith.constant 0 : i32
    %sign3A_66 = vector.broadcast %sign3A_65 : i32 to vector<128x128xi32>
    %sign3A_67 = arith.cmpi slt, %iota3A_57, %sign3A_66 : vector<128x128xi32>
    %sign3A_68 = arith.extui %sign3A_67 : vector<128x128xi1> to vector<128x128xi32>
    %sign3A_69 = arith.subi %sign3A_64, %sign3A_68 : vector<128x128xi32>
    %sign3A_70 = arith.constant 0 : i32
    %sign3A_71 = arith.cmpi sgt, %jit3A_58, %sign3A_70 : i32
    %sign3A_72 = arith.extui %sign3A_71 : i1 to i32
    %sign3A_73 = arith.constant 0 : i32
    %sign3A_74 = arith.cmpi slt, %jit3A_58, %sign3A_73 : i32
    %sign3A_75 = arith.extui %sign3A_74 : i1 to i32
    %sign3A_76 = arith.subi %sign3A_72, %sign3A_75 : i32
    %ne3A_77 = vector.broadcast %sign3A_76 : i32 to vector<128x128xi32>
    %ne3A_78 = arith.cmpi ne, %sign3A_69, %ne3A_77 : vector<128x128xi32>
    %rem3A_79 = vector.broadcast %jit3A_58 : i32 to vector<128x128xi32>
    %rem3A_80 = arith.remsi %iota3A_57, %rem3A_79 : vector<128x128xi32>
    %ne3A_81 = arith.constant 0 : i32
    %ne3A_82 = vector.broadcast %ne3A_81 : i32 to vector<128x128xi32>
    %ne3A_83 = arith.cmpi ne, %rem3A_80, %ne3A_82 : vector<128x128xi32>
    %and3A_84 = arith.andi %ne3A_78, %ne3A_83 : vector<128x128xi1>
    %sub3A_85 = arith.constant 1 : i32
    %sub3A_86 = vector.broadcast %sub3A_85 : i32 to vector<128x128xi32>
    %sub3A_87 = arith.subi %div3A_60, %sub3A_86 : vector<128x128xi32>
    %select_n3A_88 = arith.select %and3A_84, %sub3A_87, %div3A_60 : vector<128x128xi1>, vector<128x128xi32>
    %eq3A_89 = arith.cmpi eq, %select_n3A_56, %select_n3A_88 : vector<128x128xi32>
    %convert_element_type3A_90 = arith.extui %eq3A_89 : vector<128x128xi1> to vector<128x128xi32>
    %convert_element_type3A_91 = arith.sitofp %convert_element_type3A_90 : vector<128x128xi32> to vector<128x128xf32>
    %mul3A = arith.constant 3.125000e-02 : f32
    %mul3A_92 = vector.broadcast %mul3A : f32 to vector<128x128xf32>
    %mul3A_93 = arith.mulf %convert_element_type3A_91, %mul3A_92 : vector<128x128xf32>
    %get3A_94 = arith.constant 0 : index
    %get3A_95 = arith.constant 0 : index
    %get3A_96 = vector.load %arg6[%get3A_94, %get3A_95] : memref<4x32xf32, #tpu.memory_space<vmem>>, vector<4x32xf32>
    %slice3A = vector.extract_strided_slice %get3A_96 {offsets = [0, 0], sizes = [1, 32], strides = [1, 1]} : vector<4x32xf32> to vector<1x32xf32>
    %slice3A_97 = vector.extract_strided_slice %get3A_96 {offsets = [1, 0], sizes = [1, 32], strides = [1, 1]} : vector<4x32xf32> to vector<1x32xf32>
    %slice3A_98 = vector.extract_strided_slice %get3A_96 {offsets = [2, 0], sizes = [1, 32], strides = [1, 1]} : vector<4x32xf32> to vector<1x32xf32>
    %slice3A_99 = vector.extract_strided_slice %get3A_96 {offsets = [3, 0], sizes = [1, 32], strides = [1, 1]} : vector<4x32xf32> to vector<1x32xf32>
    %get3A_100 = arith.constant 0 : index
    %get3A_101 = arith.constant 0 : index
    %get3A_102 = vector.load %arg0[%get3A_100, %get3A_101] : memref<2504x128xf32, #tpu.memory_space<vmem>>, vector<2504x128xf32>
    %get3A_103 = arith.constant 0 : index
    %get3A_104 = arith.constant 0 : index
    %get3A_105 = vector.load %arg2[%get3A_103, %get3A_104] : memref<2504x128xf32, #tpu.memory_space<vmem>>, vector<2504x128xf32>
    %add3A_106 = arith.addf %get3A_102, %get3A_105 : vector<2504x128xf32>
    %mul3A_107 = arith.mulf %get3A_1, %add3A_106 : vector<2504x128xf32>
    %concatenate3A = tpu.concatenate %slice3A, %slice3A, %slice3A, %slice3A in 1 : vector<1x32xf32>, vector<1x32xf32>, vector<1x32xf32>, vector<1x32xf32> -> vector<1x128xf32>
    %add3A_108 = vector.broadcast %concatenate3A : vector<1x128xf32> to vector<2504x128xf32>
    %add3A_109 = arith.addf %mul3A_107, %add3A_108 : vector<2504x128xf32>
    %mul3A_110 = arith.mulf %add3A_109, %convert_element_type3A_7 : vector<2504x128xf32>
    %reduce_sum3A = arith.constant dense<0.000000e+00> : vector<128xf32>
    %reduce_sum3A_111 = vector.multi_reduction <add>, %mul3A_110, %reduce_sum3A [0] : vector<2504x128xf32> to vector<128xf32>
    %broadcast_in_dim3A = vector.shape_cast %reduce_sum3A_111 : vector<128xf32> to vector<1x128xf32>
    %dot_general3A = arith.constant dense<0.000000e+00> : vector<1x32xf32>
    %dot_general3A_112 = tpu.matmul %broadcast_in_dim3A, %convert_element_type3A_27, %dot_general3A {dimension_numbers = #tpu.dot_dimension_numbers<[1], [0], [0], [1], [0, 0, 1, 1], [], []>, precision = #tpu.contract_precision<fp32>, transpose_lhs_hint = false} : vector<1x128xf32>, vector<128x32xf32>, vector<1x32xf32> -> vector<1x32xf32>
    %mul3A_113 = arith.mulf %mul3A_110, %mul3A_110 : vector<2504x128xf32>
    %reduce_sum3A_114 = arith.constant dense<0.000000e+00> : vector<128xf32>
    %reduce_sum3A_115 = vector.multi_reduction <add>, %mul3A_113, %reduce_sum3A_114 [0] : vector<2504x128xf32> to vector<128xf32>
    %broadcast_in_dim3A_116 = vector.shape_cast %reduce_sum3A_115 : vector<128xf32> to vector<1x128xf32>
    %dot_general3A_117 = arith.constant dense<0.000000e+00> : vector<1x32xf32>
    %dot_general3A_118 = tpu.matmul %broadcast_in_dim3A_116, %convert_element_type3A_27, %dot_general3A_117 {dimension_numbers = #tpu.dot_dimension_numbers<[1], [0], [0], [1], [0, 0, 1, 1], [], []>, precision = #tpu.contract_precision<fp32>, transpose_lhs_hint = false} : vector<1x128xf32>, vector<128x32xf32>, vector<1x32xf32> -> vector<1x32xf32>
    %mul3A_119 = arith.constant 9.99999974E-5 : f32
    %mul3A_120 = vector.broadcast %mul3A_119 : f32 to vector<1x32xf32>
    %mul3A_121 = arith.mulf %dot_general3A_112, %mul3A_120 : vector<1x32xf32>
    %mul3A_122 = arith.constant 2.000000e+00 : f32
    %mul3A_123 = vector.broadcast %mul3A_122 : f32 to vector<1x32xf32>
    %mul3A_124 = arith.mulf %mul3A_123, %slice3A_99 : vector<1x32xf32>
    %mul3A_125 = arith.mulf %mul3A_124, %mul3A_121 : vector<1x32xf32>
    %mul3A_126 = arith.mulf %mul3A_125, %dot_general3A_112 : vector<1x32xf32>
    %sub3A_127 = arith.subf %dot_general3A_118, %mul3A_126 : vector<1x32xf32>
    %mul3A_128 = arith.constant 1.000000e+04 : f32
    %mul3A_129 = vector.broadcast %mul3A_128 : f32 to vector<1x32xf32>
    %mul3A_130 = arith.mulf %mul3A_129, %slice3A_99 : vector<1x32xf32>
    %mul3A_131 = arith.mulf %mul3A_130, %slice3A_99 : vector<1x32xf32>
    %mul3A_132 = arith.mulf %mul3A_131, %mul3A_121 : vector<1x32xf32>
    %mul3A_133 = arith.mulf %mul3A_132, %mul3A_121 : vector<1x32xf32>
    %add3A_134 = arith.addf %sub3A_127, %mul3A_133 : vector<1x32xf32>
    %mul3A_135 = arith.constant 9.99999974E-5 : f32
    %mul3A_136 = vector.broadcast %mul3A_135 : f32 to vector<1x32xf32>
    %mul3A_137 = arith.mulf %add3A_134, %mul3A_136 : vector<1x32xf32>
    %add3A_138 = arith.constant 9.99999974E-6 : f32
    %add3A_139 = vector.broadcast %add3A_138 : f32 to vector<1x32xf32>
    %add3A_140 = arith.addf %mul3A_137, %add3A_139 : vector<1x32xf32>
    %rsqrt3A = math.rsqrt %add3A_140 : vector<1x32xf32>
    %mul3A_141 = arith.mulf %slice3A_97, %rsqrt3A : vector<1x32xf32>
    %mul3A_142 = arith.mulf %slice3A_99, %mul3A_121 : vector<1x32xf32>
    %concatenate3A_143 = tpu.concatenate %mul3A_142, %mul3A_142, %mul3A_142, %mul3A_142 in 1 : vector<1x32xf32>, vector<1x32xf32>, vector<1x32xf32>, vector<1x32xf32> -> vector<1x128xf32>
    %sub3A_144 = vector.broadcast %concatenate3A_143 : vector<1x128xf32> to vector<2504x128xf32>
    %sub3A_145 = arith.subf %mul3A_110, %sub3A_144 : vector<2504x128xf32>
    %concatenate3A_146 = tpu.concatenate %mul3A_141, %mul3A_141, %mul3A_141, %mul3A_141 in 1 : vector<1x32xf32>, vector<1x32xf32>, vector<1x32xf32>, vector<1x32xf32> -> vector<1x128xf32>
    %mul3A_147 = vector.broadcast %concatenate3A_146 : vector<1x128xf32> to vector<2504x128xf32>
    %mul3A_148 = arith.mulf %sub3A_145, %mul3A_147 : vector<2504x128xf32>
    %concatenate3A_149 = tpu.concatenate %slice3A_98, %slice3A_98, %slice3A_98, %slice3A_98 in 1 : vector<1x32xf32>, vector<1x32xf32>, vector<1x32xf32>, vector<1x32xf32> -> vector<1x128xf32>
    %add3A_150 = vector.broadcast %concatenate3A_149 : vector<1x128xf32> to vector<2504x128xf32>
    %add3A_151 = arith.addf %mul3A_148, %add3A_150 : vector<2504x128xf32>
    %dot_general3A_152 = arith.constant dense<0.000000e+00> : vector<2504x128xf32>
    %dot_general3A_153 = tpu.matmul %add3A_151, %mul3A_93, %dot_general3A_152 {dimension_numbers = #tpu.dot_dimension_numbers<[1], [0], [0], [1], [0, 0, 1, 1], [], []>, precision = #tpu.contract_precision<fp32>, transpose_lhs_hint = false} : vector<2504x128xf32>, vector<128x128xf32>, vector<2504x128xf32> -> vector<2504x128xf32>
    %mul3A_154 = arith.mulf %add3A_151, %add3A_151 : vector<2504x128xf32>
    %dot_general3A_155 = arith.constant dense<0.000000e+00> : vector<2504x128xf32>
    %dot_general3A_156 = tpu.matmul %mul3A_154, %mul3A_93, %dot_general3A_155 {dimension_numbers = #tpu.dot_dimension_numbers<[1], [0], [0], [1], [0, 0, 1, 1], [], []>, precision = #tpu.contract_precision<fp32>, transpose_lhs_hint = false} : vector<2504x128xf32>, vector<128x128xf32>, vector<2504x128xf32> -> vector<2504x128xf32>
    %mul3A_157 = arith.mulf %dot_general3A_153, %dot_general3A_153 : vector<2504x128xf32>
    %sub3A_158 = arith.subf %dot_general3A_156, %mul3A_157 : vector<2504x128xf32>
    %sub3A_159 = arith.subf %add3A_151, %dot_general3A_153 : vector<2504x128xf32>
    %add3A_160 = arith.constant 9.99999974E-6 : f32
    %add3A_161 = vector.broadcast %add3A_160 : f32 to vector<2504x128xf32>
    %add3A_162 = arith.addf %sub3A_158, %add3A_161 : vector<2504x128xf32>
    %rsqrt3A_163 = math.rsqrt %add3A_162 : vector<2504x128xf32>
    %mul3A_164 = arith.mulf %sub3A_159, %rsqrt3A_163 : vector<2504x128xf32>
    %max3A = arith.constant 0.000000e+00 : f32
    %max3A_165 = vector.broadcast %max3A : f32 to vector<2504x128xf32>
    %max3A_166 = arith.maximumf %mul3A_164, %max3A_165 : vector<2504x128xf32>
    %get3A_167 = arith.constant 0 : index
    %get3A_168 = arith.constant 0 : index
    %get3A_169 = vector.load %arg7[%get3A_167, %get3A_168] : memref<4x32xf32, #tpu.memory_space<vmem>>, vector<4x32xf32>
    %slice3A_170 = vector.extract_strided_slice %get3A_169 {offsets = [0, 0], sizes = [1, 32], strides = [1, 1]} : vector<4x32xf32> to vector<1x32xf32>
    %slice3A_171 = vector.extract_strided_slice %get3A_169 {offsets = [1, 0], sizes = [1, 32], strides = [1, 1]} : vector<4x32xf32> to vector<1x32xf32>
    %slice3A_172 = vector.extract_strided_slice %get3A_169 {offsets = [2, 0], sizes = [1, 32], strides = [1, 1]} : vector<4x32xf32> to vector<1x32xf32>
    %slice3A_173 = vector.extract_strided_slice %get3A_169 {offsets = [3, 0], sizes = [1, 32], strides = [1, 1]} : vector<4x32xf32> to vector<1x32xf32>
    %get3A_174 = arith.constant 0 : index
    %get3A_175 = arith.constant 0 : index
    %get3A_176 = vector.load %arg1[%get3A_174, %get3A_175] : memref<2504x128xf32, #tpu.memory_space<vmem>>, vector<2504x128xf32>
    %get3A_177 = arith.constant 0 : index
    %get3A_178 = arith.constant 0 : index
    %get3A_179 = vector.load %arg3[%get3A_177, %get3A_178] : memref<2504x128xf32, #tpu.memory_space<vmem>>, vector<2504x128xf32>
    %add3A_180 = arith.addf %get3A_176, %get3A_179 : vector<2504x128xf32>
    %mul3A_181 = arith.mulf %get3A_4, %add3A_180 : vector<2504x128xf32>
    %concatenate3A_182 = tpu.concatenate %slice3A_170, %slice3A_170, %slice3A_170, %slice3A_170 in 1 : vector<1x32xf32>, vector<1x32xf32>, vector<1x32xf32>, vector<1x32xf32> -> vector<1x128xf32>
    %add3A_183 = vector.broadcast %concatenate3A_182 : vector<1x128xf32> to vector<2504x128xf32>
    %add3A_184 = arith.addf %mul3A_181, %add3A_183 : vector<2504x128xf32>
    %mul3A_185 = arith.mulf %add3A_184, %convert_element_type3A_7 : vector<2504x128xf32>
    %reduce_sum3A_186 = arith.constant dense<0.000000e+00> : vector<128xf32>
    %reduce_sum3A_187 = vector.multi_reduction <add>, %mul3A_185, %reduce_sum3A_186 [0] : vector<2504x128xf32> to vector<128xf32>
    %broadcast_in_dim3A_188 = vector.shape_cast %reduce_sum3A_187 : vector<128xf32> to vector<1x128xf32>
    %dot_general3A_189 = arith.constant dense<0.000000e+00> : vector<1x32xf32>
    %dot_general3A_190 = tpu.matmul %broadcast_in_dim3A_188, %convert_element_type3A_27, %dot_general3A_189 {dimension_numbers = #tpu.dot_dimension_numbers<[1], [0], [0], [1], [0, 0, 1, 1], [], []>, precision = #tpu.contract_precision<fp32>, transpose_lhs_hint = false} : vector<1x128xf32>, vector<128x32xf32>, vector<1x32xf32> -> vector<1x32xf32>
    %mul3A_191 = arith.mulf %mul3A_185, %mul3A_185 : vector<2504x128xf32>
    %reduce_sum3A_192 = arith.constant dense<0.000000e+00> : vector<128xf32>
    %reduce_sum3A_193 = vector.multi_reduction <add>, %mul3A_191, %reduce_sum3A_192 [0] : vector<2504x128xf32> to vector<128xf32>
    %broadcast_in_dim3A_194 = vector.shape_cast %reduce_sum3A_193 : vector<128xf32> to vector<1x128xf32>
    %dot_general3A_195 = arith.constant dense<0.000000e+00> : vector<1x32xf32>
    %dot_general3A_196 = tpu.matmul %broadcast_in_dim3A_194, %convert_element_type3A_27, %dot_general3A_195 {dimension_numbers = #tpu.dot_dimension_numbers<[1], [0], [0], [1], [0, 0, 1, 1], [], []>, precision = #tpu.contract_precision<fp32>, transpose_lhs_hint = false} : vector<1x128xf32>, vector<128x32xf32>, vector<1x32xf32> -> vector<1x32xf32>
    %mul3A_197 = arith.constant 9.99999974E-5 : f32
    %mul3A_198 = vector.broadcast %mul3A_197 : f32 to vector<1x32xf32>
    %mul3A_199 = arith.mulf %dot_general3A_190, %mul3A_198 : vector<1x32xf32>
    %mul3A_200 = arith.constant 2.000000e+00 : f32
    %mul3A_201 = vector.broadcast %mul3A_200 : f32 to vector<1x32xf32>
    %mul3A_202 = arith.mulf %mul3A_201, %slice3A_173 : vector<1x32xf32>
    %mul3A_203 = arith.mulf %mul3A_202, %mul3A_199 : vector<1x32xf32>
    %mul3A_204 = arith.mulf %mul3A_203, %dot_general3A_190 : vector<1x32xf32>
    %sub3A_205 = arith.subf %dot_general3A_196, %mul3A_204 : vector<1x32xf32>
    %mul3A_206 = arith.constant 1.000000e+04 : f32
    %mul3A_207 = vector.broadcast %mul3A_206 : f32 to vector<1x32xf32>
    %mul3A_208 = arith.mulf %mul3A_207, %slice3A_173 : vector<1x32xf32>
    %mul3A_209 = arith.mulf %mul3A_208, %slice3A_173 : vector<1x32xf32>
    %mul3A_210 = arith.mulf %mul3A_209, %mul3A_199 : vector<1x32xf32>
    %mul3A_211 = arith.mulf %mul3A_210, %mul3A_199 : vector<1x32xf32>
    %add3A_212 = arith.addf %sub3A_205, %mul3A_211 : vector<1x32xf32>
    %mul3A_213 = arith.constant 9.99999974E-5 : f32
    %mul3A_214 = vector.broadcast %mul3A_213 : f32 to vector<1x32xf32>
    %mul3A_215 = arith.mulf %add3A_212, %mul3A_214 : vector<1x32xf32>
    %add3A_216 = arith.constant 9.99999974E-6 : f32
    %add3A_217 = vector.broadcast %add3A_216 : f32 to vector<1x32xf32>
    %add3A_218 = arith.addf %mul3A_215, %add3A_217 : vector<1x32xf32>
    %rsqrt3A_219 = math.rsqrt %add3A_218 : vector<1x32xf32>
    %mul3A_220 = arith.mulf %slice3A_171, %rsqrt3A_219 : vector<1x32xf32>
    %mul3A_221 = arith.mulf %slice3A_173, %mul3A_199 : vector<1x32xf32>
    %concatenate3A_222 = tpu.concatenate %mul3A_221, %mul3A_221, %mul3A_221, %mul3A_221 in 1 : vector<1x32xf32>, vector<1x32xf32>, vector<1x32xf32>, vector<1x32xf32> -> vector<1x128xf32>
    %sub3A_223 = vector.broadcast %concatenate3A_222 : vector<1x128xf32> to vector<2504x128xf32>
    %sub3A_224 = arith.subf %mul3A_185, %sub3A_223 : vector<2504x128xf32>
    %concatenate3A_225 = tpu.concatenate %mul3A_220, %mul3A_220, %mul3A_220, %mul3A_220 in 1 : vector<1x32xf32>, vector<1x32xf32>, vector<1x32xf32>, vector<1x32xf32> -> vector<1x128xf32>
    %mul3A_226 = vector.broadcast %concatenate3A_225 : vector<1x128xf32> to vector<2504x128xf32>
    %mul3A_227 = arith.mulf %sub3A_224, %mul3A_226 : vector<2504x128xf32>
    %concatenate3A_228 = tpu.concatenate %slice3A_172, %slice3A_172, %slice3A_172, %slice3A_172 in 1 : vector<1x32xf32>, vector<1x32xf32>, vector<1x32xf32>, vector<1x32xf32> -> vector<1x128xf32>
    %add3A_229 = vector.broadcast %concatenate3A_228 : vector<1x128xf32> to vector<2504x128xf32>
    %add3A_230 = arith.addf %mul3A_227, %add3A_229 : vector<2504x128xf32>
    %dot_general3A_231 = arith.constant dense<0.000000e+00> : vector<2504x128xf32>
    %dot_general3A_232 = tpu.matmul %add3A_230, %mul3A_93, %dot_general3A_231 {dimension_numbers = #tpu.dot_dimension_numbers<[1], [0], [0], [1], [0, 0, 1, 1], [], []>, precision = #tpu.contract_precision<fp32>, transpose_lhs_hint = false} : vector<2504x128xf32>, vector<128x128xf32>, vector<2504x128xf32> -> vector<2504x128xf32>
    %mul3A_233 = arith.mulf %add3A_230, %add3A_230 : vector<2504x128xf32>
    %dot_general3A_234 = arith.constant dense<0.000000e+00> : vector<2504x128xf32>
    %dot_general3A_235 = tpu.matmul %mul3A_233, %mul3A_93, %dot_general3A_234 {dimension_numbers = #tpu.dot_dimension_numbers<[1], [0], [0], [1], [0, 0, 1, 1], [], []>, precision = #tpu.contract_precision<fp32>, transpose_lhs_hint = false} : vector<2504x128xf32>, vector<128x128xf32>, vector<2504x128xf32> -> vector<2504x128xf32>
    %mul3A_236 = arith.mulf %dot_general3A_232, %dot_general3A_232 : vector<2504x128xf32>
    %sub3A_237 = arith.subf %dot_general3A_235, %mul3A_236 : vector<2504x128xf32>
    %sub3A_238 = arith.subf %add3A_230, %dot_general3A_232 : vector<2504x128xf32>
    %add3A_239 = arith.constant 9.99999974E-6 : f32
    %add3A_240 = vector.broadcast %add3A_239 : f32 to vector<2504x128xf32>
    %add3A_241 = arith.addf %sub3A_237, %add3A_240 : vector<2504x128xf32>
    %rsqrt3A_242 = math.rsqrt %add3A_241 : vector<2504x128xf32>
    %mul3A_243 = arith.mulf %sub3A_238, %rsqrt3A_242 : vector<2504x128xf32>
    %max3A_244 = arith.constant 0.000000e+00 : f32
    %max3A_245 = vector.broadcast %max3A_244 : f32 to vector<2504x128xf32>
    %max3A_246 = arith.maximumf %mul3A_243, %max3A_245 : vector<2504x128xf32>
    %add3A_247 = arith.addf %max3A_166, %max3A_246 : vector<2504x128xf32>
    %mul3A_248 = arith.mulf %add3A_247, %get3A_1 : vector<2504x128xf32>
    %swap3A = arith.constant 0 : index
    %swap3A_249 = arith.constant 0 : index
    %swap3A_250 = vector.load %arg8[%swap3A, %swap3A_249] : memref<2504x128xf32, #tpu.memory_space<vmem>>, vector<2504x128xf32>
    tpu.vector_store %arg8[%swap3A, %swap3A_249], %mul3A_248 {strides = array<i32>} : memref<2504x128xf32, #tpu.memory_space<vmem>>, vector<2504x128xf32>,
    %mul3A_251 = arith.mulf %add3A_247, %get3A_4 : vector<2504x128xf32>
    %swap3A_252 = arith.constant 0 : index
    %swap3A_253 = arith.constant 0 : index
    %swap3A_254 = vector.load %arg9[%swap3A_252, %swap3A_253] : memref<2504x128xf32, #tpu.memory_space<vmem>>, vector<2504x128xf32>
    tpu.vector_store %arg9[%swap3A_252, %swap3A_253], %mul3A_251 {strides = array<i32>} : memref<2504x128xf32, #tpu.memory_space<vmem>>, vector<2504x128xf32>,
    return
  }
}

module attributes {stable_mosaic.version = 14 : i64} {
  func.func @_tc3_body(%arg0: memref<2504x128xf32, #tpu.memory_space<vmem>>, %arg1: memref<2504x128xf32, #tpu.memory_space<vmem>>, %arg2: memref<2504x128xf32, #tpu.memory_space<vmem>>, %arg3: memref<2504x128xf32, #tpu.memory_space<vmem>>, %arg4: memref<2504x128xf32, #tpu.memory_space<vmem>>, %arg5: memref<2504x128xf32, #tpu.memory_space<vmem>>, %arg6: memref<128x400xf32, #tpu.memory_space<vmem>>, %arg7: memref<128x400xf32, #tpu.memory_space<vmem>>, %arg8: memref<4x100xf32, #tpu.memory_space<vmem>>, %arg9: memref<4x100xf32, #tpu.memory_space<vmem>>, %arg10: memref<1250x400xf32, #tpu.memory_space<vmem>>) attributes {dimension_semantics = [], scalar_prefetch = 0 : i64, scratch_operands = 0 : i64, tpu.core_type = #tpu.core_type<tc>} {
    %get3A = arith.constant 0 : index
    %get3A_0 = arith.constant 0 : index
    %get3A_1 = vector.load %arg4[%get3A, %get3A_0] : memref<2504x128xf32, #tpu.memory_space<vmem>>, vector<2504x128xf32>
    %get3A_2 = arith.constant 0 : index
    %get3A_3 = arith.constant 0 : index
    %get3A_4 = vector.load %arg5[%get3A_2, %get3A_3] : memref<2504x128xf32, #tpu.memory_space<vmem>>, vector<2504x128xf32>
    %iota3A = tpu.iota {dimensions = array<i32: 0>} : vector<400x100xi32>
    %jit3A = arith.constant 100 : i32
    %eq3A = arith.constant 0 : i32
    %eq3A_5 = arith.cmpi eq, %jit3A, %eq3A : i32
    %jit3A_6 = arith.constant 1 : i32
    %select_n3A = arith.select %eq3A_5, %jit3A_6, %jit3A : i32
    %rem3A = vector.broadcast %select_n3A : i32 to vector<400x100xi32>
    %rem3A_7 = arith.remsi %iota3A, %rem3A : vector<400x100xi32>
    %ne3A = arith.constant 0 : i32
    %ne3A_8 = vector.broadcast %ne3A : i32 to vector<400x100xi32>
    %ne3A_9 = arith.cmpi ne, %rem3A_7, %ne3A_8 : vector<400x100xi32>
    %lt3A = arith.constant 0 : i32
    %lt3A_10 = vector.broadcast %lt3A : i32 to vector<400x100xi32>
    %lt3A_11 = arith.cmpi slt, %rem3A_7, %lt3A_10 : vector<400x100xi32>
    %lt3A_12 = arith.constant 0 : i32
    %lt3A_13 = arith.cmpi slt, %select_n3A, %lt3A_12 : i32
    %ne3A_14 = vector.broadcast %lt3A_13 : i1 to vector<400x100xi1>
    %ne3A_15 = vector.broadcast %ne3A_14 : vector<400x100xi1> to vector<400x100xi1>
    %ne3A_16 = arith.xori %lt3A_11, %ne3A_15 : vector<400x100xi1>
    %and3A = arith.andi %ne3A_16, %ne3A_9 : vector<400x100xi1>
    %add3A = vector.broadcast %select_n3A : i32 to vector<400x100xi32>
    %add3A_17 = arith.addi %rem3A_7, %add3A : vector<400x100xi32>
    %select_n3A_18 = arith.select %and3A, %add3A_17, %rem3A_7 : vector<400x100xi1>, vector<400x100xi32>
    %iota3A_19 = tpu.iota {dimensions = array<i32: 1>} : vector<400x100xi32>
    %eq3A_20 = arith.cmpi eq, %select_n3A_18, %iota3A_19 : vector<400x100xi32>
    %convert_element_type3A = arith.extui %eq3A_20 : vector<400x100xi1> to vector<400x100xi32>
    %convert_element_type3A_21 = arith.sitofp %convert_element_type3A : vector<400x100xi32> to vector<400x100xf32>
    %get3A_22 = arith.constant 0 : index
    %get3A_23 = arith.constant 0 : index
    %get3A_24 = vector.load %arg8[%get3A_22, %get3A_23] : memref<4x100xf32, #tpu.memory_space<vmem>>, vector<4x100xf32>
    %slice3A = vector.extract_strided_slice %get3A_24 {offsets = [0, 0], sizes = [1, 100], strides = [1, 1]} : vector<4x100xf32> to vector<1x100xf32>
    %slice3A_25 = vector.extract_strided_slice %get3A_24 {offsets = [1, 0], sizes = [1, 100], strides = [1, 1]} : vector<4x100xf32> to vector<1x100xf32>
    %slice3A_26 = vector.extract_strided_slice %get3A_24 {offsets = [2, 0], sizes = [1, 100], strides = [1, 1]} : vector<4x100xf32> to vector<1x100xf32>
    %slice3A_27 = vector.extract_strided_slice %get3A_24 {offsets = [3, 0], sizes = [1, 100], strides = [1, 1]} : vector<4x100xf32> to vector<1x100xf32>
    %get3A_28 = arith.constant 0 : index
    %get3A_29 = arith.constant 0 : index
    %get3A_30 = vector.load %arg0[%get3A_28, %get3A_29] : memref<2504x128xf32, #tpu.memory_space<vmem>>, vector<2504x128xf32>
    %get3A_31 = arith.constant 0 : index
    %get3A_32 = arith.constant 0 : index
    %get3A_33 = vector.load %arg2[%get3A_31, %get3A_32] : memref<2504x128xf32, #tpu.memory_space<vmem>>, vector<2504x128xf32>
    %add3A_34 = arith.addf %get3A_30, %get3A_33 : vector<2504x128xf32>
    %mul3A = arith.mulf %get3A_1, %add3A_34 : vector<2504x128xf32>
    %get3A_35 = arith.constant 0 : index
    %get3A_36 = arith.constant 0 : index
    %get3A_37 = vector.load %arg6[%get3A_35, %get3A_36] : memref<128x400xf32, #tpu.memory_space<vmem>>, vector<128x400xf32>
    %dot_general3A = arith.constant dense<0.000000e+00> : vector<2504x400xf32>
    %dot_general3A_38 = tpu.matmul %mul3A, %get3A_37, %dot_general3A {dimension_numbers = #tpu.dot_dimension_numbers<[1], [0], [0], [1], [0, 0, 1, 1], [], []>, transpose_lhs_hint = false} : vector<2504x128xf32>, vector<128x400xf32>, vector<2504x400xf32> -> vector<2504x400xf32>
    %reduce_sum3A = arith.constant dense<0.000000e+00> : vector<400xf32>
    %reduce_sum3A_39 = vector.multi_reduction <add>, %dot_general3A_38, %reduce_sum3A [0] : vector<2504x400xf32> to vector<400xf32>
    %broadcast_in_dim3A = vector.shape_cast %reduce_sum3A_39 : vector<400xf32> to vector<1x400xf32>
    %dot_general3A_40 = arith.constant dense<0.000000e+00> : vector<1x100xf32>
    %dot_general3A_41 = tpu.matmul %broadcast_in_dim3A, %convert_element_type3A_21, %dot_general3A_40 {dimension_numbers = #tpu.dot_dimension_numbers<[1], [0], [0], [1], [0, 0, 1, 1], [], []>, precision = #tpu.contract_precision<fp32>, transpose_lhs_hint = false} : vector<1x400xf32>, vector<400x100xf32>, vector<1x100xf32> -> vector<1x100xf32>
    %mul3A_42 = arith.mulf %dot_general3A_38, %dot_general3A_38 : vector<2504x400xf32>
    %reduce_sum3A_43 = arith.constant dense<0.000000e+00> : vector<400xf32>
    %reduce_sum3A_44 = vector.multi_reduction <add>, %mul3A_42, %reduce_sum3A_43 [0] : vector<2504x400xf32> to vector<400xf32>
    %broadcast_in_dim3A_45 = vector.shape_cast %reduce_sum3A_44 : vector<400xf32> to vector<1x400xf32>
    %dot_general3A_46 = arith.constant dense<0.000000e+00> : vector<1x100xf32>
    %dot_general3A_47 = tpu.matmul %broadcast_in_dim3A_45, %convert_element_type3A_21, %dot_general3A_46 {dimension_numbers = #tpu.dot_dimension_numbers<[1], [0], [0], [1], [0, 0, 1, 1], [], []>, precision = #tpu.contract_precision<fp32>, transpose_lhs_hint = false} : vector<1x400xf32>, vector<400x100xf32>, vector<1x100xf32> -> vector<1x100xf32>
    %mul3A_48 = arith.constant 9.99999974E-5 : f32
    %mul3A_49 = vector.broadcast %mul3A_48 : f32 to vector<1x100xf32>
    %mul3A_50 = arith.mulf %dot_general3A_41, %mul3A_49 : vector<1x100xf32>
    %add3A_51 = arith.addf %mul3A_50, %slice3A : vector<1x100xf32>
    %mul3A_52 = arith.mulf %slice3A_27, %add3A_51 : vector<1x100xf32>
    %sub3A = arith.subf %slice3A, %mul3A_52 : vector<1x100xf32>
    %mul3A_53 = arith.constant 9.99999974E-5 : f32
    %mul3A_54 = vector.broadcast %mul3A_53 : f32 to vector<1x100xf32>
    %mul3A_55 = arith.mulf %dot_general3A_47, %mul3A_54 : vector<1x100xf32>
    %mul3A_56 = arith.constant 2.000000e+00 : f32
    %mul3A_57 = vector.broadcast %mul3A_56 : f32 to vector<1x100xf32>
    %mul3A_58 = arith.mulf %mul3A_57, %sub3A : vector<1x100xf32>
    %mul3A_59 = arith.mulf %mul3A_58, %mul3A_50 : vector<1x100xf32>
    %add3A_60 = arith.addf %mul3A_55, %mul3A_59 : vector<1x100xf32>
    %mul3A_61 = arith.mulf %sub3A, %sub3A : vector<1x100xf32>
    %add3A_62 = arith.addf %add3A_60, %mul3A_61 : vector<1x100xf32>
    %add3A_63 = arith.constant 9.99999974E-6 : f32
    %add3A_64 = vector.broadcast %add3A_63 : f32 to vector<1x100xf32>
    %add3A_65 = arith.addf %add3A_62, %add3A_64 : vector<1x100xf32>
    %rsqrt3A = math.rsqrt %add3A_65 : vector<1x100xf32>
    %mul3A_66 = arith.mulf %slice3A_25, %rsqrt3A : vector<1x100xf32>
    %concatenate3A = tpu.concatenate %sub3A, %sub3A, %sub3A, %sub3A in 1 : vector<1x100xf32>, vector<1x100xf32>, vector<1x100xf32>, vector<1x100xf32> -> vector<1x400xf32>
    %add3A_67 = vector.broadcast %concatenate3A : vector<1x400xf32> to vector<2504x400xf32>
    %add3A_68 = arith.addf %dot_general3A_38, %add3A_67 : vector<2504x400xf32>
    %concatenate3A_69 = tpu.concatenate %mul3A_66, %mul3A_66, %mul3A_66, %mul3A_66 in 1 : vector<1x100xf32>, vector<1x100xf32>, vector<1x100xf32>, vector<1x100xf32> -> vector<1x400xf32>
    %mul3A_70 = vector.broadcast %concatenate3A_69 : vector<1x400xf32> to vector<2504x400xf32>
    %mul3A_71 = arith.mulf %add3A_68, %mul3A_70 : vector<2504x400xf32>
    %concatenate3A_72 = tpu.concatenate %slice3A_26, %slice3A_26, %slice3A_26, %slice3A_26 in 1 : vector<1x100xf32>, vector<1x100xf32>, vector<1x100xf32>, vector<1x100xf32> -> vector<1x400xf32>
    %add3A_73 = vector.broadcast %concatenate3A_72 : vector<1x400xf32> to vector<2504x400xf32>
    %add3A_74 = arith.addf %mul3A_71, %add3A_73 : vector<2504x400xf32>
    %get3A_75 = arith.constant 0 : index
    %get3A_76 = arith.constant 0 : index
    %get3A_77 = vector.load %arg9[%get3A_75, %get3A_76] : memref<4x100xf32, #tpu.memory_space<vmem>>, vector<4x100xf32>
    %slice3A_78 = vector.extract_strided_slice %get3A_77 {offsets = [0, 0], sizes = [1, 100], strides = [1, 1]} : vector<4x100xf32> to vector<1x100xf32>
    %slice3A_79 = vector.extract_strided_slice %get3A_77 {offsets = [1, 0], sizes = [1, 100], strides = [1, 1]} : vector<4x100xf32> to vector<1x100xf32>
    %slice3A_80 = vector.extract_strided_slice %get3A_77 {offsets = [2, 0], sizes = [1, 100], strides = [1, 1]} : vector<4x100xf32> to vector<1x100xf32>
    %slice3A_81 = vector.extract_strided_slice %get3A_77 {offsets = [3, 0], sizes = [1, 100], strides = [1, 1]} : vector<4x100xf32> to vector<1x100xf32>
    %get3A_82 = arith.constant 0 : index
    %get3A_83 = arith.constant 0 : index
    %get3A_84 = vector.load %arg1[%get3A_82, %get3A_83] : memref<2504x128xf32, #tpu.memory_space<vmem>>, vector<2504x128xf32>
    %get3A_85 = arith.constant 0 : index
    %get3A_86 = arith.constant 0 : index
    %get3A_87 = vector.load %arg3[%get3A_85, %get3A_86] : memref<2504x128xf32, #tpu.memory_space<vmem>>, vector<2504x128xf32>
    %add3A_88 = arith.addf %get3A_84, %get3A_87 : vector<2504x128xf32>
    %mul3A_89 = arith.mulf %get3A_4, %add3A_88 : vector<2504x128xf32>
    %get3A_90 = arith.constant 0 : index
    %get3A_91 = arith.constant 0 : index
    %get3A_92 = vector.load %arg7[%get3A_90, %get3A_91] : memref<128x400xf32, #tpu.memory_space<vmem>>, vector<128x400xf32>
    %dot_general3A_93 = arith.constant dense<0.000000e+00> : vector<2504x400xf32>
    %dot_general3A_94 = tpu.matmul %mul3A_89, %get3A_92, %dot_general3A_93 {dimension_numbers = #tpu.dot_dimension_numbers<[1], [0], [0], [1], [0, 0, 1, 1], [], []>, transpose_lhs_hint = false} : vector<2504x128xf32>, vector<128x400xf32>, vector<2504x400xf32> -> vector<2504x400xf32>
    %reduce_sum3A_95 = arith.constant dense<0.000000e+00> : vector<400xf32>
    %reduce_sum3A_96 = vector.multi_reduction <add>, %dot_general3A_94, %reduce_sum3A_95 [0] : vector<2504x400xf32> to vector<400xf32>
    %broadcast_in_dim3A_97 = vector.shape_cast %reduce_sum3A_96 : vector<400xf32> to vector<1x400xf32>
    %dot_general3A_98 = arith.constant dense<0.000000e+00> : vector<1x100xf32>
    %dot_general3A_99 = tpu.matmul %broadcast_in_dim3A_97, %convert_element_type3A_21, %dot_general3A_98 {dimension_numbers = #tpu.dot_dimension_numbers<[1], [0], [0], [1], [0, 0, 1, 1], [], []>, precision = #tpu.contract_precision<fp32>, transpose_lhs_hint = false} : vector<1x400xf32>, vector<400x100xf32>, vector<1x100xf32> -> vector<1x100xf32>
    %mul3A_100 = arith.mulf %dot_general3A_94, %dot_general3A_94 : vector<2504x400xf32>
    %reduce_sum3A_101 = arith.constant dense<0.000000e+00> : vector<400xf32>
    %reduce_sum3A_102 = vector.multi_reduction <add>, %mul3A_100, %reduce_sum3A_101 [0] : vector<2504x400xf32> to vector<400xf32>
    %broadcast_in_dim3A_103 = vector.shape_cast %reduce_sum3A_102 : vector<400xf32> to vector<1x400xf32>
    %dot_general3A_104 = arith.constant dense<0.000000e+00> : vector<1x100xf32>
    %dot_general3A_105 = tpu.matmul %broadcast_in_dim3A_103, %convert_element_type3A_21, %dot_general3A_104 {dimension_numbers = #tpu.dot_dimension_numbers<[1], [0], [0], [1], [0, 0, 1, 1], [], []>, precision = #tpu.contract_precision<fp32>, transpose_lhs_hint = false} : vector<1x400xf32>, vector<400x100xf32>, vector<1x100xf32> -> vector<1x100xf32>
    %mul3A_106 = arith.constant 9.99999974E-5 : f32
    %mul3A_107 = vector.broadcast %mul3A_106 : f32 to vector<1x100xf32>
    %mul3A_108 = arith.mulf %dot_general3A_99, %mul3A_107 : vector<1x100xf32>
    %add3A_109 = arith.addf %mul3A_108, %slice3A_78 : vector<1x100xf32>
    %mul3A_110 = arith.mulf %slice3A_81, %add3A_109 : vector<1x100xf32>
    %sub3A_111 = arith.subf %slice3A_78, %mul3A_110 : vector<1x100xf32>
    %mul3A_112 = arith.constant 9.99999974E-5 : f32
    %mul3A_113 = vector.broadcast %mul3A_112 : f32 to vector<1x100xf32>
    %mul3A_114 = arith.mulf %dot_general3A_105, %mul3A_113 : vector<1x100xf32>
    %mul3A_115 = arith.constant 2.000000e+00 : f32
    %mul3A_116 = vector.broadcast %mul3A_115 : f32 to vector<1x100xf32>
    %mul3A_117 = arith.mulf %mul3A_116, %sub3A_111 : vector<1x100xf32>
    %mul3A_118 = arith.mulf %mul3A_117, %mul3A_108 : vector<1x100xf32>
    %add3A_119 = arith.addf %mul3A_114, %mul3A_118 : vector<1x100xf32>
    %mul3A_120 = arith.mulf %sub3A_111, %sub3A_111 : vector<1x100xf32>
    %add3A_121 = arith.addf %add3A_119, %mul3A_120 : vector<1x100xf32>
    %add3A_122 = arith.constant 9.99999974E-6 : f32
    %add3A_123 = vector.broadcast %add3A_122 : f32 to vector<1x100xf32>
    %add3A_124 = arith.addf %add3A_121, %add3A_123 : vector<1x100xf32>
    %rsqrt3A_125 = math.rsqrt %add3A_124 : vector<1x100xf32>
    %mul3A_126 = arith.mulf %slice3A_79, %rsqrt3A_125 : vector<1x100xf32>
    %concatenate3A_127 = tpu.concatenate %sub3A_111, %sub3A_111, %sub3A_111, %sub3A_111 in 1 : vector<1x100xf32>, vector<1x100xf32>, vector<1x100xf32>, vector<1x100xf32> -> vector<1x400xf32>
    %add3A_128 = vector.broadcast %concatenate3A_127 : vector<1x400xf32> to vector<2504x400xf32>
    %add3A_129 = arith.addf %dot_general3A_94, %add3A_128 : vector<2504x400xf32>
    %concatenate3A_130 = tpu.concatenate %mul3A_126, %mul3A_126, %mul3A_126, %mul3A_126 in 1 : vector<1x100xf32>, vector<1x100xf32>, vector<1x100xf32>, vector<1x100xf32> -> vector<1x400xf32>
    %mul3A_131 = vector.broadcast %concatenate3A_130 : vector<1x400xf32> to vector<2504x400xf32>
    %mul3A_132 = arith.mulf %add3A_129, %mul3A_131 : vector<2504x400xf32>
    %concatenate3A_133 = tpu.concatenate %slice3A_80, %slice3A_80, %slice3A_80, %slice3A_80 in 1 : vector<1x100xf32>, vector<1x100xf32>, vector<1x100xf32>, vector<1x100xf32> -> vector<1x400xf32>
    %add3A_134 = vector.broadcast %concatenate3A_133 : vector<1x400xf32> to vector<2504x400xf32>
    %add3A_135 = arith.addf %mul3A_132, %add3A_134 : vector<2504x400xf32>
    %add3A_136 = arith.addf %add3A_74, %add3A_135 : vector<2504x400xf32>
    %slice3A_137 = vector.extract_strided_slice %add3A_136 {offsets = [0, 0], sizes = [1250, 400], strides = [1, 1]} : vector<2504x400xf32> to vector<1250x400xf32>
    %logistic3A = arith.negf %slice3A_137 : vector<1250x400xf32>
    %logistic3A_138 = math.exp %logistic3A : vector<1250x400xf32>
    %logistic3A_139 = arith.constant 1.000000e+00 : f32
    %logistic3A_140 = vector.broadcast %logistic3A_139 : f32 to vector<1250x400xf32>
    %logistic3A_141 = arith.addf %logistic3A_140, %logistic3A_138 : vector<1250x400xf32>
    %logistic3A_142 = arith.divf %logistic3A_140, %logistic3A_141 : vector<1250x400xf32>
    %swap3A = arith.constant 0 : index
    %swap3A_143 = arith.constant 0 : index
    %swap3A_144 = vector.load %arg10[%swap3A, %swap3A_143] : memref<1250x400xf32, #tpu.memory_space<vmem>>, vector<1250x400xf32>
    tpu.vector_store %arg10[%swap3A, %swap3A_143], %logistic3A_142 {strides = array<i32>} : memref<1250x400xf32, #tpu.memory_space<vmem>>, vector<1250x400xf32>,
    return
  }
}

</mosaic_0001>

<sc_bundles>
// kernel: kernel.11.cloned.1.call-start
scs
__scs_entry_jumppad:
0x0: {  	(pc) =	sbr.rel $0x88, $3  }
0x1: {  	(tag) =	ssettag $0x0;
	lr =	simm.s32 $0x1  }
0x2: {  	[smem:$0x3F8A] =	sst lr;
	_ =	strace $0xD0000000  }
0x3: {  	_ = 	snop  }
0x4: {  	_ = 	snop  }
0x5: {  	_ = 	snop  }
0x6: {  	_ = 	snop  }
0x7: {  	_ = 	snop  }
__scs_overlays_trampoline_lowered:
0x8: {  	[smem:$0x3F99] =	sst s0  }
0x9: {  	[smem:$0x3F9A] =	sst s1  }
0xa: {  	[smem:$0x3F9B] =	sst s2  }
0xb: {  	[smem:$0x3F9C] =	sst s3  }
0xc: {  	[smem:$0x3F9D] =	sst s4  }
0xd: {  	[smem:$0x3F9E] =	sst s5  }
0xe: {  	[smem:$0x3F9F] =	sst s6  }
0xf: {  	[smem:$0x3FA0] =	sst s7  }
0x10: {  	[smem:$0x3FA1] =	sst s8  }
0x11: {  	[smem:$0x3FA2] =	sst s9;
	s0 =	simm.s32 @!p0 $0x0  }
0x12: {  	s1 =	sld [smem:$0x3F88];
	s0 =	simm.s32 @p0 $0x1  }
0x13: {  	[smem:$0x3FA3] =	sst s0;
	s0 =	simm.s32 @!p1 $0x0  }
0x14: {  	s2 =	sld [smem:$0x3F87];
	s0 =	simm.s32 @p1 $0x1  }
0x15: {  	[smem:$0x3FA4] =	sst s0;
	s0 =	simm.s32 @!p2 $0x0  }
0x16: {  	s3 =	sld [smem:$0x3FDB];
	s0 =	simm.s32 @p2 $0x1  }
0x17: {  	s4 =	simm.s32 $0x1BF5;
	[smem:$0x3FA6] =	sst s0  }
0x18: {  	s0 =	sld [smem:$0x3F89];
	_ =	swait.ge [sflag:s4], $0x0  }
0x19: {  	s7 =	sld [smem:$0x3F8A]  }
0x1a: {  	s8 =	sadd.s32 $0xFFFFE003, lr  }
0x1b: {  	s9 =	sadd.s32 $0xFFFFFEF7, lr;
	s5 =	simm.s32 $0xFFFFFFFF;
	p2 =	slt.u32 s8, $0xFFFFF086  }
0x1c: {  	p1 =	slt.u32 s9, $0xF7A;
	s5 =	simm.s32 @!p2 $0x0  }
0x1d: {  	s5 =	simm.s32 @p1 $0x1;
	p0 =	seq.s32 s7, s2  }
0x1e: {  	s7 =	smul.u32 @!p0 $0xF7A, s2;
	p2 =	seq.s32 @!p0 s5, $0x0  }
0x1f: {  	s9 =	smul.u32 $0xF7A, s1;
	s8 =	simm.s32 @!p0 $0x1BF5;
	p2 =	por !p2, p0  }
0x20: {  	[sflag:s8] =	ssyncset.s32 @!p0 $0xFFFFF086;
	s6 =	sadd.s32 @!p0 s3, s7;
	s7 =	simm.s32 @!p0 $0x108  }
0x21: {  	s3 =	sadd.s32 s3, s9;
	s6 =	sadd.s32 @!p0 $0x88, s6;
	s7 =	simm.s32 @p2 $0x1082  }
0x22: {  	[simem:s7], [sflag:s8] =	dma.local @!p0 [hbm:s6], $0xF7A  }
0x23: {  	s9 =	sor.u32 $0xD0000000, s2;
	s6 =	simm.s32 $0x108;
	_ =	swait.ge @!p0 [sflag:s8], $0x0  }
0x24: {  	s3 =	sadd.s32 $0x88, s3;
	s6 =	simm.s32 @!p1 $0x1082;
	[sflag:s4] =	ssyncset.s32 $0xFFFFF086  }
0x25: {  	[simem:s6], [sflag:s4] =	dma.local [hbm:s3], $0xF7A  }
0x26: {  	[smem:$0x3F8A] =	sst s1;
	(tag) =	ssettag s2;
	_ =	strace s9  }
0x27: {  	s1 =	sld [smem:$0x3F9A]  }
0x28: {  	s2 =	sld [smem:$0x3F9B]  }
0x29: {  	s4 =	sld [smem:$0x3F9D]  }
0x2a: {  	p0 =	seq.s32 s5, $0x0;
	s5 =	sld [smem:$0x3F9E]  }
0x2b: {  	s6 =	sld [smem:$0x3F9F]  }
0x2c: {  	s7 =	sld [smem:$0x3FA0]  }
0x2d: {  	s3 =	simm.s32 $0x108;
	s8 =	sld [smem:$0x3FA1]  }
0x2e: {  	s3 =	simm.s32 @!p0 $0x1082;
	s9 =	sld [smem:$0x3FA2]  }
0x2f: {  	lr =	sadd.s32 s0, s3;
	s0 =	sld [smem:$0x3F99]  }
0x30: {  	s3 =	sld [smem:$0x3F9C]  }
0x31: {  	[smem:$0x3FA5] =	sst s10  }
0x32: {  	s10 =	sld [smem:$0x3FA3];
	_ =	sdelay $0x3  }
0x33: {  	p0 =	seq.s32 s10, $0x1;
	s10 =	sld [smem:$0x3FA5];
	_ =	sdelay $0x3  }
0x34: {  	[smem:$0x3FA5] =	sst s10  }
0x35: {  	s10 =	sld [smem:$0x3FA4];
	_ =	sdelay $0x3  }
0x36: {  	p1 =	seq.s32 s10, $0x1;
	s10 =	sld [smem:$0x3FA5];
	_ =	sdelay $0x3  }
0x37: {  	[smem:$0x3FA5] =	sst s10  }
0x38: {  	s10 =	sld [smem:$0x3FA6]  }
0x39: {  	_ = 	snop;
	(pc) =	sbr.ind lr, $3  }
0x3a: {  	_ = 	snop  }
0x3b: {  	_ = 	snop  }
0x3c: {  	p2 =	seq.s32 s10, $0x1;
	s10 =	sld [smem:$0x3FA5]  }
0x3d: {  	_ =	shalt  }
0x3e: {  	_ =	shalt  }
0x3f: {  	_ =	shalt  }
0x40: {  	_ =	shalt  }
0x41: {  	_ =	shalt  }
0x42: {  	_ =	shalt  }
0x43: {  	_ =	shalt  }
0x44: {  	_ =	shalt  }
0x45: {  	_ =	shalt  }
0x46: {  	_ =	shalt  }
0x47: {  	_ =	shalt  }
0x48: {  	_ =	shalt  }
0x49: {  	_ =	shalt  }
0x4a: {  	_ =	shalt  }
0x4b: {  	_ =	shalt  }
0x4c: {  	_ =	shalt  }
0x4d: {  	_ =	shalt  }
0x4e: {  	_ =	shalt  }
0x4f: {  	_ =	shalt  }
0x50: {  	_ =	shalt  }
0x51: {  	_ =	shalt  }
0x52: {  	_ =	shalt  }
0x53: {  	_ =	shalt  }
0x54: {  	_ =	shalt  }
0x55: {  	_ =	shalt  }
0x56: {  	_ =	shalt  }
0x57: {  	_ =	shalt  }
0x58: {  	_ =	shalt  }
0x59: {  	_ =	shalt  }
0x5a: {  	_ =	shalt  }
0x5b: {  	_ =	shalt  }
0x5c: {  	_ =	shalt  }
0x5d: {  	_ =	shalt  }
0x5e: {  	_ =	shalt  }
0x5f: {  	_ =	shalt  }
0x60: {  	_ =	shalt  }
0x61: {  	_ =	shalt  }
0x62: {  	_ =	shalt  }
0x63: {  	_ =	shalt  }
0x64: {  	_ =	shalt  }
0x65: {  	_ =	shalt  }
0x66: {  	_ =	shalt  }
0x67: {  	_ =	shalt  }
0x68: {  	_ =	shalt  }
0x69: {  	_ =	shalt  }
0x6a: {  	_ =	shalt  }
0x6b: {  	_ =	shalt  }
0x6c: {  	_ =	shalt  }
0x6d: {  	_ =	shalt  }
0x6e: {  	_ =	shalt  }
0x6f: {  	_ =	shalt  }
0x70: {  	_ =	shalt  }
0x71: {  	_ =	shalt  }
0x72: {  	_ =	shalt  }
0x73: {  	_ =	shalt  }
0x74: {  	_ =	shalt  }
0x75: {  	_ =	shalt  }
0x76: {  	_ =	shalt  }
0x77: {  	_ =	shalt  }
0x78: {  	_ =	shalt  }
0x79: {  	_ =	shalt  }
0x7a: {  	_ =	shalt  }
0x7b: {  	_ =	shalt  }
0x7c: {  	_ =	shalt  }
0x7d: {  	_ =	shalt  }
0x7e: {  	_ =	shalt  }
0x7f: {  	_ =	shalt  }
0x80: {  	_ =	shalt  }
0x81: {  	_ =	shalt  }
0x82: {  	_ =	shalt  }
0x83: {  	_ =	shalt  }
0x84: {  	_ =	shalt  }
0x85: {  	_ =	shalt  }
0x86: {  	_ =	shalt  }
0x87: {  	_ =	shalt  }
.Lfunc_end0:
.L_simem_size_0:
called_computation.1_lowered:
.L_overlay_start_0:
0x88: {  	s2 =	sld [smem:$0x3FD9]  }
0x89: {  	s3 =	sld [smem:$0x3FFE];
	_ =	sdelay $0x1  }
0x8a: {  	s1 =	srdreg.scid  }
0x8b: {  	s0 =	sand.u32 $0x1, s1  }
0x8c: {  	s17 =	sshll.u32 s0, $0xA;
	s2 =	sadd.s32 s3, s2  }
0x8d: {  	s2 =	sadd.s32 s2, s17  }
0x8e: {  	[smem:$0x3FB1] =	sst s2  }
0x8f: {  	_ = 	snop  }
0x90: {  	s2 =	sld [smem:$0x3FD0];
	(tm) =	ssettm $0x1  }
0x91: {  	s18 =	sld [smem:$0x3FFB];
	_ =	sdelay $0x3  }
0x92: {  	_ =	strace s18  }
0x93: {  	s3 =	sld [smem:$0x3FFC];
	_ =	sdelay $0x3  }
0x94: {  	_ =	strace s3  }
0x95: {  	s3 =	sld [smem:$0x3FFD];
	_ =	sdelay $0x3  }
0x96: {  	_ =	strace s3  }
0x97: {  	_ =	strace $0x8FFFFFFF  }
0x98: {  	s19 =	sld [smem:$0x3FDB];
	_ =	sdelay $0x1  }
0x99: {  	s4 =	simm.s32 $_scs_section_size  }
0x9a: {  	s5 =	simm.s32 $_size__tile_overlayer_lowered;
	s6 =	simm.s32 $_tile_overlayer_lowered  }
0x9b: {  	s22 =	simm.s32 $0x1BFF;
	s21 =	sshll.u32 s6, $0x1;
	s3 =	sadd.s32 s4, s19  }
0x9c: {  	s7 =	simm.s32 $0x0;
	s20 =	sshll.u32 s5, $0x1;
	s5 =	sadd.s32 s21, s3  }
0x9d: {  	[timem:s7], [sflag:s22] =	dma.local [hbm:s5], s20  }
0x9e: {  	_ =	swait.ge [sflag:s22], s20  }
0x9f: {  	s4 =	ssub.s32 $0x0, s20;
	[sflag:s22] =	ssyncset.done $0x0  }
0xa0: {  	[sflag:s22] =	ssyncadd.s32 s4;
	_ =	sdelay $0x1  }
0xa1: {  	s23 =	simm.s32 $0x1B8B  }
0xa2: {  	_ =	swait.ge [sflag:s23], $0x1  }
0xa3: {  	[sflag:s23] =	ssyncset.done $0x0  }
0xa4: {  	s25 =	simm.s32 $0x1B8E;
	s24 =	sld [smem:$0x3FFE];
	[sflag:s23] =	ssyncadd.s32 $0xFFFFFFFF  }
0xa5: {  	s26 =	simm.s32 $execute0_lowered;
	[smem:$0x3FD2] =	sst s25  }
0xa6: {  	s5 =	sshll.u32 s26, $0x1;
	_ =	strace $0x80000049;
	[dreg:$0x1] =	wrdreg $0xFFFFFFFF  }
0xa7: {  	s28 =	simm.s32 $_size_execute0_lowered;
	s3 =	sadd.s32 s3, s5;
	[dreg:$0x0] =	wrdreg $0x0  }
0xa8: {  	s5 =	sshll.u32 s28, $0x1;
	[dreg:$0x2] =	wrdreg s3  }
0xa9: {  	[dreg:$0x3] =	wrdreg s5  }
0xaa: {  	[dreg:$0x4] =	wrdreg $0xC0  }
0xab: {  	_ =	task [dreg:s7], $0x5FFFF  }
0xac: {  	[dreg:$0x1] =	wrdreg $0xFFFFFFFF  }
0xad: {  	[dreg:$0x0] =	wrdreg $0x60  }
0xae: {  	[dreg:$0x2] =	wrdreg s24  }
0xaf: {  	[dreg:$0x3] =	wrdreg s2  }
0xb0: {  	[dreg:$0x4] =	wrdreg $0xD4800  }
0xb1: {  	[dreg:$0x5] =	wrdreg $0x9  }
0xb2: {  	_ =	task.clear_ibuf [dreg:s7], $0x6FFFF;
	_ =	strace $0x90000049  }
0xb3: {  	s29 =	simm.s32 $0x9;
	_ =	strace $0x8000004B  }
0xb4: {  	_ =	swait.ge [sflag:s29], $0x1  }
0xb5: {  	[sflag:s29] =	ssyncadd.s32 $0xFFFFFFFF  }
0xb6: {  	_ =	strace $0x9000004B  }
0xb7: {  	_ =	sfence  }
0xb8: {  	s30 =	sld [smem:$0x0];
	_ =	sdelay $0x2  }
0xb9: {  	s31 =	sshll.u32 s1, $0xD;
	s1 =	sshrl.u32 s1, $0x2  }
0xba: {  	s3 =	sand.u32 $0x4000, s31;
	s1 =	sadd.s32 s1, s30  }
0xbb: {  	s0 =	sor.u32 s3, s0;
	s1 =	sshll.u32 s1, $0x11  }
0xbc: {  	s0 =	sor.u32 s1, s0  }
0xbd: {  	s0 =	sadd.s32 $0x8F2B, s0  }
0xbe: {  	[sflag:s0] =	ssyncadd.remote.s32 $0x1  }
0xbf: {  	_ =	sfence.sel $0xFFFF  }
0xc0: {  	[dreg:$0x0] =	wrdreg $0xFFFFFFFF;
	(pc) =	sbr.abs _section_cstart, $3  }
0xc1: {  	[dreg:$0x1] =	wrdreg $0xFFFFFFFF  }
0xc2: {  	_ =	task.clear_ibuf [dreg:s7], $0x2FFFF;
	_ =	strace $0x9FFFFFFF  }
0xc3: {  	(tm) =	ssettm $0x7FFFFFFF  }
tec
execute0_lowered:
.L_overlay_start_1:
0x0: {  	(tag) =	ssettag $0x1  }
0x1: {  	s0 =	rddreg [dreg:$0x0]  }
0x2: {  	s8 =	rddreg [dreg:$0x1]  }
0x3: {  	s3 =	rddreg [dreg:$0x2];
	s1 =	simm.s32 $0x0;
	s9 =	stileid.u32  }
0x4: {  	s2 =	srdreg.scid;
	[smem:$0x7FF] =	sst s1;
	s5 =	sadd.s32 $0x2B200, s0  }
0x5: {  	s23 =	smul.u32 $0x4E40, s9;
	s6 =	sadd.s32 $0x21400, s0;
	s13 =	sadd.s32 $0x3EE00, s0  }
0x6: {  	s11 =	sadd.s32 $0x17600, s0;
	_ =	strace $0x8000004A;
	[dreg:$0x8] =	wrdreg s13  }
0x7: {  	s10 =	sadd.s32 $0x3A00, s0;
	s2 =	sand.u32 $0x1, s2;
	[dreg:$0x5] =	wrdreg s11  }
0x8: {  	s12 =	sadd.s32 $0xD800, s0;
	s26 =	smul.u32 $0xFA, s9;
	[dreg:$0x4] =	wrdreg s10  }
0x9: {  	s25 =	smul.u32 $0x9C4, s9;
	s31 =	sshll.u32 s9, $0x6;
	[dreg:$0x7] =	wrdreg s12  }
0xa: {  	s7 =	ssub.s32 $0x2, s2;
	s4 =	sshrl.u32 s23, $0x3;
	[dreg:$0xb] =	wrdreg s26  }
0xb: {  	p0 =	seq.s32 s2, $0x1;
	s28 =	sadd.s32 s8, s25;
	[dreg:$0x6] =	wrdreg s4  }
0xc: {  	s24 =	sshrl.u32 s7, $0x1;
	s29 =	sadd.s32 s11, s25;
	[dreg:$0xc] =	wrdreg s28  }
0xd: {  	s1 =	sadd.s32 s23, s3;
	s30 =	sadd.s32 s10, s25;
	[dreg:$0xd] =	wrdreg s29  }
0xe: {  	s2 =	sadd.s32 s12, s25;
	s25 =	simm.s32 $0x50;
	[dreg:$0xe] =	wrdreg s30  }
0xf: {  	s4 =	sadd.s32 s4, s0;
	s0 =	sadd.s32 $0x48C00, s0;
	[dreg:$0xf] =	wrdreg s2  }
.Ltmp0:
0x10: {  	s2 =	sor.u32 $0x1C04, s31;
	[dreg:$0x9] =	wrdreg s0;
	(pc) =	sbr.rel .LBB2_1-.Ltmp0, $4  }
0x11: {  	s26 =	simm.s32 $0x2;
	s1 =	sshrl.u32 s1, $0x3;
	[dreg:$0x11] =	wrdreg s2  }
0x12: {  	s0 =	ssub.s32 s7, s24;
	s4 =	sadd.s32 $0x35000, s4;
	[dreg:$0x12] =	wrdreg s1  }
0x13: {  	s24 =	simm.s32 $0x1;
	[dreg:$0xa] =	wrdreg s4;
	s0 =	smax.u32 s0, $0x1  }
0x14: {  	s7 =	simm.s32 $0x0;
	s4 =	simm.s32 $0x4;
	[dreg:$0x10] =	wrdreg s0  }
.LBB2_11:
0x15: {  	s0 =	rddreg [dreg:$0x9]  }
0x16: {  	s7 =	rddreg [dreg:$0x13]  }
.LBB2_12:
0x17: {  	s1 =	simm.s32 $0x3  }
0x18: {  	_ =	swait.ge [sflag:s1], $0xA00  }
0x19: {  	[sflag:s1] =	ssyncset.done $0x0  }
0x1a: {  	[sflag:s1] =	ssyncadd.s32 $0xFFFFF600  }
0x1b: {  	_ =	swait.ge [sflag:s1], $0xA00  }
0x1c: {  	[sflag:s1] =	ssyncset.done $0x0  }
0x1d: {  	[sflag:s1] =	ssyncadd.s32 $0xFFFFF600  }
0x1e: {  	_ =	swait.ge [sflag:s1], $0xA00  }
0x1f: {  	[sflag:s1] =	ssyncset.done $0x0  }
0x20: {  	[sflag:s1] =	ssyncadd.s32 $0xFFFFF600  }
0x21: {  	_ =	swait.ge [sflag:s1], $0xA00  }
0x22: {  	[sflag:s1] =	ssyncset.done $0x0  }
0x23: {  	[sflag:s1] =	ssyncadd.s32 $0xFFFFF600  }
0x24: {  	_ =	swait.ge [sflag:s1], $0xA00  }
0x25: {  	[sflag:s1] =	ssyncset.done $0x0  }
0x26: {  	[sflag:s1] =	ssyncadd.s32 $0xFFFFF600  }
0x27: {  	_ =	swait.ge [sflag:s1], $0xA00  }
0x28: {  	[sflag:s1] =	ssyncset.done $0x0  }
0x29: {  	[sflag:s1] =	ssyncadd.s32 $0xFFFFF600  }
0x2a: {  	_ =	swait.ge [sflag:s1], $0xA00  }
0x2b: {  	[sflag:s1] =	ssyncset.done $0x0  }
0x2c: {  	[sflag:s1] =	ssyncadd.s32 $0xFFFFF600  }
0x2d: {  	_ =	swait.ge [sflag:s1], $0xA00  }
0x2e: {  	[sflag:s1] =	ssyncset.done $0x0  }
0x2f: {  	[sflag:s1] =	ssyncadd.s32 $0xFFFFF600  }
0x30: {  	_ =	swait.ge [sflag:s1], $0xA00  }
0x31: {  	[sflag:s1] =	ssyncset.done $0x0  }
0x32: {  	[sflag:s1] =	ssyncadd.s32 $0xFFFFF600  }
0x33: {  	_ =	swait.ge [sflag:s1], $0xA00  }
0x34: {  	[sflag:s1] =	ssyncset.done $0x0  }
0x35: {  	[sflag:s1] =	ssyncadd.s32 $0xFFFFF600  }
0x36: {  	s30 =	rddreg [dreg:$0x6];
	[bflag:$0x0] =	sbarrier.arrive $0xFFFF  }
0x37: {  	s2 =	rddreg [dreg:$0x11]  }
0x38: {  	s4 =	simm.s32 $0x4;
	s0 =	sadd.s32 s0, s30;
	s1 =	rddreg [dreg:$0x12]  }
0x39: {  	[hbm:s0], [sflag:s2] =	dma.local [spmem:s1], $0x9C8  }
0x3a: {  	_ =	swait.ge [sflag:s4], $0x9C8  }
0x3b: {  	s7 =	sadd.s32 $0x1, s7;
	s31 =	rddreg [dreg:$0x10]  }
0x3c: {  	p1 =	sne.s32 s7, s31  }
.Ltmp1:
0x3d: {  	_ = 	snop;
	(pc) =	sbr.rel @!p1 .LBB2_13-.Ltmp1, $3  }
0x3e: {  	_ =	sdelay $0x1  }
0x3f: {  	[sflag:s4] =	ssyncset.done $0x0  }
0x40: {  	[sflag:s4] =	ssyncadd.s32 $0xFFFFF638  }
.LBB2_1:
0x41: {  	[dreg:$0x13] =	wrdreg s7  }
0x42: {  	s0 =	rddreg [dreg:$0xa]  }
0x43: {  	[spmem:s1], [sflag:s2] =	dma.local [hbm:s0], $0x9C8  }
.Ltmp2:
0x44: {  	_ =	swait.ge [sflag:s4], $0x9C8;
	(pc) =	sbr.rel @!p0 .LBB2_2-.Ltmp2, $3  }
0x45: {  	[sflag:s4] =	ssyncset.done $0x0  }
0x46: {  	[sflag:s4] =	ssyncadd.s32 $0xFFFFF638  }
0x47: {  	[bflag:$0x0] =	sbarrier.arrive $0xFFFF;
	_ =	sdelay $0x1  }
.Ltmp3:
0x48: {  	(pc) =	sbr.rel .LBB2_8-.Ltmp3, $4  }
0x49: {  	s30 =	simm.s32 $0x0;
	s0 =	rddreg [dreg:$0xe]  }
0x4a: {  	[tilespmem:s30], [sflag:$0x1] =	stream.linear.gather [hbm4b:s0+s30], $0x320, $0x38;
	[tilespmem:$0x122C0] =	vst v63  }
0x4b: {  	s31 =	rddreg [dreg:$0xf];
	s1 =	simm.s32 $0x640  }
0x4c: {  	[tilespmem:s1], [sflag:$0x1] =	stream.linear.gather [hbm4b:s31+s30], $0x320, $0x38;
	[tilespmem:$0x122C0] =	vst v63  }
.LBB2_10:
0x4d: {  	s11 =	sadd.s32 $0x640, s31  }
0x4e: {  	[spmem:s3] =	stream.indirect.scatter.add.f32 [tilespmem:s0], [sflag:$0x3], $0x20, s11, s25, $0xb8;
	[tilespmem:$0x122C0] =	vst v63  }
0x4f: {  	s11 =	sadd.s32 $0x640, s15  }
0x50: {  	[spmem:s3] =	stream.indirect.scatter.add.f32 [tilespmem:s2], [sflag:$0x3], $0x20, s11, s25, $0xb8;
	[tilespmem:$0x122C0] =	vst v63  }
0x51: {  	s14 =	sadd.s32 $0x640, s16  }
0x52: {  	[spmem:s3] =	stream.indirect.scatter.add.f32 [tilespmem:s12], [sflag:$0x3], $0x20, s14, s25, $0xb8;
	[tilespmem:$0x122C0] =	vst v63  }
0x53: {  	s15 =	sadd.s32 $0x640, s9  }
0x54: {  	[spmem:s3] =	stream.indirect.scatter.add.f32 [tilespmem:s23], [sflag:$0x3], $0x20, s15, s25, $0xb8;
	[tilespmem:$0x122C0] =	vst v63  }
0x55: {  	s16 =	sadd.s32 $0x640, s13  }
0x56: {  	[spmem:s3] =	stream.indirect.scatter.add.f32 [tilespmem:s17], [sflag:$0x3], $0x20, s16, s25, $0xb8;
	[tilespmem:$0x122C0] =	vst v63  }
0x57: {  	s17 =	sadd.s32 $0x640, s20  }
0x58: {  	[spmem:s3] =	stream.indirect.scatter.add.f32 [tilespmem:s18], [sflag:$0x3], $0x20, s17, s25, $0xb8;
	[tilespmem:$0x122C0] =	vst v63  }
0x59: {  	s20 =	sadd.s32 $0x640, s1  }
0x5a: {  	[spmem:s3] =	stream.indirect.scatter.add.f32 [tilespmem:s19], [sflag:$0x3], $0x20, s20, s25, $0xb8;
	[tilespmem:$0x122C0] =	vst v63  }
0x5b: {  	p1 =	slt.u32 s4, $0x19;
	s23 =	sadd.s32 $0x640, s7  }
0x5c: {  	[spmem:s3] =	stream.indirect.scatter.add.f32 [tilespmem:s21], [sflag:$0x3], $0x20, s23, s25, $0xb8;
	[tilespmem:$0x122C0] =	vst v63  }
.Ltmp4:
0x5d: {  	_ = 	snop;
	(pc) =	sbr.rel @!p1 .LBB2_11-.Ltmp4, $4  }
0x5e: {  	s28 =	sadd.s32 $0x640, s8  }
0x5f: {  	[spmem:s3] =	stream.indirect.scatter.add.f32 [tilespmem:s22], [sflag:$0x3], $0x20, s28, s25, $0xb8;
	[tilespmem:$0x122C0] =	vst v63  }
0x60: {  	s31 =	sadd.s32 $0x640, s10;
	s30 =	smov.u32 s4  }
0x61: {  	[spmem:s3] =	stream.indirect.scatter.add.f32 [tilespmem:s29], [sflag:$0x3], $0x20, s31, s25, $0xb8;
	[tilespmem:$0x122C0] =	vst v63  }
.LBB2_8:
0x62: {  	_ =	swait.ge [sflag:s24], $0x320  }
0x63: {  	s11 =	sand.u32 $0x1, s30;
	[sflag:s24] =	ssyncset.done $0x0  }
0x64: {  	s0 =	smul.u32 $0x19000, s11;
	[sflag:s24] =	ssyncadd.s32 $0xFFFFFCE0  }
0x65: {  	_ =	swait.ge [sflag:s24], $0x320  }
0x66: {  	s31 =	smul.u32 $0x320, s11;
	s4 =	sshrl.u32 s0, $0x2;
	[sflag:s24] =	ssyncset.done $0x0  }
0x67: {  	s0 =	sadd.s32 $0xC80, s4;
	[sflag:s24] =	ssyncadd.s32 $0xFFFFFCE0  }
0x68: {  	[tilespmem:s0], [sflag:$0x2] =	stream.indirect.gather [hbm4b:s6+s25], $0x20, s31, s25, $0xb8;
	[tilespmem:$0x122C0] =	vst v63  }
0x69: {  	s15 =	sadd.s32 $0x50, s31;
	s2 =	sadd.s32 $0x1680, s4  }
0x6a: {  	[tilespmem:s2], [sflag:$0x2] =	stream.indirect.gather [hbm4b:s6+s25], $0x20, s15, s25, $0xb8;
	[tilespmem:$0x122C0] =	vst v63  }
0x6b: {  	s16 =	sadd.s32 $0xA0, s31;
	s12 =	sadd.s32 $0x2080, s4  }
0x6c: {  	[tilespmem:s12], [sflag:$0x2] =	stream.indirect.gather [hbm4b:s6+s25], $0x20, s16, s25, $0xb8;
	[tilespmem:$0x122C0] =	vst v63  }
0x6d: {  	s9 =	sadd.s32 $0xF0, s31;
	s23 =	sadd.s32 $0x2A80, s4  }
0x6e: {  	[tilespmem:s23], [sflag:$0x2] =	stream.indirect.gather [hbm4b:s6+s25], $0x20, s9, s25, $0xb8;
	[tilespmem:$0x122C0] =	vst v63  }
0x6f: {  	s13 =	sadd.s32 $0x140, s31;
	s17 =	sadd.s32 $0x3480, s4  }
0x70: {  	[tilespmem:s17], [sflag:$0x2] =	stream.indirect.gather [hbm4b:s6+s25], $0x20, s13, s25, $0xb8;
	[tilespmem:$0x122C0] =	vst v63  }
0x71: {  	s20 =	sadd.s32 $0x190, s31;
	s18 =	sadd.s32 $0x3E80, s4  }
0x72: {  	[tilespmem:s18], [sflag:$0x2] =	stream.indirect.gather [hbm4b:s6+s25], $0x20, s20, s25, $0xb8;
	[tilespmem:$0x122C0] =	vst v63  }
0x73: {  	s1 =	sadd.s32 $0x1E0, s31;
	s19 =	sadd.s32 $0x4880, s4  }
0x74: {  	[tilespmem:s19], [sflag:$0x2] =	stream.indirect.gather [hbm4b:s6+s25], $0x20, s1, s25, $0xb8;
	[tilespmem:$0x122C0] =	vst v63  }
0x75: {  	s7 =	sadd.s32 $0x230, s31;
	s21 =	sadd.s32 $0x5280, s4  }
0x76: {  	[tilespmem:s21], [sflag:$0x2] =	stream.indirect.gather [hbm4b:s6+s25], $0x20, s7, s25, $0xb8;
	[tilespmem:$0x122C0] =	vst v63  }
0x77: {  	s8 =	sadd.s32 $0x280, s31;
	s22 =	sadd.s32 $0x5C80, s4  }
0x78: {  	[tilespmem:s22], [sflag:$0x2] =	stream.indirect.gather [hbm4b:s6+s25], $0x20, s8, s25, $0xb8;
	[tilespmem:$0x122C0] =	vst v63  }
0x79: {  	s10 =	sadd.s32 $0x2D0, s31;
	s29 =	sadd.s32 $0x6680, s4  }
0x7a: {  	[tilespmem:s29], [sflag:$0x2] =	stream.indirect.gather [hbm4b:s6+s25], $0x20, s10, s25, $0xb8;
	[tilespmem:$0x122C0] =	vst v63  }
0x7b: {  	_ =	swait.ge [sflag:s26], $0xA00  }
0x7c: {  	[sflag:s26] =	ssyncset.done $0x0  }
0x7d: {  	[sflag:s26] =	ssyncadd.s32 $0xFFFFF600  }
0x7e: {  	_ =	swait.ge [sflag:s26], $0xA00  }
0x7f: {  	[sflag:s26] =	ssyncset.done $0x0  }
0x80: {  	[sflag:s26] =	ssyncadd.s32 $0xFFFFF600  }
0x81: {  	_ =	swait.ge [sflag:s26], $0xA00  }
0x82: {  	[sflag:s26] =	ssyncset.done $0x0  }
0x83: {  	[sflag:s26] =	ssyncadd.s32 $0xFFFFF600  }
0x84: {  	_ =	swait.ge [sflag:s26], $0xA00  }
0x85: {  	[sflag:s26] =	ssyncset.done $0x0  }
0x86: {  	[sflag:s26] =	ssyncadd.s32 $0xFFFFF600  }
0x87: {  	_ =	swait.ge [sflag:s26], $0xA00  }
0x88: {  	[sflag:s26] =	ssyncset.done $0x0  }
0x89: {  	[sflag:s26] =	ssyncadd.s32 $0xFFFFF600  }
0x8a: {  	_ =	swait.ge [sflag:s26], $0xA00  }
0x8b: {  	[sflag:s26] =	ssyncset.done $0x0  }
0x8c: {  	[sflag:s26] =	ssyncadd.s32 $0xFFFFF600  }
0x8d: {  	_ =	swait.ge [sflag:s26], $0xA00  }
0x8e: {  	[sflag:s26] =	ssyncset.done $0x0  }
0x8f: {  	[sflag:s26] =	ssyncadd.s32 $0xFFFFF600  }
0x90: {  	_ =	swait.ge [sflag:s26], $0xA00  }
0x91: {  	[sflag:s26] =	ssyncset.done $0x0  }
0x92: {  	[sflag:s26] =	ssyncadd.s32 $0xFFFFF600  }
0x93: {  	_ =	swait.ge [sflag:s26], $0xA00  }
0x94: {  	[sflag:s26] =	ssyncset.done $0x0  }
0x95: {  	[sflag:s26] =	ssyncadd.s32 $0xFFFFF600  }
0x96: {  	_ =	swait.ge [sflag:s26], $0xA00  }
0x97: {  	p1 =	seq.s32 s30, $0x0;
	[sflag:s26] =	ssyncset.done $0x0  }
0x98: {  	s4 =	simm.s32 @!p1 $0x3;
	[sflag:s26] =	ssyncadd.s32 $0xFFFFF600  }
0x99: {  	_ =	swait.ge @!p1 [sflag:s4], $0xA00  }
0x9a: {  	[sflag:s4] =	ssyncset.done @!p1 $0x0  }
0x9b: {  	[sflag:s4] =	ssyncadd.s32 @!p1 $0xFFFFF600  }
0x9c: {  	_ =	swait.ge @!p1 [sflag:s4], $0xA00  }
0x9d: {  	[sflag:s4] =	ssyncset.done @!p1 $0x0  }
0x9e: {  	[sflag:s4] =	ssyncadd.s32 @!p1 $0xFFFFF600  }
0x9f: {  	_ =	swait.ge @!p1 [sflag:s4], $0xA00  }
0xa0: {  	[sflag:s4] =	ssyncset.done @!p1 $0x0  }
0xa1: {  	[sflag:s4] =	ssyncadd.s32 @!p1 $0xFFFFF600  }
0xa2: {  	_ =	swait.ge @!p1 [sflag:s4], $0xA00  }
0xa3: {  	[sflag:s4] =	ssyncset.done @!p1 $0x0  }
0xa4: {  	[sflag:s4] =	ssyncadd.s32 @!p1 $0xFFFFF600  }
0xa5: {  	_ =	swait.ge @!p1 [sflag:s4], $0xA00  }
0xa6: {  	[sflag:s4] =	ssyncset.done @!p1 $0x0  }
0xa7: {  	[sflag:s4] =	ssyncadd.s32 @!p1 $0xFFFFF600  }
0xa8: {  	_ =	swait.ge @!p1 [sflag:s4], $0xA00  }
0xa9: {  	[sflag:s4] =	ssyncset.done @!p1 $0x0  }
0xaa: {  	[sflag:s4] =	ssyncadd.s32 @!p1 $0xFFFFF600  }
0xab: {  	_ =	swait.ge @!p1 [sflag:s4], $0xA00  }
0xac: {  	[sflag:s4] =	ssyncset.done @!p1 $0x0  }
0xad: {  	[sflag:s4] =	ssyncadd.s32 @!p1 $0xFFFFF600  }
0xae: {  	_ =	swait.ge @!p1 [sflag:s4], $0xA00  }
0xaf: {  	[sflag:s4] =	ssyncset.done @!p1 $0x0  }
0xb0: {  	p2 =	seq.s32 @!p1 s30, $0x18;
	[sflag:s4] =	ssyncadd.s32 @!p1 $0xFFFFF600  }
0xb1: {  	p2 =	por p1, !p2;
	_ =	swait.ge @!p1 [sflag:s4], $0xA00  }
.Ltmp5:
0xb2: {  	[sflag:s4] =	ssyncset.done @!p1 $0x0;
	(pc) =	sbr.rel @!p2 .LBB2_10-.Ltmp5, $4  }
0xb3: {  	[sflag:s4] =	ssyncadd.s32 @!p1 $0xFFFFF600  }
0xb4: {  	_ =	swait.ge @!p1 [sflag:s4], $0xA00  }
0xb5: {  	[sflag:s4] =	ssyncset.done @!p1 $0x0  }
0xb6: {  	[sflag:s4] =	ssyncadd.s32 @!p1 $0xFFFFF600;
	s4 =	simm.s32 @!p1 $0x19  }
0xb7: {  	s4 =	sadd.s32 @!p1 $0x1, s30  }
0xb8: {  	s4 =	simm.s32 @p1 $0x1  }
0xb9: {  	s28 =	smul.u32 $0xA, s4  }
0xba: {  	s14 =	rddreg [dreg:$0xb]  }
0xbb: {  	s28 =	sadd.s32 s14, s28  }
0xbc: {  	s11 =	sxor.u32 $0x1, s11;
	s28 =	smul.u32 $0xA, s28  }
0xbd: {  	s30 =	rddreg [dreg:$0x4];
	s11 =	smul.u32 $0x320, s11  }
.Ltmp6:
0xbe: {  	s14 =	simm.s32 $0x0;
	s30 =	sadd.s32 s30, s28;
	(pc) =	sbr.rel .LBB2_10-.Ltmp6, $4  }
0xbf: {  	[tilespmem:s11], [sflag:$0x1] =	stream.linear.gather [hbm4b:s30+s14], $0x320, $0x38;
	[tilespmem:$0x122C0] =	vst v63  }
0xc0: {  	s30 =	rddreg [dreg:$0x7]  }
0xc1: {  	s11 =	sadd.s32 $0x640, s11;
	s28 =	sadd.s32 s30, s28  }
0xc2: {  	[tilespmem:s11], [sflag:$0x1] =	stream.linear.gather [hbm4b:s28+s14], $0x320, $0x38;
	[tilespmem:$0x122C0] =	vst v63  }
.LBB2_2:
.Ltmp7:
0xc3: {  	(pc) =	sbr.rel .LBB2_3-.Ltmp7, $4  }
0xc4: {  	s4 =	simm.s32 $0x0;
	s0 =	rddreg [dreg:$0xc]  }
0xc5: {  	[tilespmem:s4], [sflag:$0x1] =	stream.linear.gather [hbm4b:s0+s4], $0x320, $0x38;
	[tilespmem:$0x122C0] =	vst v63  }
0xc6: {  	s31 =	rddreg [dreg:$0xd];
	s1 =	simm.s32 $0x640  }
0xc7: {  	[tilespmem:s1], [sflag:$0x1] =	stream.linear.gather [hbm4b:s31+s4], $0x320, $0x38;
	[tilespmem:$0x122C0] =	vst v63  }
.LBB2_5:
0xc8: {  	s4 =	sadd.s32 $0x640, s31  }
0xc9: {  	[spmem:s3] =	stream.indirect.scatter.add.f32 [tilespmem:s0], [sflag:$0x3], $0x20, s4, s25, $0xb8;
	[tilespmem:$0x122C0] =	vst v63  }
0xca: {  	s11 =	sadd.s32 $0x640, s23  }
0xcb: {  	[spmem:s3] =	stream.indirect.scatter.add.f32 [tilespmem:s2], [sflag:$0x3], $0x20, s11, s25, $0xb8;
	[tilespmem:$0x122C0] =	vst v63  }
0xcc: {  	s14 =	sadd.s32 $0x640, s16  }
0xcd: {  	[spmem:s3] =	stream.indirect.scatter.add.f32 [tilespmem:s12], [sflag:$0x3], $0x20, s14, s25, $0xb8;
	[tilespmem:$0x122C0] =	vst v63  }
0xce: {  	s16 =	sadd.s32 $0x640, s18  }
0xcf: {  	[spmem:s3] =	stream.indirect.scatter.add.f32 [tilespmem:s15], [sflag:$0x3], $0x20, s16, s25, $0xb8;
	[tilespmem:$0x122C0] =	vst v63  }
0xd0: {  	s18 =	sadd.s32 $0x640, s13  }
0xd1: {  	[spmem:s3] =	stream.indirect.scatter.add.f32 [tilespmem:s17], [sflag:$0x3], $0x20, s18, s25, $0xb8;
	[tilespmem:$0x122C0] =	vst v63  }
0xd2: {  	s20 =	sadd.s32 $0x640, s20  }
0xd3: {  	[spmem:s3] =	stream.indirect.scatter.add.f32 [tilespmem:s9], [sflag:$0x3], $0x20, s20, s25, $0xb8;
	[tilespmem:$0x122C0] =	vst v63  }
0xd4: {  	s23 =	sadd.s32 $0x640, s22  }
0xd5: {  	[spmem:s3] =	stream.indirect.scatter.add.f32 [tilespmem:s19], [sflag:$0x3], $0x20, s23, s25, $0xb8;
	[tilespmem:$0x122C0] =	vst v63  }
0xd6: {  	s28 =	sadd.s32 $0x640, s29;
	p1 =	slt.u32 s30, $0x19  }
0xd7: {  	[spmem:s3] =	stream.indirect.scatter.add.f32 [tilespmem:s21], [sflag:$0x3], $0x20, s28, s25, $0xb8;
	[tilespmem:$0x122C0] =	vst v63  }
.Ltmp8:
0xd8: {  	_ = 	snop;
	(pc) =	sbr.rel @!p1 .LBB2_6-.Ltmp8, $4  }
0xd9: {  	s29 =	sadd.s32 $0x640, s8  }
0xda: {  	[spmem:s3] =	stream.indirect.scatter.add.f32 [tilespmem:s1], [sflag:$0x3], $0x20, s29, s25, $0xb8;
	[tilespmem:$0x122C0] =	vst v63  }
0xdb: {  	s31 =	sadd.s32 $0x640, s10;
	s4 =	smov.u32 s30  }
0xdc: {  	[spmem:s3] =	stream.indirect.scatter.add.f32 [tilespmem:s7], [sflag:$0x3], $0x20, s31, s25, $0xb8;
	[tilespmem:$0x122C0] =	vst v63  }
.LBB2_3:
0xdd: {  	_ =	swait.ge [sflag:s24], $0x320  }
0xde: {  	s11 =	sand.u32 $0x1, s4;
	[sflag:s24] =	ssyncset.done $0x0  }
0xdf: {  	s0 =	smul.u32 $0x19000, s11;
	[sflag:s24] =	ssyncadd.s32 $0xFFFFFCE0  }
0xe0: {  	_ =	swait.ge [sflag:s24], $0x320  }
0xe1: {  	s31 =	smul.u32 $0x320, s11;
	s7 =	sshrl.u32 s0, $0x2;
	[sflag:s24] =	ssyncset.done $0x0  }
0xe2: {  	s0 =	sadd.s32 $0xC80, s7;
	[sflag:s24] =	ssyncadd.s32 $0xFFFFFCE0  }
0xe3: {  	[tilespmem:s0], [sflag:$0x2] =	stream.indirect.gather [hbm4b:s5+s25], $0x20, s31, s25, $0xb8;
	[tilespmem:$0x122C0] =	vst v63  }
0xe4: {  	s23 =	sadd.s32 $0x50, s31;
	s2 =	sadd.s32 $0x1680, s7  }
0xe5: {  	[tilespmem:s2], [sflag:$0x2] =	stream.indirect.gather [hbm4b:s5+s25], $0x20, s23, s25, $0xb8;
	[tilespmem:$0x122C0] =	vst v63  }
0xe6: {  	s16 =	sadd.s32 $0xA0, s31;
	s12 =	sadd.s32 $0x2080, s7  }
0xe7: {  	[tilespmem:s12], [sflag:$0x2] =	stream.indirect.gather [hbm4b:s5+s25], $0x20, s16, s25, $0xb8;
	[tilespmem:$0x122C0] =	vst v63  }
0xe8: {  	s18 =	sadd.s32 $0xF0, s31;
	s15 =	sadd.s32 $0x2A80, s7  }
0xe9: {  	[tilespmem:s15], [sflag:$0x2] =	stream.indirect.gather [hbm4b:s5+s25], $0x20, s18, s25, $0xb8;
	[tilespmem:$0x122C0] =	vst v63  }
0xea: {  	s13 =	sadd.s32 $0x140, s31;
	s17 =	sadd.s32 $0x3480, s7  }
0xeb: {  	[tilespmem:s17], [sflag:$0x2] =	stream.indirect.gather [hbm4b:s5+s25], $0x20, s13, s25, $0xb8;
	[tilespmem:$0x122C0] =	vst v63  }
0xec: {  	s20 =	sadd.s32 $0x190, s31;
	s9 =	sadd.s32 $0x3E80, s7  }
0xed: {  	[tilespmem:s9], [sflag:$0x2] =	stream.indirect.gather [hbm4b:s5+s25], $0x20, s20, s25, $0xb8;
	[tilespmem:$0x122C0] =	vst v63  }
0xee: {  	s22 =	sadd.s32 $0x1E0, s31;
	s19 =	sadd.s32 $0x4880, s7  }
0xef: {  	[tilespmem:s19], [sflag:$0x2] =	stream.indirect.gather [hbm4b:s5+s25], $0x20, s22, s25, $0xb8;
	[tilespmem:$0x122C0] =	vst v63  }
0xf0: {  	s29 =	sadd.s32 $0x230, s31;
	s21 =	sadd.s32 $0x5280, s7  }
0xf1: {  	[tilespmem:s21], [sflag:$0x2] =	stream.indirect.gather [hbm4b:s5+s25], $0x20, s29, s25, $0xb8;
	[tilespmem:$0x122C0] =	vst v63  }
0xf2: {  	s8 =	sadd.s32 $0x280, s31;
	s1 =	sadd.s32 $0x5C80, s7  }
0xf3: {  	[tilespmem:s1], [sflag:$0x2] =	stream.indirect.gather [hbm4b:s5+s25], $0x20, s8, s25, $0xb8;
	[tilespmem:$0x122C0] =	vst v63  }
0xf4: {  	s10 =	sadd.s32 $0x2D0, s31;
	s7 =	sadd.s32 $0x6680, s7  }
0xf5: {  	[tilespmem:s7], [sflag:$0x2] =	stream.indirect.gather [hbm4b:s5+s25], $0x20, s10, s25, $0xb8;
	[tilespmem:$0x122C0] =	vst v63  }
0xf6: {  	_ =	swait.ge [sflag:s26], $0xA00  }
0xf7: {  	[sflag:s26] =	ssyncset.done $0x0  }
0xf8: {  	[sflag:s26] =	ssyncadd.s32 $0xFFFFF600  }
0xf9: {  	_ =	swait.ge [sflag:s26], $0xA00  }
0xfa: {  	[sflag:s26] =	ssyncset.done $0x0  }
0xfb: {  	[sflag:s26] =	ssyncadd.s32 $0xFFFFF600  }
0xfc: {  	_ =	swait.ge [sflag:s26], $0xA00  }
0xfd: {  	[sflag:s26] =	ssyncset.done $0x0  }
0xfe: {  	[sflag:s26] =	ssyncadd.s32 $0xFFFFF600  }
0xff: {  	_ =	swait.ge [sflag:s26], $0xA00  }
0x100: {  	[sflag:s26] =	ssyncset.done $0x0  }
0x101: {  	[sflag:s26] =	ssyncadd.s32 $0xFFFFF600  }
0x102: {  	_ =	swait.ge [sflag:s26], $0xA00  }
0x103: {  	[sflag:s26] =	ssyncset.done $0x0  }
0x104: {  	[sflag:s26] =	ssyncadd.s32 $0xFFFFF600  }
0x105: {  	_ =	swait.ge [sflag:s26], $0xA00  }
0x106: {  	[sflag:s26] =	ssyncset.done $0x0  }
0x107: {  	[sflag:s26] =	ssyncadd.s32 $0xFFFFF600  }
0x108: {  	_ =	swait.ge [sflag:s26], $0xA00  }
0x109: {  	[sflag:s26] =	ssyncset.done $0x0  }
0x10a: {  	[sflag:s26] =	ssyncadd.s32 $0xFFFFF600  }
0x10b: {  	_ =	swait.ge [sflag:s26], $0xA00  }
0x10c: {  	[sflag:s26] =	ssyncset.done $0x0  }
0x10d: {  	[sflag:s26] =	ssyncadd.s32 $0xFFFFF600  }
0x10e: {  	_ =	swait.ge [sflag:s26], $0xA00  }
0x10f: {  	[sflag:s26] =	ssyncset.done $0x0  }
0x110: {  	[sflag:s26] =	ssyncadd.s32 $0xFFFFF600  }
0x111: {  	_ =	swait.ge [sflag:s26], $0xA00  }
0x112: {  	p1 =	seq.s32 s4, $0x0;
	[sflag:s26] =	ssyncset.done $0x0  }
0x113: {  	s30 =	simm.s32 @!p1 $0x3;
	[sflag:s26] =	ssyncadd.s32 $0xFFFFF600  }
0x114: {  	_ =	swait.ge @!p1 [sflag:s30], $0xA00  }
0x115: {  	[sflag:s30] =	ssyncset.done @!p1 $0x0  }
0x116: {  	[sflag:s30] =	ssyncadd.s32 @!p1 $0xFFFFF600  }
0x117: {  	_ =	swait.ge @!p1 [sflag:s30], $0xA00  }
0x118: {  	[sflag:s30] =	ssyncset.done @!p1 $0x0  }
0x119: {  	[sflag:s30] =	ssyncadd.s32 @!p1 $0xFFFFF600  }
0x11a: {  	_ =	swait.ge @!p1 [sflag:s30], $0xA00  }
0x11b: {  	[sflag:s30] =	ssyncset.done @!p1 $0x0  }
0x11c: {  	[sflag:s30] =	ssyncadd.s32 @!p1 $0xFFFFF600  }
0x11d: {  	_ =	swait.ge @!p1 [sflag:s30], $0xA00  }
0x11e: {  	[sflag:s30] =	ssyncset.done @!p1 $0x0  }
0x11f: {  	[sflag:s30] =	ssyncadd.s32 @!p1 $0xFFFFF600  }
0x120: {  	_ =	swait.ge @!p1 [sflag:s30], $0xA00  }
0x121: {  	[sflag:s30] =	ssyncset.done @!p1 $0x0  }
0x122: {  	[sflag:s30] =	ssyncadd.s32 @!p1 $0xFFFFF600  }
0x123: {  	_ =	swait.ge @!p1 [sflag:s30], $0xA00  }
0x124: {  	[sflag:s30] =	ssyncset.done @!p1 $0x0  }
0x125: {  	[sflag:s30] =	ssyncadd.s32 @!p1 $0xFFFFF600  }
0x126: {  	_ =	swait.ge @!p1 [sflag:s30], $0xA00  }
0x127: {  	[sflag:s30] =	ssyncset.done @!p1 $0x0  }
0x128: {  	[sflag:s30] =	ssyncadd.s32 @!p1 $0xFFFFF600  }
0x129: {  	_ =	swait.ge @!p1 [sflag:s30], $0xA00  }
0x12a: {  	[sflag:s30] =	ssyncset.done @!p1 $0x0  }
0x12b: {  	p2 =	seq.s32 @!p1 s4, $0x18;
	[sflag:s30] =	ssyncadd.s32 @!p1 $0xFFFFF600  }
0x12c: {  	p2 =	por p1, !p2;
	_ =	swait.ge @!p1 [sflag:s30], $0xA00  }
.Ltmp9:
0x12d: {  	[sflag:s30] =	ssyncset.done @!p1 $0x0;
	(pc) =	sbr.rel @!p2 .LBB2_5-.Ltmp9, $4  }
0x12e: {  	[sflag:s30] =	ssyncadd.s32 @!p1 $0xFFFFF600  }
0x12f: {  	_ =	swait.ge @!p1 [sflag:s30], $0xA00  }
0x130: {  	[sflag:s30] =	ssyncset.done @!p1 $0x0  }
0x131: {  	[sflag:s30] =	ssyncadd.s32 @!p1 $0xFFFFF600;
	s30 =	simm.s32 @!p1 $0x19  }
0x132: {  	s30 =	sadd.s32 @!p1 $0x1, s4  }
0x133: {  	s30 =	simm.s32 @p1 $0x1  }
0x134: {  	s28 =	smul.u32 $0xA, s30  }
0x135: {  	s14 =	rddreg [dreg:$0xb]  }
0x136: {  	s4 =	sadd.s32 s14, s28  }
0x137: {  	s11 =	sxor.u32 $0x1, s11;
	s4 =	smul.u32 $0xA, s4  }
0x138: {  	s11 =	smul.u32 $0x320, s11;
	s28 =	rddreg [dreg:$0x1]  }
.Ltmp10:
0x139: {  	s14 =	simm.s32 $0x0;
	s28 =	sadd.s32 s28, s4;
	(pc) =	sbr.rel .LBB2_5-.Ltmp10, $4  }
0x13a: {  	[tilespmem:s11], [sflag:$0x1] =	stream.linear.gather [hbm4b:s28+s14], $0x320, $0x38;
	[tilespmem:$0x122C0] =	vst v63  }
0x13b: {  	s28 =	rddreg [dreg:$0x5]  }
0x13c: {  	s11 =	sadd.s32 $0x640, s11;
	s4 =	sadd.s32 s28, s4  }
0x13d: {  	[tilespmem:s11], [sflag:$0x1] =	stream.linear.gather [hbm4b:s4+s14], $0x320, $0x38;
	[tilespmem:$0x122C0] =	vst v63  }
.LBB2_6:
.Ltmp11:
0x13e: {  	(pc) =	sbr.rel .LBB2_12-.Ltmp11, $3  }
0x13f: {  	_ =	sdelay $0x1  }
0x140: {  	s0 =	rddreg [dreg:$0x8]  }
0x141: {  	s7 =	rddreg [dreg:$0x13]  }
.LBB2_13:
0x142: {  	_ =	sfence.sel $0x180000  }
0x143: {  	[bflag:$0x0] =	sbarrier.arrive $0xFFFF  }
0x144: {  	_ =	strace $0x9000004A  }
0x145: {  	s0 =	stileid.u32;
	[bflag:$0x2] =	sbarrier.arrive $0xFFFF  }
0x146: {  	p0 =	sne.s32 s0, $0x0;
	s0 =	rddreg [dreg:$0x3]  }
0x147: {  	s0 =	sadd.s32 @!p0 $0x100000, s0  }
0x148: {  	[sflag:s0] =	ssyncadd.tile.s32 @!p0 $0x1;
	_ =	shalt  }
.Lfunc_end2:
_tile_overlayer_lowered:
.L_overlay_start_2:
0x149: {  	(tag) =	ssettag $0x2  }
0x14a: {  	s0 =	rddreg [dreg:$0x0];
	s2 =	stileid.u32  }
0x14b: {  	s1 =	rddreg [dreg:$0x1];
	p0 =	sne.s32 s2, $0x0  }
0x14c: {  	s3 =	rddreg [dreg:$0x2];
	[bflag:$0x3] =	sbarrier.arrive $0xFFFF;
	s2 =	simm.s32 @!p0 $0x1C04  }
0x14d: {  	[timem:s3], [sflag:s2] =	dma.local @!p0 [hbm:s0], s1  }
0x14e: {  	s0 =	simm.s32 @!p0 $0x4  }
0x14f: {  	_ =	swait.ge @!p0 [sflag:s0], s1  }
0x150: {  	s1 =	ssub.s32 @!p0 $0x0, s1;
	[sflag:s0] =	ssyncset.done @!p0 $0x0  }
0x151: {  	[sflag:s0] =	ssyncadd.s32 @!p0 s1  }
0x152: {  	[bflag:$0x3] =	sbarrier.arrive $0xFFFF  }
0x153: {  	_ =	shalt  }

// kernel: kernel.14.cloned.1.call-start
scs
__scs_entry_jumppad:
0x0: {  	(pc) =	sbr.rel $0x88, $3  }
0x1: {  	(tag) =	ssettag $0x0;
	lr =	simm.s32 $0x1  }
0x2: {  	[smem:$0x3F8A] =	sst lr;
	_ =	strace $0xD0000000  }
0x3: {  	_ = 	snop  }
0x4: {  	_ = 	snop  }
0x5: {  	_ = 	snop  }
0x6: {  	_ = 	snop  }
0x7: {  	_ = 	snop  }
__scs_overlays_trampoline_lowered:
0x8: {  	[smem:$0x3F99] =	sst s0  }
0x9: {  	[smem:$0x3F9A] =	sst s1  }
0xa: {  	[smem:$0x3F9B] =	sst s2  }
0xb: {  	[smem:$0x3F9C] =	sst s3  }
0xc: {  	[smem:$0x3F9D] =	sst s4  }
0xd: {  	[smem:$0x3F9E] =	sst s5  }
0xe: {  	[smem:$0x3F9F] =	sst s6  }
0xf: {  	[smem:$0x3FA0] =	sst s7  }
0x10: {  	[smem:$0x3FA1] =	sst s8  }
0x11: {  	[smem:$0x3FA2] =	sst s9;
	s0 =	simm.s32 @!p0 $0x0  }
0x12: {  	s1 =	sld [smem:$0x3F88];
	s0 =	simm.s32 @p0 $0x1  }
0x13: {  	[smem:$0x3FA3] =	sst s0;
	s0 =	simm.s32 @!p1 $0x0  }
0x14: {  	s2 =	sld [smem:$0x3F87];
	s0 =	simm.s32 @p1 $0x1  }
0x15: {  	[smem:$0x3FA4] =	sst s0;
	s0 =	simm.s32 @!p2 $0x0  }
0x16: {  	s3 =	sld [smem:$0x3FDB];
	s0 =	simm.s32 @p2 $0x1  }
0x17: {  	s4 =	simm.s32 $0x1BF5;
	[smem:$0x3FA6] =	sst s0  }
0x18: {  	s0 =	sld [smem:$0x3F89];
	_ =	swait.ge [sflag:s4], $0x0  }
0x19: {  	s7 =	sld [smem:$0x3F8A]  }
0x1a: {  	s8 =	sadd.s32 $0xFFFFE003, lr  }
0x1b: {  	s9 =	sadd.s32 $0xFFFFFEF7, lr;
	s5 =	simm.s32 $0xFFFFFFFF;
	p2 =	slt.u32 s8, $0xFFFFF086  }
0x1c: {  	p1 =	slt.u32 s9, $0xF7A;
	s5 =	simm.s32 @!p2 $0x0  }
0x1d: {  	s5 =	simm.s32 @p1 $0x1;
	p0 =	seq.s32 s7, s2  }
0x1e: {  	s7 =	smul.u32 @!p0 $0xF7A, s2;
	p2 =	seq.s32 @!p0 s5, $0x0  }
0x1f: {  	s9 =	smul.u32 $0xF7A, s1;
	s8 =	simm.s32 @!p0 $0x1BF5;
	p2 =	por !p2, p0  }
0x20: {  	[sflag:s8] =	ssyncset.s32 @!p0 $0xFFFFF086;
	s6 =	sadd.s32 @!p0 s3, s7;
	s7 =	simm.s32 @!p0 $0x108  }
0x21: {  	s3 =	sadd.s32 s3, s9;
	s6 =	sadd.s32 @!p0 $0x88, s6;
	s7 =	simm.s32 @p2 $0x1082  }
0x22: {  	[simem:s7], [sflag:s8] =	dma.local @!p0 [hbm:s6], $0xF7A  }
0x23: {  	s9 =	sor.u32 $0xD0000000, s2;
	s6 =	simm.s32 $0x108;
	_ =	swait.ge @!p0 [sflag:s8], $0x0  }
0x24: {  	s3 =	sadd.s32 $0x88, s3;
	s6 =	simm.s32 @!p1 $0x1082;
	[sflag:s4] =	ssyncset.s32 $0xFFFFF086  }
0x25: {  	[simem:s6], [sflag:s4] =	dma.local [hbm:s3], $0xF7A  }
0x26: {  	[smem:$0x3F8A] =	sst s1;
	(tag) =	ssettag s2;
	_ =	strace s9  }
0x27: {  	s1 =	sld [smem:$0x3F9A]  }
0x28: {  	s2 =	sld [smem:$0x3F9B]  }
0x29: {  	s4 =	sld [smem:$0x3F9D]  }
0x2a: {  	p0 =	seq.s32 s5, $0x0;
	s5 =	sld [smem:$0x3F9E]  }
0x2b: {  	s6 =	sld [smem:$0x3F9F]  }
0x2c: {  	s7 =	sld [smem:$0x3FA0]  }
0x2d: {  	s3 =	simm.s32 $0x108;
	s8 =	sld [smem:$0x3FA1]  }
0x2e: {  	s3 =	simm.s32 @!p0 $0x1082;
	s9 =	sld [smem:$0x3FA2]  }
0x2f: {  	lr =	sadd.s32 s0, s3;
	s0 =	sld [smem:$0x3F99]  }
0x30: {  	s3 =	sld [smem:$0x3F9C]  }
0x31: {  	[smem:$0x3FA5] =	sst s10  }
0x32: {  	s10 =	sld [smem:$0x3FA3];
	_ =	sdelay $0x3  }
0x33: {  	p0 =	seq.s32 s10, $0x1;
	s10 =	sld [smem:$0x3FA5];
	_ =	sdelay $0x3  }
0x34: {  	[smem:$0x3FA5] =	sst s10  }
0x35: {  	s10 =	sld [smem:$0x3FA4];
	_ =	sdelay $0x3  }
0x36: {  	p1 =	seq.s32 s10, $0x1;
	s10 =	sld [smem:$0x3FA5];
	_ =	sdelay $0x3  }
0x37: {  	[smem:$0x3FA5] =	sst s10  }
0x38: {  	s10 =	sld [smem:$0x3FA6]  }
0x39: {  	_ = 	snop;
	(pc) =	sbr.ind lr, $3  }
0x3a: {  	_ = 	snop  }
0x3b: {  	_ = 	snop  }
0x3c: {  	p2 =	seq.s32 s10, $0x1;
	s10 =	sld [smem:$0x3FA5]  }
0x3d: {  	_ =	shalt  }
0x3e: {  	_ =	shalt  }
0x3f: {  	_ =	shalt  }
0x40: {  	_ =	shalt  }
0x41: {  	_ =	shalt  }
0x42: {  	_ =	shalt  }
0x43: {  	_ =	shalt  }
0x44: {  	_ =	shalt  }
0x45: {  	_ =	shalt  }
0x46: {  	_ =	shalt  }
0x47: {  	_ =	shalt  }
0x48: {  	_ =	shalt  }
0x49: {  	_ =	shalt  }
0x4a: {  	_ =	shalt  }
0x4b: {  	_ =	shalt  }
0x4c: {  	_ =	shalt  }
0x4d: {  	_ =	shalt  }
0x4e: {  	_ =	shalt  }
0x4f: {  	_ =	shalt  }
0x50: {  	_ =	shalt  }
0x51: {  	_ =	shalt  }
0x52: {  	_ =	shalt  }
0x53: {  	_ =	shalt  }
0x54: {  	_ =	shalt  }
0x55: {  	_ =	shalt  }
0x56: {  	_ =	shalt  }
0x57: {  	_ =	shalt  }
0x58: {  	_ =	shalt  }
0x59: {  	_ =	shalt  }
0x5a: {  	_ =	shalt  }
0x5b: {  	_ =	shalt  }
0x5c: {  	_ =	shalt  }
0x5d: {  	_ =	shalt  }
0x5e: {  	_ =	shalt  }
0x5f: {  	_ =	shalt  }
0x60: {  	_ =	shalt  }
0x61: {  	_ =	shalt  }
0x62: {  	_ =	shalt  }
0x63: {  	_ =	shalt  }
0x64: {  	_ =	shalt  }
0x65: {  	_ =	shalt  }
0x66: {  	_ =	shalt  }
0x67: {  	_ =	shalt  }
0x68: {  	_ =	shalt  }
0x69: {  	_ =	shalt  }
0x6a: {  	_ =	shalt  }
0x6b: {  	_ =	shalt  }
0x6c: {  	_ =	shalt  }
0x6d: {  	_ =	shalt  }
0x6e: {  	_ =	shalt  }
0x6f: {  	_ =	shalt  }
0x70: {  	_ =	shalt  }
0x71: {  	_ =	shalt  }
0x72: {  	_ =	shalt  }
0x73: {  	_ =	shalt  }
0x74: {  	_ =	shalt  }
0x75: {  	_ =	shalt  }
0x76: {  	_ =	shalt  }
0x77: {  	_ =	shalt  }
0x78: {  	_ =	shalt  }
0x79: {  	_ =	shalt  }
0x7a: {  	_ =	shalt  }
0x7b: {  	_ =	shalt  }
0x7c: {  	_ =	shalt  }
0x7d: {  	_ =	shalt  }
0x7e: {  	_ =	shalt  }
0x7f: {  	_ =	shalt  }
0x80: {  	_ =	shalt  }
0x81: {  	_ =	shalt  }
0x82: {  	_ =	shalt  }
0x83: {  	_ =	shalt  }
0x84: {  	_ =	shalt  }
0x85: {  	_ =	shalt  }
0x86: {  	_ =	shalt  }
0x87: {  	_ =	shalt  }
.Lfunc_end0:
.L_simem_size_0:
called_computation.2_lowered:
.L_overlay_start_0:
0x88: {  	s2 =	sld [smem:$0x3FD9]  }
0x89: {  	s3 =	sld [smem:$0x3FFE];
	_ =	sdelay $0x1  }
0x8a: {  	s1 =	srdreg.scid  }
0x8b: {  	s0 =	sand.u32 $0x1, s1  }
0x8c: {  	s17 =	sshll.u32 s0, $0xA;
	s2 =	sadd.s32 s3, s2  }
0x8d: {  	s2 =	sadd.s32 s2, s17  }
0x8e: {  	[smem:$0x3FB1] =	sst s2  }
0x8f: {  	_ = 	snop  }
0x90: {  	s2 =	sld [smem:$0x3FD0];
	(tm) =	ssettm $0x1  }
0x91: {  	s18 =	sld [smem:$0x3FFB];
	_ =	sdelay $0x3  }
0x92: {  	_ =	strace s18  }
0x93: {  	s3 =	sld [smem:$0x3FFC];
	_ =	sdelay $0x3  }
0x94: {  	_ =	strace s3  }
0x95: {  	s3 =	sld [smem:$0x3FFD];
	_ =	sdelay $0x3  }
0x96: {  	_ =	strace s3  }
0x97: {  	_ =	strace $0x8FFFFFFF  }
0x98: {  	s19 =	sld [smem:$0x3FDB];
	_ =	sdelay $0x1  }
0x99: {  	s4 =	simm.s32 $_scs_section_size  }
0x9a: {  	s5 =	simm.s32 $_size__tile_overlayer_lowered;
	s6 =	simm.s32 $_tile_overlayer_lowered  }
0x9b: {  	s22 =	simm.s32 $0x1BFF;
	s21 =	sshll.u32 s6, $0x1;
	s3 =	sadd.s32 s4, s19  }
0x9c: {  	s7 =	simm.s32 $0x0;
	s20 =	sshll.u32 s5, $0x1;
	s5 =	sadd.s32 s21, s3  }
0x9d: {  	[timem:s7], [sflag:s22] =	dma.local [hbm:s5], s20  }
0x9e: {  	_ =	swait.ge [sflag:s22], s20  }
0x9f: {  	s4 =	ssub.s32 $0x0, s20;
	[sflag:s22] =	ssyncset.done $0x0  }
0xa0: {  	[sflag:s22] =	ssyncadd.s32 s4;
	_ =	sdelay $0x1  }
0xa1: {  	s23 =	simm.s32 $0x1B8B  }
0xa2: {  	_ =	swait.ge [sflag:s23], $0x1  }
0xa3: {  	[sflag:s23] =	ssyncset.done $0x0  }
0xa4: {  	s25 =	simm.s32 $0x1B8E;
	s24 =	sld [smem:$0x3FFE];
	[sflag:s23] =	ssyncadd.s32 $0xFFFFFFFF  }
0xa5: {  	s26 =	simm.s32 $execute0_lowered;
	[smem:$0x3FD2] =	sst s25  }
0xa6: {  	s5 =	sshll.u32 s26, $0x1;
	_ =	strace $0x8000004C;
	[dreg:$0x1] =	wrdreg $0xFFFFFFFF  }
0xa7: {  	s28 =	simm.s32 $_size_execute0_lowered;
	s3 =	sadd.s32 s3, s5;
	[dreg:$0x0] =	wrdreg $0x0  }
0xa8: {  	s5 =	sshll.u32 s28, $0x1;
	[dreg:$0x2] =	wrdreg s3  }
0xa9: {  	[dreg:$0x3] =	wrdreg s5  }
0xaa: {  	[dreg:$0x4] =	wrdreg $0xC0  }
0xab: {  	_ =	task [dreg:s7], $0x5FFFF  }
0xac: {  	[dreg:$0x1] =	wrdreg $0xFFFFFFFF  }
0xad: {  	[dreg:$0x0] =	wrdreg $0x60  }
0xae: {  	[dreg:$0x2] =	wrdreg s24  }
0xaf: {  	[dreg:$0x3] =	wrdreg s2  }
0xb0: {  	[dreg:$0x4] =	wrdreg $0xD4800  }
0xb1: {  	[dreg:$0x5] =	wrdreg $0x9  }
0xb2: {  	_ =	task.clear_ibuf [dreg:s7], $0x6FFFF;
	_ =	strace $0x9000004C  }
0xb3: {  	s29 =	simm.s32 $0x9;
	_ =	strace $0x8000004E  }
0xb4: {  	_ =	swait.ge [sflag:s29], $0x1  }
0xb5: {  	[sflag:s29] =	ssyncadd.s32 $0xFFFFFFFF  }
0xb6: {  	_ =	strace $0x9000004E  }
0xb7: {  	_ =	sfence  }
0xb8: {  	s30 =	sld [smem:$0x0];
	_ =	sdelay $0x2  }
0xb9: {  	s31 =	sshll.u32 s1, $0xD;
	s1 =	sshrl.u32 s1, $0x2  }
0xba: {  	s3 =	sand.u32 $0x4000, s31;
	s1 =	sadd.s32 s1, s30  }
0xbb: {  	s0 =	sor.u32 s3, s0;
	s1 =	sshll.u32 s1, $0x11  }
0xbc: {  	s0 =	sor.u32 s1, s0  }
0xbd: {  	s0 =	sadd.s32 $0x8F2B, s0  }
0xbe: {  	[sflag:s0] =	ssyncadd.remote.s32 $0x1  }
0xbf: {  	_ =	sfence.sel $0xFFFF  }
0xc0: {  	[dreg:$0x0] =	wrdreg $0xFFFFFFFF;
	(pc) =	sbr.abs _section_cstart, $3  }
0xc1: {  	[dreg:$0x1] =	wrdreg $0xFFFFFFFF  }
0xc2: {  	_ =	task.clear_ibuf [dreg:s7], $0x2FFFF;
	_ =	strace $0x9FFFFFFF  }
0xc3: {  	(tm) =	ssettm $0x7FFFFFFF  }
tec
execute0_lowered:
.L_overlay_start_1:
0x0: {  	(tag) =	ssettag $0x1  }
0x1: {  	s0 =	rddreg [dreg:$0x0]  }
0x2: {  	s8 =	rddreg [dreg:$0x1]  }
0x3: {  	s3 =	rddreg [dreg:$0x2];
	s1 =	simm.s32 $0x0;
	s9 =	stileid.u32  }
0x4: {  	s2 =	srdreg.scid;
	[smem:$0x7FF] =	sst s1;
	s5 =	sadd.s32 $0x21400, s0  }
0x5: {  	s23 =	smul.u32 $0x4E40, s9;
	s6 =	sadd.s32 $0x2B200, s0;
	s13 =	sadd.s32 $0x3EE00, s0  }
0x6: {  	s11 =	sadd.s32 $0x17600, s0;
	_ =	strace $0x8000004D;
	[dreg:$0x8] =	wrdreg s13  }
0x7: {  	s10 =	sadd.s32 $0x3A00, s0;
	s2 =	sand.u32 $0x1, s2;
	[dreg:$0x5] =	wrdreg s11  }
0x8: {  	s12 =	sadd.s32 $0xD800, s0;
	s26 =	smul.u32 $0xFA, s9;
	[dreg:$0x4] =	wrdreg s10  }
0x9: {  	s25 =	smul.u32 $0x9C4, s9;
	s31 =	sshll.u32 s9, $0x6;
	[dreg:$0x7] =	wrdreg s12  }
0xa: {  	s7 =	ssub.s32 $0x2, s2;
	s4 =	sshrl.u32 s23, $0x3;
	[dreg:$0xb] =	wrdreg s26  }
0xb: {  	p0 =	seq.s32 s2, $0x1;
	s28 =	sadd.s32 s8, s25;
	[dreg:$0x6] =	wrdreg s4  }
0xc: {  	s24 =	sshrl.u32 s7, $0x1;
	s29 =	sadd.s32 s11, s25;
	[dreg:$0xc] =	wrdreg s28  }
0xd: {  	s1 =	sadd.s32 s23, s3;
	s30 =	sadd.s32 s10, s25;
	[dreg:$0xd] =	wrdreg s29  }
0xe: {  	s2 =	sadd.s32 s12, s25;
	s25 =	simm.s32 $0x50;
	[dreg:$0xe] =	wrdreg s30  }
0xf: {  	s4 =	sadd.s32 s4, s0;
	s0 =	sadd.s32 $0x48C00, s0;
	[dreg:$0xf] =	wrdreg s2  }
.Ltmp0:
0x10: {  	s2 =	sor.u32 $0x1C04, s31;
	[dreg:$0x9] =	wrdreg s0;
	(pc) =	sbr.rel .LBB2_1-.Ltmp0, $4  }
0x11: {  	s26 =	simm.s32 $0x2;
	s1 =	sshrl.u32 s1, $0x3;
	[dreg:$0x11] =	wrdreg s2  }
0x12: {  	s0 =	ssub.s32 s7, s24;
	s4 =	sadd.s32 $0x35000, s4;
	[dreg:$0x12] =	wrdreg s1  }
0x13: {  	s24 =	simm.s32 $0x1;
	[dreg:$0xa] =	wrdreg s4;
	s0 =	smax.u32 s0, $0x1  }
0x14: {  	s7 =	simm.s32 $0x0;
	s4 =	simm.s32 $0x4;
	[dreg:$0x10] =	wrdreg s0  }
.LBB2_11:
0x15: {  	s0 =	rddreg [dreg:$0x9]  }
0x16: {  	s7 =	rddreg [dreg:$0x13]  }
.LBB2_12:
0x17: {  	s1 =	simm.s32 $0x3  }
0x18: {  	_ =	swait.ge [sflag:s1], $0xA00  }
0x19: {  	[sflag:s1] =	ssyncset.done $0x0  }
0x1a: {  	[sflag:s1] =	ssyncadd.s32 $0xFFFFF600  }
0x1b: {  	_ =	swait.ge [sflag:s1], $0xA00  }
0x1c: {  	[sflag:s1] =	ssyncset.done $0x0  }
0x1d: {  	[sflag:s1] =	ssyncadd.s32 $0xFFFFF600  }
0x1e: {  	_ =	swait.ge [sflag:s1], $0xA00  }
0x1f: {  	[sflag:s1] =	ssyncset.done $0x0  }
0x20: {  	[sflag:s1] =	ssyncadd.s32 $0xFFFFF600  }
0x21: {  	_ =	swait.ge [sflag:s1], $0xA00  }
0x22: {  	[sflag:s1] =	ssyncset.done $0x0  }
0x23: {  	[sflag:s1] =	ssyncadd.s32 $0xFFFFF600  }
0x24: {  	_ =	swait.ge [sflag:s1], $0xA00  }
0x25: {  	[sflag:s1] =	ssyncset.done $0x0  }
0x26: {  	[sflag:s1] =	ssyncadd.s32 $0xFFFFF600  }
0x27: {  	_ =	swait.ge [sflag:s1], $0xA00  }
0x28: {  	[sflag:s1] =	ssyncset.done $0x0  }
0x29: {  	[sflag:s1] =	ssyncadd.s32 $0xFFFFF600  }
0x2a: {  	_ =	swait.ge [sflag:s1], $0xA00  }
0x2b: {  	[sflag:s1] =	ssyncset.done $0x0  }
0x2c: {  	[sflag:s1] =	ssyncadd.s32 $0xFFFFF600  }
0x2d: {  	_ =	swait.ge [sflag:s1], $0xA00  }
0x2e: {  	[sflag:s1] =	ssyncset.done $0x0  }
0x2f: {  	[sflag:s1] =	ssyncadd.s32 $0xFFFFF600  }
0x30: {  	_ =	swait.ge [sflag:s1], $0xA00  }
0x31: {  	[sflag:s1] =	ssyncset.done $0x0  }
0x32: {  	[sflag:s1] =	ssyncadd.s32 $0xFFFFF600  }
0x33: {  	_ =	swait.ge [sflag:s1], $0xA00  }
0x34: {  	[sflag:s1] =	ssyncset.done $0x0  }
0x35: {  	[sflag:s1] =	ssyncadd.s32 $0xFFFFF600  }
0x36: {  	s30 =	rddreg [dreg:$0x6];
	[bflag:$0x0] =	sbarrier.arrive $0xFFFF  }
0x37: {  	s2 =	rddreg [dreg:$0x11]  }
0x38: {  	s4 =	simm.s32 $0x4;
	s0 =	sadd.s32 s0, s30;
	s1 =	rddreg [dreg:$0x12]  }
0x39: {  	[hbm:s0], [sflag:s2] =	dma.local [spmem:s1], $0x9C8  }
0x3a: {  	_ =	swait.ge [sflag:s4], $0x9C8  }
0x3b: {  	s7 =	sadd.s32 $0x1, s7;
	s31 =	rddreg [dreg:$0x10]  }
0x3c: {  	p1 =	sne.s32 s7, s31  }
.Ltmp1:
0x3d: {  	_ = 	snop;
	(pc) =	sbr.rel @!p1 .LBB2_13-.Ltmp1, $3  }
0x3e: {  	_ =	sdelay $0x1  }
0x3f: {  	[sflag:s4] =	ssyncset.done $0x0  }
0x40: {  	[sflag:s4] =	ssyncadd.s32 $0xFFFFF638  }
.LBB2_1:
0x41: {  	[dreg:$0x13] =	wrdreg s7  }
0x42: {  	s0 =	rddreg [dreg:$0xa]  }
0x43: {  	[spmem:s1], [sflag:s2] =	dma.local [hbm:s0], $0x9C8  }
.Ltmp2:
0x44: {  	_ =	swait.ge [sflag:s4], $0x9C8;
	(pc) =	sbr.rel @!p0 .LBB2_2-.Ltmp2, $3  }
0x45: {  	[sflag:s4] =	ssyncset.done $0x0  }
0x46: {  	[sflag:s4] =	ssyncadd.s32 $0xFFFFF638  }
0x47: {  	[bflag:$0x0] =	sbarrier.arrive $0xFFFF;
	_ =	sdelay $0x1  }
.Ltmp3:
0x48: {  	(pc) =	sbr.rel .LBB2_8-.Ltmp3, $4  }
0x49: {  	s30 =	simm.s32 $0x0;
	s0 =	rddreg [dreg:$0xe]  }
0x4a: {  	[tilespmem:s30], [sflag:$0x1] =	stream.linear.gather [hbm4b:s0+s30], $0x320, $0x38;
	[tilespmem:$0x122C0] =	vst v63  }
0x4b: {  	s31 =	rddreg [dreg:$0xf];
	s1 =	simm.s32 $0x640  }
0x4c: {  	[tilespmem:s1], [sflag:$0x1] =	stream.linear.gather [hbm4b:s31+s30], $0x320, $0x38;
	[tilespmem:$0x122C0] =	vst v63  }
.LBB2_10:
0x4d: {  	s11 =	sadd.s32 $0x640, s31  }
0x4e: {  	[spmem:s3] =	stream.indirect.scatter.add.f32 [tilespmem:s0], [sflag:$0x3], $0x20, s11, s25, $0xb8;
	[tilespmem:$0x122C0] =	vst v63  }
0x4f: {  	s11 =	sadd.s32 $0x640, s15  }
0x50: {  	[spmem:s3] =	stream.indirect.scatter.add.f32 [tilespmem:s2], [sflag:$0x3], $0x20, s11, s25, $0xb8;
	[tilespmem:$0x122C0] =	vst v63  }
0x51: {  	s14 =	sadd.s32 $0x640, s16  }
0x52: {  	[spmem:s3] =	stream.indirect.scatter.add.f32 [tilespmem:s12], [sflag:$0x3], $0x20, s14, s25, $0xb8;
	[tilespmem:$0x122C0] =	vst v63  }
0x53: {  	s15 =	sadd.s32 $0x640, s9  }
0x54: {  	[spmem:s3] =	stream.indirect.scatter.add.f32 [tilespmem:s23], [sflag:$0x3], $0x20, s15, s25, $0xb8;
	[tilespmem:$0x122C0] =	vst v63  }
0x55: {  	s16 =	sadd.s32 $0x640, s13  }
0x56: {  	[spmem:s3] =	stream.indirect.scatter.add.f32 [tilespmem:s17], [sflag:$0x3], $0x20, s16, s25, $0xb8;
	[tilespmem:$0x122C0] =	vst v63  }
0x57: {  	s17 =	sadd.s32 $0x640, s20  }
0x58: {  	[spmem:s3] =	stream.indirect.scatter.add.f32 [tilespmem:s18], [sflag:$0x3], $0x20, s17, s25, $0xb8;
	[tilespmem:$0x122C0] =	vst v63  }
0x59: {  	s20 =	sadd.s32 $0x640, s1  }
0x5a: {  	[spmem:s3] =	stream.indirect.scatter.add.f32 [tilespmem:s19], [sflag:$0x3], $0x20, s20, s25, $0xb8;
	[tilespmem:$0x122C0] =	vst v63  }
0x5b: {  	p1 =	slt.u32 s4, $0x19;
	s23 =	sadd.s32 $0x640, s7  }
0x5c: {  	[spmem:s3] =	stream.indirect.scatter.add.f32 [tilespmem:s21], [sflag:$0x3], $0x20, s23, s25, $0xb8;
	[tilespmem:$0x122C0] =	vst v63  }
.Ltmp4:
0x5d: {  	_ = 	snop;
	(pc) =	sbr.rel @!p1 .LBB2_11-.Ltmp4, $4  }
0x5e: {  	s28 =	sadd.s32 $0x640, s8  }
0x5f: {  	[spmem:s3] =	stream.indirect.scatter.add.f32 [tilespmem:s22], [sflag:$0x3], $0x20, s28, s25, $0xb8;
	[tilespmem:$0x122C0] =	vst v63  }
0x60: {  	s31 =	sadd.s32 $0x640, s10;
	s30 =	smov.u32 s4  }
0x61: {  	[spmem:s3] =	stream.indirect.scatter.add.f32 [tilespmem:s29], [sflag:$0x3], $0x20, s31, s25, $0xb8;
	[tilespmem:$0x122C0] =	vst v63  }
.LBB2_8:
0x62: {  	_ =	swait.ge [sflag:s24], $0x320  }
0x63: {  	s11 =	sand.u32 $0x1, s30;
	[sflag:s24] =	ssyncset.done $0x0  }
0x64: {  	s0 =	smul.u32 $0x19000, s11;
	[sflag:s24] =	ssyncadd.s32 $0xFFFFFCE0  }
0x65: {  	_ =	swait.ge [sflag:s24], $0x320  }
0x66: {  	s31 =	smul.u32 $0x320, s11;
	s4 =	sshrl.u32 s0, $0x2;
	[sflag:s24] =	ssyncset.done $0x0  }
0x67: {  	s0 =	sadd.s32 $0xC80, s4;
	[sflag:s24] =	ssyncadd.s32 $0xFFFFFCE0  }
0x68: {  	[tilespmem:s0], [sflag:$0x2] =	stream.indirect.gather [hbm4b:s6+s25], $0x20, s31, s25, $0xb8;
	[tilespmem:$0x122C0] =	vst v63  }
0x69: {  	s15 =	sadd.s32 $0x50, s31;
	s2 =	sadd.s32 $0x1680, s4  }
0x6a: {  	[tilespmem:s2], [sflag:$0x2] =	stream.indirect.gather [hbm4b:s6+s25], $0x20, s15, s25, $0xb8;
	[tilespmem:$0x122C0] =	vst v63  }
0x6b: {  	s16 =	sadd.s32 $0xA0, s31;
	s12 =	sadd.s32 $0x2080, s4  }
0x6c: {  	[tilespmem:s12], [sflag:$0x2] =	stream.indirect.gather [hbm4b:s6+s25], $0x20, s16, s25, $0xb8;
	[tilespmem:$0x122C0] =	vst v63  }
0x6d: {  	s9 =	sadd.s32 $0xF0, s31;
	s23 =	sadd.s32 $0x2A80, s4  }
0x6e: {  	[tilespmem:s23], [sflag:$0x2] =	stream.indirect.gather [hbm4b:s6+s25], $0x20, s9, s25, $0xb8;
	[tilespmem:$0x122C0] =	vst v63  }
0x6f: {  	s13 =	sadd.s32 $0x140, s31;
	s17 =	sadd.s32 $0x3480, s4  }
0x70: {  	[tilespmem:s17], [sflag:$0x2] =	stream.indirect.gather [hbm4b:s6+s25], $0x20, s13, s25, $0xb8;
	[tilespmem:$0x122C0] =	vst v63  }
0x71: {  	s20 =	sadd.s32 $0x190, s31;
	s18 =	sadd.s32 $0x3E80, s4  }
0x72: {  	[tilespmem:s18], [sflag:$0x2] =	stream.indirect.gather [hbm4b:s6+s25], $0x20, s20, s25, $0xb8;
	[tilespmem:$0x122C0] =	vst v63  }
0x73: {  	s1 =	sadd.s32 $0x1E0, s31;
	s19 =	sadd.s32 $0x4880, s4  }
0x74: {  	[tilespmem:s19], [sflag:$0x2] =	stream.indirect.gather [hbm4b:s6+s25], $0x20, s1, s25, $0xb8;
	[tilespmem:$0x122C0] =	vst v63  }
0x75: {  	s7 =	sadd.s32 $0x230, s31;
	s21 =	sadd.s32 $0x5280, s4  }
0x76: {  	[tilespmem:s21], [sflag:$0x2] =	stream.indirect.gather [hbm4b:s6+s25], $0x20, s7, s25, $0xb8;
	[tilespmem:$0x122C0] =	vst v63  }
0x77: {  	s8 =	sadd.s32 $0x280, s31;
	s22 =	sadd.s32 $0x5C80, s4  }
0x78: {  	[tilespmem:s22], [sflag:$0x2] =	stream.indirect.gather [hbm4b:s6+s25], $0x20, s8, s25, $0xb8;
	[tilespmem:$0x122C0] =	vst v63  }
0x79: {  	s10 =	sadd.s32 $0x2D0, s31;
	s29 =	sadd.s32 $0x6680, s4  }
0x7a: {  	[tilespmem:s29], [sflag:$0x2] =	stream.indirect.gather [hbm4b:s6+s25], $0x20, s10, s25, $0xb8;
	[tilespmem:$0x122C0] =	vst v63  }
0x7b: {  	_ =	swait.ge [sflag:s26], $0xA00  }
0x7c: {  	[sflag:s26] =	ssyncset.done $0x0  }
0x7d: {  	[sflag:s26] =	ssyncadd.s32 $0xFFFFF600  }
0x7e: {  	_ =	swait.ge [sflag:s26], $0xA00  }
0x7f: {  	[sflag:s26] =	ssyncset.done $0x0  }
0x80: {  	[sflag:s26] =	ssyncadd.s32 $0xFFFFF600  }
0x81: {  	_ =	swait.ge [sflag:s26], $0xA00  }
0x82: {  	[sflag:s26] =	ssyncset.done $0x0  }
0x83: {  	[sflag:s26] =	ssyncadd.s32 $0xFFFFF600  }
0x84: {  	_ =	swait.ge [sflag:s26], $0xA00  }
0x85: {  	[sflag:s26] =	ssyncset.done $0x0  }
0x86: {  	[sflag:s26] =	ssyncadd.s32 $0xFFFFF600  }
0x87: {  	_ =	swait.ge [sflag:s26], $0xA00  }
0x88: {  	[sflag:s26] =	ssyncset.done $0x0  }
0x89: {  	[sflag:s26] =	ssyncadd.s32 $0xFFFFF600  }
0x8a: {  	_ =	swait.ge [sflag:s26], $0xA00  }
0x8b: {  	[sflag:s26] =	ssyncset.done $0x0  }
0x8c: {  	[sflag:s26] =	ssyncadd.s32 $0xFFFFF600  }
0x8d: {  	_ =	swait.ge [sflag:s26], $0xA00  }
0x8e: {  	[sflag:s26] =	ssyncset.done $0x0  }
0x8f: {  	[sflag:s26] =	ssyncadd.s32 $0xFFFFF600  }
0x90: {  	_ =	swait.ge [sflag:s26], $0xA00  }
0x91: {  	[sflag:s26] =	ssyncset.done $0x0  }
0x92: {  	[sflag:s26] =	ssyncadd.s32 $0xFFFFF600  }
0x93: {  	_ =	swait.ge [sflag:s26], $0xA00  }
0x94: {  	[sflag:s26] =	ssyncset.done $0x0  }
0x95: {  	[sflag:s26] =	ssyncadd.s32 $0xFFFFF600  }
0x96: {  	_ =	swait.ge [sflag:s26], $0xA00  }
0x97: {  	p1 =	seq.s32 s30, $0x0;
	[sflag:s26] =	ssyncset.done $0x0  }
0x98: {  	s4 =	simm.s32 @!p1 $0x3;
	[sflag:s26] =	ssyncadd.s32 $0xFFFFF600  }
0x99: {  	_ =	swait.ge @!p1 [sflag:s4], $0xA00  }
0x9a: {  	[sflag:s4] =	ssyncset.done @!p1 $0x0  }
0x9b: {  	[sflag:s4] =	ssyncadd.s32 @!p1 $0xFFFFF600  }
0x9c: {  	_ =	swait.ge @!p1 [sflag:s4], $0xA00  }
0x9d: {  	[sflag:s4] =	ssyncset.done @!p1 $0x0  }
0x9e: {  	[sflag:s4] =	ssyncadd.s32 @!p1 $0xFFFFF600  }
0x9f: {  	_ =	swait.ge @!p1 [sflag:s4], $0xA00  }
0xa0: {  	[sflag:s4] =	ssyncset.done @!p1 $0x0  }
0xa1: {  	[sflag:s4] =	ssyncadd.s32 @!p1 $0xFFFFF600  }
0xa2: {  	_ =	swait.ge @!p1 [sflag:s4], $0xA00  }
0xa3: {  	[sflag:s4] =	ssyncset.done @!p1 $0x0  }
0xa4: {  	[sflag:s4] =	ssyncadd.s32 @!p1 $0xFFFFF600  }
0xa5: {  	_ =	swait.ge @!p1 [sflag:s4], $0xA00  }
0xa6: {  	[sflag:s4] =	ssyncset.done @!p1 $0x0  }
0xa7: {  	[sflag:s4] =	ssyncadd.s32 @!p1 $0xFFFFF600  }
0xa8: {  	_ =	swait.ge @!p1 [sflag:s4], $0xA00  }
0xa9: {  	[sflag:s4] =	ssyncset.done @!p1 $0x0  }
0xaa: {  	[sflag:s4] =	ssyncadd.s32 @!p1 $0xFFFFF600  }
0xab: {  	_ =	swait.ge @!p1 [sflag:s4], $0xA00  }
0xac: {  	[sflag:s4] =	ssyncset.done @!p1 $0x0  }
0xad: {  	[sflag:s4] =	ssyncadd.s32 @!p1 $0xFFFFF600  }
0xae: {  	_ =	swait.ge @!p1 [sflag:s4], $0xA00  }
0xaf: {  	[sflag:s4] =	ssyncset.done @!p1 $0x0  }
0xb0: {  	p2 =	seq.s32 @!p1 s30, $0x18;
	[sflag:s4] =	ssyncadd.s32 @!p1 $0xFFFFF600  }
0xb1: {  	p2 =	por p1, !p2;
	_ =	swait.ge @!p1 [sflag:s4], $0xA00  }
.Ltmp5:
0xb2: {  	[sflag:s4] =	ssyncset.done @!p1 $0x0;
	(pc) =	sbr.rel @!p2 .LBB2_10-.Ltmp5, $4  }
0xb3: {  	[sflag:s4] =	ssyncadd.s32 @!p1 $0xFFFFF600  }
0xb4: {  	_ =	swait.ge @!p1 [sflag:s4], $0xA00  }
0xb5: {  	[sflag:s4] =	ssyncset.done @!p1 $0x0  }
0xb6: {  	[sflag:s4] =	ssyncadd.s32 @!p1 $0xFFFFF600;
	s4 =	simm.s32 @!p1 $0x19  }
0xb7: {  	s4 =	sadd.s32 @!p1 $0x1, s30  }
0xb8: {  	s4 =	simm.s32 @p1 $0x1  }
0xb9: {  	s28 =	smul.u32 $0xA, s4  }
0xba: {  	s14 =	rddreg [dreg:$0xb]  }
0xbb: {  	s28 =	sadd.s32 s14, s28  }
0xbc: {  	s11 =	sxor.u32 $0x1, s11;
	s28 =	smul.u32 $0xA, s28  }
0xbd: {  	s30 =	rddreg [dreg:$0x4];
	s11 =	smul.u32 $0x320, s11  }
.Ltmp6:
0xbe: {  	s14 =	simm.s32 $0x0;
	s30 =	sadd.s32 s30, s28;
	(pc) =	sbr.rel .LBB2_10-.Ltmp6, $4  }
0xbf: {  	[tilespmem:s11], [sflag:$0x1] =	stream.linear.gather [hbm4b:s30+s14], $0x320, $0x38;
	[tilespmem:$0x122C0] =	vst v63  }
0xc0: {  	s30 =	rddreg [dreg:$0x7]  }
0xc1: {  	s11 =	sadd.s32 $0x640, s11;
	s28 =	sadd.s32 s30, s28  }
0xc2: {  	[tilespmem:s11], [sflag:$0x1] =	stream.linear.gather [hbm4b:s28+s14], $0x320, $0x38;
	[tilespmem:$0x122C0] =	vst v63  }
.LBB2_2:
.Ltmp7:
0xc3: {  	(pc) =	sbr.rel .LBB2_3-.Ltmp7, $4  }
0xc4: {  	s4 =	simm.s32 $0x0;
	s0 =	rddreg [dreg:$0xc]  }
0xc5: {  	[tilespmem:s4], [sflag:$0x1] =	stream.linear.gather [hbm4b:s0+s4], $0x320, $0x38;
	[tilespmem:$0x122C0] =	vst v63  }
0xc6: {  	s31 =	rddreg [dreg:$0xd];
	s1 =	simm.s32 $0x640  }
0xc7: {  	[tilespmem:s1], [sflag:$0x1] =	stream.linear.gather [hbm4b:s31+s4], $0x320, $0x38;
	[tilespmem:$0x122C0] =	vst v63  }
.LBB2_5:
0xc8: {  	s4 =	sadd.s32 $0x640, s31  }
0xc9: {  	[spmem:s3] =	stream.indirect.scatter.add.f32 [tilespmem:s0], [sflag:$0x3], $0x20, s4, s25, $0xb8;
	[tilespmem:$0x122C0] =	vst v63  }
0xca: {  	s11 =	sadd.s32 $0x640, s23  }
0xcb: {  	[spmem:s3] =	stream.indirect.scatter.add.f32 [tilespmem:s2], [sflag:$0x3], $0x20, s11, s25, $0xb8;
	[tilespmem:$0x122C0] =	vst v63  }
0xcc: {  	s14 =	sadd.s32 $0x640, s16  }
0xcd: {  	[spmem:s3] =	stream.indirect.scatter.add.f32 [tilespmem:s12], [sflag:$0x3], $0x20, s14, s25, $0xb8;
	[tilespmem:$0x122C0] =	vst v63  }
0xce: {  	s16 =	sadd.s32 $0x640, s18  }
0xcf: {  	[spmem:s3] =	stream.indirect.scatter.add.f32 [tilespmem:s15], [sflag:$0x3], $0x20, s16, s25, $0xb8;
	[tilespmem:$0x122C0] =	vst v63  }
0xd0: {  	s18 =	sadd.s32 $0x640, s13  }
0xd1: {  	[spmem:s3] =	stream.indirect.scatter.add.f32 [tilespmem:s17], [sflag:$0x3], $0x20, s18, s25, $0xb8;
	[tilespmem:$0x122C0] =	vst v63  }
0xd2: {  	s20 =	sadd.s32 $0x640, s20  }
0xd3: {  	[spmem:s3] =	stream.indirect.scatter.add.f32 [tilespmem:s9], [sflag:$0x3], $0x20, s20, s25, $0xb8;
	[tilespmem:$0x122C0] =	vst v63  }
0xd4: {  	s23 =	sadd.s32 $0x640, s22  }
0xd5: {  	[spmem:s3] =	stream.indirect.scatter.add.f32 [tilespmem:s19], [sflag:$0x3], $0x20, s23, s25, $0xb8;
	[tilespmem:$0x122C0] =	vst v63  }
0xd6: {  	s28 =	sadd.s32 $0x640, s29;
	p1 =	slt.u32 s30, $0x19  }
0xd7: {  	[spmem:s3] =	stream.indirect.scatter.add.f32 [tilespmem:s21], [sflag:$0x3], $0x20, s28, s25, $0xb8;
	[tilespmem:$0x122C0] =	vst v63  }
.Ltmp8:
0xd8: {  	_ = 	snop;
	(pc) =	sbr.rel @!p1 .LBB2_6-.Ltmp8, $4  }
0xd9: {  	s29 =	sadd.s32 $0x640, s8  }
0xda: {  	[spmem:s3] =	stream.indirect.scatter.add.f32 [tilespmem:s1], [sflag:$0x3], $0x20, s29, s25, $0xb8;
	[tilespmem:$0x122C0] =	vst v63  }
0xdb: {  	s31 =	sadd.s32 $0x640, s10;
	s4 =	smov.u32 s30  }
0xdc: {  	[spmem:s3] =	stream.indirect.scatter.add.f32 [tilespmem:s7], [sflag:$0x3], $0x20, s31, s25, $0xb8;
	[tilespmem:$0x122C0] =	vst v63  }
.LBB2_3:
0xdd: {  	_ =	swait.ge [sflag:s24], $0x320  }
0xde: {  	s11 =	sand.u32 $0x1, s4;
	[sflag:s24] =	ssyncset.done $0x0  }
0xdf: {  	s0 =	smul.u32 $0x19000, s11;
	[sflag:s24] =	ssyncadd.s32 $0xFFFFFCE0  }
0xe0: {  	_ =	swait.ge [sflag:s24], $0x320  }
0xe1: {  	s31 =	smul.u32 $0x320, s11;
	s7 =	sshrl.u32 s0, $0x2;
	[sflag:s24] =	ssyncset.done $0x0  }
0xe2: {  	s0 =	sadd.s32 $0xC80, s7;
	[sflag:s24] =	ssyncadd.s32 $0xFFFFFCE0  }
0xe3: {  	[tilespmem:s0], [sflag:$0x2] =	stream.indirect.gather [hbm4b:s5+s25], $0x20, s31, s25, $0xb8;
	[tilespmem:$0x122C0] =	vst v63  }
0xe4: {  	s23 =	sadd.s32 $0x50, s31;
	s2 =	sadd.s32 $0x1680, s7  }
0xe5: {  	[tilespmem:s2], [sflag:$0x2] =	stream.indirect.gather [hbm4b:s5+s25], $0x20, s23, s25, $0xb8;
	[tilespmem:$0x122C0] =	vst v63  }
0xe6: {  	s16 =	sadd.s32 $0xA0, s31;
	s12 =	sadd.s32 $0x2080, s7  }
0xe7: {  	[tilespmem:s12], [sflag:$0x2] =	stream.indirect.gather [hbm4b:s5+s25], $0x20, s16, s25, $0xb8;
	[tilespmem:$0x122C0] =	vst v63  }
0xe8: {  	s18 =	sadd.s32 $0xF0, s31;
	s15 =	sadd.s32 $0x2A80, s7  }
0xe9: {  	[tilespmem:s15], [sflag:$0x2] =	stream.indirect.gather [hbm4b:s5+s25], $0x20, s18, s25, $0xb8;
	[tilespmem:$0x122C0] =	vst v63  }
0xea: {  	s13 =	sadd.s32 $0x140, s31;
	s17 =	sadd.s32 $0x3480, s7  }
0xeb: {  	[tilespmem:s17], [sflag:$0x2] =	stream.indirect.gather [hbm4b:s5+s25], $0x20, s13, s25, $0xb8;
	[tilespmem:$0x122C0] =	vst v63  }
0xec: {  	s20 =	sadd.s32 $0x190, s31;
	s9 =	sadd.s32 $0x3E80, s7  }
0xed: {  	[tilespmem:s9], [sflag:$0x2] =	stream.indirect.gather [hbm4b:s5+s25], $0x20, s20, s25, $0xb8;
	[tilespmem:$0x122C0] =	vst v63  }
0xee: {  	s22 =	sadd.s32 $0x1E0, s31;
	s19 =	sadd.s32 $0x4880, s7  }
0xef: {  	[tilespmem:s19], [sflag:$0x2] =	stream.indirect.gather [hbm4b:s5+s25], $0x20, s22, s25, $0xb8;
	[tilespmem:$0x122C0] =	vst v63  }
0xf0: {  	s29 =	sadd.s32 $0x230, s31;
	s21 =	sadd.s32 $0x5280, s7  }
0xf1: {  	[tilespmem:s21], [sflag:$0x2] =	stream.indirect.gather [hbm4b:s5+s25], $0x20, s29, s25, $0xb8;
	[tilespmem:$0x122C0] =	vst v63  }
0xf2: {  	s8 =	sadd.s32 $0x280, s31;
	s1 =	sadd.s32 $0x5C80, s7  }
0xf3: {  	[tilespmem:s1], [sflag:$0x2] =	stream.indirect.gather [hbm4b:s5+s25], $0x20, s8, s25, $0xb8;
	[tilespmem:$0x122C0] =	vst v63  }
0xf4: {  	s10 =	sadd.s32 $0x2D0, s31;
	s7 =	sadd.s32 $0x6680, s7  }
0xf5: {  	[tilespmem:s7], [sflag:$0x2] =	stream.indirect.gather [hbm4b:s5+s25], $0x20, s10, s25, $0xb8;
	[tilespmem:$0x122C0] =	vst v63  }
0xf6: {  	_ =	swait.ge [sflag:s26], $0xA00  }
0xf7: {  	[sflag:s26] =	ssyncset.done $0x0  }
0xf8: {  	[sflag:s26] =	ssyncadd.s32 $0xFFFFF600  }
0xf9: {  	_ =	swait.ge [sflag:s26], $0xA00  }
0xfa: {  	[sflag:s26] =	ssyncset.done $0x0  }
0xfb: {  	[sflag:s26] =	ssyncadd.s32 $0xFFFFF600  }
0xfc: {  	_ =	swait.ge [sflag:s26], $0xA00  }
0xfd: {  	[sflag:s26] =	ssyncset.done $0x0  }
0xfe: {  	[sflag:s26] =	ssyncadd.s32 $0xFFFFF600  }
0xff: {  	_ =	swait.ge [sflag:s26], $0xA00  }
0x100: {  	[sflag:s26] =	ssyncset.done $0x0  }
0x101: {  	[sflag:s26] =	ssyncadd.s32 $0xFFFFF600  }
0x102: {  	_ =	swait.ge [sflag:s26], $0xA00  }
0x103: {  	[sflag:s26] =	ssyncset.done $0x0  }
0x104: {  	[sflag:s26] =	ssyncadd.s32 $0xFFFFF600  }
0x105: {  	_ =	swait.ge [sflag:s26], $0xA00  }
0x106: {  	[sflag:s26] =	ssyncset.done $0x0  }
0x107: {  	[sflag:s26] =	ssyncadd.s32 $0xFFFFF600  }
0x108: {  	_ =	swait.ge [sflag:s26], $0xA00  }
0x109: {  	[sflag:s26] =	ssyncset.done $0x0  }
0x10a: {  	[sflag:s26] =	ssyncadd.s32 $0xFFFFF600  }
0x10b: {  	_ =	swait.ge [sflag:s26], $0xA00  }
0x10c: {  	[sflag:s26] =	ssyncset.done $0x0  }
0x10d: {  	[sflag:s26] =	ssyncadd.s32 $0xFFFFF600  }
0x10e: {  	_ =	swait.ge [sflag:s26], $0xA00  }
0x10f: {  	[sflag:s26] =	ssyncset.done $0x0  }
0x110: {  	[sflag:s26] =	ssyncadd.s32 $0xFFFFF600  }
0x111: {  	_ =	swait.ge [sflag:s26], $0xA00  }
0x112: {  	p1 =	seq.s32 s4, $0x0;
	[sflag:s26] =	ssyncset.done $0x0  }
0x113: {  	s30 =	simm.s32 @!p1 $0x3;
	[sflag:s26] =	ssyncadd.s32 $0xFFFFF600  }
0x114: {  	_ =	swait.ge @!p1 [sflag:s30], $0xA00  }
0x115: {  	[sflag:s30] =	ssyncset.done @!p1 $0x0  }
0x116: {  	[sflag:s30] =	ssyncadd.s32 @!p1 $0xFFFFF600  }
0x117: {  	_ =	swait.ge @!p1 [sflag:s30], $0xA00  }
0x118: {  	[sflag:s30] =	ssyncset.done @!p1 $0x0  }
0x119: {  	[sflag:s30] =	ssyncadd.s32 @!p1 $0xFFFFF600  }
0x11a: {  	_ =	swait.ge @!p1 [sflag:s30], $0xA00  }
0x11b: {  	[sflag:s30] =	ssyncset.done @!p1 $0x0  }
0x11c: {  	[sflag:s30] =	ssyncadd.s32 @!p1 $0xFFFFF600  }
0x11d: {  	_ =	swait.ge @!p1 [sflag:s30], $0xA00  }
0x11e: {  	[sflag:s30] =	ssyncset.done @!p1 $0x0  }
0x11f: {  	[sflag:s30] =	ssyncadd.s32 @!p1 $0xFFFFF600  }
0x120: {  	_ =	swait.ge @!p1 [sflag:s30], $0xA00  }
0x121: {  	[sflag:s30] =	ssyncset.done @!p1 $0x0  }
0x122: {  	[sflag:s30] =	ssyncadd.s32 @!p1 $0xFFFFF600  }
0x123: {  	_ =	swait.ge @!p1 [sflag:s30], $0xA00  }
0x124: {  	[sflag:s30] =	ssyncset.done @!p1 $0x0  }
0x125: {  	[sflag:s30] =	ssyncadd.s32 @!p1 $0xFFFFF600  }
0x126: {  	_ =	swait.ge @!p1 [sflag:s30], $0xA00  }
0x127: {  	[sflag:s30] =	ssyncset.done @!p1 $0x0  }
0x128: {  	[sflag:s30] =	ssyncadd.s32 @!p1 $0xFFFFF600  }
0x129: {  	_ =	swait.ge @!p1 [sflag:s30], $0xA00  }
0x12a: {  	[sflag:s30] =	ssyncset.done @!p1 $0x0  }
0x12b: {  	p2 =	seq.s32 @!p1 s4, $0x18;
	[sflag:s30] =	ssyncadd.s32 @!p1 $0xFFFFF600  }
0x12c: {  	p2 =	por p1, !p2;
	_ =	swait.ge @!p1 [sflag:s30], $0xA00  }
.Ltmp9:
0x12d: {  	[sflag:s30] =	ssyncset.done @!p1 $0x0;
	(pc) =	sbr.rel @!p2 .LBB2_5-.Ltmp9, $4  }
0x12e: {  	[sflag:s30] =	ssyncadd.s32 @!p1 $0xFFFFF600  }
0x12f: {  	_ =	swait.ge @!p1 [sflag:s30], $0xA00  }
0x130: {  	[sflag:s30] =	ssyncset.done @!p1 $0x0  }
0x131: {  	[sflag:s30] =	ssyncadd.s32 @!p1 $0xFFFFF600;
	s30 =	simm.s32 @!p1 $0x19  }
0x132: {  	s30 =	sadd.s32 @!p1 $0x1, s4  }
0x133: {  	s30 =	simm.s32 @p1 $0x1  }
0x134: {  	s28 =	smul.u32 $0xA, s30  }
0x135: {  	s14 =	rddreg [dreg:$0xb]  }
0x136: {  	s4 =	sadd.s32 s14, s28  }
0x137: {  	s11 =	sxor.u32 $0x1, s11;
	s4 =	smul.u32 $0xA, s4  }
0x138: {  	s11 =	smul.u32 $0x320, s11;
	s28 =	rddreg [dreg:$0x1]  }
.Ltmp10:
0x139: {  	s14 =	simm.s32 $0x0;
	s28 =	sadd.s32 s28, s4;
	(pc) =	sbr.rel .LBB2_5-.Ltmp10, $4  }
0x13a: {  	[tilespmem:s11], [sflag:$0x1] =	stream.linear.gather [hbm4b:s28+s14], $0x320, $0x38;
	[tilespmem:$0x122C0] =	vst v63  }
0x13b: {  	s28 =	rddreg [dreg:$0x5]  }
0x13c: {  	s11 =	sadd.s32 $0x640, s11;
	s4 =	sadd.s32 s28, s4  }
0x13d: {  	[tilespmem:s11], [sflag:$0x1] =	stream.linear.gather [hbm4b:s4+s14], $0x320, $0x38;
	[tilespmem:$0x122C0] =	vst v63  }
.LBB2_6:
.Ltmp11:
0x13e: {  	(pc) =	sbr.rel .LBB2_12-.Ltmp11, $3  }
0x13f: {  	_ =	sdelay $0x1  }
0x140: {  	s0 =	rddreg [dreg:$0x8]  }
0x141: {  	s7 =	rddreg [dreg:$0x13]  }
.LBB2_13:
0x142: {  	_ =	sfence.sel $0x180000  }
0x143: {  	[bflag:$0x0] =	sbarrier.arrive $0xFFFF  }
0x144: {  	_ =	strace $0x9000004D  }
0x145: {  	s0 =	stileid.u32;
	[bflag:$0x2] =	sbarrier.arrive $0xFFFF  }
0x146: {  	p0 =	sne.s32 s0, $0x0;
	s0 =	rddreg [dreg:$0x3]  }
0x147: {  	s0 =	sadd.s32 @!p0 $0x100000, s0  }
0x148: {  	[sflag:s0] =	ssyncadd.tile.s32 @!p0 $0x1;
	_ =	shalt  }
.Lfunc_end2:
_tile_overlayer_lowered:
.L_overlay_start_2:
0x149: {  	(tag) =	ssettag $0x2  }
0x14a: {  	s0 =	rddreg [dreg:$0x0];
	s2 =	stileid.u32  }
0x14b: {  	s1 =	rddreg [dreg:$0x1];
	p0 =	sne.s32 s2, $0x0  }
0x14c: {  	s3 =	rddreg [dreg:$0x2];
	[bflag:$0x3] =	sbarrier.arrive $0xFFFF;
	s2 =	simm.s32 @!p0 $0x1C04  }
0x14d: {  	[timem:s3], [sflag:s2] =	dma.local @!p0 [hbm:s0], s1  }
0x14e: {  	s0 =	simm.s32 @!p0 $0x4  }
0x14f: {  	_ =	swait.ge @!p0 [sflag:s0], s1  }
0x150: {  	s1 =	ssub.s32 @!p0 $0x0, s1;
	[sflag:s0] =	ssyncset.done @!p0 $0x0  }
0x151: {  	[sflag:s0] =	ssyncadd.s32 @!p0 s1  }
0x152: {  	[bflag:$0x3] =	sbarrier.arrive $0xFFFF  }
0x153: {  	_ =	shalt  }

// kernel: kernel.8.cloned.1.call-start
scs
__scs_entry_jumppad:
0x0: {  	(pc) =	sbr.rel $0x88, $3  }
0x1: {  	(tag) =	ssettag $0x0;
	lr =	simm.s32 $0x1  }
0x2: {  	[smem:$0x3F8A] =	sst lr;
	_ =	strace $0xD0000000  }
0x3: {  	_ = 	snop  }
0x4: {  	_ = 	snop  }
0x5: {  	_ = 	snop  }
0x6: {  	_ = 	snop  }
0x7: {  	_ = 	snop  }
__scs_overlays_trampoline_lowered:
0x8: {  	[smem:$0x3F99] =	sst s0  }
0x9: {  	[smem:$0x3F9A] =	sst s1  }
0xa: {  	[smem:$0x3F9B] =	sst s2  }
0xb: {  	[smem:$0x3F9C] =	sst s3  }
0xc: {  	[smem:$0x3F9D] =	sst s4  }
0xd: {  	[smem:$0x3F9E] =	sst s5  }
0xe: {  	[smem:$0x3F9F] =	sst s6  }
0xf: {  	[smem:$0x3FA0] =	sst s7  }
0x10: {  	[smem:$0x3FA1] =	sst s8  }
0x11: {  	[smem:$0x3FA2] =	sst s9;
	s0 =	simm.s32 @!p0 $0x0  }
0x12: {  	s1 =	sld [smem:$0x3F88];
	s0 =	simm.s32 @p0 $0x1  }
0x13: {  	[smem:$0x3FA3] =	sst s0;
	s0 =	simm.s32 @!p1 $0x0  }
0x14: {  	s2 =	sld [smem:$0x3F87];
	s0 =	simm.s32 @p1 $0x1  }
0x15: {  	[smem:$0x3FA4] =	sst s0;
	s0 =	simm.s32 @!p2 $0x0  }
0x16: {  	s3 =	sld [smem:$0x3FDB];
	s0 =	simm.s32 @p2 $0x1  }
0x17: {  	s4 =	simm.s32 $0x1BF5;
	[smem:$0x3FA6] =	sst s0  }
0x18: {  	s0 =	sld [smem:$0x3F89];
	_ =	swait.ge [sflag:s4], $0x0  }
0x19: {  	s7 =	sld [smem:$0x3F8A]  }
0x1a: {  	s8 =	sadd.s32 $0xFFFFE003, lr  }
0x1b: {  	s9 =	sadd.s32 $0xFFFFFEF7, lr;
	s5 =	simm.s32 $0xFFFFFFFF;
	p2 =	slt.u32 s8, $0xFFFFF086  }
0x1c: {  	p1 =	slt.u32 s9, $0xF7A;
	s5 =	simm.s32 @!p2 $0x0  }
0x1d: {  	s5 =	simm.s32 @p1 $0x1;
	p0 =	seq.s32 s7, s2  }
0x1e: {  	s7 =	smul.u32 @!p0 $0xF7A, s2;
	p2 =	seq.s32 @!p0 s5, $0x0  }
0x1f: {  	s9 =	smul.u32 $0xF7A, s1;
	s8 =	simm.s32 @!p0 $0x1BF5;
	p2 =	por !p2, p0  }
0x20: {  	[sflag:s8] =	ssyncset.s32 @!p0 $0xFFFFF086;
	s6 =	sadd.s32 @!p0 s3, s7;
	s7 =	simm.s32 @!p0 $0x108  }
0x21: {  	s3 =	sadd.s32 s3, s9;
	s6 =	sadd.s32 @!p0 $0x88, s6;
	s7 =	simm.s32 @p2 $0x1082  }
0x22: {  	[simem:s7], [sflag:s8] =	dma.local @!p0 [hbm:s6], $0xF7A  }
0x23: {  	s9 =	sor.u32 $0xD0000000, s2;
	s6 =	simm.s32 $0x108;
	_ =	swait.ge @!p0 [sflag:s8], $0x0  }
0x24: {  	s3 =	sadd.s32 $0x88, s3;
	s6 =	simm.s32 @!p1 $0x1082;
	[sflag:s4] =	ssyncset.s32 $0xFFFFF086  }
0x25: {  	[simem:s6], [sflag:s4] =	dma.local [hbm:s3], $0xF7A  }
0x26: {  	[smem:$0x3F8A] =	sst s1;
	(tag) =	ssettag s2;
	_ =	strace s9  }
0x27: {  	s1 =	sld [smem:$0x3F9A]  }
0x28: {  	s2 =	sld [smem:$0x3F9B]  }
0x29: {  	s4 =	sld [smem:$0x3F9D]  }
0x2a: {  	p0 =	seq.s32 s5, $0x0;
	s5 =	sld [smem:$0x3F9E]  }
0x2b: {  	s6 =	sld [smem:$0x3F9F]  }
0x2c: {  	s7 =	sld [smem:$0x3FA0]  }
0x2d: {  	s3 =	simm.s32 $0x108;
	s8 =	sld [smem:$0x3FA1]  }
0x2e: {  	s3 =	simm.s32 @!p0 $0x1082;
	s9 =	sld [smem:$0x3FA2]  }
0x2f: {  	lr =	sadd.s32 s0, s3;
	s0 =	sld [smem:$0x3F99]  }
0x30: {  	s3 =	sld [smem:$0x3F9C]  }
0x31: {  	[smem:$0x3FA5] =	sst s10  }
0x32: {  	s10 =	sld [smem:$0x3FA3];
	_ =	sdelay $0x3  }
0x33: {  	p0 =	seq.s32 s10, $0x1;
	s10 =	sld [smem:$0x3FA5];
	_ =	sdelay $0x3  }
0x34: {  	[smem:$0x3FA5] =	sst s10  }
0x35: {  	s10 =	sld [smem:$0x3FA4];
	_ =	sdelay $0x3  }
0x36: {  	p1 =	seq.s32 s10, $0x1;
	s10 =	sld [smem:$0x3FA5];
	_ =	sdelay $0x3  }
0x37: {  	[smem:$0x3FA5] =	sst s10  }
0x38: {  	s10 =	sld [smem:$0x3FA6]  }
0x39: {  	_ = 	snop;
	(pc) =	sbr.ind lr, $3  }
0x3a: {  	_ = 	snop  }
0x3b: {  	_ = 	snop  }
0x3c: {  	p2 =	seq.s32 s10, $0x1;
	s10 =	sld [smem:$0x3FA5]  }
0x3d: {  	_ =	shalt  }
0x3e: {  	_ =	shalt  }
0x3f: {  	_ =	shalt  }
0x40: {  	_ =	shalt  }
0x41: {  	_ =	shalt  }
0x42: {  	_ =	shalt  }
0x43: {  	_ =	shalt  }
0x44: {  	_ =	shalt  }
0x45: {  	_ =	shalt  }
0x46: {  	_ =	shalt  }
0x47: {  	_ =	shalt  }
0x48: {  	_ =	shalt  }
0x49: {  	_ =	shalt  }
0x4a: {  	_ =	shalt  }
0x4b: {  	_ =	shalt  }
0x4c: {  	_ =	shalt  }
0x4d: {  	_ =	shalt  }
0x4e: {  	_ =	shalt  }
0x4f: {  	_ =	shalt  }
0x50: {  	_ =	shalt  }
0x51: {  	_ =	shalt  }
0x52: {  	_ =	shalt  }
0x53: {  	_ =	shalt  }
0x54: {  	_ =	shalt  }
0x55: {  	_ =	shalt  }
0x56: {  	_ =	shalt  }
0x57: {  	_ =	shalt  }
0x58: {  	_ =	shalt  }
0x59: {  	_ =	shalt  }
0x5a: {  	_ =	shalt  }
0x5b: {  	_ =	shalt  }
0x5c: {  	_ =	shalt  }
0x5d: {  	_ =	shalt  }
0x5e: {  	_ =	shalt  }
0x5f: {  	_ =	shalt  }
0x60: {  	_ =	shalt  }
0x61: {  	_ =	shalt  }
0x62: {  	_ =	shalt  }
0x63: {  	_ =	shalt  }
0x64: {  	_ =	shalt  }
0x65: {  	_ =	shalt  }
0x66: {  	_ =	shalt  }
0x67: {  	_ =	shalt  }
0x68: {  	_ =	shalt  }
0x69: {  	_ =	shalt  }
0x6a: {  	_ =	shalt  }
0x6b: {  	_ =	shalt  }
0x6c: {  	_ =	shalt  }
0x6d: {  	_ =	shalt  }
0x6e: {  	_ =	shalt  }
0x6f: {  	_ =	shalt  }
0x70: {  	_ =	shalt  }
0x71: {  	_ =	shalt  }
0x72: {  	_ =	shalt  }
0x73: {  	_ =	shalt  }
0x74: {  	_ =	shalt  }
0x75: {  	_ =	shalt  }
0x76: {  	_ =	shalt  }
0x77: {  	_ =	shalt  }
0x78: {  	_ =	shalt  }
0x79: {  	_ =	shalt  }
0x7a: {  	_ =	shalt  }
0x7b: {  	_ =	shalt  }
0x7c: {  	_ =	shalt  }
0x7d: {  	_ =	shalt  }
0x7e: {  	_ =	shalt  }
0x7f: {  	_ =	shalt  }
0x80: {  	_ =	shalt  }
0x81: {  	_ =	shalt  }
0x82: {  	_ =	shalt  }
0x83: {  	_ =	shalt  }
0x84: {  	_ =	shalt  }
0x85: {  	_ =	shalt  }
0x86: {  	_ =	shalt  }
0x87: {  	_ =	shalt  }
.Lfunc_end0:
.L_simem_size_0:
called_computation_lowered:
.L_overlay_start_0:
0x88: {  	s2 =	sld [smem:$0x3FD9]  }
0x89: {  	s3 =	sld [smem:$0x3FFE];
	_ =	sdelay $0x1  }
0x8a: {  	s1 =	srdreg.scid  }
0x8b: {  	s0 =	sand.u32 $0x1, s1  }
0x8c: {  	s16 =	sshll.u32 s0, $0xA;
	s2 =	sadd.s32 s3, s2  }
0x8d: {  	s2 =	sadd.s32 s2, s16  }
0x8e: {  	[smem:$0x3FB1] =	sst s2  }
0x8f: {  	_ = 	snop  }
0x90: {  	(tm) =	ssettm $0x1  }
0x91: {  	s17 =	sld [smem:$0x3FFB];
	_ =	sdelay $0x3  }
0x92: {  	_ =	strace s17  }
0x93: {  	s2 =	sld [smem:$0x3FFC];
	_ =	sdelay $0x3  }
0x94: {  	_ =	strace s2  }
0x95: {  	s2 =	sld [smem:$0x3FFD];
	_ =	sdelay $0x3  }
0x96: {  	_ =	strace s2  }
0x97: {  	_ =	strace $0x8FFFFFFF  }
0x98: {  	s18 =	sld [smem:$0x3FDB];
	_ =	sdelay $0x1  }
0x99: {  	s19 =	simm.s32 $_scs_section_size  }
0x9a: {  	s4 =	simm.s32 $_size__tile_overlayer_lowered;
	s5 =	simm.s32 $_tile_overlayer_lowered  }
0x9b: {  	s22 =	simm.s32 $0x1BFF;
	s21 =	sshll.u32 s5, $0x1;
	s2 =	sadd.s32 s19, s18  }
0x9c: {  	s6 =	simm.s32 $0x0;
	s20 =	sshll.u32 s4, $0x1;
	s4 =	sadd.s32 s21, s2  }
0x9d: {  	[timem:s6], [sflag:s22] =	dma.local [hbm:s4], s20  }
0x9e: {  	_ =	swait.ge [sflag:s22], s20  }
0x9f: {  	s3 =	ssub.s32 $0x0, s20;
	[sflag:s22] =	ssyncset.done $0x0  }
0xa0: {  	[sflag:s22] =	ssyncadd.s32 s3;
	_ =	sdelay $0x1  }
0xa1: {  	s23 =	simm.s32 $0x1B8B  }
0xa2: {  	_ =	swait.ge [sflag:s23], $0x1  }
0xa3: {  	[sflag:s23] =	ssyncset.done $0x0  }
0xa4: {  	s25 =	simm.s32 $0x1B8E;
	s24 =	sld [smem:$0x3FFE];
	[sflag:s23] =	ssyncadd.s32 $0xFFFFFFFF  }
0xa5: {  	s26 =	simm.s32 $execute0_lowered;
	[smem:$0x3FD2] =	sst s25  }
0xa6: {  	s4 =	sshll.u32 s26, $0x1;
	_ =	strace $0x80000046;
	[dreg:$0x1] =	wrdreg $0xFFFFFFFF  }
0xa7: {  	s28 =	simm.s32 $_size_execute0_lowered;
	s2 =	sadd.s32 s2, s4;
	[dreg:$0x0] =	wrdreg $0x0  }
0xa8: {  	s4 =	sshll.u32 s28, $0x1;
	[dreg:$0x2] =	wrdreg s2  }
0xa9: {  	[dreg:$0x3] =	wrdreg s4  }
0xaa: {  	[dreg:$0x4] =	wrdreg $0xC0  }
0xab: {  	_ =	task [dreg:s6], $0x5FFFF  }
0xac: {  	[dreg:$0x1] =	wrdreg $0xFFFFFFFF  }
0xad: {  	[dreg:$0x0] =	wrdreg $0x60  }
0xae: {  	[dreg:$0x2] =	wrdreg s24  }
0xaf: {  	[dreg:$0x3] =	wrdreg $0x9  }
0xb0: {  	_ =	task.clear_ibuf [dreg:s6], $0x4FFFF;
	_ =	strace $0x90000046  }
0xb1: {  	s29 =	simm.s32 $0x9;
	_ =	strace $0x80000048  }
0xb2: {  	_ =	swait.ge [sflag:s29], $0x1  }
0xb3: {  	[sflag:s29] =	ssyncadd.s32 $0xFFFFFFFF  }
0xb4: {  	_ =	strace $0x90000048  }
0xb5: {  	_ =	sfence  }
0xb6: {  	s30 =	sld [smem:$0x0];
	_ =	sdelay $0x2  }
0xb7: {  	s31 =	sshll.u32 s1, $0xD;
	s1 =	sshrl.u32 s1, $0x2  }
0xb8: {  	s3 =	sand.u32 $0x4000, s31;
	s1 =	sadd.s32 s1, s30  }
0xb9: {  	s0 =	sor.u32 s3, s0;
	s1 =	sshll.u32 s1, $0x11  }
0xba: {  	s0 =	sor.u32 s1, s0  }
0xbb: {  	s0 =	sadd.s32 $0x8F2B, s0  }
0xbc: {  	[sflag:s0] =	ssyncadd.remote.s32 $0x1  }
0xbd: {  	_ =	sfence.sel $0xFFFF  }
0xbe: {  	[dreg:$0x0] =	wrdreg $0xFFFFFFFF;
	(pc) =	sbr.abs _section_cstart, $3  }
0xbf: {  	[dreg:$0x1] =	wrdreg $0xFFFFFFFF  }
0xc0: {  	_ =	task.clear_ibuf [dreg:s6], $0x2FFFF;
	_ =	strace $0x9FFFFFFF  }
0xc1: {  	(tm) =	ssettm $0x7FFFFFFF  }
tec
execute0_lowered:
.L_overlay_start_1:
0x0: {  	(tag) =	ssettag $0x1  }
0x1: {  	s6 =	rddreg [dreg:$0x0]  }
0x2: {  	s0 =	rddreg [dreg:$0x1]  }
0x3: {  	s1 =	simm.s32 $0x0;
	s2 =	srdreg.scid;
	s10 =	simm.s32 $0x1  }
0x4: {  	s11 =	simm.s32 $0x7D0;
	s12 =	simm.s32 $0x0;
	[smem:$0x7FF] =	sst s1  }
.Ltmp0:
0x5: {  	s8 =	sand.u32 $0x1, s2;
	s3 =	sadd.s32 $0x17600, s6;
	(pc) =	sbr.rel .LBB2_1-.Ltmp0, $4  }
0x6: {  	s4 =	sadd.s32 $0xD800, s6;
	s5 =	sadd.s32 $0x21400, s6;
	s7 =	ssub.s32 $0x2, s8  }
0x7: {  	s2 =	stileid.u32;
	s6 =	sadd.s32 $0x26400, s6;
	s9 =	sshrl.u32 s7, $0x1  }
0x8: {  	p0 =	seq.s32 s8, $0x1;
	s8 =	smul.u32 $0x500, s2;
	s9 =	ssub.s32 s7, s9  }
0x9: {  	v0 =	vimm.f32 $0.0e+00;
	v1 =	vimm.f32 $1.000000000e+00;
	_ =	strace $0x80000047;
	s7 =	smul.u32 $0xFA, s2;
	s9 =	smax.u32 s9, $0x1  }
.LBB2_12:
0xa: {  	s12 =	sadd.s32 $0x1, s12  }
0xb: {  	p1 =	sne.s32 s12, s9  }
.Ltmp1:
0xc: {  	s13 =	sadd.s32 s13, s8;
	(pc) =	sbr.rel @!p1 .LBB2_13-.Ltmp1, $4  }
0xd: {  	[hbm4b:s13+s1] =	stream.linear.scatter [tilespmem:s11], [sflag:$0x1], $0x2800, $0x38;
	[tilespmem:$0x2FD0] =	vst v63  }
0xe: {  	_ =	swait.ge [sflag:s10], $0x2800  }
0xf: {  	[sflag:s10] =	ssyncset.done $0x0  }
0x10: {  	[sflag:s10] =	ssyncadd.s32 $0xFFFFD800  }
.LBB2_1:
0x11: {  	s13 =	simm.s32 $0x40;
	s14 =	simm.s32 $0x0  }
.LBB2_2:
0x12: {  	p1 =	sne.s32 s13, $0x9FC0;
	[tilespmem:s14+$0x7D0] =	vst v0;
	s14 =	smov.u32 s13;
	s13 =	sadd.s32 $0x40, s13  }
.Ltmp2:
0x13: {  	(pc) =	sbr.rel @p1 .LBB2_2-.Ltmp2, $2  }
0x14: {  	_ =	sdelay $0x2  }
0x15: {  	s14 =	sshra.s32 s14, $0x2  }
.Ltmp3:
0x16: {  	(pc) =	sbr.rel @!p0 .LBB2_4-.Ltmp3, $2  }
0x17: {  	_ =	sdelay $0x2  }
0x18: {  	[tilespmem:s14+$0x7D0] =	vst v0;
	s13 =	simm.s32 $0x0;
	s14 =	simm.s32 $0x0;
	s15 =	simm.s32 $0x0  }
.LBB2_8:
0x19: {  	s14 =	smul.u32 $0x19, s15;
	_ =	sdelay $0x1  }
0x1a: {  	s14 =	sadd.s32 s7, s14  }
0x1b: {  	s14 =	smul.u32 $0xA, s14;
	_ =	sdelay $0x1  }
0x1c: {  	s14 =	sadd.s32 s4, s14  }
0x1d: {  	[tilespmem:s13], [sflag:$0x1] =	stream.linear.gather [hbm4b:s14+s13], $0x7D0, $0x38;
	[tilespmem:$0x2FD0] =	vst v63  }
0x1e: {  	_ =	swait.ge [sflag:s10], $0x7D0  }
0x1f: {  	[sflag:s10] =	ssyncset.done $0x0  }
0x20: {  	s14 =	simm.s32 $0x0;
	[sflag:s10] =	ssyncadd.s32 $0xFFFFF830  }
.LBB2_9:
0x21: {  	s16 =	sshra.s32 s14, $0x2  }
0x22: {  	v2 =	vld [tilespmem:s16+$0x0];
	_ =	sdelay $0x7  }
0x23: {  	[tilespmem:v2+s11+$0x0] =	vst.idx.add.f32.msk $0xffff, v1  }
0x24: {  	v2 =	vld [tilespmem:s16+$0x10];
	_ =	sdelay $0x7  }
0x25: {  	[tilespmem:v2+s11+$0x0] =	vst.idx.add.f32.msk $0xffff, v1  }
0x26: {  	v2 =	vld [tilespmem:s16+$0x20];
	_ =	sdelay $0x7  }
0x27: {  	[tilespmem:v2+s11+$0x0] =	vst.idx.add.f32.msk $0xffff, v1  }
0x28: {  	v2 =	vld [tilespmem:s16+$0x30];
	_ =	sdelay $0x7  }
0x29: {  	[tilespmem:v2+s11+$0x0] =	vst.idx.add.f32.msk $0xffff, v1  }
0x2a: {  	v2 =	vld [tilespmem:s16+$0x40];
	_ =	sdelay $0x2  }
0x2b: {  	p1 =	sne.s32 s14, $0x1E00  }
.Ltmp4:
0x2c: {  	_ = 	snop;
	(pc) =	sbr.rel @p1 .LBB2_9-.Ltmp4, $2  }
0x2d: {  	_ =	sdelay $0x2  }
0x2e: {  	s14 =	sadd.s32 $0x140, s14;
	[tilespmem:v2+s11+$0x0] =	vst.idx.add.f32.msk $0xffff, v1  }
0x2f: {  	s15 =	sadd.s32 $0x1, s15  }
0x30: {  	p1 =	sne.s32 s15, $0xA  }
.Ltmp5:
0x31: {  	_ = 	snop;
	(pc) =	sbr.rel @p1 .LBB2_8-.Ltmp5, $1  }
0x32: {  	_ =	sdelay $0x3  }
.Ltmp6:
0x33: {  	(pc) =	sbr.rel .LBB2_12-.Ltmp6, $2  }
0x34: {  	_ =	sdelay $0x2  }
0x35: {  	s13 =	smov.u32 s6  }
.LBB2_4:
0x36: {  	s15 =	smul.u32 $0x19, s14;
	_ =	sdelay $0x1  }
0x37: {  	s15 =	sadd.s32 s7, s15  }
0x38: {  	s15 =	smul.u32 $0xA, s15;
	_ =	sdelay $0x1  }
0x39: {  	s15 =	sadd.s32 s3, s15  }
0x3a: {  	[tilespmem:s13], [sflag:$0x1] =	stream.linear.gather [hbm4b:s15+s13], $0x7D0, $0x38;
	[tilespmem:$0x2FD0] =	vst v63  }
0x3b: {  	_ =	swait.ge [sflag:s10], $0x7D0  }
0x3c: {  	[sflag:s10] =	ssyncset.done $0x0  }
0x3d: {  	s15 =	simm.s32 $0x0;
	[sflag:s10] =	ssyncadd.s32 $0xFFFFF830  }
.LBB2_5:
0x3e: {  	s16 =	sshra.s32 s15, $0x2  }
0x3f: {  	v2 =	vld [tilespmem:s16+$0x0];
	_ =	sdelay $0x7  }
0x40: {  	[tilespmem:v2+s11+$0x0] =	vst.idx.add.f32.msk $0xffff, v1  }
0x41: {  	v2 =	vld [tilespmem:s16+$0x10];
	_ =	sdelay $0x7  }
0x42: {  	[tilespmem:v2+s11+$0x0] =	vst.idx.add.f32.msk $0xffff, v1  }
0x43: {  	v2 =	vld [tilespmem:s16+$0x20];
	_ =	sdelay $0x7  }
0x44: {  	[tilespmem:v2+s11+$0x0] =	vst.idx.add.f32.msk $0xffff, v1  }
0x45: {  	v2 =	vld [tilespmem:s16+$0x30];
	_ =	sdelay $0x7  }
0x46: {  	[tilespmem:v2+s11+$0x0] =	vst.idx.add.f32.msk $0xffff, v1  }
0x47: {  	v2 =	vld [tilespmem:s16+$0x40];
	_ =	sdelay $0x2  }
0x48: {  	p1 =	sne.s32 s15, $0x1E00  }
.Ltmp7:
0x49: {  	_ = 	snop;
	(pc) =	sbr.rel @p1 .LBB2_5-.Ltmp7, $2  }
0x4a: {  	_ =	sdelay $0x2  }
0x4b: {  	s15 =	sadd.s32 $0x140, s15;
	[tilespmem:v2+s11+$0x0] =	vst.idx.add.f32.msk $0xffff, v1  }
0x4c: {  	s14 =	sadd.s32 $0x1, s14  }
0x4d: {  	p1 =	seq.s32 s14, $0xA  }
.Ltmp8:
0x4e: {  	_ = 	snop;
	(pc) =	sbr.rel @!p1 .LBB2_4-.Ltmp8, $1  }
0x4f: {  	_ =	sdelay $0x3  }
.Ltmp9:
0x50: {  	(pc) =	sbr.rel .LBB2_12-.Ltmp9, $2  }
0x51: {  	_ =	sdelay $0x2  }
0x52: {  	s13 =	smov.u32 s5  }
.LBB2_13:
0x53: {  	_ =	sfence.sel $0x180000  }
0x54: {  	[bflag:$0x0] =	sbarrier.arrive $0xFFFF  }
0x55: {  	p0 =	sne.s32 s2, $0x0;
	_ =	strace $0x90000047  }
0x56: {  	s0 =	sadd.s32 @!p0 $0x100000, s0;
	[bflag:$0x2] =	sbarrier.arrive $0xFFFF  }
0x57: {  	[sflag:s0] =	ssyncadd.tile.s32 @!p0 $0x1;
	_ =	shalt  }
.Lfunc_end2:
_tile_overlayer_lowered:
.L_overlay_start_2:
0x58: {  	(tag) =	ssettag $0x2  }
0x59: {  	s0 =	rddreg [dreg:$0x0];
	s2 =	stileid.u32  }
0x5a: {  	s1 =	rddreg [dreg:$0x1];
	p0 =	sne.s32 s2, $0x0  }
0x5b: {  	s3 =	rddreg [dreg:$0x2];
	[bflag:$0x3] =	sbarrier.arrive $0xFFFF;
	s2 =	simm.s32 @!p0 $0x1C01  }
0x5c: {  	[timem:s3], [sflag:s2] =	dma.local @!p0 [hbm:s0], s1  }
0x5d: {  	s0 =	simm.s32 @!p0 $0x1  }
0x5e: {  	_ =	swait.ge @!p0 [sflag:s0], s1  }
0x5f: {  	s1 =	ssub.s32 @!p0 $0x0, s1;
	[sflag:s0] =	ssyncset.done @!p0 $0x0  }
0x60: {  	[sflag:s0] =	ssyncadd.s32 @!p0 s1  }
0x61: {  	[bflag:$0x3] =	sbarrier.arrive $0xFFFF  }
0x62: {  	_ =	shalt  }

</sc_bundles>
